<compile_context>
chip_gen: v7x
topology: tpu7x:2x2x1
jax: 0.10.2.dev20260603
libtpu: 0.0.44.dev20260713+nightly
codegen_flags: <defaults>
</compile_context>

<pallas_src>
import jax
import jax.numpy as jnp
from jax import lax
from jax.experimental import pallas as pl
from jax.experimental.pallas import tpu as pltpu
from jax.experimental.pallas import tpu_sc as plsc

NC = 2
NS = 16
L = 16
NW = NC * NS

B = 16384
D = 32
N = 1000000
BPW = B // NW
GROUPS = BPW // L
SLOTS = 4


def _gmf_body(uidx_hbm, iidx_hbm, utab_hbm, itab_hbm, w_hbm, b_hbm, out_hbm,
              uidx_v, iidx_v, ustage_v, istage_v, w_v, b_v, out_v,
              sem_u, sem_i):
    wid = lax.axis_index("s") * NC + lax.axis_index("c")
    base = wid * BPW

    pltpu.sync_copy(uidx_hbm.at[pl.ds(base, BPW)], uidx_v)
    pltpu.sync_copy(iidx_hbm.at[pl.ds(base, BPW)], iidx_v)
    pltpu.sync_copy(w_hbm, w_v)
    pltpu.sync_copy(b_hbm, b_v)

    bias = b_v[...][0]
    w_lo = w_v[pl.ds(0, L)]
    w_hi = w_v[pl.ds(L, L)]
    lane = lax.iota(jnp.int32, L)
    c_lo = lane
    c_hi = lane + L

    NQ = (2 * L) // SLOTS

    def group(g, _):
        ru = [uidx_v[pl.ds(g * 2 * L, L)], uidx_v[pl.ds(g * 2 * L + L, L)]]
        ri = [iidx_v[pl.ds(g * 2 * L, L)], iidx_v[pl.ds(g * 2 * L + L, L)]]

        pending = [[], [], []]

        def fetch(q):
            st = q % 3
            h = q // (L // SLOTS)
            for k in range(SLOTS):
                j = (q % (L // SLOTS)) * SLOTS + k
                cb_u = pl.multiple_of((ru[h][j] >> 7) * 128, 128)
                cb_i = pl.multiple_of((ri[h][j] >> 7) * 128, 128)
                pending[st].append(pltpu.async_copy(
                    utab_hbm.at[:, pl.ds(cb_u, 128)], ustage_v.at[st, k],
                    sem_u))
                pending[st].append(pltpu.async_copy(
                    itab_hbm.at[:, pl.ds(cb_i, 128)], istage_v.at[st, k],
                    sem_i))

        fetch(0)
        fetch(1)
        acc = [jnp.zeros((L,), jnp.float32), jnp.zeros((L,), jnp.float32)]
        for q in range(NQ):
            st = q % 3
            h = q // (L // SLOTS)
            if q + 2 < NQ:
                fetch(q + 2)
            for c in pending[st]:
                c.wait()
            pending[st] = []
            for k in range(SLOTS):
                j = (q % (L // SLOTS)) * SLOTS + k
                rl_u = jnp.full((L,), ru[h][j] & 127, jnp.int32)
                rl_i = jnp.full((L,), ri[h][j] & 127, jnp.int32)
                sv = jnp.full((L,), st, jnp.int32)
                slot = jnp.full((L,), k, jnp.int32)
                u0 = plsc.load_gather(ustage_v, [sv, slot, c_lo, rl_u])
                u1 = plsc.load_gather(ustage_v, [sv, slot, c_hi, rl_u])
                i0 = plsc.load_gather(istage_v, [sv, slot, c_lo, rl_i])
                i1 = plsc.load_gather(istage_v, [sv, slot, c_hi, rl_i])
                s = jnp.sum((u0 * i0) * w_lo + (u1 * i1) * w_hi)
                acc[h] = jnp.where(lane == j, s, acc[h])
        for h in range(2):
            logits = acc[h] + bias
            rating = 1.0 / (1.0 + jnp.exp(-logits))
            out_v[pl.ds(g * 2 * L + h * L, L)] = rating
        return 0

    lax.fori_loop(0, GROUPS // 2, group, 0)
    pltpu.sync_copy(out_v, out_hbm.at[pl.ds(base, BPW)])


@jax.jit
def _gmf(uidx, iidx, utab_t, itab_t, w, bias):
    mesh = plsc.VectorSubcoreMesh(core_axis_name="c", subcore_axis_name="s")
    kfn = pl.kernel(
        _gmf_body,
        out_type=jax.ShapeDtypeStruct((B,), jnp.float32),
        mesh=mesh,
        compiler_params=pltpu.CompilerParams(
            needs_layout_passes=False, use_tc_tiling_on_sc=True),
        scratch_types=[
            pltpu.VMEM((BPW,), jnp.int32),
            pltpu.VMEM((BPW,), jnp.int32),
            pltpu.VMEM((3, SLOTS, D, 128), jnp.float32),
            pltpu.VMEM((3, SLOTS, D, 128), jnp.float32),
            pltpu.VMEM((D,), jnp.float32),
            pltpu.VMEM((L,), jnp.float32),
            pltpu.VMEM((BPW,), jnp.float32),
            pltpu.SemaphoreType.DMA,
            pltpu.SemaphoreType.DMA,
        ],
    )
    return kfn(uidx, iidx, utab_t, itab_t, w, bias)


def kernel(user_indices, item_indices, user_table, item_table, W, b):
    uidx = user_indices.astype(jnp.int32)
    iidx = item_indices.astype(jnp.int32)
    w = W.astype(jnp.float32).reshape(D)
    bias = jnp.pad(b.astype(jnp.float32).reshape(1), (0, L - 1))
    out = _gmf(uidx, iidx, user_table.T, item_table.T, w, bias)
    return out.reshape(B, 1)

# --- scband reference (transcript-rebuilt; emitter-appended) ---
"""Pipeline reference for scband-gmf-4346506903905 (READ-ONLY COPY).

The authoritative reference and input builder live on the scoring server;
editing this copy changes nothing except your own understanding.
"""

import jax, jax.numpy as jnp
import numpy as np

NUM_USERS = 1000000
NUM_ITEMS = 1000000
LATENT_DIM = 32
BATCH = 16384


def setup_inputs(seed: int = 0) -> dict:
    key = jax.random.key(seed)
    k1, k2, k3, k4, k5, k6 = jax.random.split(key, 6)
    user_indices = jax.random.randint(k1, (BATCH,), 0, NUM_USERS, dtype=jnp.int64 if jax.config.jax_enable_x64 else jnp.int32)
    item_indices = jax.random.randint(k2, (BATCH,), 0, NUM_ITEMS, dtype=jnp.int64 if jax.config.jax_enable_x64 else jnp.int32)
    user_table = jax.random.normal(k3, (NUM_USERS, LATENT_DIM), dtype=jnp.float32)
    item_table = jax.random.normal(k4, (NUM_ITEMS, LATENT_DIM), dtype=jnp.float32)
    # affine_output: Linear(latent_dim, 1)
    bound = 1.0 / np.sqrt(LATENT_DIM)
    W = jax.random.uniform(k5, (LATENT_DIM, 1), dtype=jnp.float32, minval=-bound, maxval=bound)
    b = jax.random.uniform(k6, (1,), dtype=jnp.float32, minval=-bound, maxval=bound)
    return {
        "user_indices": user_indices,
        "item_indices": item_indices,
        "user_table": user_table,
        "item_table": item_table,
        "W": W,
        "b": b,
    }


def reference(user_indices, item_indices, user_table, item_table, W, b):
    # embedding lookups (gather)
    user_embedding = jnp.take(user_table, user_indices, axis=0)  # [B, D]
    item_embedding = jnp.take(item_table, item_indices, axis=0)  # [B, D]
    element_product = user_embedding * item_embedding            # [B, D]
    logits = element_product @ W + b                              # [B, 1]
    rating = jax.nn.sigmoid(logits)                               # [B, 1]
    return rating

if __name__ == "__main__":
    import jax
    _d = setup_inputs()
    print(jax.jit(kernel)(*tuple(_d.values())))

</pallas_src>

<mosaic_0001>
#map = affine_map<(d0, d1) -> (0)>
#map1 = affine_map<(d0, d1) -> (0, 0)>
module attributes {stable_mosaic.version = 14 : i64} {
  func.func @_gmf_body(%arg0: i32, %arg1: i32, %arg2: memref<16384xi32, #tpu.memory_space<hbm>>, %arg3: memref<16384xi32, #tpu.memory_space<hbm>>, %arg4: memref<32x1000000xf32, #tpu.memory_space<hbm>>, %arg5: memref<32x1000000xf32, #tpu.memory_space<hbm>>, %arg6: memref<32xf32, #tpu.memory_space<hbm>>, %arg7: memref<16xf32, #tpu.memory_space<hbm>>, %arg8: memref<16384xf32, #tpu.memory_space<hbm>>, %arg9: memref<512xi32, #tpu.memory_space<vmem>>, %arg10: memref<512xi32, #tpu.memory_space<vmem>>, %arg11: memref<3x4x32x128xf32, #tpu.memory_space<vmem>>, %arg12: memref<3x4x32x128xf32, #tpu.memory_space<vmem>>, %arg13: memref<32xf32, #tpu.memory_space<vmem>>, %arg14: memref<16xf32, #tpu.memory_space<vmem>>, %arg15: memref<512xf32, #tpu.memory_space<vmem>>, %arg16: memref<!tpu.dma_semaphore, #tpu.memory_space<semaphore_mem>>, %arg17: memref<!tpu.dma_semaphore, #tpu.memory_space<semaphore_mem>>) attributes {dimension_semantics = [#tpu.dimension_semantics<core_parallel>, #tpu.dimension_semantics<subcore_parallel>], iteration_bounds = array<i64: 2, 16>, scalar_prefetch = 0 : i64, scratch_operands = 9 : i64, tpu.core_type = #tpu.core_type<sc_vector_subcore>, window_params = [{transform_indices = #map}, {transform_indices = #map}, {transform_indices = #map1}, {transform_indices = #map1}, {transform_indices = #map}, {transform_indices = #map}, {transform_indices = #map}]} {
    %mul3A = arith.constant 2 : i32
    %mul3A_0 = arith.muli %arg1, %mul3A : i32
    %add3A = arith.addi %mul3A_0, %arg0 : i32
    %mul3A_1 = arith.constant 512 : i32
    %mul3A_2 = arith.muli %add3A, %mul3A_1 : i32
    "tpu.region"() ({
      %run_scoped3A = tpu.sem_alloc : memref<!tpu.dma_semaphore, #tpu.memory_space<semaphore_mem>>
      %dma_start3A = tpu.memref_slice %arg2[%mul3A_2] : memref<16384xi32, #tpu.memory_space<hbm>> -> memref<512xi32, #tpu.memory_space<hbm>>
      %dma_start3A_17 = tpu.memref_slice %arg2[%mul3A_2] : memref<16384xi32, #tpu.memory_space<hbm>> -> memref<512xi32, #tpu.memory_space<hbm>>
      tpu.enqueue_dma source(%dma_start3A_17 : memref<512xi32, #tpu.memory_space<hbm>>) target(%arg9 : memref<512xi32, #tpu.memory_space<vmem>>) target_semaphore(%run_scoped3A : memref<!tpu.dma_semaphore, #tpu.memory_space<semaphore_mem>>)
      %dma_wait3A = tpu.memref_slice %arg2[%mul3A_2] : memref<16384xi32, #tpu.memory_space<hbm>> -> memref<512xi32, #tpu.memory_space<hbm>>
      %dma_wait3A_18 = tpu.memref_slice %arg2[%mul3A_2] : memref<16384xi32, #tpu.memory_space<hbm>> -> memref<512xi32, #tpu.memory_space<hbm>>
      tpu.wait_dma2 semaphore(%run_scoped3A : memref<!tpu.dma_semaphore, #tpu.memory_space<semaphore_mem>>) src(%dma_wait3A_18 : memref<512xi32, #tpu.memory_space<hbm>>) dst(%arg9 : memref<512xi32, #tpu.memory_space<vmem>>)
      tpu.yield
    }) : () -> ()
    "tpu.region"() ({
      %run_scoped3A = tpu.sem_alloc : memref<!tpu.dma_semaphore, #tpu.memory_space<semaphore_mem>>
      %dma_start3A = tpu.memref_slice %arg3[%mul3A_2] : memref<16384xi32, #tpu.memory_space<hbm>> -> memref<512xi32, #tpu.memory_space<hbm>>
      %dma_start3A_17 = tpu.memref_slice %arg3[%mul3A_2] : memref<16384xi32, #tpu.memory_space<hbm>> -> memref<512xi32, #tpu.memory_space<hbm>>
      tpu.enqueue_dma source(%dma_start3A_17 : memref<512xi32, #tpu.memory_space<hbm>>) target(%arg10 : memref<512xi32, #tpu.memory_space<vmem>>) target_semaphore(%run_scoped3A : memref<!tpu.dma_semaphore, #tpu.memory_space<semaphore_mem>>)
      %dma_wait3A = tpu.memref_slice %arg3[%mul3A_2] : memref<16384xi32, #tpu.memory_space<hbm>> -> memref<512xi32, #tpu.memory_space<hbm>>
      %dma_wait3A_18 = tpu.memref_slice %arg3[%mul3A_2] : memref<16384xi32, #tpu.memory_space<hbm>> -> memref<512xi32, #tpu.memory_space<hbm>>
      tpu.wait_dma2 semaphore(%run_scoped3A : memref<!tpu.dma_semaphore, #tpu.memory_space<semaphore_mem>>) src(%dma_wait3A_18 : memref<512xi32, #tpu.memory_space<hbm>>) dst(%arg10 : memref<512xi32, #tpu.memory_space<vmem>>)
      tpu.yield
    }) : () -> ()
    "tpu.region"() ({
      %run_scoped3A = tpu.sem_alloc : memref<!tpu.dma_semaphore, #tpu.memory_space<semaphore_mem>>
      tpu.enqueue_dma source(%arg6 : memref<32xf32, #tpu.memory_space<hbm>>) target(%arg13 : memref<32xf32, #tpu.memory_space<vmem>>) target_semaphore(%run_scoped3A : memref<!tpu.dma_semaphore, #tpu.memory_space<semaphore_mem>>)
      tpu.wait_dma2 semaphore(%run_scoped3A : memref<!tpu.dma_semaphore, #tpu.memory_space<semaphore_mem>>) src(%arg6 : memref<32xf32, #tpu.memory_space<hbm>>) dst(%arg13 : memref<32xf32, #tpu.memory_space<vmem>>)
      tpu.yield
    }) : () -> ()
    "tpu.region"() ({
      %run_scoped3A = tpu.sem_alloc : memref<!tpu.dma_semaphore, #tpu.memory_space<semaphore_mem>>
      tpu.enqueue_dma source(%arg7 : memref<16xf32, #tpu.memory_space<hbm>>) target(%arg14 : memref<16xf32, #tpu.memory_space<vmem>>) target_semaphore(%run_scoped3A : memref<!tpu.dma_semaphore, #tpu.memory_space<semaphore_mem>>)
      tpu.wait_dma2 semaphore(%run_scoped3A : memref<!tpu.dma_semaphore, #tpu.memory_space<semaphore_mem>>) src(%arg7 : memref<16xf32, #tpu.memory_space<hbm>>) dst(%arg14 : memref<16xf32, #tpu.memory_space<vmem>>)
      tpu.yield
    }) : () -> ()
    %get3A = arith.constant 0 : index
    %get3A_3 = tpu.vector_load %arg14[%get3A] {strides = array<i32>} : memref<16xf32, #tpu.memory_space<vmem>>, vector<16xf32>,
    %slice3A = vector.extract_strided_slice %get3A_3 {offsets = [0], sizes = [1], strides = [1]} : vector<16xf32> to vector<1xf32>
    %squeeze3A = vector.extract %slice3A[0] : f32 from vector<1xf32>
    %get3A_4 = arith.constant 0 : index
    %get3A_5 = tpu.vector_load %arg13[%get3A_4] {strides = array<i32>} : memref<32xf32, #tpu.memory_space<vmem>>, vector<16xf32>,
    %get3A_6 = arith.constant 16 : index
    %get3A_7 = tpu.vector_load %arg13[%get3A_6] {strides = array<i32>} : memref<32xf32, #tpu.memory_space<vmem>>, vector<16xf32>,
    %iota3A = tpu.iota {dimensions = array<i32: 0>} : vector<16xi32>
    %add3A_8 = arith.constant 16 : i32
    %add3A_9 = vector.broadcast %add3A_8 : i32 to vector<16xi32>
    %add3A_10 = arith.addi %iota3A, %add3A_9 : vector<16xi32>
    %scan3A = arith.constant 0 : i32
    %scan3A_11 = arith.constant 0 : i32
    %scan3A_12 = arith.constant 16 : i32
    %scan3A_13 = arith.addi %scan3A_11, %scan3A_12 : i32
    %scan3A_14 = arith.constant 1 : i32
    %scan3A_15 = scf.for %scan3A_17 = %scan3A_11 to %scan3A_13 step %scan3A_14 iter_args(%scan3A_18 = %scan3A) -> (i32)  : i32 {
      %mul3A_19 = arith.constant 2 : i32
      %mul3A_20 = arith.muli %scan3A_17, %mul3A_19 : i32
      %mul3A_21 = arith.constant 16 : i32
      %mul3A_22 = arith.muli %mul3A_20, %mul3A_21 : i32
      %get3A_23 = arith.index_cast %mul3A_22 : i32 to index
      %get3A_24 = tpu.vector_load %arg9[%get3A_23] {strides = array<i32>} : memref<512xi32, #tpu.memory_space<vmem>>, vector<16xi32>,
      %mul3A_25 = arith.constant 2 : i32
      %mul3A_26 = arith.muli %scan3A_17, %mul3A_25 : i32
      %mul3A_27 = arith.constant 16 : i32
      %mul3A_28 = arith.muli %mul3A_26, %mul3A_27 : i32
      %add3A_29 = arith.constant 16 : i32
      %add3A_30 = arith.addi %mul3A_28, %add3A_29 : i32
      %get3A_31 = arith.index_cast %add3A_30 : i32 to index
      %get3A_32 = tpu.vector_load %arg9[%get3A_31] {strides = array<i32>} : memref<512xi32, #tpu.memory_space<vmem>>, vector<16xi32>,
      %mul3A_33 = arith.constant 2 : i32
      %mul3A_34 = arith.muli %scan3A_17, %mul3A_33 : i32
      %mul3A_35 = arith.constant 16 : i32
      %mul3A_36 = arith.muli %mul3A_34, %mul3A_35 : i32
      %get3A_37 = arith.index_cast %mul3A_36 : i32 to index
      %get3A_38 = tpu.vector_load %arg10[%get3A_37] {strides = array<i32>} : memref<512xi32, #tpu.memory_space<vmem>>, vector<16xi32>,
      %mul3A_39 = arith.constant 2 : i32
      %mul3A_40 = arith.muli %scan3A_17, %mul3A_39 : i32
      %mul3A_41 = arith.constant 16 : i32
      %mul3A_42 = arith.muli %mul3A_40, %mul3A_41 : i32
      %add3A_43 = arith.constant 16 : i32
      %add3A_44 = arith.addi %mul3A_42, %add3A_43 : i32
      %get3A_45 = arith.index_cast %add3A_44 : i32 to index
      %get3A_46 = tpu.vector_load %arg10[%get3A_45] {strides = array<i32>} : memref<512xi32, #tpu.memory_space<vmem>>, vector<16xi32>,
      %slice3A_47 = vector.extract_strided_slice %get3A_24 {offsets = [0], sizes = [1], strides = [1]} : vector<16xi32> to vector<1xi32>
      %squeeze3A_48 = vector.extract %slice3A_47[0] : i32 from vector<1xi32>
      %shift_right_arithmetic3A = arith.constant 7 : i32
      %shift_right_arithmetic3A_49 = arith.shrsi %squeeze3A_48, %shift_right_arithmetic3A : i32
      %mul3A_50 = arith.constant 128 : i32
      %mul3A_51 = arith.muli %shift_right_arithmetic3A_49, %mul3A_50 : i32
      %multiple_of3A = tpu.assume_multiple %mul3A_51, 128 : i32
      %slice3A_52 = vector.extract_strided_slice %get3A_38 {offsets = [0], sizes = [1], strides = [1]} : vector<16xi32> to vector<1xi32>
      %squeeze3A_53 = vector.extract %slice3A_52[0] : i32 from vector<1xi32>
      %shift_right_arithmetic3A_54 = arith.constant 7 : i32
      %shift_right_arithmetic3A_55 = arith.shrsi %squeeze3A_53, %shift_right_arithmetic3A_54 : i32
      %mul3A_56 = arith.constant 128 : i32
      %mul3A_57 = arith.muli %shift_right_arithmetic3A_55, %mul3A_56 : i32
      %multiple_of3A_58 = tpu.assume_multiple %mul3A_57, 128 : i32
      %dma_start3A = arith.constant 0 : i32
      %dma_start3A_59 = arith.constant 0 : i32
      %dma_start3A_60 = arith.constant 0 : i32
      %dma_start3A_61 = arith.constant 0 : i32
      %dma_start3A_62 = tpu.memref_slice %arg11[%dma_start3A, %dma_start3A_59, %dma_start3A_60, %dma_start3A_61] : memref<3x4x32x128xf32, #tpu.memory_space<vmem>> -> memref<1x1x32x128xf32, #tpu.memory_space<vmem>>
      %dma_start3A_63 = tpu.memref_squeeze %dma_start3A_62 : memref<1x1x32x128xf32, #tpu.memory_space<vmem>> -> memref<32x128xf32, #tpu.memory_space<vmem>>
      %dma_start3A_64 = arith.constant 0 : i32
      %dma_start3A_65 = tpu.memref_slice %arg4[%dma_start3A_64, %multiple_of3A] : memref<32x1000000xf32, #tpu.memory_space<hbm>> -> memref<32x128xf32, #tpu.memory_space<hbm>>
      %dma_start3A_66 = arith.constant 0 : i32
      %dma_start3A_67 = arith.constant 0 : i32
      %dma_start3A_68 = tpu.memref_slice %arg11[%dma_start3A, %dma_start3A_59, %dma_start3A_66, %dma_start3A_67] : memref<3x4x32x128xf32, #tpu.memory_space<vmem>> -> memref<1x1x32x128xf32, #tpu.memory_space<vmem>>
      %dma_start3A_69 = tpu.memref_squeeze %dma_start3A_68 : memref<1x1x32x128xf32, #tpu.memory_space<vmem>> -> memref<32x128xf32, #tpu.memory_space<vmem>>
      %dma_start3A_70 = arith.constant 0 : i32
      %dma_start3A_71 = tpu.memref_slice %arg4[%dma_start3A_70, %multiple_of3A] : memref<32x1000000xf32, #tpu.memory_space<hbm>> -> memref<32x128xf32, #tpu.memory_space<hbm>>
      tpu.enqueue_dma source(%dma_start3A_71 : memref<32x128xf32, #tpu.memory_space<hbm>>) target(%dma_start3A_69 : memref<32x128xf32, #tpu.memory_space<vmem>>) target_semaphore(%arg16 : memref<!tpu.dma_semaphore, #tpu.memory_space<semaphore_mem>>)
      %dma_start3A_72 = arith.constant 0 : i32
      %dma_start3A_73 = arith.constant 0 : i32
      %dma_start3A_74 = arith.constant 0 : i32
      %dma_start3A_75 = arith.constant 0 : i32
      %dma_start3A_76 = tpu.memref_slice %arg12[%dma_start3A_72, %dma_start3A_73, %dma_start3A_74, %dma_start3A_75] : memref<3x4x32x128xf32, #tpu.memory_space<vmem>> -> memref<1x1x32x128xf32, #tpu.memory_space<vmem>>
      %dma_start3A_77 = tpu.memref_squeeze %dma_start3A_76 : memref<1x1x32x128xf32, #tpu.memory_space<vmem>> -> memref<32x128xf32, #tpu.memory_space<vmem>>
      %dma_start3A_78 = arith.constant 0 : i32
      %dma_start3A_79 = tpu.memref_slice %arg5[%dma_start3A_78, %multiple_of3A_58] : memref<32x1000000xf32, #tpu.memory_space<hbm>> -> memref<32x128xf32, #tpu.memory_space<hbm>>
      %dma_start3A_80 = arith.constant 0 : i32
      %dma_start3A_81 = arith.constant 0 : i32
      %dma_start3A_82 = tpu.memref_slice %arg12[%dma_start3A_72, %dma_start3A_73, %dma_start3A_80, %dma_start3A_81] : memref<3x4x32x128xf32, #tpu.memory_space<vmem>> -> memref<1x1x32x128xf32, #tpu.memory_space<vmem>>
      %dma_start3A_83 = tpu.memref_squeeze %dma_start3A_82 : memref<1x1x32x128xf32, #tpu.memory_space<vmem>> -> memref<32x128xf32, #tpu.memory_space<vmem>>
      %dma_start3A_84 = arith.constant 0 : i32
      %dma_start3A_85 = tpu.memref_slice %arg5[%dma_start3A_84, %multiple_of3A_58] : memref<32x1000000xf32, #tpu.memory_space<hbm>> -> memref<32x128xf32, #tpu.memory_space<hbm>>
      tpu.enqueue_dma source(%dma_start3A_85 : memref<32x128xf32, #tpu.memory_space<hbm>>) target(%dma_start3A_83 : memref<32x128xf32, #tpu.memory_space<vmem>>) target_semaphore(%arg17 : memref<!tpu.dma_semaphore, #tpu.memory_space<semaphore_mem>>)
      %slice3A_86 = vector.extract_strided_slice %get3A_24 {offsets = [1], sizes = [1], strides = [1]} : vector<16xi32> to vector<1xi32>
      %squeeze3A_87 = vector.extract %slice3A_86[0] : i32 from vector<1xi32>
      %shift_right_arithmetic3A_88 = arith.constant 7 : i32
      %shift_right_arithmetic3A_89 = arith.shrsi %squeeze3A_87, %shift_right_arithmetic3A_88 : i32
      %mul3A_90 = arith.constant 128 : i32
      %mul3A_91 = arith.muli %shift_right_arithmetic3A_89, %mul3A_90 : i32
      %multiple_of3A_92 = tpu.assume_multiple %mul3A_91, 128 : i32
      %slice3A_93 = vector.extract_strided_slice %get3A_38 {offsets = [1], sizes = [1], strides = [1]} : vector<16xi32> to vector<1xi32>
      %squeeze3A_94 = vector.extract %slice3A_93[0] : i32 from vector<1xi32>
      %shift_right_arithmetic3A_95 = arith.constant 7 : i32
      %shift_right_arithmetic3A_96 = arith.shrsi %squeeze3A_94, %shift_right_arithmetic3A_95 : i32
      %mul3A_97 = arith.constant 128 : i32
      %mul3A_98 = arith.muli %shift_right_arithmetic3A_96, %mul3A_97 : i32
      %multiple_of3A_99 = tpu.assume_multiple %mul3A_98, 128 : i32
      %dma_start3A_100 = arith.constant 0 : i32
      %dma_start3A_101 = arith.constant 1 : i32
      %dma_start3A_102 = arith.constant 0 : i32
      %dma_start3A_103 = arith.constant 0 : i32
      %dma_start3A_104 = tpu.memref_slice %arg11[%dma_start3A_100, %dma_start3A_101, %dma_start3A_102, %dma_start3A_103] : memref<3x4x32x128xf32, #tpu.memory_space<vmem>> -> memref<1x1x32x128xf32, #tpu.memory_space<vmem>>
      %dma_start3A_105 = tpu.memref_squeeze %dma_start3A_104 : memref<1x1x32x128xf32, #tpu.memory_space<vmem>> -> memref<32x128xf32, #tpu.memory_space<vmem>>
      %dma_start3A_106 = arith.constant 0 : i32
      %dma_start3A_107 = tpu.memref_slice %arg4[%dma_start3A_106, %multiple_of3A_92] : memref<32x1000000xf32, #tpu.memory_space<hbm>> -> memref<32x128xf32, #tpu.memory_space<hbm>>
      %dma_start3A_108 = arith.constant 0 : i32
      %dma_start3A_109 = arith.constant 0 : i32
      %dma_start3A_110 = tpu.memref_slice %arg11[%dma_start3A_100, %dma_start3A_101, %dma_start3A_108, %dma_start3A_109] : memref<3x4x32x128xf32, #tpu.memory_space<vmem>> -> memref<1x1x32x128xf32, #tpu.memory_space<vmem>>
      %dma_start3A_111 = tpu.memref_squeeze %dma_start3A_110 : memref<1x1x32x128xf32, #tpu.memory_space<vmem>> -> memref<32x128xf32, #tpu.memory_space<vmem>>
      %dma_start3A_112 = arith.constant 0 : i32
      %dma_start3A_113 = tpu.memref_slice %arg4[%dma_start3A_112, %multiple_of3A_92] : memref<32x1000000xf32, #tpu.memory_space<hbm>> -> memref<32x128xf32, #tpu.memory_space<hbm>>
      tpu.enqueue_dma source(%dma_start3A_113 : memref<32x128xf32, #tpu.memory_space<hbm>>) target(%dma_start3A_111 : memref<32x128xf32, #tpu.memory_space<vmem>>) target_semaphore(%arg16 : memref<!tpu.dma_semaphore, #tpu.memory_space<semaphore_mem>>)
      %dma_start3A_114 = arith.constant 0 : i32
      %dma_start3A_115 = arith.constant 1 : i32
      %dma_start3A_116 = arith.constant 0 : i32
      %dma_start3A_117 = arith.constant 0 : i32
      %dma_start3A_118 = tpu.memref_slice %arg12[%dma_start3A_114, %dma_start3A_115, %dma_start3A_116, %dma_start3A_117] : memref<3x4x32x128xf32, #tpu.memory_space<vmem>> -> memref<1x1x32x128xf32, #tpu.memory_space<vmem>>
      %dma_start3A_119 = tpu.memref_squeeze %dma_start3A_118 : memref<1x1x32x128xf32, #tpu.memory_space<vmem>> -> memref<32x128xf32, #tpu.memory_space<vmem>>
      %dma_start3A_120 = arith.constant 0 : i32
      %dma_start3A_121 = tpu.memref_slice %arg5[%dma_start3A_120, %multiple_of3A_99] : memref<32x1000000xf32, #tpu.memory_space<hbm>> -> memref<32x128xf32, #tpu.memory_space<hbm>>
      %dma_start3A_122 = arith.constant 0 : i32
      %dma_start3A_123 = arith.constant 0 : i32
      %dma_start3A_124 = tpu.memref_slice %arg12[%dma_start3A_114, %dma_start3A_115, %dma_start3A_122, %dma_start3A_123] : memref<3x4x32x128xf32, #tpu.memory_space<vmem>> -> memref<1x1x32x128xf32, #tpu.memory_space<vmem>>
      %dma_start3A_125 = tpu.memref_squeeze %dma_start3A_124 : memref<1x1x32x128xf32, #tpu.memory_space<vmem>> -> memref<32x128xf32, #tpu.memory_space<vmem>>
      %dma_start3A_126 = arith.constant 0 : i32
      %dma_start3A_127 = tpu.memref_slice %arg5[%dma_start3A_126, %multiple_of3A_99] : memref<32x1000000xf32, #tpu.memory_space<hbm>> -> memref<32x128xf32, #tpu.memory_space<hbm>>
      tpu.enqueue_dma source(%dma_start3A_127 : memref<32x128xf32, #tpu.memory_space<hbm>>) target(%dma_start3A_125 : memref<32x128xf32, #tpu.memory_space<vmem>>) target_semaphore(%arg17 : memref<!tpu.dma_semaphore, #tpu.memory_space<semaphore_mem>>)
      %slice3A_128 = vector.extract_strided_slice %get3A_24 {offsets = [2], sizes = [1], strides = [1]} : vector<16xi32> to vector<1xi32>
      %squeeze3A_129 = vector.extract %slice3A_128[0] : i32 from vector<1xi32>
      %shift_right_arithmetic3A_130 = arith.constant 7 : i32
      %shift_right_arithmetic3A_131 = arith.shrsi %squeeze3A_129, %shift_right_arithmetic3A_130 : i32
      %mul3A_132 = arith.constant 128 : i32
      %mul3A_133 = arith.muli %shift_right_arithmetic3A_131, %mul3A_132 : i32
      %multiple_of3A_134 = tpu.assume_multiple %mul3A_133, 128 : i32
      %slice3A_135 = vector.extract_strided_slice %get3A_38 {offsets = [2], sizes = [1], strides = [1]} : vector<16xi32> to vector<1xi32>
      %squeeze3A_136 = vector.extract %slice3A_135[0] : i32 from vector<1xi32>
      %shift_right_arithmetic3A_137 = arith.constant 7 : i32
      %shift_right_arithmetic3A_138 = arith.shrsi %squeeze3A_136, %shift_right_arithmetic3A_137 : i32
      %mul3A_139 = arith.constant 128 : i32
      %mul3A_140 = arith.muli %shift_right_arithmetic3A_138, %mul3A_139 : i32
      %multiple_of3A_141 = tpu.assume_multiple %mul3A_140, 128 : i32
      %dma_start3A_142 = arith.constant 0 : i32
      %dma_start3A_143 = arith.constant 2 : i32
      %dma_start3A_144 = arith.constant 0 : i32
      %dma_start3A_145 = arith.constant 0 : i32
      %dma_start3A_146 = tpu.memref_slice %arg11[%dma_start3A_142, %dma_start3A_143, %dma_start3A_144, %dma_start3A_145] : memref<3x4x32x128xf32, #tpu.memory_space<vmem>> -> memref<1x1x32x128xf32, #tpu.memory_space<vmem>>
      %dma_start3A_147 = tpu.memref_squeeze %dma_start3A_146 : memref<1x1x32x128xf32, #tpu.memory_space<vmem>> -> memref<32x128xf32, #tpu.memory_space<vmem>>
      %dma_start3A_148 = arith.constant 0 : i32
      %dma_start3A_149 = tpu.memref_slice %arg4[%dma_start3A_148, %multiple_of3A_134] : memref<32x1000000xf32, #tpu.memory_space<hbm>> -> memref<32x128xf32, #tpu.memory_space<hbm>>
      %dma_start3A_150 = arith.constant 0 : i32
      %dma_start3A_151 = arith.constant 0 : i32
      %dma_start3A_152 = tpu.memref_slice %arg11[%dma_start3A_142, %dma_start3A_143, %dma_start3A_150, %dma_start3A_151] : memref<3x4x32x128xf32, #tpu.memory_space<vmem>> -> memref<1x1x32x128xf32, #tpu.memory_space<vmem>>
      %dma_start3A_153 = tpu.memref_squeeze %dma_start3A_152 : memref<1x1x32x128xf32, #tpu.memory_space<vmem>> -> memref<32x128xf32, #tpu.memory_space<vmem>>
      %dma_start3A_154 = arith.constant 0 : i32
      %dma_start3A_155 = tpu.memref_slice %arg4[%dma_start3A_154, %multiple_of3A_134] : memref<32x1000000xf32, #tpu.memory_space<hbm>> -> memref<32x128xf32, #tpu.memory_space<hbm>>
      tpu.enqueue_dma source(%dma_start3A_155 : memref<32x128xf32, #tpu.memory_space<hbm>>) target(%dma_start3A_153 : memref<32x128xf32, #tpu.memory_space<vmem>>) target_semaphore(%arg16 : memref<!tpu.dma_semaphore, #tpu.memory_space<semaphore_mem>>)
      %dma_start3A_156 = arith.constant 0 : i32
      %dma_start3A_157 = arith.constant 2 : i32
      %dma_start3A_158 = arith.constant 0 : i32
      %dma_start3A_159 = arith.constant 0 : i32
      %dma_start3A_160 = tpu.memref_slice %arg12[%dma_start3A_156, %dma_start3A_157, %dma_start3A_158, %dma_start3A_159] : memref<3x4x32x128xf32, #tpu.memory_space<vmem>> -> memref<1x1x32x128xf32, #tpu.memory_space<vmem>>
      %dma_start3A_161 = tpu.memref_squeeze %dma_start3A_160 : memref<1x1x32x128xf32, #tpu.memory_space<vmem>> -> memref<32x128xf32, #tpu.memory_space<vmem>>
      %dma_start3A_162 = arith.constant 0 : i32
      %dma_start3A_163 = tpu.memref_slice %arg5[%dma_start3A_162, %multiple_of3A_141] : memref<32x1000000xf32, #tpu.memory_space<hbm>> -> memref<32x128xf32, #tpu.memory_space<hbm>>
      %dma_start3A_164 = arith.constant 0 : i32
      %dma_start3A_165 = arith.constant 0 : i32
      %dma_start3A_166 = tpu.memref_slice %arg12[%dma_start3A_156, %dma_start3A_157, %dma_start3A_164, %dma_start3A_165] : memref<3x4x32x128xf32, #tpu.memory_space<vmem>> -> memref<1x1x32x128xf32, #tpu.memory_space<vmem>>
      %dma_start3A_167 = tpu.memref_squeeze %dma_start3A_166 : memref<1x1x32x128xf32, #tpu.memory_space<vmem>> -> memref<32x128xf32, #tpu.memory_space<vmem>>
      %dma_start3A_168 = arith.constant 0 : i32
      %dma_start3A_169 = tpu.memref_slice %arg5[%dma_start3A_168, %multiple_of3A_141] : memref<32x1000000xf32, #tpu.memory_space<hbm>> -> memref<32x128xf32, #tpu.memory_space<hbm>>
      tpu.enqueue_dma source(%dma_start3A_169 : memref<32x128xf32, #tpu.memory_space<hbm>>) target(%dma_start3A_167 : memref<32x128xf32, #tpu.memory_space<vmem>>) target_semaphore(%arg17 : memref<!tpu.dma_semaphore, #tpu.memory_space<semaphore_mem>>)
      %slice3A_170 = vector.extract_strided_slice %get3A_24 {offsets = [3], sizes = [1], strides = [1]} : vector<16xi32> to vector<1xi32>
      %squeeze3A_171 = vector.extract %slice3A_170[0] : i32 from vector<1xi32>
      %shift_right_arithmetic3A_172 = arith.constant 7 : i32
      %shift_right_arithmetic3A_173 = arith.shrsi %squeeze3A_171, %shift_right_arithmetic3A_172 : i32
      %mul3A_174 = arith.constant 128 : i32
      %mul3A_175 = arith.muli %shift_right_arithmetic3A_173, %mul3A_174 : i32
      %multiple_of3A_176 = tpu.assume_multiple %mul3A_175, 128 : i32
      %slice3A_177 = vector.extract_strided_slice %get3A_38 {offsets = [3], sizes = [1], strides = [1]} : vector<16xi32> to vector<1xi32>
      %squeeze3A_178 = vector.extract %slice3A_177[0] : i32 from vector<1xi32>
      %shift_right_arithmetic3A_179 = arith.constant 7 : i32
      %shift_right_arithmetic3A_180 = arith.shrsi %squeeze3A_178, %shift_right_arithmetic3A_179 : i32
      %mul3A_181 = arith.constant 128 : i32
      %mul3A_182 = arith.muli %shift_right_arithmetic3A_180, %mul3A_181 : i32
      %multiple_of3A_183 = tpu.assume_multiple %mul3A_182, 128 : i32
      %dma_start3A_184 = arith.constant 0 : i32
      %dma_start3A_185 = arith.constant 3 : i32
      %dma_start3A_186 = arith.constant 0 : i32
      %dma_start3A_187 = arith.constant 0 : i32
      %dma_start3A_188 = tpu.memref_slice %arg11[%dma_start3A_184, %dma_start3A_185, %dma_start3A_186, %dma_start3A_187] : memref<3x4x32x128xf32, #tpu.memory_space<vmem>> -> memref<1x1x32x128xf32, #tpu.memory_space<vmem>>
      %dma_start3A_189 = tpu.memref_squeeze %dma_start3A_188 : memref<1x1x32x128xf32, #tpu.memory_space<vmem>> -> memref<32x128xf32, #tpu.memory_space<vmem>>
      %dma_start3A_190 = arith.constant 0 : i32
      %dma_start3A_191 = tpu.memref_slice %arg4[%dma_start3A_190, %multiple_of3A_176] : memref<32x1000000xf32, #tpu.memory_space<hbm>> -> memref<32x128xf32, #tpu.memory_space<hbm>>
      %dma_start3A_192 = arith.constant 0 : i32
      %dma_start3A_193 = arith.constant 0 : i32
      %dma_start3A_194 = tpu.memref_slice %arg11[%dma_start3A_184, %dma_start3A_185, %dma_start3A_192, %dma_start3A_193] : memref<3x4x32x128xf32, #tpu.memory_space<vmem>> -> memref<1x1x32x128xf32, #tpu.memory_space<vmem>>
      %dma_start3A_195 = tpu.memref_squeeze %dma_start3A_194 : memref<1x1x32x128xf32, #tpu.memory_space<vmem>> -> memref<32x128xf32, #tpu.memory_space<vmem>>
      %dma_start3A_196 = arith.constant 0 : i32
      %dma_start3A_197 = tpu.memref_slice %arg4[%dma_start3A_196, %multiple_of3A_176] : memref<32x1000000xf32, #tpu.memory_space<hbm>> -> memref<32x128xf32, #tpu.memory_space<hbm>>
      tpu.enqueue_dma source(%dma_start3A_197 : memref<32x128xf32, #tpu.memory_space<hbm>>) target(%dma_start3A_195 : memref<32x128xf32, #tpu.memory_space<vmem>>) target_semaphore(%arg16 : memref<!tpu.dma_semaphore, #tpu.memory_space<semaphore_mem>>)
      %dma_start3A_198 = arith.constant 0 : i32
      %dma_start3A_199 = arith.constant 3 : i32
      %dma_start3A_200 = arith.constant 0 : i32
      %dma_start3A_201 = arith.constant 0 : i32
      %dma_start3A_202 = tpu.memref_slice %arg12[%dma_start3A_198, %dma_start3A_199, %dma_start3A_200, %dma_start3A_201] : memref<3x4x32x128xf32, #tpu.memory_space<vmem>> -> memref<1x1x32x128xf32, #tpu.memory_space<vmem>>
      %dma_start3A_203 = tpu.memref_squeeze %dma_start3A_202 : memref<1x1x32x128xf32, #tpu.memory_space<vmem>> -> memref<32x128xf32, #tpu.memory_space<vmem>>
      %dma_start3A_204 = arith.constant 0 : i32
      %dma_start3A_205 = tpu.memref_slice %arg5[%dma_start3A_204, %multiple_of3A_183] : memref<32x1000000xf32, #tpu.memory_space<hbm>> -> memref<32x128xf32, #tpu.memory_space<hbm>>
      %dma_start3A_206 = arith.constant 0 : i32
      %dma_start3A_207 = arith.constant 0 : i32
      %dma_start3A_208 = tpu.memref_slice %arg12[%dma_start3A_198, %dma_start3A_199, %dma_start3A_206, %dma_start3A_207] : memref<3x4x32x128xf32, #tpu.memory_space<vmem>> -> memref<1x1x32x128xf32, #tpu.memory_space<vmem>>
      %dma_start3A_209 = tpu.memref_squeeze %dma_start3A_208 : memref<1x1x32x128xf32, #tpu.memory_space<vmem>> -> memref<32x128xf32, #tpu.memory_space<vmem>>
      %dma_start3A_210 = arith.constant 0 : i32
      %dma_start3A_211 = tpu.memref_slice %arg5[%dma_start3A_210, %multiple_of3A_183] : memref<32x1000000xf32, #tpu.memory_space<hbm>> -> memref<32x128xf32, #tpu.memory_space<hbm>>
      tpu.enqueue_dma source(%dma_start3A_211 : memref<32x128xf32, #tpu.memory_space<hbm>>) target(%dma_start3A_209 : memref<32x128xf32, #tpu.memory_space<vmem>>) target_semaphore(%arg17 : memref<!tpu.dma_semaphore, #tpu.memory_space<semaphore_mem>>)
      %slice3A_212 = vector.extract_strided_slice %get3A_24 {offsets = [4], sizes = [1], strides = [1]} : vector<16xi32> to vector<1xi32>
      %squeeze3A_213 = vector.extract %slice3A_212[0] : i32 from vector<1xi32>
      %shift_right_arithmetic3A_214 = arith.constant 7 : i32
      %shift_right_arithmetic3A_215 = arith.shrsi %squeeze3A_213, %shift_right_arithmetic3A_214 : i32
      %mul3A_216 = arith.constant 128 : i32
      %mul3A_217 = arith.muli %shift_right_arithmetic3A_215, %mul3A_216 : i32
      %multiple_of3A_218 = tpu.assume_multiple %mul3A_217, 128 : i32
      %slice3A_219 = vector.extract_strided_slice %get3A_38 {offsets = [4], sizes = [1], strides = [1]} : vector<16xi32> to vector<1xi32>
      %squeeze3A_220 = vector.extract %slice3A_219[0] : i32 from vector<1xi32>
      %shift_right_arithmetic3A_221 = arith.constant 7 : i32
      %shift_right_arithmetic3A_222 = arith.shrsi %squeeze3A_220, %shift_right_arithmetic3A_221 : i32
      %mul3A_223 = arith.constant 128 : i32
      %mul3A_224 = arith.muli %shift_right_arithmetic3A_222, %mul3A_223 : i32
      %multiple_of3A_225 = tpu.assume_multiple %mul3A_224, 128 : i32
      %dma_start3A_226 = arith.constant 1 : i32
      %dma_start3A_227 = arith.constant 0 : i32
      %dma_start3A_228 = arith.constant 0 : i32
      %dma_start3A_229 = arith.constant 0 : i32
      %dma_start3A_230 = tpu.memref_slice %arg11[%dma_start3A_226, %dma_start3A_227, %dma_start3A_228, %dma_start3A_229] : memref<3x4x32x128xf32, #tpu.memory_space<vmem>> -> memref<1x1x32x128xf32, #tpu.memory_space<vmem>>
      %dma_start3A_231 = tpu.memref_squeeze %dma_start3A_230 : memref<1x1x32x128xf32, #tpu.memory_space<vmem>> -> memref<32x128xf32, #tpu.memory_space<vmem>>
      %dma_start3A_232 = arith.constant 0 : i32
      %dma_start3A_233 = tpu.memref_slice %arg4[%dma_start3A_232, %multiple_of3A_218] : memref<32x1000000xf32, #tpu.memory_space<hbm>> -> memref<32x128xf32, #tpu.memory_space<hbm>>
      %dma_start3A_234 = arith.constant 0 : i32
      %dma_start3A_235 = arith.constant 0 : i32
      %dma_start3A_236 = tpu.memref_slice %arg11[%dma_start3A_226, %dma_start3A_227, %dma_start3A_234, %dma_start3A_235] : memref<3x4x32x128xf32, #tpu.memory_space<vmem>> -> memref<1x1x32x128xf32, #tpu.memory_space<vmem>>
      %dma_start3A_237 = tpu.memref_squeeze %dma_start3A_236 : memref<1x1x32x128xf32, #tpu.memory_space<vmem>> -> memref<32x128xf32, #tpu.memory_space<vmem>>
      %dma_start3A_238 = arith.constant 0 : i32
      %dma_start3A_239 = tpu.memref_slice %arg4[%dma_start3A_238, %multiple_of3A_218] : memref<32x1000000xf32, #tpu.memory_space<hbm>> -> memref<32x128xf32, #tpu.memory_space<hbm>>
      tpu.enqueue_dma source(%dma_start3A_239 : memref<32x128xf32, #tpu.memory_space<hbm>>) target(%dma_start3A_237 : memref<32x128xf32, #tpu.memory_space<vmem>>) target_semaphore(%arg16 : memref<!tpu.dma_semaphore, #tpu.memory_space<semaphore_mem>>)
      %dma_start3A_240 = arith.constant 1 : i32
      %dma_start3A_241 = arith.constant 0 : i32
      %dma_start3A_242 = arith.constant 0 : i32
      %dma_start3A_243 = arith.constant 0 : i32
      %dma_start3A_244 = tpu.memref_slice %arg12[%dma_start3A_240, %dma_start3A_241, %dma_start3A_242, %dma_start3A_243] : memref<3x4x32x128xf32, #tpu.memory_space<vmem>> -> memref<1x1x32x128xf32, #tpu.memory_space<vmem>>
      %dma_start3A_245 = tpu.memref_squeeze %dma_start3A_244 : memref<1x1x32x128xf32, #tpu.memory_space<vmem>> -> memref<32x128xf32, #tpu.memory_space<vmem>>
      %dma_start3A_246 = arith.constant 0 : i32
      %dma_start3A_247 = tpu.memref_slice %arg5[%dma_start3A_246, %multiple_of3A_225] : memref<32x1000000xf32, #tpu.memory_space<hbm>> -> memref<32x128xf32, #tpu.memory_space<hbm>>
      %dma_start3A_248 = arith.constant 0 : i32
      %dma_start3A_249 = arith.constant 0 : i32
      %dma_start3A_250 = tpu.memref_slice %arg12[%dma_start3A_240, %dma_start3A_241, %dma_start3A_248, %dma_start3A_249] : memref<3x4x32x128xf32, #tpu.memory_space<vmem>> -> memref<1x1x32x128xf32, #tpu.memory_space<vmem>>
      %dma_start3A_251 = tpu.memref_squeeze %dma_start3A_250 : memref<1x1x32x128xf32, #tpu.memory_space<vmem>> -> memref<32x128xf32, #tpu.memory_space<vmem>>
      %dma_start3A_252 = arith.constant 0 : i32
      %dma_start3A_253 = tpu.memref_slice %arg5[%dma_start3A_252, %multiple_of3A_225] : memref<32x1000000xf32, #tpu.memory_space<hbm>> -> memref<32x128xf32, #tpu.memory_space<hbm>>
      tpu.enqueue_dma source(%dma_start3A_253 : memref<32x128xf32, #tpu.memory_space<hbm>>) target(%dma_start3A_251 : memref<32x128xf32, #tpu.memory_space<vmem>>) target_semaphore(%arg17 : memref<!tpu.dma_semaphore, #tpu.memory_space<semaphore_mem>>)
      %slice3A_254 = vector.extract_strided_slice %get3A_24 {offsets = [5], sizes = [1], strides = [1]} : vector<16xi32> to vector<1xi32>
      %squeeze3A_255 = vector.extract %slice3A_254[0] : i32 from vector<1xi32>
      %shift_right_arithmetic3A_256 = arith.constant 7 : i32
      %shift_right_arithmetic3A_257 = arith.shrsi %squeeze3A_255, %shift_right_arithmetic3A_256 : i32
      %mul3A_258 = arith.constant 128 : i32
      %mul3A_259 = arith.muli %shift_right_arithmetic3A_257, %mul3A_258 : i32
      %multiple_of3A_260 = tpu.assume_multiple %mul3A_259, 128 : i32
      %slice3A_261 = vector.extract_strided_slice %get3A_38 {offsets = [5], sizes = [1], strides = [1]} : vector<16xi32> to vector<1xi32>
      %squeeze3A_262 = vector.extract %slice3A_261[0] : i32 from vector<1xi32>
      %shift_right_arithmetic3A_263 = arith.constant 7 : i32
      %shift_right_arithmetic3A_264 = arith.shrsi %squeeze3A_262, %shift_right_arithmetic3A_263 : i32
      %mul3A_265 = arith.constant 128 : i32
      %mul3A_266 = arith.muli %shift_right_arithmetic3A_264, %mul3A_265 : i32
      %multiple_of3A_267 = tpu.assume_multiple %mul3A_266, 128 : i32
      %dma_start3A_268 = arith.constant 1 : i32
      %dma_start3A_269 = arith.constant 1 : i32
      %dma_start3A_270 = arith.constant 0 : i32
      %dma_start3A_271 = arith.constant 0 : i32
      %dma_start3A_272 = tpu.memref_slice %arg11[%dma_start3A_268, %dma_start3A_269, %dma_start3A_270, %dma_start3A_271] : memref<3x4x32x128xf32, #tpu.memory_space<vmem>> -> memref<1x1x32x128xf32, #tpu.memory_space<vmem>>
      %dma_start3A_273 = tpu.memref_squeeze %dma_start3A_272 : memref<1x1x32x128xf32, #tpu.memory_space<vmem>> -> memref<32x128xf32, #tpu.memory_space<vmem>>
      %dma_start3A_274 = arith.constant 0 : i32
      %dma_start3A_275 = tpu.memref_slice %arg4[%dma_start3A_274, %multiple_of3A_260] : memref<32x1000000xf32, #tpu.memory_space<hbm>> -> memref<32x128xf32, #tpu.memory_space<hbm>>
      %dma_start3A_276 = arith.constant 0 : i32
      %dma_start3A_277 = arith.constant 0 : i32
      %dma_start3A_278 = tpu.memref_slice %arg11[%dma_start3A_268, %dma_start3A_269, %dma_start3A_276, %dma_start3A_277] : memref<3x4x32x128xf32, #tpu.memory_space<vmem>> -> memref<1x1x32x128xf32, #tpu.memory_space<vmem>>
      %dma_start3A_279 = tpu.memref_squeeze %dma_start3A_278 : memref<1x1x32x128xf32, #tpu.memory_space<vmem>> -> memref<32x128xf32, #tpu.memory_space<vmem>>
      %dma_start3A_280 = arith.constant 0 : i32
      %dma_start3A_281 = tpu.memref_slice %arg4[%dma_start3A_280, %multiple_of3A_260] : memref<32x1000000xf32, #tpu.memory_space<hbm>> -> memref<32x128xf32, #tpu.memory_space<hbm>>
      tpu.enqueue_dma source(%dma_start3A_281 : memref<32x128xf32, #tpu.memory_space<hbm>>) target(%dma_start3A_279 : memref<32x128xf32, #tpu.memory_space<vmem>>) target_semaphore(%arg16 : memref<!tpu.dma_semaphore, #tpu.memory_space<semaphore_mem>>)
      %dma_start3A_282 = arith.constant 1 : i32
      %dma_start3A_283 = arith.constant 1 : i32
      %dma_start3A_284 = arith.constant 0 : i32
      %dma_start3A_285 = arith.constant 0 : i32
      %dma_start3A_286 = tpu.memref_slice %arg12[%dma_start3A_282, %dma_start3A_283, %dma_start3A_284, %dma_start3A_285] : memref<3x4x32x128xf32, #tpu.memory_space<vmem>> -> memref<1x1x32x128xf32, #tpu.memory_space<vmem>>
      %dma_start3A_287 = tpu.memref_squeeze %dma_start3A_286 : memref<1x1x32x128xf32, #tpu.memory_space<vmem>> -> memref<32x128xf32, #tpu.memory_space<vmem>>
      %dma_start3A_288 = arith.constant 0 : i32
      %dma_start3A_289 = tpu.memref_slice %arg5[%dma_start3A_288, %multiple_of3A_267] : memref<32x1000000xf32, #tpu.memory_space<hbm>> -> memref<32x128xf32, #tpu.memory_space<hbm>>
      %dma_start3A_290 = arith.constant 0 : i32
      %dma_start3A_291 = arith.constant 0 : i32
      %dma_start3A_292 = tpu.memref_slice %arg12[%dma_start3A_282, %dma_start3A_283, %dma_start3A_290, %dma_start3A_291] : memref<3x4x32x128xf32, #tpu.memory_space<vmem>> -> memref<1x1x32x128xf32, #tpu.memory_space<vmem>>
      %dma_start3A_293 = tpu.memref_squeeze %dma_start3A_292 : memref<1x1x32x128xf32, #tpu.memory_space<vmem>> -> memref<32x128xf32, #tpu.memory_space<vmem>>
      %dma_start3A_294 = arith.constant 0 : i32
      %dma_start3A_295 = tpu.memref_slice %arg5[%dma_start3A_294, %multiple_of3A_267] : memref<32x1000000xf32, #tpu.memory_space<hbm>> -> memref<32x128xf32, #tpu.memory_space<hbm>>
      tpu.enqueue_dma source(%dma_start3A_295 : memref<32x128xf32, #tpu.memory_space<hbm>>) target(%dma_start3A_293 : memref<32x128xf32, #tpu.memory_space<vmem>>) target_semaphore(%arg17 : memref<!tpu.dma_semaphore, #tpu.memory_space<semaphore_mem>>)
      %slice3A_296 = vector.extract_strided_slice %get3A_24 {offsets = [6], sizes = [1], strides = [1]} : vector<16xi32> to vector<1xi32>
      %squeeze3A_297 = vector.extract %slice3A_296[0] : i32 from vector<1xi32>
      %shift_right_arithmetic3A_298 = arith.constant 7 : i32
      %shift_right_arithmetic3A_299 = arith.shrsi %squeeze3A_297, %shift_right_arithmetic3A_298 : i32
      %mul3A_300 = arith.constant 128 : i32
      %mul3A_301 = arith.muli %shift_right_arithmetic3A_299, %mul3A_300 : i32
      %multiple_of3A_302 = tpu.assume_multiple %mul3A_301, 128 : i32
      %slice3A_303 = vector.extract_strided_slice %get3A_38 {offsets = [6], sizes = [1], strides = [1]} : vector<16xi32> to vector<1xi32>
      %squeeze3A_304 = vector.extract %slice3A_303[0] : i32 from vector<1xi32>
      %shift_right_arithmetic3A_305 = arith.constant 7 : i32
      %shift_right_arithmetic3A_306 = arith.shrsi %squeeze3A_304, %shift_right_arithmetic3A_305 : i32
      %mul3A_307 = arith.constant 128 : i32
      %mul3A_308 = arith.muli %shift_right_arithmetic3A_306, %mul3A_307 : i32
      %multiple_of3A_309 = tpu.assume_multiple %mul3A_308, 128 : i32
      %dma_start3A_310 = arith.constant 1 : i32
      %dma_start3A_311 = arith.constant 2 : i32
      %dma_start3A_312 = arith.constant 0 : i32
      %dma_start3A_313 = arith.constant 0 : i32
      %dma_start3A_314 = tpu.memref_slice %arg11[%dma_start3A_310, %dma_start3A_311, %dma_start3A_312, %dma_start3A_313] : memref<3x4x32x128xf32, #tpu.memory_space<vmem>> -> memref<1x1x32x128xf32, #tpu.memory_space<vmem>>
      %dma_start3A_315 = tpu.memref_squeeze %dma_start3A_314 : memref<1x1x32x128xf32, #tpu.memory_space<vmem>> -> memref<32x128xf32, #tpu.memory_space<vmem>>
      %dma_start3A_316 = arith.constant 0 : i32
      %dma_start3A_317 = tpu.memref_slice %arg4[%dma_start3A_316, %multiple_of3A_302] : memref<32x1000000xf32, #tpu.memory_space<hbm>> -> memref<32x128xf32, #tpu.memory_space<hbm>>
      %dma_start3A_318 = arith.constant 0 : i32
      %dma_start3A_319 = arith.constant 0 : i32
      %dma_start3A_320 = tpu.memref_slice %arg11[%dma_start3A_310, %dma_start3A_311, %dma_start3A_318, %dma_start3A_319] : memref<3x4x32x128xf32, #tpu.memory_space<vmem>> -> memref<1x1x32x128xf32, #tpu.memory_space<vmem>>
      %dma_start3A_321 = tpu.memref_squeeze %dma_start3A_320 : memref<1x1x32x128xf32, #tpu.memory_space<vmem>> -> memref<32x128xf32, #tpu.memory_space<vmem>>
      %dma_start3A_322 = arith.constant 0 : i32
      %dma_start3A_323 = tpu.memref_slice %arg4[%dma_start3A_322, %multiple_of3A_302] : memref<32x1000000xf32, #tpu.memory_space<hbm>> -> memref<32x128xf32, #tpu.memory_space<hbm>>
      tpu.enqueue_dma source(%dma_start3A_323 : memref<32x128xf32, #tpu.memory_space<hbm>>) target(%dma_start3A_321 : memref<32x128xf32, #tpu.memory_space<vmem>>) target_semaphore(%arg16 : memref<!tpu.dma_semaphore, #tpu.memory_space<semaphore_mem>>)
      %dma_start3A_324 = arith.constant 1 : i32
      %dma_start3A_325 = arith.constant 2 : i32
      %dma_start3A_326 = arith.constant 0 : i32
      %dma_start3A_327 = arith.constant 0 : i32
      %dma_start3A_328 = tpu.memref_slice %arg12[%dma_start3A_324, %dma_start3A_325, %dma_start3A_326, %dma_start3A_327] : memref<3x4x32x128xf32, #tpu.memory_space<vmem>> -> memref<1x1x32x128xf32, #tpu.memory_space<vmem>>
      %dma_start3A_329 = tpu.memref_squeeze %dma_start3A_328 : memref<1x1x32x128xf32, #tpu.memory_space<vmem>> -> memref<32x128xf32, #tpu.memory_space<vmem>>
      %dma_start3A_330 = arith.constant 0 : i32
      %dma_start3A_331 = tpu.memref_slice %arg5[%dma_start3A_330, %multiple_of3A_309] : memref<32x1000000xf32, #tpu.memory_space<hbm>> -> memref<32x128xf32, #tpu.memory_space<hbm>>
      %dma_start3A_332 = arith.constant 0 : i32
      %dma_start3A_333 = arith.constant 0 : i32
      %dma_start3A_334 = tpu.memref_slice %arg12[%dma_start3A_324, %dma_start3A_325, %dma_start3A_332, %dma_start3A_333] : memref<3x4x32x128xf32, #tpu.memory_space<vmem>> -> memref<1x1x32x128xf32, #tpu.memory_space<vmem>>
      %dma_start3A_335 = tpu.memref_squeeze %dma_start3A_334 : memref<1x1x32x128xf32, #tpu.memory_space<vmem>> -> memref<32x128xf32, #tpu.memory_space<vmem>>
      %dma_start3A_336 = arith.constant 0 : i32
      %dma_start3A_337 = tpu.memref_slice %arg5[%dma_start3A_336, %multiple_of3A_309] : memref<32x1000000xf32, #tpu.memory_space<hbm>> -> memref<32x128xf32, #tpu.memory_space<hbm>>
      tpu.enqueue_dma source(%dma_start3A_337 : memref<32x128xf32, #tpu.memory_space<hbm>>) target(%dma_start3A_335 : memref<32x128xf32, #tpu.memory_space<vmem>>) target_semaphore(%arg17 : memref<!tpu.dma_semaphore, #tpu.memory_space<semaphore_mem>>)
      %slice3A_338 = vector.extract_strided_slice %get3A_24 {offsets = [7], sizes = [1], strides = [1]} : vector<16xi32> to vector<1xi32>
      %squeeze3A_339 = vector.extract %slice3A_338[0] : i32 from vector<1xi32>
      %shift_right_arithmetic3A_340 = arith.constant 7 : i32
      %shift_right_arithmetic3A_341 = arith.shrsi %squeeze3A_339, %shift_right_arithmetic3A_340 : i32
      %mul3A_342 = arith.constant 128 : i32
      %mul3A_343 = arith.muli %shift_right_arithmetic3A_341, %mul3A_342 : i32
      %multiple_of3A_344 = tpu.assume_multiple %mul3A_343, 128 : i32
      %slice3A_345 = vector.extract_strided_slice %get3A_38 {offsets = [7], sizes = [1], strides = [1]} : vector<16xi32> to vector<1xi32>
      %squeeze3A_346 = vector.extract %slice3A_345[0] : i32 from vector<1xi32>
      %shift_right_arithmetic3A_347 = arith.constant 7 : i32
      %shift_right_arithmetic3A_348 = arith.shrsi %squeeze3A_346, %shift_right_arithmetic3A_347 : i32
      %mul3A_349 = arith.constant 128 : i32
      %mul3A_350 = arith.muli %shift_right_arithmetic3A_348, %mul3A_349 : i32
      %multiple_of3A_351 = tpu.assume_multiple %mul3A_350, 128 : i32
      %dma_start3A_352 = arith.constant 1 : i32
      %dma_start3A_353 = arith.constant 3 : i32
      %dma_start3A_354 = arith.constant 0 : i32
      %dma_start3A_355 = arith.constant 0 : i32
      %dma_start3A_356 = tpu.memref_slice %arg11[%dma_start3A_352, %dma_start3A_353, %dma_start3A_354, %dma_start3A_355] : memref<3x4x32x128xf32, #tpu.memory_space<vmem>> -> memref<1x1x32x128xf32, #tpu.memory_space<vmem>>
      %dma_start3A_357 = tpu.memref_squeeze %dma_start3A_356 : memref<1x1x32x128xf32, #tpu.memory_space<vmem>> -> memref<32x128xf32, #tpu.memory_space<vmem>>
      %dma_start3A_358 = arith.constant 0 : i32
      %dma_start3A_359 = tpu.memref_slice %arg4[%dma_start3A_358, %multiple_of3A_344] : memref<32x1000000xf32, #tpu.memory_space<hbm>> -> memref<32x128xf32, #tpu.memory_space<hbm>>
      %dma_start3A_360 = arith.constant 0 : i32
      %dma_start3A_361 = arith.constant 0 : i32
      %dma_start3A_362 = tpu.memref_slice %arg11[%dma_start3A_352, %dma_start3A_353, %dma_start3A_360, %dma_start3A_361] : memref<3x4x32x128xf32, #tpu.memory_space<vmem>> -> memref<1x1x32x128xf32, #tpu.memory_space<vmem>>
      %dma_start3A_363 = tpu.memref_squeeze %dma_start3A_362 : memref<1x1x32x128xf32, #tpu.memory_space<vmem>> -> memref<32x128xf32, #tpu.memory_space<vmem>>
      %dma_start3A_364 = arith.constant 0 : i32
      %dma_start3A_365 = tpu.memref_slice %arg4[%dma_start3A_364, %multiple_of3A_344] : memref<32x1000000xf32, #tpu.memory_space<hbm>> -> memref<32x128xf32, #tpu.memory_space<hbm>>
      tpu.enqueue_dma source(%dma_start3A_365 : memref<32x128xf32, #tpu.memory_space<hbm>>) target(%dma_start3A_363 : memref<32x128xf32, #tpu.memory_space<vmem>>) target_semaphore(%arg16 : memref<!tpu.dma_semaphore, #tpu.memory_space<semaphore_mem>>)
      %dma_start3A_366 = arith.constant 1 : i32
      %dma_start3A_367 = arith.constant 3 : i32
      %dma_start3A_368 = arith.constant 0 : i32
      %dma_start3A_369 = arith.constant 0 : i32
      %dma_start3A_370 = tpu.memref_slice %arg12[%dma_start3A_366, %dma_start3A_367, %dma_start3A_368, %dma_start3A_369] : memref<3x4x32x128xf32, #tpu.memory_space<vmem>> -> memref<1x1x32x128xf32, #tpu.memory_space<vmem>>
      %dma_start3A_371 = tpu.memref_squeeze %dma_start3A_370 : memref<1x1x32x128xf32, #tpu.memory_space<vmem>> -> memref<32x128xf32, #tpu.memory_space<vmem>>
      %dma_start3A_372 = arith.constant 0 : i32
      %dma_start3A_373 = tpu.memref_slice %arg5[%dma_start3A_372, %multiple_of3A_351] : memref<32x1000000xf32, #tpu.memory_space<hbm>> -> memref<32x128xf32, #tpu.memory_space<hbm>>
      %dma_start3A_374 = arith.constant 0 : i32
      %dma_start3A_375 = arith.constant 0 : i32
      %dma_start3A_376 = tpu.memref_slice %arg12[%dma_start3A_366, %dma_start3A_367, %dma_start3A_374, %dma_start3A_375] : memref<3x4x32x128xf32, #tpu.memory_space<vmem>> -> memref<1x1x32x128xf32, #tpu.memory_space<vmem>>
      %dma_start3A_377 = tpu.memref_squeeze %dma_start3A_376 : memref<1x1x32x128xf32, #tpu.memory_space<vmem>> -> memref<32x128xf32, #tpu.memory_space<vmem>>
      %dma_start3A_378 = arith.constant 0 : i32
      %dma_start3A_379 = tpu.memref_slice %arg5[%dma_start3A_378, %multiple_of3A_351] : memref<32x1000000xf32, #tpu.memory_space<hbm>> -> memref<32x128xf32, #tpu.memory_space<hbm>>
      tpu.enqueue_dma source(%dma_start3A_379 : memref<32x128xf32, #tpu.memory_space<hbm>>) target(%dma_start3A_377 : memref<32x128xf32, #tpu.memory_space<vmem>>) target_semaphore(%arg17 : memref<!tpu.dma_semaphore, #tpu.memory_space<semaphore_mem>>)
      %broadcast_in_dim3A = arith.constant 0.000000e+00 : f32
      %broadcast_in_dim3A_380 = vector.broadcast %broadcast_in_dim3A : f32 to vector<16xf32>
      %broadcast_in_dim3A_381 = arith.constant 0.000000e+00 : f32
      %broadcast_in_dim3A_382 = vector.broadcast %broadcast_in_dim3A_381 : f32 to vector<16xf32>
      %slice3A_383 = vector.extract_strided_slice %get3A_24 {offsets = [8], sizes = [1], strides = [1]} : vector<16xi32> to vector<1xi32>
      %squeeze3A_384 = vector.extract %slice3A_383[0] : i32 from vector<1xi32>
      %shift_right_arithmetic3A_385 = arith.constant 7 : i32
      %shift_right_arithmetic3A_386 = arith.shrsi %squeeze3A_384, %shift_right_arithmetic3A_385 : i32
      %mul3A_387 = arith.constant 128 : i32
      %mul3A_388 = arith.muli %shift_right_arithmetic3A_386, %mul3A_387 : i32
      %multiple_of3A_389 = tpu.assume_multiple %mul3A_388, 128 : i32
      %slice3A_390 = vector.extract_strided_slice %get3A_38 {offsets = [8], sizes = [1], strides = [1]} : vector<16xi32> to vector<1xi32>
      %squeeze3A_391 = vector.extract %slice3A_390[0] : i32 from vector<1xi32>
      %shift_right_arithmetic3A_392 = arith.constant 7 : i32
      %shift_right_arithmetic3A_393 = arith.shrsi %squeeze3A_391, %shift_right_arithmetic3A_392 : i32
      %mul3A_394 = arith.constant 128 : i32
      %mul3A_395 = arith.muli %shift_right_arithmetic3A_393, %mul3A_394 : i32
      %multiple_of3A_396 = tpu.assume_multiple %mul3A_395, 128 : i32
      %dma_start3A_397 = arith.constant 2 : i32
      %dma_start3A_398 = arith.constant 0 : i32
      %dma_start3A_399 = arith.constant 0 : i32
      %dma_start3A_400 = arith.constant 0 : i32
      %dma_start3A_401 = tpu.memref_slice %arg11[%dma_start3A_397, %dma_start3A_398, %dma_start3A_399, %dma_start3A_400] : memref<3x4x32x128xf32, #tpu.memory_space<vmem>> -> memref<1x1x32x128xf32, #tpu.memory_space<vmem>>
      %dma_start3A_402 = tpu.memref_squeeze %dma_start3A_401 : memref<1x1x32x128xf32, #tpu.memory_space<vmem>> -> memref<32x128xf32, #tpu.memory_space<vmem>>
      %dma_start3A_403 = arith.constant 0 : i32
      %dma_start3A_404 = tpu.memref_slice %arg4[%dma_start3A_403, %multiple_of3A_389] : memref<32x1000000xf32, #tpu.memory_space<hbm>> -> memref<32x128xf32, #tpu.memory_space<hbm>>
      %dma_start3A_405 = arith.constant 0 : i32
      %dma_start3A_406 = arith.constant 0 : i32
      %dma_start3A_407 = tpu.memref_slice %arg11[%dma_start3A_397, %dma_start3A_398, %dma_start3A_405, %dma_start3A_406] : memref<3x4x32x128xf32, #tpu.memory_space<vmem>> -> memref<1x1x32x128xf32, #tpu.memory_space<vmem>>
      %dma_start3A_408 = tpu.memref_squeeze %dma_start3A_407 : memref<1x1x32x128xf32, #tpu.memory_space<vmem>> -> memref<32x128xf32, #tpu.memory_space<vmem>>
      %dma_start3A_409 = arith.constant 0 : i32
      %dma_start3A_410 = tpu.memref_slice %arg4[%dma_start3A_409, %multiple_of3A_389] : memref<32x1000000xf32, #tpu.memory_space<hbm>> -> memref<32x128xf32, #tpu.memory_space<hbm>>
      tpu.enqueue_dma source(%dma_start3A_410 : memref<32x128xf32, #tpu.memory_space<hbm>>) target(%dma_start3A_408 : memref<32x128xf32, #tpu.memory_space<vmem>>) target_semaphore(%arg16 : memref<!tpu.dma_semaphore, #tpu.memory_space<semaphore_mem>>)
      %dma_start3A_411 = arith.constant 2 : i32
      %dma_start3A_412 = arith.constant 0 : i32
      %dma_start3A_413 = arith.constant 0 : i32
      %dma_start3A_414 = arith.constant 0 : i32
      %dma_start3A_415 = tpu.memref_slice %arg12[%dma_start3A_411, %dma_start3A_412, %dma_start3A_413, %dma_start3A_414] : memref<3x4x32x128xf32, #tpu.memory_space<vmem>> -> memref<1x1x32x128xf32, #tpu.memory_space<vmem>>
      %dma_start3A_416 = tpu.memref_squeeze %dma_start3A_415 : memref<1x1x32x128xf32, #tpu.memory_space<vmem>> -> memref<32x128xf32, #tpu.memory_space<vmem>>
      %dma_start3A_417 = arith.constant 0 : i32
      %dma_start3A_418 = tpu.memref_slice %arg5[%dma_start3A_417, %multiple_of3A_396] : memref<32x1000000xf32, #tpu.memory_space<hbm>> -> memref<32x128xf32, #tpu.memory_space<hbm>>
      %dma_start3A_419 = arith.constant 0 : i32
      %dma_start3A_420 = arith.constant 0 : i32
      %dma_start3A_421 = tpu.memref_slice %arg12[%dma_start3A_411, %dma_start3A_412, %dma_start3A_419, %dma_start3A_420] : memref<3x4x32x128xf32, #tpu.memory_space<vmem>> -> memref<1x1x32x128xf32, #tpu.memory_space<vmem>>
      %dma_start3A_422 = tpu.memref_squeeze %dma_start3A_421 : memref<1x1x32x128xf32, #tpu.memory_space<vmem>> -> memref<32x128xf32, #tpu.memory_space<vmem>>
      %dma_start3A_423 = arith.constant 0 : i32
      %dma_start3A_424 = tpu.memref_slice %arg5[%dma_start3A_423, %multiple_of3A_396] : memref<32x1000000xf32, #tpu.memory_space<hbm>> -> memref<32x128xf32, #tpu.memory_space<hbm>>
      tpu.enqueue_dma source(%dma_start3A_424 : memref<32x128xf32, #tpu.memory_space<hbm>>) target(%dma_start3A_422 : memref<32x128xf32, #tpu.memory_space<vmem>>) target_semaphore(%arg17 : memref<!tpu.dma_semaphore, #tpu.memory_space<semaphore_mem>>)
      %slice3A_425 = vector.extract_strided_slice %get3A_24 {offsets = [9], sizes = [1], strides = [1]} : vector<16xi32> to vector<1xi32>
      %squeeze3A_426 = vector.extract %slice3A_425[0] : i32 from vector<1xi32>
      %shift_right_arithmetic3A_427 = arith.constant 7 : i32
      %shift_right_arithmetic3A_428 = arith.shrsi %squeeze3A_426, %shift_right_arithmetic3A_427 : i32
      %mul3A_429 = arith.constant 128 : i32
      %mul3A_430 = arith.muli %shift_right_arithmetic3A_428, %mul3A_429 : i32
      %multiple_of3A_431 = tpu.assume_multiple %mul3A_430, 128 : i32
      %slice3A_432 = vector.extract_strided_slice %get3A_38 {offsets = [9], sizes = [1], strides = [1]} : vector<16xi32> to vector<1xi32>
      %squeeze3A_433 = vector.extract %slice3A_432[0] : i32 from vector<1xi32>
      %shift_right_arithmetic3A_434 = arith.constant 7 : i32
      %shift_right_arithmetic3A_435 = arith.shrsi %squeeze3A_433, %shift_right_arithmetic3A_434 : i32
      %mul3A_436 = arith.constant 128 : i32
      %mul3A_437 = arith.muli %shift_right_arithmetic3A_435, %mul3A_436 : i32
      %multiple_of3A_438 = tpu.assume_multiple %mul3A_437, 128 : i32
      %dma_start3A_439 = arith.constant 2 : i32
      %dma_start3A_440 = arith.constant 1 : i32
      %dma_start3A_441 = arith.constant 0 : i32
      %dma_start3A_442 = arith.constant 0 : i32
      %dma_start3A_443 = tpu.memref_slice %arg11[%dma_start3A_439, %dma_start3A_440, %dma_start3A_441, %dma_start3A_442] : memref<3x4x32x128xf32, #tpu.memory_space<vmem>> -> memref<1x1x32x128xf32, #tpu.memory_space<vmem>>
      %dma_start3A_444 = tpu.memref_squeeze %dma_start3A_443 : memref<1x1x32x128xf32, #tpu.memory_space<vmem>> -> memref<32x128xf32, #tpu.memory_space<vmem>>
      %dma_start3A_445 = arith.constant 0 : i32
      %dma_start3A_446 = tpu.memref_slice %arg4[%dma_start3A_445, %multiple_of3A_431] : memref<32x1000000xf32, #tpu.memory_space<hbm>> -> memref<32x128xf32, #tpu.memory_space<hbm>>
      %dma_start3A_447 = arith.constant 0 : i32
      %dma_start3A_448 = arith.constant 0 : i32
      %dma_start3A_449 = tpu.memref_slice %arg11[%dma_start3A_439, %dma_start3A_440, %dma_start3A_447, %dma_start3A_448] : memref<3x4x32x128xf32, #tpu.memory_space<vmem>> -> memref<1x1x32x128xf32, #tpu.memory_space<vmem>>
      %dma_start3A_450 = tpu.memref_squeeze %dma_start3A_449 : memref<1x1x32x128xf32, #tpu.memory_space<vmem>> -> memref<32x128xf32, #tpu.memory_space<vmem>>
      %dma_start3A_451 = arith.constant 0 : i32
      %dma_start3A_452 = tpu.memref_slice %arg4[%dma_start3A_451, %multiple_of3A_431] : memref<32x1000000xf32, #tpu.memory_space<hbm>> -> memref<32x128xf32, #tpu.memory_space<hbm>>
      tpu.enqueue_dma source(%dma_start3A_452 : memref<32x128xf32, #tpu.memory_space<hbm>>) target(%dma_start3A_450 : memref<32x128xf32, #tpu.memory_space<vmem>>) target_semaphore(%arg16 : memref<!tpu.dma_semaphore, #tpu.memory_space<semaphore_mem>>)
      %dma_start3A_453 = arith.constant 2 : i32
      %dma_start3A_454 = arith.constant 1 : i32
      %dma_start3A_455 = arith.constant 0 : i32
      %dma_start3A_456 = arith.constant 0 : i32
      %dma_start3A_457 = tpu.memref_slice %arg12[%dma_start3A_453, %dma_start3A_454, %dma_start3A_455, %dma_start3A_456] : memref<3x4x32x128xf32, #tpu.memory_space<vmem>> -> memref<1x1x32x128xf32, #tpu.memory_space<vmem>>
      %dma_start3A_458 = tpu.memref_squeeze %dma_start3A_457 : memref<1x1x32x128xf32, #tpu.memory_space<vmem>> -> memref<32x128xf32, #tpu.memory_space<vmem>>
      %dma_start3A_459 = arith.constant 0 : i32
      %dma_start3A_460 = tpu.memref_slice %arg5[%dma_start3A_459, %multiple_of3A_438] : memref<32x1000000xf32, #tpu.memory_space<hbm>> -> memref<32x128xf32, #tpu.memory_space<hbm>>
      %dma_start3A_461 = arith.constant 0 : i32
      %dma_start3A_462 = arith.constant 0 : i32
      %dma_start3A_463 = tpu.memref_slice %arg12[%dma_start3A_453, %dma_start3A_454, %dma_start3A_461, %dma_start3A_462] : memref<3x4x32x128xf32, #tpu.memory_space<vmem>> -> memref<1x1x32x128xf32, #tpu.memory_space<vmem>>
      %dma_start3A_464 = tpu.memref_squeeze %dma_start3A_463 : memref<1x1x32x128xf32, #tpu.memory_space<vmem>> -> memref<32x128xf32, #tpu.memory_space<vmem>>
      %dma_start3A_465 = arith.constant 0 : i32
      %dma_start3A_466 = tpu.memref_slice %arg5[%dma_start3A_465, %multiple_of3A_438] : memref<32x1000000xf32, #tpu.memory_space<hbm>> -> memref<32x128xf32, #tpu.memory_space<hbm>>
      tpu.enqueue_dma source(%dma_start3A_466 : memref<32x128xf32, #tpu.memory_space<hbm>>) target(%dma_start3A_464 : memref<32x128xf32, #tpu.memory_space<vmem>>) target_semaphore(%arg17 : memref<!tpu.dma_semaphore, #tpu.memory_space<semaphore_mem>>)
      %slice3A_467 = vector.extract_strided_slice %get3A_24 {offsets = [10], sizes = [1], strides = [1]} : vector<16xi32> to vector<1xi32>
      %squeeze3A_468 = vector.extract %slice3A_467[0] : i32 from vector<1xi32>
      %shift_right_arithmetic3A_469 = arith.constant 7 : i32
      %shift_right_arithmetic3A_470 = arith.shrsi %squeeze3A_468, %shift_right_arithmetic3A_469 : i32
      %mul3A_471 = arith.constant 128 : i32
      %mul3A_472 = arith.muli %shift_right_arithmetic3A_470, %mul3A_471 : i32
      %multiple_of3A_473 = tpu.assume_multiple %mul3A_472, 128 : i32
      %slice3A_474 = vector.extract_strided_slice %get3A_38 {offsets = [10], sizes = [1], strides = [1]} : vector<16xi32> to vector<1xi32>
      %squeeze3A_475 = vector.extract %slice3A_474[0] : i32 from vector<1xi32>
      %shift_right_arithmetic3A_476 = arith.constant 7 : i32
      %shift_right_arithmetic3A_477 = arith.shrsi %squeeze3A_475, %shift_right_arithmetic3A_476 : i32
      %mul3A_478 = arith.constant 128 : i32
      %mul3A_479 = arith.muli %shift_right_arithmetic3A_477, %mul3A_478 : i32
      %multiple_of3A_480 = tpu.assume_multiple %mul3A_479, 128 : i32
      %dma_start3A_481 = arith.constant 2 : i32
      %dma_start3A_482 = arith.constant 2 : i32
      %dma_start3A_483 = arith.constant 0 : i32
      %dma_start3A_484 = arith.constant 0 : i32
      %dma_start3A_485 = tpu.memref_slice %arg11[%dma_start3A_481, %dma_start3A_482, %dma_start3A_483, %dma_start3A_484] : memref<3x4x32x128xf32, #tpu.memory_space<vmem>> -> memref<1x1x32x128xf32, #tpu.memory_space<vmem>>
      %dma_start3A_486 = tpu.memref_squeeze %dma_start3A_485 : memref<1x1x32x128xf32, #tpu.memory_space<vmem>> -> memref<32x128xf32, #tpu.memory_space<vmem>>
      %dma_start3A_487 = arith.constant 0 : i32
      %dma_start3A_488 = tpu.memref_slice %arg4[%dma_start3A_487, %multiple_of3A_473] : memref<32x1000000xf32, #tpu.memory_space<hbm>> -> memref<32x128xf32, #tpu.memory_space<hbm>>
      %dma_start3A_489 = arith.constant 0 : i32
      %dma_start3A_490 = arith.constant 0 : i32
      %dma_start3A_491 = tpu.memref_slice %arg11[%dma_start3A_481, %dma_start3A_482, %dma_start3A_489, %dma_start3A_490] : memref<3x4x32x128xf32, #tpu.memory_space<vmem>> -> memref<1x1x32x128xf32, #tpu.memory_space<vmem>>
      %dma_start3A_492 = tpu.memref_squeeze %dma_start3A_491 : memref<1x1x32x128xf32, #tpu.memory_space<vmem>> -> memref<32x128xf32, #tpu.memory_space<vmem>>
      %dma_start3A_493 = arith.constant 0 : i32
      %dma_start3A_494 = tpu.memref_slice %arg4[%dma_start3A_493, %multiple_of3A_473] : memref<32x1000000xf32, #tpu.memory_space<hbm>> -> memref<32x128xf32, #tpu.memory_space<hbm>>
      tpu.enqueue_dma source(%dma_start3A_494 : memref<32x128xf32, #tpu.memory_space<hbm>>) target(%dma_start3A_492 : memref<32x128xf32, #tpu.memory_space<vmem>>) target_semaphore(%arg16 : memref<!tpu.dma_semaphore, #tpu.memory_space<semaphore_mem>>)
      %dma_start3A_495 = arith.constant 2 : i32
      %dma_start3A_496 = arith.constant 2 : i32
      %dma_start3A_497 = arith.constant 0 : i32
      %dma_start3A_498 = arith.constant 0 : i32
      %dma_start3A_499 = tpu.memref_slice %arg12[%dma_start3A_495, %dma_start3A_496, %dma_start3A_497, %dma_start3A_498] : memref<3x4x32x128xf32, #tpu.memory_space<vmem>> -> memref<1x1x32x128xf32, #tpu.memory_space<vmem>>
      %dma_start3A_500 = tpu.memref_squeeze %dma_start3A_499 : memref<1x1x32x128xf32, #tpu.memory_space<vmem>> -> memref<32x128xf32, #tpu.memory_space<vmem>>
      %dma_start3A_501 = arith.constant 0 : i32
      %dma_start3A_502 = tpu.memref_slice %arg5[%dma_start3A_501, %multiple_of3A_480] : memref<32x1000000xf32, #tpu.memory_space<hbm>> -> memref<32x128xf32, #tpu.memory_space<hbm>>
      %dma_start3A_503 = arith.constant 0 : i32
      %dma_start3A_504 = arith.constant 0 : i32
      %dma_start3A_505 = tpu.memref_slice %arg12[%dma_start3A_495, %dma_start3A_496, %dma_start3A_503, %dma_start3A_504] : memref<3x4x32x128xf32, #tpu.memory_space<vmem>> -> memref<1x1x32x128xf32, #tpu.memory_space<vmem>>
      %dma_start3A_506 = tpu.memref_squeeze %dma_start3A_505 : memref<1x1x32x128xf32, #tpu.memory_space<vmem>> -> memref<32x128xf32, #tpu.memory_space<vmem>>
      %dma_start3A_507 = arith.constant 0 : i32
      %dma_start3A_508 = tpu.memref_slice %arg5[%dma_start3A_507, %multiple_of3A_480] : memref<32x1000000xf32, #tpu.memory_space<hbm>> -> memref<32x128xf32, #tpu.memory_space<hbm>>
      tpu.enqueue_dma source(%dma_start3A_508 : memref<32x128xf32, #tpu.memory_space<hbm>>) target(%dma_start3A_506 : memref<32x128xf32, #tpu.memory_space<vmem>>) target_semaphore(%arg17 : memref<!tpu.dma_semaphore, #tpu.memory_space<semaphore_mem>>)
      %slice3A_509 = vector.extract_strided_slice %get3A_24 {offsets = [11], sizes = [1], strides = [1]} : vector<16xi32> to vector<1xi32>
      %squeeze3A_510 = vector.extract %slice3A_509[0] : i32 from vector<1xi32>
      %shift_right_arithmetic3A_511 = arith.constant 7 : i32
      %shift_right_arithmetic3A_512 = arith.shrsi %squeeze3A_510, %shift_right_arithmetic3A_511 : i32
      %mul3A_513 = arith.constant 128 : i32
      %mul3A_514 = arith.muli %shift_right_arithmetic3A_512, %mul3A_513 : i32
      %multiple_of3A_515 = tpu.assume_multiple %mul3A_514, 128 : i32
      %slice3A_516 = vector.extract_strided_slice %get3A_38 {offsets = [11], sizes = [1], strides = [1]} : vector<16xi32> to vector<1xi32>
      %squeeze3A_517 = vector.extract %slice3A_516[0] : i32 from vector<1xi32>
      %shift_right_arithmetic3A_518 = arith.constant 7 : i32
      %shift_right_arithmetic3A_519 = arith.shrsi %squeeze3A_517, %shift_right_arithmetic3A_518 : i32
      %mul3A_520 = arith.constant 128 : i32
      %mul3A_521 = arith.muli %shift_right_arithmetic3A_519, %mul3A_520 : i32
      %multiple_of3A_522 = tpu.assume_multiple %mul3A_521, 128 : i32
      %dma_start3A_523 = arith.constant 2 : i32
      %dma_start3A_524 = arith.constant 3 : i32
      %dma_start3A_525 = arith.constant 0 : i32
      %dma_start3A_526 = arith.constant 0 : i32
      %dma_start3A_527 = tpu.memref_slice %arg11[%dma_start3A_523, %dma_start3A_524, %dma_start3A_525, %dma_start3A_526] : memref<3x4x32x128xf32, #tpu.memory_space<vmem>> -> memref<1x1x32x128xf32, #tpu.memory_space<vmem>>
      %dma_start3A_528 = tpu.memref_squeeze %dma_start3A_527 : memref<1x1x32x128xf32, #tpu.memory_space<vmem>> -> memref<32x128xf32, #tpu.memory_space<vmem>>
      %dma_start3A_529 = arith.constant 0 : i32
      %dma_start3A_530 = tpu.memref_slice %arg4[%dma_start3A_529, %multiple_of3A_515] : memref<32x1000000xf32, #tpu.memory_space<hbm>> -> memref<32x128xf32, #tpu.memory_space<hbm>>
      %dma_start3A_531 = arith.constant 0 : i32
      %dma_start3A_532 = arith.constant 0 : i32
      %dma_start3A_533 = tpu.memref_slice %arg11[%dma_start3A_523, %dma_start3A_524, %dma_start3A_531, %dma_start3A_532] : memref<3x4x32x128xf32, #tpu.memory_space<vmem>> -> memref<1x1x32x128xf32, #tpu.memory_space<vmem>>
      %dma_start3A_534 = tpu.memref_squeeze %dma_start3A_533 : memref<1x1x32x128xf32, #tpu.memory_space<vmem>> -> memref<32x128xf32, #tpu.memory_space<vmem>>
      %dma_start3A_535 = arith.constant 0 : i32
      %dma_start3A_536 = tpu.memref_slice %arg4[%dma_start3A_535, %multiple_of3A_515] : memref<32x1000000xf32, #tpu.memory_space<hbm>> -> memref<32x128xf32, #tpu.memory_space<hbm>>
      tpu.enqueue_dma source(%dma_start3A_536 : memref<32x128xf32, #tpu.memory_space<hbm>>) target(%dma_start3A_534 : memref<32x128xf32, #tpu.memory_space<vmem>>) target_semaphore(%arg16 : memref<!tpu.dma_semaphore, #tpu.memory_space<semaphore_mem>>)
      %dma_start3A_537 = arith.constant 2 : i32
      %dma_start3A_538 = arith.constant 3 : i32
      %dma_start3A_539 = arith.constant 0 : i32
      %dma_start3A_540 = arith.constant 0 : i32
      %dma_start3A_541 = tpu.memref_slice %arg12[%dma_start3A_537, %dma_start3A_538, %dma_start3A_539, %dma_start3A_540] : memref<3x4x32x128xf32, #tpu.memory_space<vmem>> -> memref<1x1x32x128xf32, #tpu.memory_space<vmem>>
      %dma_start3A_542 = tpu.memref_squeeze %dma_start3A_541 : memref<1x1x32x128xf32, #tpu.memory_space<vmem>> -> memref<32x128xf32, #tpu.memory_space<vmem>>
      %dma_start3A_543 = arith.constant 0 : i32
      %dma_start3A_544 = tpu.memref_slice %arg5[%dma_start3A_543, %multiple_of3A_522] : memref<32x1000000xf32, #tpu.memory_space<hbm>> -> memref<32x128xf32, #tpu.memory_space<hbm>>
      %dma_start3A_545 = arith.constant 0 : i32
      %dma_start3A_546 = arith.constant 0 : i32
      %dma_start3A_547 = tpu.memref_slice %arg12[%dma_start3A_537, %dma_start3A_538, %dma_start3A_545, %dma_start3A_546] : memref<3x4x32x128xf32, #tpu.memory_space<vmem>> -> memref<1x1x32x128xf32, #tpu.memory_space<vmem>>
      %dma_start3A_548 = tpu.memref_squeeze %dma_start3A_547 : memref<1x1x32x128xf32, #tpu.memory_space<vmem>> -> memref<32x128xf32, #tpu.memory_space<vmem>>
      %dma_start3A_549 = arith.constant 0 : i32
      %dma_start3A_550 = tpu.memref_slice %arg5[%dma_start3A_549, %multiple_of3A_522] : memref<32x1000000xf32, #tpu.memory_space<hbm>> -> memref<32x128xf32, #tpu.memory_space<hbm>>
      tpu.enqueue_dma source(%dma_start3A_550 : memref<32x128xf32, #tpu.memory_space<hbm>>) target(%dma_start3A_548 : memref<32x128xf32, #tpu.memory_space<vmem>>) target_semaphore(%arg17 : memref<!tpu.dma_semaphore, #tpu.memory_space<semaphore_mem>>)
      %dma_wait3A = arith.constant 0 : i32
      %dma_wait3A_551 = arith.constant 0 : i32
      %dma_wait3A_552 = arith.constant 0 : i32
      %dma_wait3A_553 = arith.constant 0 : i32
      %dma_wait3A_554 = tpu.memref_slice %arg11[%dma_wait3A, %dma_wait3A_551, %dma_wait3A_552, %dma_wait3A_553] : memref<3x4x32x128xf32, #tpu.memory_space<vmem>> -> memref<1x1x32x128xf32, #tpu.memory_space<vmem>>
      %dma_wait3A_555 = tpu.memref_squeeze %dma_wait3A_554 : memref<1x1x32x128xf32, #tpu.memory_space<vmem>> -> memref<32x128xf32, #tpu.memory_space<vmem>>
      %dma_wait3A_556 = arith.constant 0 : i32
      %dma_wait3A_557 = tpu.memref_slice %arg4[%dma_wait3A_556, %multiple_of3A] : memref<32x1000000xf32, #tpu.memory_space<hbm>> -> memref<32x128xf32, #tpu.memory_space<hbm>>
      %dma_wait3A_558 = arith.constant 0 : i32
      %dma_wait3A_559 = arith.constant 0 : i32
      %dma_wait3A_560 = tpu.memref_slice %arg11[%dma_wait3A, %dma_wait3A_551, %dma_wait3A_558, %dma_wait3A_559] : memref<3x4x32x128xf32, #tpu.memory_space<vmem>> -> memref<1x1x32x128xf32, #tpu.memory_space<vmem>>
      %dma_wait3A_561 = tpu.memref_squeeze %dma_wait3A_560 : memref<1x1x32x128xf32, #tpu.memory_space<vmem>> -> memref<32x128xf32, #tpu.memory_space<vmem>>
      %dma_wait3A_562 = arith.constant 0 : i32
      %dma_wait3A_563 = tpu.memref_slice %arg4[%dma_wait3A_562, %multiple_of3A] : memref<32x1000000xf32, #tpu.memory_space<hbm>> -> memref<32x128xf32, #tpu.memory_space<hbm>>
      tpu.wait_dma2 semaphore(%arg16 : memref<!tpu.dma_semaphore, #tpu.memory_space<semaphore_mem>>) src(%dma_wait3A_563 : memref<32x128xf32, #tpu.memory_space<hbm>>) dst(%dma_wait3A_561 : memref<32x128xf32, #tpu.memory_space<vmem>>)
      %dma_wait3A_564 = arith.constant 0 : i32
      %dma_wait3A_565 = arith.constant 0 : i32
      %dma_wait3A_566 = arith.constant 0 : i32
      %dma_wait3A_567 = arith.constant 0 : i32
      %dma_wait3A_568 = tpu.memref_slice %arg12[%dma_wait3A_564, %dma_wait3A_565, %dma_wait3A_566, %dma_wait3A_567] : memref<3x4x32x128xf32, #tpu.memory_space<vmem>> -> memref<1x1x32x128xf32, #tpu.memory_space<vmem>>
      %dma_wait3A_569 = tpu.memref_squeeze %dma_wait3A_568 : memref<1x1x32x128xf32, #tpu.memory_space<vmem>> -> memref<32x128xf32, #tpu.memory_space<vmem>>
      %dma_wait3A_570 = arith.constant 0 : i32
      %dma_wait3A_571 = tpu.memref_slice %arg5[%dma_wait3A_570, %multiple_of3A_58] : memref<32x1000000xf32, #tpu.memory_space<hbm>> -> memref<32x128xf32, #tpu.memory_space<hbm>>
      %dma_wait3A_572 = arith.constant 0 : i32
      %dma_wait3A_573 = arith.constant 0 : i32
      %dma_wait3A_574 = tpu.memref_slice %arg12[%dma_wait3A_564, %dma_wait3A_565, %dma_wait3A_572, %dma_wait3A_573] : memref<3x4x32x128xf32, #tpu.memory_space<vmem>> -> memref<1x1x32x128xf32, #tpu.memory_space<vmem>>
      %dma_wait3A_575 = tpu.memref_squeeze %dma_wait3A_574 : memref<1x1x32x128xf32, #tpu.memory_space<vmem>> -> memref<32x128xf32, #tpu.memory_space<vmem>>
      %dma_wait3A_576 = arith.constant 0 : i32
      %dma_wait3A_577 = tpu.memref_slice %arg5[%dma_wait3A_576, %multiple_of3A_58] : memref<32x1000000xf32, #tpu.memory_space<hbm>> -> memref<32x128xf32, #tpu.memory_space<hbm>>
      tpu.wait_dma2 semaphore(%arg17 : memref<!tpu.dma_semaphore, #tpu.memory_space<semaphore_mem>>) src(%dma_wait3A_577 : memref<32x128xf32, #tpu.memory_space<hbm>>) dst(%dma_wait3A_575 : memref<32x128xf32, #tpu.memory_space<vmem>>)
      %dma_wait3A_578 = arith.constant 0 : i32
      %dma_wait3A_579 = arith.constant 1 : i32
      %dma_wait3A_580 = arith.constant 0 : i32
      %dma_wait3A_581 = arith.constant 0 : i32
      %dma_wait3A_582 = tpu.memref_slice %arg11[%dma_wait3A_578, %dma_wait3A_579, %dma_wait3A_580, %dma_wait3A_581] : memref<3x4x32x128xf32, #tpu.memory_space<vmem>> -> memref<1x1x32x128xf32, #tpu.memory_space<vmem>>
      %dma_wait3A_583 = tpu.memref_squeeze %dma_wait3A_582 : memref<1x1x32x128xf32, #tpu.memory_space<vmem>> -> memref<32x128xf32, #tpu.memory_space<vmem>>
      %dma_wait3A_584 = arith.constant 0 : i32
      %dma_wait3A_585 = tpu.memref_slice %arg4[%dma_wait3A_584, %multiple_of3A_92] : memref<32x1000000xf32, #tpu.memory_space<hbm>> -> memref<32x128xf32, #tpu.memory_space<hbm>>
      %dma_wait3A_586 = arith.constant 0 : i32
      %dma_wait3A_587 = arith.constant 0 : i32
      %dma_wait3A_588 = tpu.memref_slice %arg11[%dma_wait3A_578, %dma_wait3A_579, %dma_wait3A_586, %dma_wait3A_587] : memref<3x4x32x128xf32, #tpu.memory_space<vmem>> -> memref<1x1x32x128xf32, #tpu.memory_space<vmem>>
      %dma_wait3A_589 = tpu.memref_squeeze %dma_wait3A_588 : memref<1x1x32x128xf32, #tpu.memory_space<vmem>> -> memref<32x128xf32, #tpu.memory_space<vmem>>
      %dma_wait3A_590 = arith.constant 0 : i32
      %dma_wait3A_591 = tpu.memref_slice %arg4[%dma_wait3A_590, %multiple_of3A_92] : memref<32x1000000xf32, #tpu.memory_space<hbm>> -> memref<32x128xf32, #tpu.memory_space<hbm>>
      tpu.wait_dma2 semaphore(%arg16 : memref<!tpu.dma_semaphore, #tpu.memory_space<semaphore_mem>>) src(%dma_wait3A_591 : memref<32x128xf32, #tpu.memory_space<hbm>>) dst(%dma_wait3A_589 : memref<32x128xf32, #tpu.memory_space<vmem>>)
      %dma_wait3A_592 = arith.constant 0 : i32
      %dma_wait3A_593 = arith.constant 1 : i32
      %dma_wait3A_594 = arith.constant 0 : i32
      %dma_wait3A_595 = arith.constant 0 : i32
      %dma_wait3A_596 = tpu.memref_slice %arg12[%dma_wait3A_592, %dma_wait3A_593, %dma_wait3A_594, %dma_wait3A_595] : memref<3x4x32x128xf32, #tpu.memory_space<vmem>> -> memref<1x1x32x128xf32, #tpu.memory_space<vmem>>
      %dma_wait3A_597 = tpu.memref_squeeze %dma_wait3A_596 : memref<1x1x32x128xf32, #tpu.memory_space<vmem>> -> memref<32x128xf32, #tpu.memory_space<vmem>>
      %dma_wait3A_598 = arith.constant 0 : i32
      %dma_wait3A_599 = tpu.memref_slice %arg5[%dma_wait3A_598, %multiple_of3A_99] : memref<32x1000000xf32, #tpu.memory_space<hbm>> -> memref<32x128xf32, #tpu.memory_space<hbm>>
      %dma_wait3A_600 = arith.constant 0 : i32
      %dma_wait3A_601 = arith.constant 0 : i32
      %dma_wait3A_602 = tpu.memref_slice %arg12[%dma_wait3A_592, %dma_wait3A_593, %dma_wait3A_600, %dma_wait3A_601] : memref<3x4x32x128xf32, #tpu.memory_space<vmem>> -> memref<1x1x32x128xf32, #tpu.memory_space<vmem>>
      %dma_wait3A_603 = tpu.memref_squeeze %dma_wait3A_602 : memref<1x1x32x128xf32, #tpu.memory_space<vmem>> -> memref<32x128xf32, #tpu.memory_space<vmem>>
      %dma_wait3A_604 = arith.constant 0 : i32
      %dma_wait3A_605 = tpu.memref_slice %arg5[%dma_wait3A_604, %multiple_of3A_99] : memref<32x1000000xf32, #tpu.memory_space<hbm>> -> memref<32x128xf32, #tpu.memory_space<hbm>>
      tpu.wait_dma2 semaphore(%arg17 : memref<!tpu.dma_semaphore, #tpu.memory_space<semaphore_mem>>) src(%dma_wait3A_605 : memref<32x128xf32, #tpu.memory_space<hbm>>) dst(%dma_wait3A_603 : memref<32x128xf32, #tpu.memory_space<vmem>>)
      %dma_wait3A_606 = arith.constant 0 : i32
      %dma_wait3A_607 = arith.constant 2 : i32
      %dma_wait3A_608 = arith.constant 0 : i32
      %dma_wait3A_609 = arith.constant 0 : i32
      %dma_wait3A_610 = tpu.memref_slice %arg11[%dma_wait3A_606, %dma_wait3A_607, %dma_wait3A_608, %dma_wait3A_609] : memref<3x4x32x128xf32, #tpu.memory_space<vmem>> -> memref<1x1x32x128xf32, #tpu.memory_space<vmem>>
      %dma_wait3A_611 = tpu.memref_squeeze %dma_wait3A_610 : memref<1x1x32x128xf32, #tpu.memory_space<vmem>> -> memref<32x128xf32, #tpu.memory_space<vmem>>
      %dma_wait3A_612 = arith.constant 0 : i32
      %dma_wait3A_613 = tpu.memref_slice %arg4[%dma_wait3A_612, %multiple_of3A_134] : memref<32x1000000xf32, #tpu.memory_space<hbm>> -> memref<32x128xf32, #tpu.memory_space<hbm>>
      %dma_wait3A_614 = arith.constant 0 : i32
      %dma_wait3A_615 = arith.constant 0 : i32
      %dma_wait3A_616 = tpu.memref_slice %arg11[%dma_wait3A_606, %dma_wait3A_607, %dma_wait3A_614, %dma_wait3A_615] : memref<3x4x32x128xf32, #tpu.memory_space<vmem>> -> memref<1x1x32x128xf32, #tpu.memory_space<vmem>>
      %dma_wait3A_617 = tpu.memref_squeeze %dma_wait3A_616 : memref<1x1x32x128xf32, #tpu.memory_space<vmem>> -> memref<32x128xf32, #tpu.memory_space<vmem>>
      %dma_wait3A_618 = arith.constant 0 : i32
      %dma_wait3A_619 = tpu.memref_slice %arg4[%dma_wait3A_618, %multiple_of3A_134] : memref<32x1000000xf32, #tpu.memory_space<hbm>> -> memref<32x128xf32, #tpu.memory_space<hbm>>
      tpu.wait_dma2 semaphore(%arg16 : memref<!tpu.dma_semaphore, #tpu.memory_space<semaphore_mem>>) src(%dma_wait3A_619 : memref<32x128xf32, #tpu.memory_space<hbm>>) dst(%dma_wait3A_617 : memref<32x128xf32, #tpu.memory_space<vmem>>)
      %dma_wait3A_620 = arith.constant 0 : i32
      %dma_wait3A_621 = arith.constant 2 : i32
      %dma_wait3A_622 = arith.constant 0 : i32
      %dma_wait3A_623 = arith.constant 0 : i32
      %dma_wait3A_624 = tpu.memref_slice %arg12[%dma_wait3A_620, %dma_wait3A_621, %dma_wait3A_622, %dma_wait3A_623] : memref<3x4x32x128xf32, #tpu.memory_space<vmem>> -> memref<1x1x32x128xf32, #tpu.memory_space<vmem>>
      %dma_wait3A_625 = tpu.memref_squeeze %dma_wait3A_624 : memref<1x1x32x128xf32, #tpu.memory_space<vmem>> -> memref<32x128xf32, #tpu.memory_space<vmem>>
      %dma_wait3A_626 = arith.constant 0 : i32
      %dma_wait3A_627 = tpu.memref_slice %arg5[%dma_wait3A_626, %multiple_of3A_141] : memref<32x1000000xf32, #tpu.memory_space<hbm>> -> memref<32x128xf32, #tpu.memory_space<hbm>>
      %dma_wait3A_628 = arith.constant 0 : i32
      %dma_wait3A_629 = arith.constant 0 : i32
      %dma_wait3A_630 = tpu.memref_slice %arg12[%dma_wait3A_620, %dma_wait3A_621, %dma_wait3A_628, %dma_wait3A_629] : memref<3x4x32x128xf32, #tpu.memory_space<vmem>> -> memref<1x1x32x128xf32, #tpu.memory_space<vmem>>
      %dma_wait3A_631 = tpu.memref_squeeze %dma_wait3A_630 : memref<1x1x32x128xf32, #tpu.memory_space<vmem>> -> memref<32x128xf32, #tpu.memory_space<vmem>>
      %dma_wait3A_632 = arith.constant 0 : i32
      %dma_wait3A_633 = tpu.memref_slice %arg5[%dma_wait3A_632, %multiple_of3A_141] : memref<32x1000000xf32, #tpu.memory_space<hbm>> -> memref<32x128xf32, #tpu.memory_space<hbm>>
      tpu.wait_dma2 semaphore(%arg17 : memref<!tpu.dma_semaphore, #tpu.memory_space<semaphore_mem>>) src(%dma_wait3A_633 : memref<32x128xf32, #tpu.memory_space<hbm>>) dst(%dma_wait3A_631 : memref<32x128xf32, #tpu.memory_space<vmem>>)
      %dma_wait3A_634 = arith.constant 0 : i32
      %dma_wait3A_635 = arith.constant 3 : i32
      %dma_wait3A_636 = arith.constant 0 : i32
      %dma_wait3A_637 = arith.constant 0 : i32
      %dma_wait3A_638 = tpu.memref_slice %arg11[%dma_wait3A_634, %dma_wait3A_635, %dma_wait3A_636, %dma_wait3A_637] : memref<3x4x32x128xf32, #tpu.memory_space<vmem>> -> memref<1x1x32x128xf32, #tpu.memory_space<vmem>>
      %dma_wait3A_639 = tpu.memref_squeeze %dma_wait3A_638 : memref<1x1x32x128xf32, #tpu.memory_space<vmem>> -> memref<32x128xf32, #tpu.memory_space<vmem>>
      %dma_wait3A_640 = arith.constant 0 : i32
      %dma_wait3A_641 = tpu.memref_slice %arg4[%dma_wait3A_640, %multiple_of3A_176] : memref<32x1000000xf32, #tpu.memory_space<hbm>> -> memref<32x128xf32, #tpu.memory_space<hbm>>
      %dma_wait3A_642 = arith.constant 0 : i32
      %dma_wait3A_643 = arith.constant 0 : i32
      %dma_wait3A_644 = tpu.memref_slice %arg11[%dma_wait3A_634, %dma_wait3A_635, %dma_wait3A_642, %dma_wait3A_643] : memref<3x4x32x128xf32, #tpu.memory_space<vmem>> -> memref<1x1x32x128xf32, #tpu.memory_space<vmem>>
      %dma_wait3A_645 = tpu.memref_squeeze %dma_wait3A_644 : memref<1x1x32x128xf32, #tpu.memory_space<vmem>> -> memref<32x128xf32, #tpu.memory_space<vmem>>
      %dma_wait3A_646 = arith.constant 0 : i32
      %dma_wait3A_647 = tpu.memref_slice %arg4[%dma_wait3A_646, %multiple_of3A_176] : memref<32x1000000xf32, #tpu.memory_space<hbm>> -> memref<32x128xf32, #tpu.memory_space<hbm>>
      tpu.wait_dma2 semaphore(%arg16 : memref<!tpu.dma_semaphore, #tpu.memory_space<semaphore_mem>>) src(%dma_wait3A_647 : memref<32x128xf32, #tpu.memory_space<hbm>>) dst(%dma_wait3A_645 : memref<32x128xf32, #tpu.memory_space<vmem>>)
      %dma_wait3A_648 = arith.constant 0 : i32
      %dma_wait3A_649 = arith.constant 3 : i32
      %dma_wait3A_650 = arith.constant 0 : i32
      %dma_wait3A_651 = arith.constant 0 : i32
      %dma_wait3A_652 = tpu.memref_slice %arg12[%dma_wait3A_648, %dma_wait3A_649, %dma_wait3A_650, %dma_wait3A_651] : memref<3x4x32x128xf32, #tpu.memory_space<vmem>> -> memref<1x1x32x128xf32, #tpu.memory_space<vmem>>
      %dma_wait3A_653 = tpu.memref_squeeze %dma_wait3A_652 : memref<1x1x32x128xf32, #tpu.memory_space<vmem>> -> memref<32x128xf32, #tpu.memory_space<vmem>>
      %dma_wait3A_654 = arith.constant 0 : i32
      %dma_wait3A_655 = tpu.memref_slice %arg5[%dma_wait3A_654, %multiple_of3A_183] : memref<32x1000000xf32, #tpu.memory_space<hbm>> -> memref<32x128xf32, #tpu.memory_space<hbm>>
      %dma_wait3A_656 = arith.constant 0 : i32
      %dma_wait3A_657 = arith.constant 0 : i32
      %dma_wait3A_658 = tpu.memref_slice %arg12[%dma_wait3A_648, %dma_wait3A_649, %dma_wait3A_656, %dma_wait3A_657] : memref<3x4x32x128xf32, #tpu.memory_space<vmem>> -> memref<1x1x32x128xf32, #tpu.memory_space<vmem>>
      %dma_wait3A_659 = tpu.memref_squeeze %dma_wait3A_658 : memref<1x1x32x128xf32, #tpu.memory_space<vmem>> -> memref<32x128xf32, #tpu.memory_space<vmem>>
      %dma_wait3A_660 = arith.constant 0 : i32
      %dma_wait3A_661 = tpu.memref_slice %arg5[%dma_wait3A_660, %multiple_of3A_183] : memref<32x1000000xf32, #tpu.memory_space<hbm>> -> memref<32x128xf32, #tpu.memory_space<hbm>>
      tpu.wait_dma2 semaphore(%arg17 : memref<!tpu.dma_semaphore, #tpu.memory_space<semaphore_mem>>) src(%dma_wait3A_661 : memref<32x128xf32, #tpu.memory_space<hbm>>) dst(%dma_wait3A_659 : memref<32x128xf32, #tpu.memory_space<vmem>>)
      %slice3A_662 = vector.extract_strided_slice %get3A_24 {offsets = [0], sizes = [1], strides = [1]} : vector<16xi32> to vector<1xi32>
      %squeeze3A_663 = vector.extract %slice3A_662[0] : i32 from vector<1xi32>
      %and3A = arith.constant 127 : i32
      %and3A_664 = arith.andi %squeeze3A_663, %and3A : i32
      %broadcast_in_dim3A_665 = vector.broadcast %and3A_664 : i32 to vector<16xi32>
      %slice3A_666 = vector.extract_strided_slice %get3A_38 {offsets = [0], sizes = [1], strides = [1]} : vector<16xi32> to vector<1xi32>
      %squeeze3A_667 = vector.extract %slice3A_666[0] : i32 from vector<1xi32>
      %and3A_668 = arith.constant 127 : i32
      %and3A_669 = arith.andi %squeeze3A_667, %and3A_668 : i32
      %broadcast_in_dim3A_670 = vector.broadcast %and3A_669 : i32 to vector<16xi32>
      %broadcast_in_dim3A_671 = arith.constant 0 : i32
      %broadcast_in_dim3A_672 = vector.broadcast %broadcast_in_dim3A_671 : i32 to vector<16xi32>
      %broadcast_in_dim3A_673 = arith.constant 0 : i32
      %broadcast_in_dim3A_674 = vector.broadcast %broadcast_in_dim3A_673 : i32 to vector<16xi32>
      %gather3A = tpu.vector_load_idx %arg11[%broadcast_in_dim3A_672, %broadcast_in_dim3A_674, %iota3A, %broadcast_in_dim3A_665] : memref<3x4x32x128xf32, #tpu.memory_space<vmem>>[vector<16xi32>, vector<16xi32>, vector<16xi32>, vector<16xi32>], vector<16xf32>,
      %gather3A_675 = tpu.vector_load_idx %arg11[%broadcast_in_dim3A_672, %broadcast_in_dim3A_674, %add3A_10, %broadcast_in_dim3A_665] : memref<3x4x32x128xf32, #tpu.memory_space<vmem>>[vector<16xi32>, vector<16xi32>, vector<16xi32>, vector<16xi32>], vector<16xf32>,
      %gather3A_676 = tpu.vector_load_idx %arg12[%broadcast_in_dim3A_672, %broadcast_in_dim3A_674, %iota3A, %broadcast_in_dim3A_670] : memref<3x4x32x128xf32, #tpu.memory_space<vmem>>[vector<16xi32>, vector<16xi32>, vector<16xi32>, vector<16xi32>], vector<16xf32>,
      %gather3A_677 = tpu.vector_load_idx %arg12[%broadcast_in_dim3A_672, %broadcast_in_dim3A_674, %add3A_10, %broadcast_in_dim3A_670] : memref<3x4x32x128xf32, #tpu.memory_space<vmem>>[vector<16xi32>, vector<16xi32>, vector<16xi32>, vector<16xi32>], vector<16xf32>,
      %mul3A_678 = arith.mulf %gather3A, %gather3A_676 : vector<16xf32>
      %mul3A_679 = arith.mulf %mul3A_678, %get3A_5 : vector<16xf32>
      %mul3A_680 = arith.mulf %gather3A_675, %gather3A_677 : vector<16xf32>
      %mul3A_681 = arith.mulf %mul3A_680, %get3A_7 : vector<16xf32>
      %add3A_682 = arith.addf %mul3A_679, %mul3A_681 : vector<16xf32>
      %reduce_sum3A = arith.constant true
      %reduce_sum3A_683 = vector.broadcast %reduce_sum3A : i1 to vector<16xi1>
      %reduce_sum3A_684 = tpu.scan <sum>, %add3A_682 masked %reduce_sum3A_683 : vector<16xf32>, vector<16xi1> -> vector<16xf32>
      %reduce_sum3A_685 = vector.extract %reduce_sum3A_684[15] : f32 from vector<16xf32>
      %eq3A = arith.constant 0 : i32
      %eq3A_686 = vector.broadcast %eq3A : i32 to vector<16xi32>
      %eq3A_687 = arith.cmpi eq, %iota3A, %eq3A_686 : vector<16xi32>
      %broadcast_in_dim3A_688 = vector.broadcast %reduce_sum3A_685 : f32 to vector<16xf32>
      %select_n3A = arith.select %eq3A_687, %broadcast_in_dim3A_688, %broadcast_in_dim3A_380 : vector<16xi1>, vector<16xf32>
      %slice3A_689 = vector.extract_strided_slice %get3A_24 {offsets = [1], sizes = [1], strides = [1]} : vector<16xi32> to vector<1xi32>
      %squeeze3A_690 = vector.extract %slice3A_689[0] : i32 from vector<1xi32>
      %and3A_691 = arith.constant 127 : i32
      %and3A_692 = arith.andi %squeeze3A_690, %and3A_691 : i32
      %broadcast_in_dim3A_693 = vector.broadcast %and3A_692 : i32 to vector<16xi32>
      %slice3A_694 = vector.extract_strided_slice %get3A_38 {offsets = [1], sizes = [1], strides = [1]} : vector<16xi32> to vector<1xi32>
      %squeeze3A_695 = vector.extract %slice3A_694[0] : i32 from vector<1xi32>
      %and3A_696 = arith.constant 127 : i32
      %and3A_697 = arith.andi %squeeze3A_695, %and3A_696 : i32
      %broadcast_in_dim3A_698 = vector.broadcast %and3A_697 : i32 to vector<16xi32>
      %broadcast_in_dim3A_699 = arith.constant 0 : i32
      %broadcast_in_dim3A_700 = vector.broadcast %broadcast_in_dim3A_699 : i32 to vector<16xi32>
      %broadcast_in_dim3A_701 = arith.constant 1 : i32
      %broadcast_in_dim3A_702 = vector.broadcast %broadcast_in_dim3A_701 : i32 to vector<16xi32>
      %gather3A_703 = tpu.vector_load_idx %arg11[%broadcast_in_dim3A_700, %broadcast_in_dim3A_702, %iota3A, %broadcast_in_dim3A_693] : memref<3x4x32x128xf32, #tpu.memory_space<vmem>>[vector<16xi32>, vector<16xi32>, vector<16xi32>, vector<16xi32>], vector<16xf32>,
      %gather3A_704 = tpu.vector_load_idx %arg11[%broadcast_in_dim3A_700, %broadcast_in_dim3A_702, %add3A_10, %broadcast_in_dim3A_693] : memref<3x4x32x128xf32, #tpu.memory_space<vmem>>[vector<16xi32>, vector<16xi32>, vector<16xi32>, vector<16xi32>], vector<16xf32>,
      %gather3A_705 = tpu.vector_load_idx %arg12[%broadcast_in_dim3A_700, %broadcast_in_dim3A_702, %iota3A, %broadcast_in_dim3A_698] : memref<3x4x32x128xf32, #tpu.memory_space<vmem>>[vector<16xi32>, vector<16xi32>, vector<16xi32>, vector<16xi32>], vector<16xf32>,
      %gather3A_706 = tpu.vector_load_idx %arg12[%broadcast_in_dim3A_700, %broadcast_in_dim3A_702, %add3A_10, %broadcast_in_dim3A_698] : memref<3x4x32x128xf32, #tpu.memory_space<vmem>>[vector<16xi32>, vector<16xi32>, vector<16xi32>, vector<16xi32>], vector<16xf32>,
      %mul3A_707 = arith.mulf %gather3A_703, %gather3A_705 : vector<16xf32>
      %mul3A_708 = arith.mulf %mul3A_707, %get3A_5 : vector<16xf32>
      %mul3A_709 = arith.mulf %gather3A_704, %gather3A_706 : vector<16xf32>
      %mul3A_710 = arith.mulf %mul3A_709, %get3A_7 : vector<16xf32>
      %add3A_711 = arith.addf %mul3A_708, %mul3A_710 : vector<16xf32>
      %reduce_sum3A_712 = arith.constant true
      %reduce_sum3A_713 = vector.broadcast %reduce_sum3A_712 : i1 to vector<16xi1>
      %reduce_sum3A_714 = tpu.scan <sum>, %add3A_711 masked %reduce_sum3A_713 : vector<16xf32>, vector<16xi1> -> vector<16xf32>
      %reduce_sum3A_715 = vector.extract %reduce_sum3A_714[15] : f32 from vector<16xf32>
      %eq3A_716 = arith.constant 1 : i32
      %eq3A_717 = vector.broadcast %eq3A_716 : i32 to vector<16xi32>
      %eq3A_718 = arith.cmpi eq, %iota3A, %eq3A_717 : vector<16xi32>
      %broadcast_in_dim3A_719 = vector.broadcast %reduce_sum3A_715 : f32 to vector<16xf32>
      %select_n3A_720 = arith.select %eq3A_718, %broadcast_in_dim3A_719, %select_n3A : vector<16xi1>, vector<16xf32>
      %slice3A_721 = vector.extract_strided_slice %get3A_24 {offsets = [2], sizes = [1], strides = [1]} : vector<16xi32> to vector<1xi32>
      %squeeze3A_722 = vector.extract %slice3A_721[0] : i32 from vector<1xi32>
      %and3A_723 = arith.constant 127 : i32
      %and3A_724 = arith.andi %squeeze3A_722, %and3A_723 : i32
      %broadcast_in_dim3A_725 = vector.broadcast %and3A_724 : i32 to vector<16xi32>
      %slice3A_726 = vector.extract_strided_slice %get3A_38 {offsets = [2], sizes = [1], strides = [1]} : vector<16xi32> to vector<1xi32>
      %squeeze3A_727 = vector.extract %slice3A_726[0] : i32 from vector<1xi32>
      %and3A_728 = arith.constant 127 : i32
      %and3A_729 = arith.andi %squeeze3A_727, %and3A_728 : i32
      %broadcast_in_dim3A_730 = vector.broadcast %and3A_729 : i32 to vector<16xi32>
      %broadcast_in_dim3A_731 = arith.constant 0 : i32
      %broadcast_in_dim3A_732 = vector.broadcast %broadcast_in_dim3A_731 : i32 to vector<16xi32>
      %broadcast_in_dim3A_733 = arith.constant 2 : i32
      %broadcast_in_dim3A_734 = vector.broadcast %broadcast_in_dim3A_733 : i32 to vector<16xi32>
      %gather3A_735 = tpu.vector_load_idx %arg11[%broadcast_in_dim3A_732, %broadcast_in_dim3A_734, %iota3A, %broadcast_in_dim3A_725] : memref<3x4x32x128xf32, #tpu.memory_space<vmem>>[vector<16xi32>, vector<16xi32>, vector<16xi32>, vector<16xi32>], vector<16xf32>,
      %gather3A_736 = tpu.vector_load_idx %arg11[%broadcast_in_dim3A_732, %broadcast_in_dim3A_734, %add3A_10, %broadcast_in_dim3A_725] : memref<3x4x32x128xf32, #tpu.memory_space<vmem>>[vector<16xi32>, vector<16xi32>, vector<16xi32>, vector<16xi32>], vector<16xf32>,
      %gather3A_737 = tpu.vector_load_idx %arg12[%broadcast_in_dim3A_732, %broadcast_in_dim3A_734, %iota3A, %broadcast_in_dim3A_730] : memref<3x4x32x128xf32, #tpu.memory_space<vmem>>[vector<16xi32>, vector<16xi32>, vector<16xi32>, vector<16xi32>], vector<16xf32>,
      %gather3A_738 = tpu.vector_load_idx %arg12[%broadcast_in_dim3A_732, %broadcast_in_dim3A_734, %add3A_10, %broadcast_in_dim3A_730] : memref<3x4x32x128xf32, #tpu.memory_space<vmem>>[vector<16xi32>, vector<16xi32>, vector<16xi32>, vector<16xi32>], vector<16xf32>,
      %mul3A_739 = arith.mulf %gather3A_735, %gather3A_737 : vector<16xf32>
      %mul3A_740 = arith.mulf %mul3A_739, %get3A_5 : vector<16xf32>
      %mul3A_741 = arith.mulf %gather3A_736, %gather3A_738 : vector<16xf32>
      %mul3A_742 = arith.mulf %mul3A_741, %get3A_7 : vector<16xf32>
      %add3A_743 = arith.addf %mul3A_740, %mul3A_742 : vector<16xf32>
      %reduce_sum3A_744 = arith.constant true
      %reduce_sum3A_745 = vector.broadcast %reduce_sum3A_744 : i1 to vector<16xi1>
      %reduce_sum3A_746 = tpu.scan <sum>, %add3A_743 masked %reduce_sum3A_745 : vector<16xf32>, vector<16xi1> -> vector<16xf32>
      %reduce_sum3A_747 = vector.extract %reduce_sum3A_746[15] : f32 from vector<16xf32>
      %eq3A_748 = arith.constant 2 : i32
      %eq3A_749 = vector.broadcast %eq3A_748 : i32 to vector<16xi32>
      %eq3A_750 = arith.cmpi eq, %iota3A, %eq3A_749 : vector<16xi32>
      %broadcast_in_dim3A_751 = vector.broadcast %reduce_sum3A_747 : f32 to vector<16xf32>
      %select_n3A_752 = arith.select %eq3A_750, %broadcast_in_dim3A_751, %select_n3A_720 : vector<16xi1>, vector<16xf32>
      %slice3A_753 = vector.extract_strided_slice %get3A_24 {offsets = [3], sizes = [1], strides = [1]} : vector<16xi32> to vector<1xi32>
      %squeeze3A_754 = vector.extract %slice3A_753[0] : i32 from vector<1xi32>
      %and3A_755 = arith.constant 127 : i32
      %and3A_756 = arith.andi %squeeze3A_754, %and3A_755 : i32
      %broadcast_in_dim3A_757 = vector.broadcast %and3A_756 : i32 to vector<16xi32>
      %slice3A_758 = vector.extract_strided_slice %get3A_38 {offsets = [3], sizes = [1], strides = [1]} : vector<16xi32> to vector<1xi32>
      %squeeze3A_759 = vector.extract %slice3A_758[0] : i32 from vector<1xi32>
      %and3A_760 = arith.constant 127 : i32
      %and3A_761 = arith.andi %squeeze3A_759, %and3A_760 : i32
      %broadcast_in_dim3A_762 = vector.broadcast %and3A_761 : i32 to vector<16xi32>
      %broadcast_in_dim3A_763 = arith.constant 0 : i32
      %broadcast_in_dim3A_764 = vector.broadcast %broadcast_in_dim3A_763 : i32 to vector<16xi32>
      %broadcast_in_dim3A_765 = arith.constant 3 : i32
      %broadcast_in_dim3A_766 = vector.broadcast %broadcast_in_dim3A_765 : i32 to vector<16xi32>
      %gather3A_767 = tpu.vector_load_idx %arg11[%broadcast_in_dim3A_764, %broadcast_in_dim3A_766, %iota3A, %broadcast_in_dim3A_757] : memref<3x4x32x128xf32, #tpu.memory_space<vmem>>[vector<16xi32>, vector<16xi32>, vector<16xi32>, vector<16xi32>], vector<16xf32>,
      %gather3A_768 = tpu.vector_load_idx %arg11[%broadcast_in_dim3A_764, %broadcast_in_dim3A_766, %add3A_10, %broadcast_in_dim3A_757] : memref<3x4x32x128xf32, #tpu.memory_space<vmem>>[vector<16xi32>, vector<16xi32>, vector<16xi32>, vector<16xi32>], vector<16xf32>,
      %gather3A_769 = tpu.vector_load_idx %arg12[%broadcast_in_dim3A_764, %broadcast_in_dim3A_766, %iota3A, %broadcast_in_dim3A_762] : memref<3x4x32x128xf32, #tpu.memory_space<vmem>>[vector<16xi32>, vector<16xi32>, vector<16xi32>, vector<16xi32>], vector<16xf32>,
      %gather3A_770 = tpu.vector_load_idx %arg12[%broadcast_in_dim3A_764, %broadcast_in_dim3A_766, %add3A_10, %broadcast_in_dim3A_762] : memref<3x4x32x128xf32, #tpu.memory_space<vmem>>[vector<16xi32>, vector<16xi32>, vector<16xi32>, vector<16xi32>], vector<16xf32>,
      %mul3A_771 = arith.mulf %gather3A_767, %gather3A_769 : vector<16xf32>
      %mul3A_772 = arith.mulf %mul3A_771, %get3A_5 : vector<16xf32>
      %mul3A_773 = arith.mulf %gather3A_768, %gather3A_770 : vector<16xf32>
      %mul3A_774 = arith.mulf %mul3A_773, %get3A_7 : vector<16xf32>
      %add3A_775 = arith.addf %mul3A_772, %mul3A_774 : vector<16xf32>
      %reduce_sum3A_776 = arith.constant true
      %reduce_sum3A_777 = vector.broadcast %reduce_sum3A_776 : i1 to vector<16xi1>
      %reduce_sum3A_778 = tpu.scan <sum>, %add3A_775 masked %reduce_sum3A_777 : vector<16xf32>, vector<16xi1> -> vector<16xf32>
      %reduce_sum3A_779 = vector.extract %reduce_sum3A_778[15] : f32 from vector<16xf32>
      %eq3A_780 = arith.constant 3 : i32
      %eq3A_781 = vector.broadcast %eq3A_780 : i32 to vector<16xi32>
      %eq3A_782 = arith.cmpi eq, %iota3A, %eq3A_781 : vector<16xi32>
      %broadcast_in_dim3A_783 = vector.broadcast %reduce_sum3A_779 : f32 to vector<16xf32>
      %select_n3A_784 = arith.select %eq3A_782, %broadcast_in_dim3A_783, %select_n3A_752 : vector<16xi1>, vector<16xf32>
      %slice3A_785 = vector.extract_strided_slice %get3A_24 {offsets = [12], sizes = [1], strides = [1]} : vector<16xi32> to vector<1xi32>
      %squeeze3A_786 = vector.extract %slice3A_785[0] : i32 from vector<1xi32>
      %shift_right_arithmetic3A_787 = arith.constant 7 : i32
      %shift_right_arithmetic3A_788 = arith.shrsi %squeeze3A_786, %shift_right_arithmetic3A_787 : i32
      %mul3A_789 = arith.constant 128 : i32
      %mul3A_790 = arith.muli %shift_right_arithmetic3A_788, %mul3A_789 : i32
      %multiple_of3A_791 = tpu.assume_multiple %mul3A_790, 128 : i32
      %slice3A_792 = vector.extract_strided_slice %get3A_38 {offsets = [12], sizes = [1], strides = [1]} : vector<16xi32> to vector<1xi32>
      %squeeze3A_793 = vector.extract %slice3A_792[0] : i32 from vector<1xi32>
      %shift_right_arithmetic3A_794 = arith.constant 7 : i32
      %shift_right_arithmetic3A_795 = arith.shrsi %squeeze3A_793, %shift_right_arithmetic3A_794 : i32
      %mul3A_796 = arith.constant 128 : i32
      %mul3A_797 = arith.muli %shift_right_arithmetic3A_795, %mul3A_796 : i32
      %multiple_of3A_798 = tpu.assume_multiple %mul3A_797, 128 : i32
      %dma_start3A_799 = arith.constant 0 : i32
      %dma_start3A_800 = arith.constant 0 : i32
      %dma_start3A_801 = arith.constant 0 : i32
      %dma_start3A_802 = arith.constant 0 : i32
      %dma_start3A_803 = tpu.memref_slice %arg11[%dma_start3A_799, %dma_start3A_800, %dma_start3A_801, %dma_start3A_802] : memref<3x4x32x128xf32, #tpu.memory_space<vmem>> -> memref<1x1x32x128xf32, #tpu.memory_space<vmem>>
      %dma_start3A_804 = tpu.memref_squeeze %dma_start3A_803 : memref<1x1x32x128xf32, #tpu.memory_space<vmem>> -> memref<32x128xf32, #tpu.memory_space<vmem>>
      %dma_start3A_805 = arith.constant 0 : i32
      %dma_start3A_806 = tpu.memref_slice %arg4[%dma_start3A_805, %multiple_of3A_791] : memref<32x1000000xf32, #tpu.memory_space<hbm>> -> memref<32x128xf32, #tpu.memory_space<hbm>>
      %dma_start3A_807 = arith.constant 0 : i32
      %dma_start3A_808 = arith.constant 0 : i32
      %dma_start3A_809 = tpu.memref_slice %arg11[%dma_start3A_799, %dma_start3A_800, %dma_start3A_807, %dma_start3A_808] : memref<3x4x32x128xf32, #tpu.memory_space<vmem>> -> memref<1x1x32x128xf32, #tpu.memory_space<vmem>>
      %dma_start3A_810 = tpu.memref_squeeze %dma_start3A_809 : memref<1x1x32x128xf32, #tpu.memory_space<vmem>> -> memref<32x128xf32, #tpu.memory_space<vmem>>
      %dma_start3A_811 = arith.constant 0 : i32
      %dma_start3A_812 = tpu.memref_slice %arg4[%dma_start3A_811, %multiple_of3A_791] : memref<32x1000000xf32, #tpu.memory_space<hbm>> -> memref<32x128xf32, #tpu.memory_space<hbm>>
      tpu.enqueue_dma source(%dma_start3A_812 : memref<32x128xf32, #tpu.memory_space<hbm>>) target(%dma_start3A_810 : memref<32x128xf32, #tpu.memory_space<vmem>>) target_semaphore(%arg16 : memref<!tpu.dma_semaphore, #tpu.memory_space<semaphore_mem>>)
      %dma_start3A_813 = arith.constant 0 : i32
      %dma_start3A_814 = arith.constant 0 : i32
      %dma_start3A_815 = arith.constant 0 : i32
      %dma_start3A_816 = arith.constant 0 : i32
      %dma_start3A_817 = tpu.memref_slice %arg12[%dma_start3A_813, %dma_start3A_814, %dma_start3A_815, %dma_start3A_816] : memref<3x4x32x128xf32, #tpu.memory_space<vmem>> -> memref<1x1x32x128xf32, #tpu.memory_space<vmem>>
      %dma_start3A_818 = tpu.memref_squeeze %dma_start3A_817 : memref<1x1x32x128xf32, #tpu.memory_space<vmem>> -> memref<32x128xf32, #tpu.memory_space<vmem>>
      %dma_start3A_819 = arith.constant 0 : i32
      %dma_start3A_820 = tpu.memref_slice %arg5[%dma_start3A_819, %multiple_of3A_798] : memref<32x1000000xf32, #tpu.memory_space<hbm>> -> memref<32x128xf32, #tpu.memory_space<hbm>>
      %dma_start3A_821 = arith.constant 0 : i32
      %dma_start3A_822 = arith.constant 0 : i32
      %dma_start3A_823 = tpu.memref_slice %arg12[%dma_start3A_813, %dma_start3A_814, %dma_start3A_821, %dma_start3A_822] : memref<3x4x32x128xf32, #tpu.memory_space<vmem>> -> memref<1x1x32x128xf32, #tpu.memory_space<vmem>>
      %dma_start3A_824 = tpu.memref_squeeze %dma_start3A_823 : memref<1x1x32x128xf32, #tpu.memory_space<vmem>> -> memref<32x128xf32, #tpu.memory_space<vmem>>
      %dma_start3A_825 = arith.constant 0 : i32
      %dma_start3A_826 = tpu.memref_slice %arg5[%dma_start3A_825, %multiple_of3A_798] : memref<32x1000000xf32, #tpu.memory_space<hbm>> -> memref<32x128xf32, #tpu.memory_space<hbm>>
      tpu.enqueue_dma source(%dma_start3A_826 : memref<32x128xf32, #tpu.memory_space<hbm>>) target(%dma_start3A_824 : memref<32x128xf32, #tpu.memory_space<vmem>>) target_semaphore(%arg17 : memref<!tpu.dma_semaphore, #tpu.memory_space<semaphore_mem>>)
      %slice3A_827 = vector.extract_strided_slice %get3A_24 {offsets = [13], sizes = [1], strides = [1]} : vector<16xi32> to vector<1xi32>
      %squeeze3A_828 = vector.extract %slice3A_827[0] : i32 from vector<1xi32>
      %shift_right_arithmetic3A_829 = arith.constant 7 : i32
      %shift_right_arithmetic3A_830 = arith.shrsi %squeeze3A_828, %shift_right_arithmetic3A_829 : i32
      %mul3A_831 = arith.constant 128 : i32
      %mul3A_832 = arith.muli %shift_right_arithmetic3A_830, %mul3A_831 : i32
      %multiple_of3A_833 = tpu.assume_multiple %mul3A_832, 128 : i32
      %slice3A_834 = vector.extract_strided_slice %get3A_38 {offsets = [13], sizes = [1], strides = [1]} : vector<16xi32> to vector<1xi32>
      %squeeze3A_835 = vector.extract %slice3A_834[0] : i32 from vector<1xi32>
      %shift_right_arithmetic3A_836 = arith.constant 7 : i32
      %shift_right_arithmetic3A_837 = arith.shrsi %squeeze3A_835, %shift_right_arithmetic3A_836 : i32
      %mul3A_838 = arith.constant 128 : i32
      %mul3A_839 = arith.muli %shift_right_arithmetic3A_837, %mul3A_838 : i32
      %multiple_of3A_840 = tpu.assume_multiple %mul3A_839, 128 : i32
      %dma_start3A_841 = arith.constant 0 : i32
      %dma_start3A_842 = arith.constant 1 : i32
      %dma_start3A_843 = arith.constant 0 : i32
      %dma_start3A_844 = arith.constant 0 : i32
      %dma_start3A_845 = tpu.memref_slice %arg11[%dma_start3A_841, %dma_start3A_842, %dma_start3A_843, %dma_start3A_844] : memref<3x4x32x128xf32, #tpu.memory_space<vmem>> -> memref<1x1x32x128xf32, #tpu.memory_space<vmem>>
      %dma_start3A_846 = tpu.memref_squeeze %dma_start3A_845 : memref<1x1x32x128xf32, #tpu.memory_space<vmem>> -> memref<32x128xf32, #tpu.memory_space<vmem>>
      %dma_start3A_847 = arith.constant 0 : i32
      %dma_start3A_848 = tpu.memref_slice %arg4[%dma_start3A_847, %multiple_of3A_833] : memref<32x1000000xf32, #tpu.memory_space<hbm>> -> memref<32x128xf32, #tpu.memory_space<hbm>>
      %dma_start3A_849 = arith.constant 0 : i32
      %dma_start3A_850 = arith.constant 0 : i32
      %dma_start3A_851 = tpu.memref_slice %arg11[%dma_start3A_841, %dma_start3A_842, %dma_start3A_849, %dma_start3A_850] : memref<3x4x32x128xf32, #tpu.memory_space<vmem>> -> memref<1x1x32x128xf32, #tpu.memory_space<vmem>>
      %dma_start3A_852 = tpu.memref_squeeze %dma_start3A_851 : memref<1x1x32x128xf32, #tpu.memory_space<vmem>> -> memref<32x128xf32, #tpu.memory_space<vmem>>
      %dma_start3A_853 = arith.constant 0 : i32
      %dma_start3A_854 = tpu.memref_slice %arg4[%dma_start3A_853, %multiple_of3A_833] : memref<32x1000000xf32, #tpu.memory_space<hbm>> -> memref<32x128xf32, #tpu.memory_space<hbm>>
      tpu.enqueue_dma source(%dma_start3A_854 : memref<32x128xf32, #tpu.memory_space<hbm>>) target(%dma_start3A_852 : memref<32x128xf32, #tpu.memory_space<vmem>>) target_semaphore(%arg16 : memref<!tpu.dma_semaphore, #tpu.memory_space<semaphore_mem>>)
      %dma_start3A_855 = arith.constant 0 : i32
      %dma_start3A_856 = arith.constant 1 : i32
      %dma_start3A_857 = arith.constant 0 : i32
      %dma_start3A_858 = arith.constant 0 : i32
      %dma_start3A_859 = tpu.memref_slice %arg12[%dma_start3A_855, %dma_start3A_856, %dma_start3A_857, %dma_start3A_858] : memref<3x4x32x128xf32, #tpu.memory_space<vmem>> -> memref<1x1x32x128xf32, #tpu.memory_space<vmem>>
      %dma_start3A_860 = tpu.memref_squeeze %dma_start3A_859 : memref<1x1x32x128xf32, #tpu.memory_space<vmem>> -> memref<32x128xf32, #tpu.memory_space<vmem>>
      %dma_start3A_861 = arith.constant 0 : i32
      %dma_start3A_862 = tpu.memref_slice %arg5[%dma_start3A_861, %multiple_of3A_840] : memref<32x1000000xf32, #tpu.memory_space<hbm>> -> memref<32x128xf32, #tpu.memory_space<hbm>>
      %dma_start3A_863 = arith.constant 0 : i32
      %dma_start3A_864 = arith.constant 0 : i32
      %dma_start3A_865 = tpu.memref_slice %arg12[%dma_start3A_855, %dma_start3A_856, %dma_start3A_863, %dma_start3A_864] : memref<3x4x32x128xf32, #tpu.memory_space<vmem>> -> memref<1x1x32x128xf32, #tpu.memory_space<vmem>>
      %dma_start3A_866 = tpu.memref_squeeze %dma_start3A_865 : memref<1x1x32x128xf32, #tpu.memory_space<vmem>> -> memref<32x128xf32, #tpu.memory_space<vmem>>
      %dma_start3A_867 = arith.constant 0 : i32
      %dma_start3A_868 = tpu.memref_slice %arg5[%dma_start3A_867, %multiple_of3A_840] : memref<32x1000000xf32, #tpu.memory_space<hbm>> -> memref<32x128xf32, #tpu.memory_space<hbm>>
      tpu.enqueue_dma source(%dma_start3A_868 : memref<32x128xf32, #tpu.memory_space<hbm>>) target(%dma_start3A_866 : memref<32x128xf32, #tpu.memory_space<vmem>>) target_semaphore(%arg17 : memref<!tpu.dma_semaphore, #tpu.memory_space<semaphore_mem>>)
      %slice3A_869 = vector.extract_strided_slice %get3A_24 {offsets = [14], sizes = [1], strides = [1]} : vector<16xi32> to vector<1xi32>
      %squeeze3A_870 = vector.extract %slice3A_869[0] : i32 from vector<1xi32>
      %shift_right_arithmetic3A_871 = arith.constant 7 : i32
      %shift_right_arithmetic3A_872 = arith.shrsi %squeeze3A_870, %shift_right_arithmetic3A_871 : i32
      %mul3A_873 = arith.constant 128 : i32
      %mul3A_874 = arith.muli %shift_right_arithmetic3A_872, %mul3A_873 : i32
      %multiple_of3A_875 = tpu.assume_multiple %mul3A_874, 128 : i32
      %slice3A_876 = vector.extract_strided_slice %get3A_38 {offsets = [14], sizes = [1], strides = [1]} : vector<16xi32> to vector<1xi32>
      %squeeze3A_877 = vector.extract %slice3A_876[0] : i32 from vector<1xi32>
      %shift_right_arithmetic3A_878 = arith.constant 7 : i32
      %shift_right_arithmetic3A_879 = arith.shrsi %squeeze3A_877, %shift_right_arithmetic3A_878 : i32
      %mul3A_880 = arith.constant 128 : i32
      %mul3A_881 = arith.muli %shift_right_arithmetic3A_879, %mul3A_880 : i32
      %multiple_of3A_882 = tpu.assume_multiple %mul3A_881, 128 : i32
      %dma_start3A_883 = arith.constant 0 : i32
      %dma_start3A_884 = arith.constant 2 : i32
      %dma_start3A_885 = arith.constant 0 : i32
      %dma_start3A_886 = arith.constant 0 : i32
      %dma_start3A_887 = tpu.memref_slice %arg11[%dma_start3A_883, %dma_start3A_884, %dma_start3A_885, %dma_start3A_886] : memref<3x4x32x128xf32, #tpu.memory_space<vmem>> -> memref<1x1x32x128xf32, #tpu.memory_space<vmem>>
      %dma_start3A_888 = tpu.memref_squeeze %dma_start3A_887 : memref<1x1x32x128xf32, #tpu.memory_space<vmem>> -> memref<32x128xf32, #tpu.memory_space<vmem>>
      %dma_start3A_889 = arith.constant 0 : i32
      %dma_start3A_890 = tpu.memref_slice %arg4[%dma_start3A_889, %multiple_of3A_875] : memref<32x1000000xf32, #tpu.memory_space<hbm>> -> memref<32x128xf32, #tpu.memory_space<hbm>>
      %dma_start3A_891 = arith.constant 0 : i32
      %dma_start3A_892 = arith.constant 0 : i32
      %dma_start3A_893 = tpu.memref_slice %arg11[%dma_start3A_883, %dma_start3A_884, %dma_start3A_891, %dma_start3A_892] : memref<3x4x32x128xf32, #tpu.memory_space<vmem>> -> memref<1x1x32x128xf32, #tpu.memory_space<vmem>>
      %dma_start3A_894 = tpu.memref_squeeze %dma_start3A_893 : memref<1x1x32x128xf32, #tpu.memory_space<vmem>> -> memref<32x128xf32, #tpu.memory_space<vmem>>
      %dma_start3A_895 = arith.constant 0 : i32
      %dma_start3A_896 = tpu.memref_slice %arg4[%dma_start3A_895, %multiple_of3A_875] : memref<32x1000000xf32, #tpu.memory_space<hbm>> -> memref<32x128xf32, #tpu.memory_space<hbm>>
      tpu.enqueue_dma source(%dma_start3A_896 : memref<32x128xf32, #tpu.memory_space<hbm>>) target(%dma_start3A_894 : memref<32x128xf32, #tpu.memory_space<vmem>>) target_semaphore(%arg16 : memref<!tpu.dma_semaphore, #tpu.memory_space<semaphore_mem>>)
      %dma_start3A_897 = arith.constant 0 : i32
      %dma_start3A_898 = arith.constant 2 : i32
      %dma_start3A_899 = arith.constant 0 : i32
      %dma_start3A_900 = arith.constant 0 : i32
      %dma_start3A_901 = tpu.memref_slice %arg12[%dma_start3A_897, %dma_start3A_898, %dma_start3A_899, %dma_start3A_900] : memref<3x4x32x128xf32, #tpu.memory_space<vmem>> -> memref<1x1x32x128xf32, #tpu.memory_space<vmem>>
      %dma_start3A_902 = tpu.memref_squeeze %dma_start3A_901 : memref<1x1x32x128xf32, #tpu.memory_space<vmem>> -> memref<32x128xf32, #tpu.memory_space<vmem>>
      %dma_start3A_903 = arith.constant 0 : i32
      %dma_start3A_904 = tpu.memref_slice %arg5[%dma_start3A_903, %multiple_of3A_882] : memref<32x1000000xf32, #tpu.memory_space<hbm>> -> memref<32x128xf32, #tpu.memory_space<hbm>>
      %dma_start3A_905 = arith.constant 0 : i32
      %dma_start3A_906 = arith.constant 0 : i32
      %dma_start3A_907 = tpu.memref_slice %arg12[%dma_start3A_897, %dma_start3A_898, %dma_start3A_905, %dma_start3A_906] : memref<3x4x32x128xf32, #tpu.memory_space<vmem>> -> memref<1x1x32x128xf32, #tpu.memory_space<vmem>>
      %dma_start3A_908 = tpu.memref_squeeze %dma_start3A_907 : memref<1x1x32x128xf32, #tpu.memory_space<vmem>> -> memref<32x128xf32, #tpu.memory_space<vmem>>
      %dma_start3A_909 = arith.constant 0 : i32
      %dma_start3A_910 = tpu.memref_slice %arg5[%dma_start3A_909, %multiple_of3A_882] : memref<32x1000000xf32, #tpu.memory_space<hbm>> -> memref<32x128xf32, #tpu.memory_space<hbm>>
      tpu.enqueue_dma source(%dma_start3A_910 : memref<32x128xf32, #tpu.memory_space<hbm>>) target(%dma_start3A_908 : memref<32x128xf32, #tpu.memory_space<vmem>>) target_semaphore(%arg17 : memref<!tpu.dma_semaphore, #tpu.memory_space<semaphore_mem>>)
      %slice3A_911 = vector.extract_strided_slice %get3A_24 {offsets = [15], sizes = [1], strides = [1]} : vector<16xi32> to vector<1xi32>
      %squeeze3A_912 = vector.extract %slice3A_911[0] : i32 from vector<1xi32>
      %shift_right_arithmetic3A_913 = arith.constant 7 : i32
      %shift_right_arithmetic3A_914 = arith.shrsi %squeeze3A_912, %shift_right_arithmetic3A_913 : i32
      %mul3A_915 = arith.constant 128 : i32
      %mul3A_916 = arith.muli %shift_right_arithmetic3A_914, %mul3A_915 : i32
      %multiple_of3A_917 = tpu.assume_multiple %mul3A_916, 128 : i32
      %slice3A_918 = vector.extract_strided_slice %get3A_38 {offsets = [15], sizes = [1], strides = [1]} : vector<16xi32> to vector<1xi32>
      %squeeze3A_919 = vector.extract %slice3A_918[0] : i32 from vector<1xi32>
      %shift_right_arithmetic3A_920 = arith.constant 7 : i32
      %shift_right_arithmetic3A_921 = arith.shrsi %squeeze3A_919, %shift_right_arithmetic3A_920 : i32
      %mul3A_922 = arith.constant 128 : i32
      %mul3A_923 = arith.muli %shift_right_arithmetic3A_921, %mul3A_922 : i32
      %multiple_of3A_924 = tpu.assume_multiple %mul3A_923, 128 : i32
      %dma_start3A_925 = arith.constant 0 : i32
      %dma_start3A_926 = arith.constant 3 : i32
      %dma_start3A_927 = arith.constant 0 : i32
      %dma_start3A_928 = arith.constant 0 : i32
      %dma_start3A_929 = tpu.memref_slice %arg11[%dma_start3A_925, %dma_start3A_926, %dma_start3A_927, %dma_start3A_928] : memref<3x4x32x128xf32, #tpu.memory_space<vmem>> -> memref<1x1x32x128xf32, #tpu.memory_space<vmem>>
      %dma_start3A_930 = tpu.memref_squeeze %dma_start3A_929 : memref<1x1x32x128xf32, #tpu.memory_space<vmem>> -> memref<32x128xf32, #tpu.memory_space<vmem>>
      %dma_start3A_931 = arith.constant 0 : i32
      %dma_start3A_932 = tpu.memref_slice %arg4[%dma_start3A_931, %multiple_of3A_917] : memref<32x1000000xf32, #tpu.memory_space<hbm>> -> memref<32x128xf32, #tpu.memory_space<hbm>>
      %dma_start3A_933 = arith.constant 0 : i32
      %dma_start3A_934 = arith.constant 0 : i32
      %dma_start3A_935 = tpu.memref_slice %arg11[%dma_start3A_925, %dma_start3A_926, %dma_start3A_933, %dma_start3A_934] : memref<3x4x32x128xf32, #tpu.memory_space<vmem>> -> memref<1x1x32x128xf32, #tpu.memory_space<vmem>>
      %dma_start3A_936 = tpu.memref_squeeze %dma_start3A_935 : memref<1x1x32x128xf32, #tpu.memory_space<vmem>> -> memref<32x128xf32, #tpu.memory_space<vmem>>
      %dma_start3A_937 = arith.constant 0 : i32
      %dma_start3A_938 = tpu.memref_slice %arg4[%dma_start3A_937, %multiple_of3A_917] : memref<32x1000000xf32, #tpu.memory_space<hbm>> -> memref<32x128xf32, #tpu.memory_space<hbm>>
      tpu.enqueue_dma source(%dma_start3A_938 : memref<32x128xf32, #tpu.memory_space<hbm>>) target(%dma_start3A_936 : memref<32x128xf32, #tpu.memory_space<vmem>>) target_semaphore(%arg16 : memref<!tpu.dma_semaphore, #tpu.memory_space<semaphore_mem>>)
      %dma_start3A_939 = arith.constant 0 : i32
      %dma_start3A_940 = arith.constant 3 : i32
      %dma_start3A_941 = arith.constant 0 : i32
      %dma_start3A_942 = arith.constant 0 : i32
      %dma_start3A_943 = tpu.memref_slice %arg12[%dma_start3A_939, %dma_start3A_940, %dma_start3A_941, %dma_start3A_942] : memref<3x4x32x128xf32, #tpu.memory_space<vmem>> -> memref<1x1x32x128xf32, #tpu.memory_space<vmem>>
      %dma_start3A_944 = tpu.memref_squeeze %dma_start3A_943 : memref<1x1x32x128xf32, #tpu.memory_space<vmem>> -> memref<32x128xf32, #tpu.memory_space<vmem>>
      %dma_start3A_945 = arith.constant 0 : i32
      %dma_start3A_946 = tpu.memref_slice %arg5[%dma_start3A_945, %multiple_of3A_924] : memref<32x1000000xf32, #tpu.memory_space<hbm>> -> memref<32x128xf32, #tpu.memory_space<hbm>>
      %dma_start3A_947 = arith.constant 0 : i32
      %dma_start3A_948 = arith.constant 0 : i32
      %dma_start3A_949 = tpu.memref_slice %arg12[%dma_start3A_939, %dma_start3A_940, %dma_start3A_947, %dma_start3A_948] : memref<3x4x32x128xf32, #tpu.memory_space<vmem>> -> memref<1x1x32x128xf32, #tpu.memory_space<vmem>>
      %dma_start3A_950 = tpu.memref_squeeze %dma_start3A_949 : memref<1x1x32x128xf32, #tpu.memory_space<vmem>> -> memref<32x128xf32, #tpu.memory_space<vmem>>
      %dma_start3A_951 = arith.constant 0 : i32
      %dma_start3A_952 = tpu.memref_slice %arg5[%dma_start3A_951, %multiple_of3A_924] : memref<32x1000000xf32, #tpu.memory_space<hbm>> -> memref<32x128xf32, #tpu.memory_space<hbm>>
      tpu.enqueue_dma source(%dma_start3A_952 : memref<32x128xf32, #tpu.memory_space<hbm>>) target(%dma_start3A_950 : memref<32x128xf32, #tpu.memory_space<vmem>>) target_semaphore(%arg17 : memref<!tpu.dma_semaphore, #tpu.memory_space<semaphore_mem>>)
      %dma_wait3A_953 = arith.constant 1 : i32
      %dma_wait3A_954 = arith.constant 0 : i32
      %dma_wait3A_955 = arith.constant 0 : i32
      %dma_wait3A_956 = arith.constant 0 : i32
      %dma_wait3A_957 = tpu.memref_slice %arg11[%dma_wait3A_953, %dma_wait3A_954, %dma_wait3A_955, %dma_wait3A_956] : memref<3x4x32x128xf32, #tpu.memory_space<vmem>> -> memref<1x1x32x128xf32, #tpu.memory_space<vmem>>
      %dma_wait3A_958 = tpu.memref_squeeze %dma_wait3A_957 : memref<1x1x32x128xf32, #tpu.memory_space<vmem>> -> memref<32x128xf32, #tpu.memory_space<vmem>>
      %dma_wait3A_959 = arith.constant 0 : i32
      %dma_wait3A_960 = tpu.memref_slice %arg4[%dma_wait3A_959, %multiple_of3A_218] : memref<32x1000000xf32, #tpu.memory_space<hbm>> -> memref<32x128xf32, #tpu.memory_space<hbm>>
      %dma_wait3A_961 = arith.constant 0 : i32
      %dma_wait3A_962 = arith.constant 0 : i32
      %dma_wait3A_963 = tpu.memref_slice %arg11[%dma_wait3A_953, %dma_wait3A_954, %dma_wait3A_961, %dma_wait3A_962] : memref<3x4x32x128xf32, #tpu.memory_space<vmem>> -> memref<1x1x32x128xf32, #tpu.memory_space<vmem>>
      %dma_wait3A_964 = tpu.memref_squeeze %dma_wait3A_963 : memref<1x1x32x128xf32, #tpu.memory_space<vmem>> -> memref<32x128xf32, #tpu.memory_space<vmem>>
      %dma_wait3A_965 = arith.constant 0 : i32
      %dma_wait3A_966 = tpu.memref_slice %arg4[%dma_wait3A_965, %multiple_of3A_218] : memref<32x1000000xf32, #tpu.memory_space<hbm>> -> memref<32x128xf32, #tpu.memory_space<hbm>>
      tpu.wait_dma2 semaphore(%arg16 : memref<!tpu.dma_semaphore, #tpu.memory_space<semaphore_mem>>) src(%dma_wait3A_966 : memref<32x128xf32, #tpu.memory_space<hbm>>) dst(%dma_wait3A_964 : memref<32x128xf32, #tpu.memory_space<vmem>>)
      %dma_wait3A_967 = arith.constant 1 : i32
      %dma_wait3A_968 = arith.constant 0 : i32
      %dma_wait3A_969 = arith.constant 0 : i32
      %dma_wait3A_970 = arith.constant 0 : i32
      %dma_wait3A_971 = tpu.memref_slice %arg12[%dma_wait3A_967, %dma_wait3A_968, %dma_wait3A_969, %dma_wait3A_970] : memref<3x4x32x128xf32, #tpu.memory_space<vmem>> -> memref<1x1x32x128xf32, #tpu.memory_space<vmem>>
      %dma_wait3A_972 = tpu.memref_squeeze %dma_wait3A_971 : memref<1x1x32x128xf32, #tpu.memory_space<vmem>> -> memref<32x128xf32, #tpu.memory_space<vmem>>
      %dma_wait3A_973 = arith.constant 0 : i32
      %dma_wait3A_974 = tpu.memref_slice %arg5[%dma_wait3A_973, %multiple_of3A_225] : memref<32x1000000xf32, #tpu.memory_space<hbm>> -> memref<32x128xf32, #tpu.memory_space<hbm>>
      %dma_wait3A_975 = arith.constant 0 : i32
      %dma_wait3A_976 = arith.constant 0 : i32
      %dma_wait3A_977 = tpu.memref_slice %arg12[%dma_wait3A_967, %dma_wait3A_968, %dma_wait3A_975, %dma_wait3A_976] : memref<3x4x32x128xf32, #tpu.memory_space<vmem>> -> memref<1x1x32x128xf32, #tpu.memory_space<vmem>>
      %dma_wait3A_978 = tpu.memref_squeeze %dma_wait3A_977 : memref<1x1x32x128xf32, #tpu.memory_space<vmem>> -> memref<32x128xf32, #tpu.memory_space<vmem>>
      %dma_wait3A_979 = arith.constant 0 : i32
      %dma_wait3A_980 = tpu.memref_slice %arg5[%dma_wait3A_979, %multiple_of3A_225] : memref<32x1000000xf32, #tpu.memory_space<hbm>> -> memref<32x128xf32, #tpu.memory_space<hbm>>
      tpu.wait_dma2 semaphore(%arg17 : memref<!tpu.dma_semaphore, #tpu.memory_space<semaphore_mem>>) src(%dma_wait3A_980 : memref<32x128xf32, #tpu.memory_space<hbm>>) dst(%dma_wait3A_978 : memref<32x128xf32, #tpu.memory_space<vmem>>)
      %dma_wait3A_981 = arith.constant 1 : i32
      %dma_wait3A_982 = arith.constant 1 : i32
      %dma_wait3A_983 = arith.constant 0 : i32
      %dma_wait3A_984 = arith.constant 0 : i32
      %dma_wait3A_985 = tpu.memref_slice %arg11[%dma_wait3A_981, %dma_wait3A_982, %dma_wait3A_983, %dma_wait3A_984] : memref<3x4x32x128xf32, #tpu.memory_space<vmem>> -> memref<1x1x32x128xf32, #tpu.memory_space<vmem>>
      %dma_wait3A_986 = tpu.memref_squeeze %dma_wait3A_985 : memref<1x1x32x128xf32, #tpu.memory_space<vmem>> -> memref<32x128xf32, #tpu.memory_space<vmem>>
      %dma_wait3A_987 = arith.constant 0 : i32
      %dma_wait3A_988 = tpu.memref_slice %arg4[%dma_wait3A_987, %multiple_of3A_260] : memref<32x1000000xf32, #tpu.memory_space<hbm>> -> memref<32x128xf32, #tpu.memory_space<hbm>>
      %dma_wait3A_989 = arith.constant 0 : i32
      %dma_wait3A_990 = arith.constant 0 : i32
      %dma_wait3A_991 = tpu.memref_slice %arg11[%dma_wait3A_981, %dma_wait3A_982, %dma_wait3A_989, %dma_wait3A_990] : memref<3x4x32x128xf32, #tpu.memory_space<vmem>> -> memref<1x1x32x128xf32, #tpu.memory_space<vmem>>
      %dma_wait3A_992 = tpu.memref_squeeze %dma_wait3A_991 : memref<1x1x32x128xf32, #tpu.memory_space<vmem>> -> memref<32x128xf32, #tpu.memory_space<vmem>>
      %dma_wait3A_993 = arith.constant 0 : i32
      %dma_wait3A_994 = tpu.memref_slice %arg4[%dma_wait3A_993, %multiple_of3A_260] : memref<32x1000000xf32, #tpu.memory_space<hbm>> -> memref<32x128xf32, #tpu.memory_space<hbm>>
      tpu.wait_dma2 semaphore(%arg16 : memref<!tpu.dma_semaphore, #tpu.memory_space<semaphore_mem>>) src(%dma_wait3A_994 : memref<32x128xf32, #tpu.memory_space<hbm>>) dst(%dma_wait3A_992 : memref<32x128xf32, #tpu.memory_space<vmem>>)
      %dma_wait3A_995 = arith.constant 1 : i32
      %dma_wait3A_996 = arith.constant 1 : i32
      %dma_wait3A_997 = arith.constant 0 : i32
      %dma_wait3A_998 = arith.constant 0 : i32
      %dma_wait3A_999 = tpu.memref_slice %arg12[%dma_wait3A_995, %dma_wait3A_996, %dma_wait3A_997, %dma_wait3A_998] : memref<3x4x32x128xf32, #tpu.memory_space<vmem>> -> memref<1x1x32x128xf32, #tpu.memory_space<vmem>>
      %dma_wait3A_1000 = tpu.memref_squeeze %dma_wait3A_999 : memref<1x1x32x128xf32, #tpu.memory_space<vmem>> -> memref<32x128xf32, #tpu.memory_space<vmem>>
      %dma_wait3A_1001 = arith.constant 0 : i32
      %dma_wait3A_1002 = tpu.memref_slice %arg5[%dma_wait3A_1001, %multiple_of3A_267] : memref<32x1000000xf32, #tpu.memory_space<hbm>> -> memref<32x128xf32, #tpu.memory_space<hbm>>
      %dma_wait3A_1003 = arith.constant 0 : i32
      %dma_wait3A_1004 = arith.constant 0 : i32
      %dma_wait3A_1005 = tpu.memref_slice %arg12[%dma_wait3A_995, %dma_wait3A_996, %dma_wait3A_1003, %dma_wait3A_1004] : memref<3x4x32x128xf32, #tpu.memory_space<vmem>> -> memref<1x1x32x128xf32, #tpu.memory_space<vmem>>
      %dma_wait3A_1006 = tpu.memref_squeeze %dma_wait3A_1005 : memref<1x1x32x128xf32, #tpu.memory_space<vmem>> -> memref<32x128xf32, #tpu.memory_space<vmem>>
      %dma_wait3A_1007 = arith.constant 0 : i32
      %dma_wait3A_1008 = tpu.memref_slice %arg5[%dma_wait3A_1007, %multiple_of3A_267] : memref<32x1000000xf32, #tpu.memory_space<hbm>> -> memref<32x128xf32, #tpu.memory_space<hbm>>
      tpu.wait_dma2 semaphore(%arg17 : memref<!tpu.dma_semaphore, #tpu.memory_space<semaphore_mem>>) src(%dma_wait3A_1008 : memref<32x128xf32, #tpu.memory_space<hbm>>) dst(%dma_wait3A_1006 : memref<32x128xf32, #tpu.memory_space<vmem>>)
      %dma_wait3A_1009 = arith.constant 1 : i32
      %dma_wait3A_1010 = arith.constant 2 : i32
      %dma_wait3A_1011 = arith.constant 0 : i32
      %dma_wait3A_1012 = arith.constant 0 : i32
      %dma_wait3A_1013 = tpu.memref_slice %arg11[%dma_wait3A_1009, %dma_wait3A_1010, %dma_wait3A_1011, %dma_wait3A_1012] : memref<3x4x32x128xf32, #tpu.memory_space<vmem>> -> memref<1x1x32x128xf32, #tpu.memory_space<vmem>>
      %dma_wait3A_1014 = tpu.memref_squeeze %dma_wait3A_1013 : memref<1x1x32x128xf32, #tpu.memory_space<vmem>> -> memref<32x128xf32, #tpu.memory_space<vmem>>
      %dma_wait3A_1015 = arith.constant 0 : i32
      %dma_wait3A_1016 = tpu.memref_slice %arg4[%dma_wait3A_1015, %multiple_of3A_302] : memref<32x1000000xf32, #tpu.memory_space<hbm>> -> memref<32x128xf32, #tpu.memory_space<hbm>>
      %dma_wait3A_1017 = arith.constant 0 : i32
      %dma_wait3A_1018 = arith.constant 0 : i32
      %dma_wait3A_1019 = tpu.memref_slice %arg11[%dma_wait3A_1009, %dma_wait3A_1010, %dma_wait3A_1017, %dma_wait3A_1018] : memref<3x4x32x128xf32, #tpu.memory_space<vmem>> -> memref<1x1x32x128xf32, #tpu.memory_space<vmem>>
      %dma_wait3A_1020 = tpu.memref_squeeze %dma_wait3A_1019 : memref<1x1x32x128xf32, #tpu.memory_space<vmem>> -> memref<32x128xf32, #tpu.memory_space<vmem>>
      %dma_wait3A_1021 = arith.constant 0 : i32
      %dma_wait3A_1022 = tpu.memref_slice %arg4[%dma_wait3A_1021, %multiple_of3A_302] : memref<32x1000000xf32, #tpu.memory_space<hbm>> -> memref<32x128xf32, #tpu.memory_space<hbm>>
      tpu.wait_dma2 semaphore(%arg16 : memref<!tpu.dma_semaphore, #tpu.memory_space<semaphore_mem>>) src(%dma_wait3A_1022 : memref<32x128xf32, #tpu.memory_space<hbm>>) dst(%dma_wait3A_1020 : memref<32x128xf32, #tpu.memory_space<vmem>>)
      %dma_wait3A_1023 = arith.constant 1 : i32
      %dma_wait3A_1024 = arith.constant 2 : i32
      %dma_wait3A_1025 = arith.constant 0 : i32
      %dma_wait3A_1026 = arith.constant 0 : i32
      %dma_wait3A_1027 = tpu.memref_slice %arg12[%dma_wait3A_1023, %dma_wait3A_1024, %dma_wait3A_1025, %dma_wait3A_1026] : memref<3x4x32x128xf32, #tpu.memory_space<vmem>> -> memref<1x1x32x128xf32, #tpu.memory_space<vmem>>
      %dma_wait3A_1028 = tpu.memref_squeeze %dma_wait3A_1027 : memref<1x1x32x128xf32, #tpu.memory_space<vmem>> -> memref<32x128xf32, #tpu.memory_space<vmem>>
      %dma_wait3A_1029 = arith.constant 0 : i32
      %dma_wait3A_1030 = tpu.memref_slice %arg5[%dma_wait3A_1029, %multiple_of3A_309] : memref<32x1000000xf32, #tpu.memory_space<hbm>> -> memref<32x128xf32, #tpu.memory_space<hbm>>
      %dma_wait3A_1031 = arith.constant 0 : i32
      %dma_wait3A_1032 = arith.constant 0 : i32
      %dma_wait3A_1033 = tpu.memref_slice %arg12[%dma_wait3A_1023, %dma_wait3A_1024, %dma_wait3A_1031, %dma_wait3A_1032] : memref<3x4x32x128xf32, #tpu.memory_space<vmem>> -> memref<1x1x32x128xf32, #tpu.memory_space<vmem>>
      %dma_wait3A_1034 = tpu.memref_squeeze %dma_wait3A_1033 : memref<1x1x32x128xf32, #tpu.memory_space<vmem>> -> memref<32x128xf32, #tpu.memory_space<vmem>>
      %dma_wait3A_1035 = arith.constant 0 : i32
      %dma_wait3A_1036 = tpu.memref_slice %arg5[%dma_wait3A_1035, %multiple_of3A_309] : memref<32x1000000xf32, #tpu.memory_space<hbm>> -> memref<32x128xf32, #tpu.memory_space<hbm>>
      tpu.wait_dma2 semaphore(%arg17 : memref<!tpu.dma_semaphore, #tpu.memory_space<semaphore_mem>>) src(%dma_wait3A_1036 : memref<32x128xf32, #tpu.memory_space<hbm>>) dst(%dma_wait3A_1034 : memref<32x128xf32, #tpu.memory_space<vmem>>)
      %dma_wait3A_1037 = arith.constant 1 : i32
      %dma_wait3A_1038 = arith.constant 3 : i32
      %dma_wait3A_1039 = arith.constant 0 : i32
      %dma_wait3A_1040 = arith.constant 0 : i32
      %dma_wait3A_1041 = tpu.memref_slice %arg11[%dma_wait3A_1037, %dma_wait3A_1038, %dma_wait3A_1039, %dma_wait3A_1040] : memref<3x4x32x128xf32, #tpu.memory_space<vmem>> -> memref<1x1x32x128xf32, #tpu.memory_space<vmem>>
      %dma_wait3A_1042 = tpu.memref_squeeze %dma_wait3A_1041 : memref<1x1x32x128xf32, #tpu.memory_space<vmem>> -> memref<32x128xf32, #tpu.memory_space<vmem>>
      %dma_wait3A_1043 = arith.constant 0 : i32
      %dma_wait3A_1044 = tpu.memref_slice %arg4[%dma_wait3A_1043, %multiple_of3A_344] : memref<32x1000000xf32, #tpu.memory_space<hbm>> -> memref<32x128xf32, #tpu.memory_space<hbm>>
      %dma_wait3A_1045 = arith.constant 0 : i32
      %dma_wait3A_1046 = arith.constant 0 : i32
      %dma_wait3A_1047 = tpu.memref_slice %arg11[%dma_wait3A_1037, %dma_wait3A_1038, %dma_wait3A_1045, %dma_wait3A_1046] : memref<3x4x32x128xf32, #tpu.memory_space<vmem>> -> memref<1x1x32x128xf32, #tpu.memory_space<vmem>>
      %dma_wait3A_1048 = tpu.memref_squeeze %dma_wait3A_1047 : memref<1x1x32x128xf32, #tpu.memory_space<vmem>> -> memref<32x128xf32, #tpu.memory_space<vmem>>
      %dma_wait3A_1049 = arith.constant 0 : i32
      %dma_wait3A_1050 = tpu.memref_slice %arg4[%dma_wait3A_1049, %multiple_of3A_344] : memref<32x1000000xf32, #tpu.memory_space<hbm>> -> memref<32x128xf32, #tpu.memory_space<hbm>>
      tpu.wait_dma2 semaphore(%arg16 : memref<!tpu.dma_semaphore, #tpu.memory_space<semaphore_mem>>) src(%dma_wait3A_1050 : memref<32x128xf32, #tpu.memory_space<hbm>>) dst(%dma_wait3A_1048 : memref<32x128xf32, #tpu.memory_space<vmem>>)
      %dma_wait3A_1051 = arith.constant 1 : i32
      %dma_wait3A_1052 = arith.constant 3 : i32
      %dma_wait3A_1053 = arith.constant 0 : i32
      %dma_wait3A_1054 = arith.constant 0 : i32
      %dma_wait3A_1055 = tpu.memref_slice %arg12[%dma_wait3A_1051, %dma_wait3A_1052, %dma_wait3A_1053, %dma_wait3A_1054] : memref<3x4x32x128xf32, #tpu.memory_space<vmem>> -> memref<1x1x32x128xf32, #tpu.memory_space<vmem>>
      %dma_wait3A_1056 = tpu.memref_squeeze %dma_wait3A_1055 : memref<1x1x32x128xf32, #tpu.memory_space<vmem>> -> memref<32x128xf32, #tpu.memory_space<vmem>>
      %dma_wait3A_1057 = arith.constant 0 : i32
      %dma_wait3A_1058 = tpu.memref_slice %arg5[%dma_wait3A_1057, %multiple_of3A_351] : memref<32x1000000xf32, #tpu.memory_space<hbm>> -> memref<32x128xf32, #tpu.memory_space<hbm>>
      %dma_wait3A_1059 = arith.constant 0 : i32
      %dma_wait3A_1060 = arith.constant 0 : i32
      %dma_wait3A_1061 = tpu.memref_slice %arg12[%dma_wait3A_1051, %dma_wait3A_1052, %dma_wait3A_1059, %dma_wait3A_1060] : memref<3x4x32x128xf32, #tpu.memory_space<vmem>> -> memref<1x1x32x128xf32, #tpu.memory_space<vmem>>
      %dma_wait3A_1062 = tpu.memref_squeeze %dma_wait3A_1061 : memref<1x1x32x128xf32, #tpu.memory_space<vmem>> -> memref<32x128xf32, #tpu.memory_space<vmem>>
      %dma_wait3A_1063 = arith.constant 0 : i32
      %dma_wait3A_1064 = tpu.memref_slice %arg5[%dma_wait3A_1063, %multiple_of3A_351] : memref<32x1000000xf32, #tpu.memory_space<hbm>> -> memref<32x128xf32, #tpu.memory_space<hbm>>
      tpu.wait_dma2 semaphore(%arg17 : memref<!tpu.dma_semaphore, #tpu.memory_space<semaphore_mem>>) src(%dma_wait3A_1064 : memref<32x128xf32, #tpu.memory_space<hbm>>) dst(%dma_wait3A_1062 : memref<32x128xf32, #tpu.memory_space<vmem>>)
      %slice3A_1065 = vector.extract_strided_slice %get3A_24 {offsets = [4], sizes = [1], strides = [1]} : vector<16xi32> to vector<1xi32>
      %squeeze3A_1066 = vector.extract %slice3A_1065[0] : i32 from vector<1xi32>
      %and3A_1067 = arith.constant 127 : i32
      %and3A_1068 = arith.andi %squeeze3A_1066, %and3A_1067 : i32
      %broadcast_in_dim3A_1069 = vector.broadcast %and3A_1068 : i32 to vector<16xi32>
      %slice3A_1070 = vector.extract_strided_slice %get3A_38 {offsets = [4], sizes = [1], strides = [1]} : vector<16xi32> to vector<1xi32>
      %squeeze3A_1071 = vector.extract %slice3A_1070[0] : i32 from vector<1xi32>
      %and3A_1072 = arith.constant 127 : i32
      %and3A_1073 = arith.andi %squeeze3A_1071, %and3A_1072 : i32
      %broadcast_in_dim3A_1074 = vector.broadcast %and3A_1073 : i32 to vector<16xi32>
      %broadcast_in_dim3A_1075 = arith.constant 1 : i32
      %broadcast_in_dim3A_1076 = vector.broadcast %broadcast_in_dim3A_1075 : i32 to vector<16xi32>
      %broadcast_in_dim3A_1077 = arith.constant 0 : i32
      %broadcast_in_dim3A_1078 = vector.broadcast %broadcast_in_dim3A_1077 : i32 to vector<16xi32>
      %gather3A_1079 = tpu.vector_load_idx %arg11[%broadcast_in_dim3A_1076, %broadcast_in_dim3A_1078, %iota3A, %broadcast_in_dim3A_1069] : memref<3x4x32x128xf32, #tpu.memory_space<vmem>>[vector<16xi32>, vector<16xi32>, vector<16xi32>, vector<16xi32>], vector<16xf32>,
      %gather3A_1080 = tpu.vector_load_idx %arg11[%broadcast_in_dim3A_1076, %broadcast_in_dim3A_1078, %add3A_10, %broadcast_in_dim3A_1069] : memref<3x4x32x128xf32, #tpu.memory_space<vmem>>[vector<16xi32>, vector<16xi32>, vector<16xi32>, vector<16xi32>], vector<16xf32>,
      %gather3A_1081 = tpu.vector_load_idx %arg12[%broadcast_in_dim3A_1076, %broadcast_in_dim3A_1078, %iota3A, %broadcast_in_dim3A_1074] : memref<3x4x32x128xf32, #tpu.memory_space<vmem>>[vector<16xi32>, vector<16xi32>, vector<16xi32>, vector<16xi32>], vector<16xf32>,
      %gather3A_1082 = tpu.vector_load_idx %arg12[%broadcast_in_dim3A_1076, %broadcast_in_dim3A_1078, %add3A_10, %broadcast_in_dim3A_1074] : memref<3x4x32x128xf32, #tpu.memory_space<vmem>>[vector<16xi32>, vector<16xi32>, vector<16xi32>, vector<16xi32>], vector<16xf32>,
      %mul3A_1083 = arith.mulf %gather3A_1079, %gather3A_1081 : vector<16xf32>
      %mul3A_1084 = arith.mulf %mul3A_1083, %get3A_5 : vector<16xf32>
      %mul3A_1085 = arith.mulf %gather3A_1080, %gather3A_1082 : vector<16xf32>
      %mul3A_1086 = arith.mulf %mul3A_1085, %get3A_7 : vector<16xf32>
      %add3A_1087 = arith.addf %mul3A_1084, %mul3A_1086 : vector<16xf32>
      %reduce_sum3A_1088 = arith.constant true
      %reduce_sum3A_1089 = vector.broadcast %reduce_sum3A_1088 : i1 to vector<16xi1>
      %reduce_sum3A_1090 = tpu.scan <sum>, %add3A_1087 masked %reduce_sum3A_1089 : vector<16xf32>, vector<16xi1> -> vector<16xf32>
      %reduce_sum3A_1091 = vector.extract %reduce_sum3A_1090[15] : f32 from vector<16xf32>
      %eq3A_1092 = arith.constant 4 : i32
      %eq3A_1093 = vector.broadcast %eq3A_1092 : i32 to vector<16xi32>
      %eq3A_1094 = arith.cmpi eq, %iota3A, %eq3A_1093 : vector<16xi32>
      %broadcast_in_dim3A_1095 = vector.broadcast %reduce_sum3A_1091 : f32 to vector<16xf32>
      %select_n3A_1096 = arith.select %eq3A_1094, %broadcast_in_dim3A_1095, %select_n3A_784 : vector<16xi1>, vector<16xf32>
      %slice3A_1097 = vector.extract_strided_slice %get3A_24 {offsets = [5], sizes = [1], strides = [1]} : vector<16xi32> to vector<1xi32>
      %squeeze3A_1098 = vector.extract %slice3A_1097[0] : i32 from vector<1xi32>
      %and3A_1099 = arith.constant 127 : i32
      %and3A_1100 = arith.andi %squeeze3A_1098, %and3A_1099 : i32
      %broadcast_in_dim3A_1101 = vector.broadcast %and3A_1100 : i32 to vector<16xi32>
      %slice3A_1102 = vector.extract_strided_slice %get3A_38 {offsets = [5], sizes = [1], strides = [1]} : vector<16xi32> to vector<1xi32>
      %squeeze3A_1103 = vector.extract %slice3A_1102[0] : i32 from vector<1xi32>
      %and3A_1104 = arith.constant 127 : i32
      %and3A_1105 = arith.andi %squeeze3A_1103, %and3A_1104 : i32
      %broadcast_in_dim3A_1106 = vector.broadcast %and3A_1105 : i32 to vector<16xi32>
      %broadcast_in_dim3A_1107 = arith.constant 1 : i32
      %broadcast_in_dim3A_1108 = vector.broadcast %broadcast_in_dim3A_1107 : i32 to vector<16xi32>
      %broadcast_in_dim3A_1109 = arith.constant 1 : i32
      %broadcast_in_dim3A_1110 = vector.broadcast %broadcast_in_dim3A_1109 : i32 to vector<16xi32>
      %gather3A_1111 = tpu.vector_load_idx %arg11[%broadcast_in_dim3A_1108, %broadcast_in_dim3A_1110, %iota3A, %broadcast_in_dim3A_1101] : memref<3x4x32x128xf32, #tpu.memory_space<vmem>>[vector<16xi32>, vector<16xi32>, vector<16xi32>, vector<16xi32>], vector<16xf32>,
      %gather3A_1112 = tpu.vector_load_idx %arg11[%broadcast_in_dim3A_1108, %broadcast_in_dim3A_1110, %add3A_10, %broadcast_in_dim3A_1101] : memref<3x4x32x128xf32, #tpu.memory_space<vmem>>[vector<16xi32>, vector<16xi32>, vector<16xi32>, vector<16xi32>], vector<16xf32>,
      %gather3A_1113 = tpu.vector_load_idx %arg12[%broadcast_in_dim3A_1108, %broadcast_in_dim3A_1110, %iota3A, %broadcast_in_dim3A_1106] : memref<3x4x32x128xf32, #tpu.memory_space<vmem>>[vector<16xi32>, vector<16xi32>, vector<16xi32>, vector<16xi32>], vector<16xf32>,
      %gather3A_1114 = tpu.vector_load_idx %arg12[%broadcast_in_dim3A_1108, %broadcast_in_dim3A_1110, %add3A_10, %broadcast_in_dim3A_1106] : memref<3x4x32x128xf32, #tpu.memory_space<vmem>>[vector<16xi32>, vector<16xi32>, vector<16xi32>, vector<16xi32>], vector<16xf32>,
      %mul3A_1115 = arith.mulf %gather3A_1111, %gather3A_1113 : vector<16xf32>
      %mul3A_1116 = arith.mulf %mul3A_1115, %get3A_5 : vector<16xf32>
      %mul3A_1117 = arith.mulf %gather3A_1112, %gather3A_1114 : vector<16xf32>
      %mul3A_1118 = arith.mulf %mul3A_1117, %get3A_7 : vector<16xf32>
      %add3A_1119 = arith.addf %mul3A_1116, %mul3A_1118 : vector<16xf32>
      %reduce_sum3A_1120 = arith.constant true
      %reduce_sum3A_1121 = vector.broadcast %reduce_sum3A_1120 : i1 to vector<16xi1>
      %reduce_sum3A_1122 = tpu.scan <sum>, %add3A_1119 masked %reduce_sum3A_1121 : vector<16xf32>, vector<16xi1> -> vector<16xf32>
      %reduce_sum3A_1123 = vector.extract %reduce_sum3A_1122[15] : f32 from vector<16xf32>
      %eq3A_1124 = arith.constant 5 : i32
      %eq3A_1125 = vector.broadcast %eq3A_1124 : i32 to vector<16xi32>
      %eq3A_1126 = arith.cmpi eq, %iota3A, %eq3A_1125 : vector<16xi32>
      %broadcast_in_dim3A_1127 = vector.broadcast %reduce_sum3A_1123 : f32 to vector<16xf32>
      %select_n3A_1128 = arith.select %eq3A_1126, %broadcast_in_dim3A_1127, %select_n3A_1096 : vector<16xi1>, vector<16xf32>
      %slice3A_1129 = vector.extract_strided_slice %get3A_24 {offsets = [6], sizes = [1], strides = [1]} : vector<16xi32> to vector<1xi32>
      %squeeze3A_1130 = vector.extract %slice3A_1129[0] : i32 from vector<1xi32>
      %and3A_1131 = arith.constant 127 : i32
      %and3A_1132 = arith.andi %squeeze3A_1130, %and3A_1131 : i32
      %broadcast_in_dim3A_1133 = vector.broadcast %and3A_1132 : i32 to vector<16xi32>
      %slice3A_1134 = vector.extract_strided_slice %get3A_38 {offsets = [6], sizes = [1], strides = [1]} : vector<16xi32> to vector<1xi32>
      %squeeze3A_1135 = vector.extract %slice3A_1134[0] : i32 from vector<1xi32>
      %and3A_1136 = arith.constant 127 : i32
      %and3A_1137 = arith.andi %squeeze3A_1135, %and3A_1136 : i32
      %broadcast_in_dim3A_1138 = vector.broadcast %and3A_1137 : i32 to vector<16xi32>
      %broadcast_in_dim3A_1139 = arith.constant 1 : i32
      %broadcast_in_dim3A_1140 = vector.broadcast %broadcast_in_dim3A_1139 : i32 to vector<16xi32>
      %broadcast_in_dim3A_1141 = arith.constant 2 : i32
      %broadcast_in_dim3A_1142 = vector.broadcast %broadcast_in_dim3A_1141 : i32 to vector<16xi32>
      %gather3A_1143 = tpu.vector_load_idx %arg11[%broadcast_in_dim3A_1140, %broadcast_in_dim3A_1142, %iota3A, %broadcast_in_dim3A_1133] : memref<3x4x32x128xf32, #tpu.memory_space<vmem>>[vector<16xi32>, vector<16xi32>, vector<16xi32>, vector<16xi32>], vector<16xf32>,
      %gather3A_1144 = tpu.vector_load_idx %arg11[%broadcast_in_dim3A_1140, %broadcast_in_dim3A_1142, %add3A_10, %broadcast_in_dim3A_1133] : memref<3x4x32x128xf32, #tpu.memory_space<vmem>>[vector<16xi32>, vector<16xi32>, vector<16xi32>, vector<16xi32>], vector<16xf32>,
      %gather3A_1145 = tpu.vector_load_idx %arg12[%broadcast_in_dim3A_1140, %broadcast_in_dim3A_1142, %iota3A, %broadcast_in_dim3A_1138] : memref<3x4x32x128xf32, #tpu.memory_space<vmem>>[vector<16xi32>, vector<16xi32>, vector<16xi32>, vector<16xi32>], vector<16xf32>,
      %gather3A_1146 = tpu.vector_load_idx %arg12[%broadcast_in_dim3A_1140, %broadcast_in_dim3A_1142, %add3A_10, %broadcast_in_dim3A_1138] : memref<3x4x32x128xf32, #tpu.memory_space<vmem>>[vector<16xi32>, vector<16xi32>, vector<16xi32>, vector<16xi32>], vector<16xf32>,
      %mul3A_1147 = arith.mulf %gather3A_1143, %gather3A_1145 : vector<16xf32>
      %mul3A_1148 = arith.mulf %mul3A_1147, %get3A_5 : vector<16xf32>
      %mul3A_1149 = arith.mulf %gather3A_1144, %gather3A_1146 : vector<16xf32>
      %mul3A_1150 = arith.mulf %mul3A_1149, %get3A_7 : vector<16xf32>
      %add3A_1151 = arith.addf %mul3A_1148, %mul3A_1150 : vector<16xf32>
      %reduce_sum3A_1152 = arith.constant true
      %reduce_sum3A_1153 = vector.broadcast %reduce_sum3A_1152 : i1 to vector<16xi1>
      %reduce_sum3A_1154 = tpu.scan <sum>, %add3A_1151 masked %reduce_sum3A_1153 : vector<16xf32>, vector<16xi1> -> vector<16xf32>
      %reduce_sum3A_1155 = vector.extract %reduce_sum3A_1154[15] : f32 from vector<16xf32>
      %eq3A_1156 = arith.constant 6 : i32
      %eq3A_1157 = vector.broadcast %eq3A_1156 : i32 to vector<16xi32>
      %eq3A_1158 = arith.cmpi eq, %iota3A, %eq3A_1157 : vector<16xi32>
      %broadcast_in_dim3A_1159 = vector.broadcast %reduce_sum3A_1155 : f32 to vector<16xf32>
      %select_n3A_1160 = arith.select %eq3A_1158, %broadcast_in_dim3A_1159, %select_n3A_1128 : vector<16xi1>, vector<16xf32>
      %slice3A_1161 = vector.extract_strided_slice %get3A_24 {offsets = [7], sizes = [1], strides = [1]} : vector<16xi32> to vector<1xi32>
      %squeeze3A_1162 = vector.extract %slice3A_1161[0] : i32 from vector<1xi32>
      %and3A_1163 = arith.constant 127 : i32
      %and3A_1164 = arith.andi %squeeze3A_1162, %and3A_1163 : i32
      %broadcast_in_dim3A_1165 = vector.broadcast %and3A_1164 : i32 to vector<16xi32>
      %slice3A_1166 = vector.extract_strided_slice %get3A_38 {offsets = [7], sizes = [1], strides = [1]} : vector<16xi32> to vector<1xi32>
      %squeeze3A_1167 = vector.extract %slice3A_1166[0] : i32 from vector<1xi32>
      %and3A_1168 = arith.constant 127 : i32
      %and3A_1169 = arith.andi %squeeze3A_1167, %and3A_1168 : i32
      %broadcast_in_dim3A_1170 = vector.broadcast %and3A_1169 : i32 to vector<16xi32>
      %broadcast_in_dim3A_1171 = arith.constant 1 : i32
      %broadcast_in_dim3A_1172 = vector.broadcast %broadcast_in_dim3A_1171 : i32 to vector<16xi32>
      %broadcast_in_dim3A_1173 = arith.constant 3 : i32
      %broadcast_in_dim3A_1174 = vector.broadcast %broadcast_in_dim3A_1173 : i32 to vector<16xi32>
      %gather3A_1175 = tpu.vector_load_idx %arg11[%broadcast_in_dim3A_1172, %broadcast_in_dim3A_1174, %iota3A, %broadcast_in_dim3A_1165] : memref<3x4x32x128xf32, #tpu.memory_space<vmem>>[vector<16xi32>, vector<16xi32>, vector<16xi32>, vector<16xi32>], vector<16xf32>,
      %gather3A_1176 = tpu.vector_load_idx %arg11[%broadcast_in_dim3A_1172, %broadcast_in_dim3A_1174, %add3A_10, %broadcast_in_dim3A_1165] : memref<3x4x32x128xf32, #tpu.memory_space<vmem>>[vector<16xi32>, vector<16xi32>, vector<16xi32>, vector<16xi32>], vector<16xf32>,
      %gather3A_1177 = tpu.vector_load_idx %arg12[%broadcast_in_dim3A_1172, %broadcast_in_dim3A_1174, %iota3A, %broadcast_in_dim3A_1170] : memref<3x4x32x128xf32, #tpu.memory_space<vmem>>[vector<16xi32>, vector<16xi32>, vector<16xi32>, vector<16xi32>], vector<16xf32>,
      %gather3A_1178 = tpu.vector_load_idx %arg12[%broadcast_in_dim3A_1172, %broadcast_in_dim3A_1174, %add3A_10, %broadcast_in_dim3A_1170] : memref<3x4x32x128xf32, #tpu.memory_space<vmem>>[vector<16xi32>, vector<16xi32>, vector<16xi32>, vector<16xi32>], vector<16xf32>,
      %mul3A_1179 = arith.mulf %gather3A_1175, %gather3A_1177 : vector<16xf32>
      %mul3A_1180 = arith.mulf %mul3A_1179, %get3A_5 : vector<16xf32>
      %mul3A_1181 = arith.mulf %gather3A_1176, %gather3A_1178 : vector<16xf32>
      %mul3A_1182 = arith.mulf %mul3A_1181, %get3A_7 : vector<16xf32>
      %add3A_1183 = arith.addf %mul3A_1180, %mul3A_1182 : vector<16xf32>
      %reduce_sum3A_1184 = arith.constant true
      %reduce_sum3A_1185 = vector.broadcast %reduce_sum3A_1184 : i1 to vector<16xi1>
      %reduce_sum3A_1186 = tpu.scan <sum>, %add3A_1183 masked %reduce_sum3A_1185 : vector<16xf32>, vector<16xi1> -> vector<16xf32>
      %reduce_sum3A_1187 = vector.extract %reduce_sum3A_1186[15] : f32 from vector<16xf32>
      %eq3A_1188 = arith.constant 7 : i32
      %eq3A_1189 = vector.broadcast %eq3A_1188 : i32 to vector<16xi32>
      %eq3A_1190 = arith.cmpi eq, %iota3A, %eq3A_1189 : vector<16xi32>
      %broadcast_in_dim3A_1191 = vector.broadcast %reduce_sum3A_1187 : f32 to vector<16xf32>
      %select_n3A_1192 = arith.select %eq3A_1190, %broadcast_in_dim3A_1191, %select_n3A_1160 : vector<16xi1>, vector<16xf32>
      %slice3A_1193 = vector.extract_strided_slice %get3A_32 {offsets = [0], sizes = [1], strides = [1]} : vector<16xi32> to vector<1xi32>
      %squeeze3A_1194 = vector.extract %slice3A_1193[0] : i32 from vector<1xi32>
      %shift_right_arithmetic3A_1195 = arith.constant 7 : i32
      %shift_right_arithmetic3A_1196 = arith.shrsi %squeeze3A_1194, %shift_right_arithmetic3A_1195 : i32
      %mul3A_1197 = arith.constant 128 : i32
      %mul3A_1198 = arith.muli %shift_right_arithmetic3A_1196, %mul3A_1197 : i32
      %multiple_of3A_1199 = tpu.assume_multiple %mul3A_1198, 128 : i32
      %slice3A_1200 = vector.extract_strided_slice %get3A_46 {offsets = [0], sizes = [1], strides = [1]} : vector<16xi32> to vector<1xi32>
      %squeeze3A_1201 = vector.extract %slice3A_1200[0] : i32 from vector<1xi32>
      %shift_right_arithmetic3A_1202 = arith.constant 7 : i32
      %shift_right_arithmetic3A_1203 = arith.shrsi %squeeze3A_1201, %shift_right_arithmetic3A_1202 : i32
      %mul3A_1204 = arith.constant 128 : i32
      %mul3A_1205 = arith.muli %shift_right_arithmetic3A_1203, %mul3A_1204 : i32
      %multiple_of3A_1206 = tpu.assume_multiple %mul3A_1205, 128 : i32
      %dma_start3A_1207 = arith.constant 1 : i32
      %dma_start3A_1208 = arith.constant 0 : i32
      %dma_start3A_1209 = arith.constant 0 : i32
      %dma_start3A_1210 = arith.constant 0 : i32
      %dma_start3A_1211 = tpu.memref_slice %arg11[%dma_start3A_1207, %dma_start3A_1208, %dma_start3A_1209, %dma_start3A_1210] : memref<3x4x32x128xf32, #tpu.memory_space<vmem>> -> memref<1x1x32x128xf32, #tpu.memory_space<vmem>>
      %dma_start3A_1212 = tpu.memref_squeeze %dma_start3A_1211 : memref<1x1x32x128xf32, #tpu.memory_space<vmem>> -> memref<32x128xf32, #tpu.memory_space<vmem>>
      %dma_start3A_1213 = arith.constant 0 : i32
      %dma_start3A_1214 = tpu.memref_slice %arg4[%dma_start3A_1213, %multiple_of3A_1199] : memref<32x1000000xf32, #tpu.memory_space<hbm>> -> memref<32x128xf32, #tpu.memory_space<hbm>>
      %dma_start3A_1215 = arith.constant 0 : i32
      %dma_start3A_1216 = arith.constant 0 : i32
      %dma_start3A_1217 = tpu.memref_slice %arg11[%dma_start3A_1207, %dma_start3A_1208, %dma_start3A_1215, %dma_start3A_1216] : memref<3x4x32x128xf32, #tpu.memory_space<vmem>> -> memref<1x1x32x128xf32, #tpu.memory_space<vmem>>
      %dma_start3A_1218 = tpu.memref_squeeze %dma_start3A_1217 : memref<1x1x32x128xf32, #tpu.memory_space<vmem>> -> memref<32x128xf32, #tpu.memory_space<vmem>>
      %dma_start3A_1219 = arith.constant 0 : i32
      %dma_start3A_1220 = tpu.memref_slice %arg4[%dma_start3A_1219, %multiple_of3A_1199] : memref<32x1000000xf32, #tpu.memory_space<hbm>> -> memref<32x128xf32, #tpu.memory_space<hbm>>
      tpu.enqueue_dma source(%dma_start3A_1220 : memref<32x128xf32, #tpu.memory_space<hbm>>) target(%dma_start3A_1218 : memref<32x128xf32, #tpu.memory_space<vmem>>) target_semaphore(%arg16 : memref<!tpu.dma_semaphore, #tpu.memory_space<semaphore_mem>>)
      %dma_start3A_1221 = arith.constant 1 : i32
      %dma_start3A_1222 = arith.constant 0 : i32
      %dma_start3A_1223 = arith.constant 0 : i32
      %dma_start3A_1224 = arith.constant 0 : i32
      %dma_start3A_1225 = tpu.memref_slice %arg12[%dma_start3A_1221, %dma_start3A_1222, %dma_start3A_1223, %dma_start3A_1224] : memref<3x4x32x128xf32, #tpu.memory_space<vmem>> -> memref<1x1x32x128xf32, #tpu.memory_space<vmem>>
      %dma_start3A_1226 = tpu.memref_squeeze %dma_start3A_1225 : memref<1x1x32x128xf32, #tpu.memory_space<vmem>> -> memref<32x128xf32, #tpu.memory_space<vmem>>
      %dma_start3A_1227 = arith.constant 0 : i32
      %dma_start3A_1228 = tpu.memref_slice %arg5[%dma_start3A_1227, %multiple_of3A_1206] : memref<32x1000000xf32, #tpu.memory_space<hbm>> -> memref<32x128xf32, #tpu.memory_space<hbm>>
      %dma_start3A_1229 = arith.constant 0 : i32
      %dma_start3A_1230 = arith.constant 0 : i32
      %dma_start3A_1231 = tpu.memref_slice %arg12[%dma_start3A_1221, %dma_start3A_1222, %dma_start3A_1229, %dma_start3A_1230] : memref<3x4x32x128xf32, #tpu.memory_space<vmem>> -> memref<1x1x32x128xf32, #tpu.memory_space<vmem>>
      %dma_start3A_1232 = tpu.memref_squeeze %dma_start3A_1231 : memref<1x1x32x128xf32, #tpu.memory_space<vmem>> -> memref<32x128xf32, #tpu.memory_space<vmem>>
      %dma_start3A_1233 = arith.constant 0 : i32
      %dma_start3A_1234 = tpu.memref_slice %arg5[%dma_start3A_1233, %multiple_of3A_1206] : memref<32x1000000xf32, #tpu.memory_space<hbm>> -> memref<32x128xf32, #tpu.memory_space<hbm>>
      tpu.enqueue_dma source(%dma_start3A_1234 : memref<32x128xf32, #tpu.memory_space<hbm>>) target(%dma_start3A_1232 : memref<32x128xf32, #tpu.memory_space<vmem>>) target_semaphore(%arg17 : memref<!tpu.dma_semaphore, #tpu.memory_space<semaphore_mem>>)
      %slice3A_1235 = vector.extract_strided_slice %get3A_32 {offsets = [1], sizes = [1], strides = [1]} : vector<16xi32> to vector<1xi32>
      %squeeze3A_1236 = vector.extract %slice3A_1235[0] : i32 from vector<1xi32>
      %shift_right_arithmetic3A_1237 = arith.constant 7 : i32
      %shift_right_arithmetic3A_1238 = arith.shrsi %squeeze3A_1236, %shift_right_arithmetic3A_1237 : i32
      %mul3A_1239 = arith.constant 128 : i32
      %mul3A_1240 = arith.muli %shift_right_arithmetic3A_1238, %mul3A_1239 : i32
      %multiple_of3A_1241 = tpu.assume_multiple %mul3A_1240, 128 : i32
      %slice3A_1242 = vector.extract_strided_slice %get3A_46 {offsets = [1], sizes = [1], strides = [1]} : vector<16xi32> to vector<1xi32>
      %squeeze3A_1243 = vector.extract %slice3A_1242[0] : i32 from vector<1xi32>
      %shift_right_arithmetic3A_1244 = arith.constant 7 : i32
      %shift_right_arithmetic3A_1245 = arith.shrsi %squeeze3A_1243, %shift_right_arithmetic3A_1244 : i32
      %mul3A_1246 = arith.constant 128 : i32
      %mul3A_1247 = arith.muli %shift_right_arithmetic3A_1245, %mul3A_1246 : i32
      %multiple_of3A_1248 = tpu.assume_multiple %mul3A_1247, 128 : i32
      %dma_start3A_1249 = arith.constant 1 : i32
      %dma_start3A_1250 = arith.constant 1 : i32
      %dma_start3A_1251 = arith.constant 0 : i32
      %dma_start3A_1252 = arith.constant 0 : i32
      %dma_start3A_1253 = tpu.memref_slice %arg11[%dma_start3A_1249, %dma_start3A_1250, %dma_start3A_1251, %dma_start3A_1252] : memref<3x4x32x128xf32, #tpu.memory_space<vmem>> -> memref<1x1x32x128xf32, #tpu.memory_space<vmem>>
      %dma_start3A_1254 = tpu.memref_squeeze %dma_start3A_1253 : memref<1x1x32x128xf32, #tpu.memory_space<vmem>> -> memref<32x128xf32, #tpu.memory_space<vmem>>
      %dma_start3A_1255 = arith.constant 0 : i32
      %dma_start3A_1256 = tpu.memref_slice %arg4[%dma_start3A_1255, %multiple_of3A_1241] : memref<32x1000000xf32, #tpu.memory_space<hbm>> -> memref<32x128xf32, #tpu.memory_space<hbm>>
      %dma_start3A_1257 = arith.constant 0 : i32
      %dma_start3A_1258 = arith.constant 0 : i32
      %dma_start3A_1259 = tpu.memref_slice %arg11[%dma_start3A_1249, %dma_start3A_1250, %dma_start3A_1257, %dma_start3A_1258] : memref<3x4x32x128xf32, #tpu.memory_space<vmem>> -> memref<1x1x32x128xf32, #tpu.memory_space<vmem>>
      %dma_start3A_1260 = tpu.memref_squeeze %dma_start3A_1259 : memref<1x1x32x128xf32, #tpu.memory_space<vmem>> -> memref<32x128xf32, #tpu.memory_space<vmem>>
      %dma_start3A_1261 = arith.constant 0 : i32
      %dma_start3A_1262 = tpu.memref_slice %arg4[%dma_start3A_1261, %multiple_of3A_1241] : memref<32x1000000xf32, #tpu.memory_space<hbm>> -> memref<32x128xf32, #tpu.memory_space<hbm>>
      tpu.enqueue_dma source(%dma_start3A_1262 : memref<32x128xf32, #tpu.memory_space<hbm>>) target(%dma_start3A_1260 : memref<32x128xf32, #tpu.memory_space<vmem>>) target_semaphore(%arg16 : memref<!tpu.dma_semaphore, #tpu.memory_space<semaphore_mem>>)
      %dma_start3A_1263 = arith.constant 1 : i32
      %dma_start3A_1264 = arith.constant 1 : i32
      %dma_start3A_1265 = arith.constant 0 : i32
      %dma_start3A_1266 = arith.constant 0 : i32
      %dma_start3A_1267 = tpu.memref_slice %arg12[%dma_start3A_1263, %dma_start3A_1264, %dma_start3A_1265, %dma_start3A_1266] : memref<3x4x32x128xf32, #tpu.memory_space<vmem>> -> memref<1x1x32x128xf32, #tpu.memory_space<vmem>>
      %dma_start3A_1268 = tpu.memref_squeeze %dma_start3A_1267 : memref<1x1x32x128xf32, #tpu.memory_space<vmem>> -> memref<32x128xf32, #tpu.memory_space<vmem>>
      %dma_start3A_1269 = arith.constant 0 : i32
      %dma_start3A_1270 = tpu.memref_slice %arg5[%dma_start3A_1269, %multiple_of3A_1248] : memref<32x1000000xf32, #tpu.memory_space<hbm>> -> memref<32x128xf32, #tpu.memory_space<hbm>>
      %dma_start3A_1271 = arith.constant 0 : i32
      %dma_start3A_1272 = arith.constant 0 : i32
      %dma_start3A_1273 = tpu.memref_slice %arg12[%dma_start3A_1263, %dma_start3A_1264, %dma_start3A_1271, %dma_start3A_1272] : memref<3x4x32x128xf32, #tpu.memory_space<vmem>> -> memref<1x1x32x128xf32, #tpu.memory_space<vmem>>
      %dma_start3A_1274 = tpu.memref_squeeze %dma_start3A_1273 : memref<1x1x32x128xf32, #tpu.memory_space<vmem>> -> memref<32x128xf32, #tpu.memory_space<vmem>>
      %dma_start3A_1275 = arith.constant 0 : i32
      %dma_start3A_1276 = tpu.memref_slice %arg5[%dma_start3A_1275, %multiple_of3A_1248] : memref<32x1000000xf32, #tpu.memory_space<hbm>> -> memref<32x128xf32, #tpu.memory_space<hbm>>
      tpu.enqueue_dma source(%dma_start3A_1276 : memref<32x128xf32, #tpu.memory_space<hbm>>) target(%dma_start3A_1274 : memref<32x128xf32, #tpu.memory_space<vmem>>) target_semaphore(%arg17 : memref<!tpu.dma_semaphore, #tpu.memory_space<semaphore_mem>>)
      %slice3A_1277 = vector.extract_strided_slice %get3A_32 {offsets = [2], sizes = [1], strides = [1]} : vector<16xi32> to vector<1xi32>
      %squeeze3A_1278 = vector.extract %slice3A_1277[0] : i32 from vector<1xi32>
      %shift_right_arithmetic3A_1279 = arith.constant 7 : i32
      %shift_right_arithmetic3A_1280 = arith.shrsi %squeeze3A_1278, %shift_right_arithmetic3A_1279 : i32
      %mul3A_1281 = arith.constant 128 : i32
      %mul3A_1282 = arith.muli %shift_right_arithmetic3A_1280, %mul3A_1281 : i32
      %multiple_of3A_1283 = tpu.assume_multiple %mul3A_1282, 128 : i32
      %slice3A_1284 = vector.extract_strided_slice %get3A_46 {offsets = [2], sizes = [1], strides = [1]} : vector<16xi32> to vector<1xi32>
      %squeeze3A_1285 = vector.extract %slice3A_1284[0] : i32 from vector<1xi32>
      %shift_right_arithmetic3A_1286 = arith.constant 7 : i32
      %shift_right_arithmetic3A_1287 = arith.shrsi %squeeze3A_1285, %shift_right_arithmetic3A_1286 : i32
      %mul3A_1288 = arith.constant 128 : i32
      %mul3A_1289 = arith.muli %shift_right_arithmetic3A_1287, %mul3A_1288 : i32
      %multiple_of3A_1290 = tpu.assume_multiple %mul3A_1289, 128 : i32
      %dma_start3A_1291 = arith.constant 1 : i32
      %dma_start3A_1292 = arith.constant 2 : i32
      %dma_start3A_1293 = arith.constant 0 : i32
      %dma_start3A_1294 = arith.constant 0 : i32
      %dma_start3A_1295 = tpu.memref_slice %arg11[%dma_start3A_1291, %dma_start3A_1292, %dma_start3A_1293, %dma_start3A_1294] : memref<3x4x32x128xf32, #tpu.memory_space<vmem>> -> memref<1x1x32x128xf32, #tpu.memory_space<vmem>>
      %dma_start3A_1296 = tpu.memref_squeeze %dma_start3A_1295 : memref<1x1x32x128xf32, #tpu.memory_space<vmem>> -> memref<32x128xf32, #tpu.memory_space<vmem>>
      %dma_start3A_1297 = arith.constant 0 : i32
      %dma_start3A_1298 = tpu.memref_slice %arg4[%dma_start3A_1297, %multiple_of3A_1283] : memref<32x1000000xf32, #tpu.memory_space<hbm>> -> memref<32x128xf32, #tpu.memory_space<hbm>>
      %dma_start3A_1299 = arith.constant 0 : i32
      %dma_start3A_1300 = arith.constant 0 : i32
      %dma_start3A_1301 = tpu.memref_slice %arg11[%dma_start3A_1291, %dma_start3A_1292, %dma_start3A_1299, %dma_start3A_1300] : memref<3x4x32x128xf32, #tpu.memory_space<vmem>> -> memref<1x1x32x128xf32, #tpu.memory_space<vmem>>
      %dma_start3A_1302 = tpu.memref_squeeze %dma_start3A_1301 : memref<1x1x32x128xf32, #tpu.memory_space<vmem>> -> memref<32x128xf32, #tpu.memory_space<vmem>>
      %dma_start3A_1303 = arith.constant 0 : i32
      %dma_start3A_1304 = tpu.memref_slice %arg4[%dma_start3A_1303, %multiple_of3A_1283] : memref<32x1000000xf32, #tpu.memory_space<hbm>> -> memref<32x128xf32, #tpu.memory_space<hbm>>
      tpu.enqueue_dma source(%dma_start3A_1304 : memref<32x128xf32, #tpu.memory_space<hbm>>) target(%dma_start3A_1302 : memref<32x128xf32, #tpu.memory_space<vmem>>) target_semaphore(%arg16 : memref<!tpu.dma_semaphore, #tpu.memory_space<semaphore_mem>>)
      %dma_start3A_1305 = arith.constant 1 : i32
      %dma_start3A_1306 = arith.constant 2 : i32
      %dma_start3A_1307 = arith.constant 0 : i32
      %dma_start3A_1308 = arith.constant 0 : i32
      %dma_start3A_1309 = tpu.memref_slice %arg12[%dma_start3A_1305, %dma_start3A_1306, %dma_start3A_1307, %dma_start3A_1308] : memref<3x4x32x128xf32, #tpu.memory_space<vmem>> -> memref<1x1x32x128xf32, #tpu.memory_space<vmem>>
      %dma_start3A_1310 = tpu.memref_squeeze %dma_start3A_1309 : memref<1x1x32x128xf32, #tpu.memory_space<vmem>> -> memref<32x128xf32, #tpu.memory_space<vmem>>
      %dma_start3A_1311 = arith.constant 0 : i32
      %dma_start3A_1312 = tpu.memref_slice %arg5[%dma_start3A_1311, %multiple_of3A_1290] : memref<32x1000000xf32, #tpu.memory_space<hbm>> -> memref<32x128xf32, #tpu.memory_space<hbm>>
      %dma_start3A_1313 = arith.constant 0 : i32
      %dma_start3A_1314 = arith.constant 0 : i32
      %dma_start3A_1315 = tpu.memref_slice %arg12[%dma_start3A_1305, %dma_start3A_1306, %dma_start3A_1313, %dma_start3A_1314] : memref<3x4x32x128xf32, #tpu.memory_space<vmem>> -> memref<1x1x32x128xf32, #tpu.memory_space<vmem>>
      %dma_start3A_1316 = tpu.memref_squeeze %dma_start3A_1315 : memref<1x1x32x128xf32, #tpu.memory_space<vmem>> -> memref<32x128xf32, #tpu.memory_space<vmem>>
      %dma_start3A_1317 = arith.constant 0 : i32
      %dma_start3A_1318 = tpu.memref_slice %arg5[%dma_start3A_1317, %multiple_of3A_1290] : memref<32x1000000xf32, #tpu.memory_space<hbm>> -> memref<32x128xf32, #tpu.memory_space<hbm>>
      tpu.enqueue_dma source(%dma_start3A_1318 : memref<32x128xf32, #tpu.memory_space<hbm>>) target(%dma_start3A_1316 : memref<32x128xf32, #tpu.memory_space<vmem>>) target_semaphore(%arg17 : memref<!tpu.dma_semaphore, #tpu.memory_space<semaphore_mem>>)
      %slice3A_1319 = vector.extract_strided_slice %get3A_32 {offsets = [3], sizes = [1], strides = [1]} : vector<16xi32> to vector<1xi32>
      %squeeze3A_1320 = vector.extract %slice3A_1319[0] : i32 from vector<1xi32>
      %shift_right_arithmetic3A_1321 = arith.constant 7 : i32
      %shift_right_arithmetic3A_1322 = arith.shrsi %squeeze3A_1320, %shift_right_arithmetic3A_1321 : i32
      %mul3A_1323 = arith.constant 128 : i32
      %mul3A_1324 = arith.muli %shift_right_arithmetic3A_1322, %mul3A_1323 : i32
      %multiple_of3A_1325 = tpu.assume_multiple %mul3A_1324, 128 : i32
      %slice3A_1326 = vector.extract_strided_slice %get3A_46 {offsets = [3], sizes = [1], strides = [1]} : vector<16xi32> to vector<1xi32>
      %squeeze3A_1327 = vector.extract %slice3A_1326[0] : i32 from vector<1xi32>
      %shift_right_arithmetic3A_1328 = arith.constant 7 : i32
      %shift_right_arithmetic3A_1329 = arith.shrsi %squeeze3A_1327, %shift_right_arithmetic3A_1328 : i32
      %mul3A_1330 = arith.constant 128 : i32
      %mul3A_1331 = arith.muli %shift_right_arithmetic3A_1329, %mul3A_1330 : i32
      %multiple_of3A_1332 = tpu.assume_multiple %mul3A_1331, 128 : i32
      %dma_start3A_1333 = arith.constant 1 : i32
      %dma_start3A_1334 = arith.constant 3 : i32
      %dma_start3A_1335 = arith.constant 0 : i32
      %dma_start3A_1336 = arith.constant 0 : i32
      %dma_start3A_1337 = tpu.memref_slice %arg11[%dma_start3A_1333, %dma_start3A_1334, %dma_start3A_1335, %dma_start3A_1336] : memref<3x4x32x128xf32, #tpu.memory_space<vmem>> -> memref<1x1x32x128xf32, #tpu.memory_space<vmem>>
      %dma_start3A_1338 = tpu.memref_squeeze %dma_start3A_1337 : memref<1x1x32x128xf32, #tpu.memory_space<vmem>> -> memref<32x128xf32, #tpu.memory_space<vmem>>
      %dma_start3A_1339 = arith.constant 0 : i32
      %dma_start3A_1340 = tpu.memref_slice %arg4[%dma_start3A_1339, %multiple_of3A_1325] : memref<32x1000000xf32, #tpu.memory_space<hbm>> -> memref<32x128xf32, #tpu.memory_space<hbm>>
      %dma_start3A_1341 = arith.constant 0 : i32
      %dma_start3A_1342 = arith.constant 0 : i32
      %dma_start3A_1343 = tpu.memref_slice %arg11[%dma_start3A_1333, %dma_start3A_1334, %dma_start3A_1341, %dma_start3A_1342] : memref<3x4x32x128xf32, #tpu.memory_space<vmem>> -> memref<1x1x32x128xf32, #tpu.memory_space<vmem>>
      %dma_start3A_1344 = tpu.memref_squeeze %dma_start3A_1343 : memref<1x1x32x128xf32, #tpu.memory_space<vmem>> -> memref<32x128xf32, #tpu.memory_space<vmem>>
      %dma_start3A_1345 = arith.constant 0 : i32
      %dma_start3A_1346 = tpu.memref_slice %arg4[%dma_start3A_1345, %multiple_of3A_1325] : memref<32x1000000xf32, #tpu.memory_space<hbm>> -> memref<32x128xf32, #tpu.memory_space<hbm>>
      tpu.enqueue_dma source(%dma_start3A_1346 : memref<32x128xf32, #tpu.memory_space<hbm>>) target(%dma_start3A_1344 : memref<32x128xf32, #tpu.memory_space<vmem>>) target_semaphore(%arg16 : memref<!tpu.dma_semaphore, #tpu.memory_space<semaphore_mem>>)
      %dma_start3A_1347 = arith.constant 1 : i32
      %dma_start3A_1348 = arith.constant 3 : i32
      %dma_start3A_1349 = arith.constant 0 : i32
      %dma_start3A_1350 = arith.constant 0 : i32
      %dma_start3A_1351 = tpu.memref_slice %arg12[%dma_start3A_1347, %dma_start3A_1348, %dma_start3A_1349, %dma_start3A_1350] : memref<3x4x32x128xf32, #tpu.memory_space<vmem>> -> memref<1x1x32x128xf32, #tpu.memory_space<vmem>>
      %dma_start3A_1352 = tpu.memref_squeeze %dma_start3A_1351 : memref<1x1x32x128xf32, #tpu.memory_space<vmem>> -> memref<32x128xf32, #tpu.memory_space<vmem>>
      %dma_start3A_1353 = arith.constant 0 : i32
      %dma_start3A_1354 = tpu.memref_slice %arg5[%dma_start3A_1353, %multiple_of3A_1332] : memref<32x1000000xf32, #tpu.memory_space<hbm>> -> memref<32x128xf32, #tpu.memory_space<hbm>>
      %dma_start3A_1355 = arith.constant 0 : i32
      %dma_start3A_1356 = arith.constant 0 : i32
      %dma_start3A_1357 = tpu.memref_slice %arg12[%dma_start3A_1347, %dma_start3A_1348, %dma_start3A_1355, %dma_start3A_1356] : memref<3x4x32x128xf32, #tpu.memory_space<vmem>> -> memref<1x1x32x128xf32, #tpu.memory_space<vmem>>
      %dma_start3A_1358 = tpu.memref_squeeze %dma_start3A_1357 : memref<1x1x32x128xf32, #tpu.memory_space<vmem>> -> memref<32x128xf32, #tpu.memory_space<vmem>>
      %dma_start3A_1359 = arith.constant 0 : i32
      %dma_start3A_1360 = tpu.memref_slice %arg5[%dma_start3A_1359, %multiple_of3A_1332] : memref<32x1000000xf32, #tpu.memory_space<hbm>> -> memref<32x128xf32, #tpu.memory_space<hbm>>
      tpu.enqueue_dma source(%dma_start3A_1360 : memref<32x128xf32, #tpu.memory_space<hbm>>) target(%dma_start3A_1358 : memref<32x128xf32, #tpu.memory_space<vmem>>) target_semaphore(%arg17 : memref<!tpu.dma_semaphore, #tpu.memory_space<semaphore_mem>>)
      %dma_wait3A_1361 = arith.constant 2 : i32
      %dma_wait3A_1362 = arith.constant 0 : i32
      %dma_wait3A_1363 = arith.constant 0 : i32
      %dma_wait3A_1364 = arith.constant 0 : i32
      %dma_wait3A_1365 = tpu.memref_slice %arg11[%dma_wait3A_1361, %dma_wait3A_1362, %dma_wait3A_1363, %dma_wait3A_1364] : memref<3x4x32x128xf32, #tpu.memory_space<vmem>> -> memref<1x1x32x128xf32, #tpu.memory_space<vmem>>
      %dma_wait3A_1366 = tpu.memref_squeeze %dma_wait3A_1365 : memref<1x1x32x128xf32, #tpu.memory_space<vmem>> -> memref<32x128xf32, #tpu.memory_space<vmem>>
      %dma_wait3A_1367 = arith.constant 0 : i32
      %dma_wait3A_1368 = tpu.memref_slice %arg4[%dma_wait3A_1367, %multiple_of3A_389] : memref<32x1000000xf32, #tpu.memory_space<hbm>> -> memref<32x128xf32, #tpu.memory_space<hbm>>
      %dma_wait3A_1369 = arith.constant 0 : i32
      %dma_wait3A_1370 = arith.constant 0 : i32
      %dma_wait3A_1371 = tpu.memref_slice %arg11[%dma_wait3A_1361, %dma_wait3A_1362, %dma_wait3A_1369, %dma_wait3A_1370] : memref<3x4x32x128xf32, #tpu.memory_space<vmem>> -> memref<1x1x32x128xf32, #tpu.memory_space<vmem>>
      %dma_wait3A_1372 = tpu.memref_squeeze %dma_wait3A_1371 : memref<1x1x32x128xf32, #tpu.memory_space<vmem>> -> memref<32x128xf32, #tpu.memory_space<vmem>>
      %dma_wait3A_1373 = arith.constant 0 : i32
      %dma_wait3A_1374 = tpu.memref_slice %arg4[%dma_wait3A_1373, %multiple_of3A_389] : memref<32x1000000xf32, #tpu.memory_space<hbm>> -> memref<32x128xf32, #tpu.memory_space<hbm>>
      tpu.wait_dma2 semaphore(%arg16 : memref<!tpu.dma_semaphore, #tpu.memory_space<semaphore_mem>>) src(%dma_wait3A_1374 : memref<32x128xf32, #tpu.memory_space<hbm>>) dst(%dma_wait3A_1372 : memref<32x128xf32, #tpu.memory_space<vmem>>)
      %dma_wait3A_1375 = arith.constant 2 : i32
      %dma_wait3A_1376 = arith.constant 0 : i32
      %dma_wait3A_1377 = arith.constant 0 : i32
      %dma_wait3A_1378 = arith.constant 0 : i32
      %dma_wait3A_1379 = tpu.memref_slice %arg12[%dma_wait3A_1375, %dma_wait3A_1376, %dma_wait3A_1377, %dma_wait3A_1378] : memref<3x4x32x128xf32, #tpu.memory_space<vmem>> -> memref<1x1x32x128xf32, #tpu.memory_space<vmem>>
      %dma_wait3A_1380 = tpu.memref_squeeze %dma_wait3A_1379 : memref<1x1x32x128xf32, #tpu.memory_space<vmem>> -> memref<32x128xf32, #tpu.memory_space<vmem>>
      %dma_wait3A_1381 = arith.constant 0 : i32
      %dma_wait3A_1382 = tpu.memref_slice %arg5[%dma_wait3A_1381, %multiple_of3A_396] : memref<32x1000000xf32, #tpu.memory_space<hbm>> -> memref<32x128xf32, #tpu.memory_space<hbm>>
      %dma_wait3A_1383 = arith.constant 0 : i32
      %dma_wait3A_1384 = arith.constant 0 : i32
      %dma_wait3A_1385 = tpu.memref_slice %arg12[%dma_wait3A_1375, %dma_wait3A_1376, %dma_wait3A_1383, %dma_wait3A_1384] : memref<3x4x32x128xf32, #tpu.memory_space<vmem>> -> memref<1x1x32x128xf32, #tpu.memory_space<vmem>>
      %dma_wait3A_1386 = tpu.memref_squeeze %dma_wait3A_1385 : memref<1x1x32x128xf32, #tpu.memory_space<vmem>> -> memref<32x128xf32, #tpu.memory_space<vmem>>
      %dma_wait3A_1387 = arith.constant 0 : i32
      %dma_wait3A_1388 = tpu.memref_slice %arg5[%dma_wait3A_1387, %multiple_of3A_396] : memref<32x1000000xf32, #tpu.memory_space<hbm>> -> memref<32x128xf32, #tpu.memory_space<hbm>>
      tpu.wait_dma2 semaphore(%arg17 : memref<!tpu.dma_semaphore, #tpu.memory_space<semaphore_mem>>) src(%dma_wait3A_1388 : memref<32x128xf32, #tpu.memory_space<hbm>>) dst(%dma_wait3A_1386 : memref<32x128xf32, #tpu.memory_space<vmem>>)
      %dma_wait3A_1389 = arith.constant 2 : i32
      %dma_wait3A_1390 = arith.constant 1 : i32
      %dma_wait3A_1391 = arith.constant 0 : i32
      %dma_wait3A_1392 = arith.constant 0 : i32
      %dma_wait3A_1393 = tpu.memref_slice %arg11[%dma_wait3A_1389, %dma_wait3A_1390, %dma_wait3A_1391, %dma_wait3A_1392] : memref<3x4x32x128xf32, #tpu.memory_space<vmem>> -> memref<1x1x32x128xf32, #tpu.memory_space<vmem>>
      %dma_wait3A_1394 = tpu.memref_squeeze %dma_wait3A_1393 : memref<1x1x32x128xf32, #tpu.memory_space<vmem>> -> memref<32x128xf32, #tpu.memory_space<vmem>>
      %dma_wait3A_1395 = arith.constant 0 : i32
      %dma_wait3A_1396 = tpu.memref_slice %arg4[%dma_wait3A_1395, %multiple_of3A_431] : memref<32x1000000xf32, #tpu.memory_space<hbm>> -> memref<32x128xf32, #tpu.memory_space<hbm>>
      %dma_wait3A_1397 = arith.constant 0 : i32
      %dma_wait3A_1398 = arith.constant 0 : i32
      %dma_wait3A_1399 = tpu.memref_slice %arg11[%dma_wait3A_1389, %dma_wait3A_1390, %dma_wait3A_1397, %dma_wait3A_1398] : memref<3x4x32x128xf32, #tpu.memory_space<vmem>> -> memref<1x1x32x128xf32, #tpu.memory_space<vmem>>
      %dma_wait3A_1400 = tpu.memref_squeeze %dma_wait3A_1399 : memref<1x1x32x128xf32, #tpu.memory_space<vmem>> -> memref<32x128xf32, #tpu.memory_space<vmem>>
      %dma_wait3A_1401 = arith.constant 0 : i32
      %dma_wait3A_1402 = tpu.memref_slice %arg4[%dma_wait3A_1401, %multiple_of3A_431] : memref<32x1000000xf32, #tpu.memory_space<hbm>> -> memref<32x128xf32, #tpu.memory_space<hbm>>
      tpu.wait_dma2 semaphore(%arg16 : memref<!tpu.dma_semaphore, #tpu.memory_space<semaphore_mem>>) src(%dma_wait3A_1402 : memref<32x128xf32, #tpu.memory_space<hbm>>) dst(%dma_wait3A_1400 : memref<32x128xf32, #tpu.memory_space<vmem>>)
      %dma_wait3A_1403 = arith.constant 2 : i32
      %dma_wait3A_1404 = arith.constant 1 : i32
      %dma_wait3A_1405 = arith.constant 0 : i32
      %dma_wait3A_1406 = arith.constant 0 : i32
      %dma_wait3A_1407 = tpu.memref_slice %arg12[%dma_wait3A_1403, %dma_wait3A_1404, %dma_wait3A_1405, %dma_wait3A_1406] : memref<3x4x32x128xf32, #tpu.memory_space<vmem>> -> memref<1x1x32x128xf32, #tpu.memory_space<vmem>>
      %dma_wait3A_1408 = tpu.memref_squeeze %dma_wait3A_1407 : memref<1x1x32x128xf32, #tpu.memory_space<vmem>> -> memref<32x128xf32, #tpu.memory_space<vmem>>
      %dma_wait3A_1409 = arith.constant 0 : i32
      %dma_wait3A_1410 = tpu.memref_slice %arg5[%dma_wait3A_1409, %multiple_of3A_438] : memref<32x1000000xf32, #tpu.memory_space<hbm>> -> memref<32x128xf32, #tpu.memory_space<hbm>>
      %dma_wait3A_1411 = arith.constant 0 : i32
      %dma_wait3A_1412 = arith.constant 0 : i32
      %dma_wait3A_1413 = tpu.memref_slice %arg12[%dma_wait3A_1403, %dma_wait3A_1404, %dma_wait3A_1411, %dma_wait3A_1412] : memref<3x4x32x128xf32, #tpu.memory_space<vmem>> -> memref<1x1x32x128xf32, #tpu.memory_space<vmem>>
      %dma_wait3A_1414 = tpu.memref_squeeze %dma_wait3A_1413 : memref<1x1x32x128xf32, #tpu.memory_space<vmem>> -> memref<32x128xf32, #tpu.memory_space<vmem>>
      %dma_wait3A_1415 = arith.constant 0 : i32
      %dma_wait3A_1416 = tpu.memref_slice %arg5[%dma_wait3A_1415, %multiple_of3A_438] : memref<32x1000000xf32, #tpu.memory_space<hbm>> -> memref<32x128xf32, #tpu.memory_space<hbm>>
      tpu.wait_dma2 semaphore(%arg17 : memref<!tpu.dma_semaphore, #tpu.memory_space<semaphore_mem>>) src(%dma_wait3A_1416 : memref<32x128xf32, #tpu.memory_space<hbm>>) dst(%dma_wait3A_1414 : memref<32x128xf32, #tpu.memory_space<vmem>>)
      %dma_wait3A_1417 = arith.constant 2 : i32
      %dma_wait3A_1418 = arith.constant 2 : i32
      %dma_wait3A_1419 = arith.constant 0 : i32
      %dma_wait3A_1420 = arith.constant 0 : i32
      %dma_wait3A_1421 = tpu.memref_slice %arg11[%dma_wait3A_1417, %dma_wait3A_1418, %dma_wait3A_1419, %dma_wait3A_1420] : memref<3x4x32x128xf32, #tpu.memory_space<vmem>> -> memref<1x1x32x128xf32, #tpu.memory_space<vmem>>
      %dma_wait3A_1422 = tpu.memref_squeeze %dma_wait3A_1421 : memref<1x1x32x128xf32, #tpu.memory_space<vmem>> -> memref<32x128xf32, #tpu.memory_space<vmem>>
      %dma_wait3A_1423 = arith.constant 0 : i32
      %dma_wait3A_1424 = tpu.memref_slice %arg4[%dma_wait3A_1423, %multiple_of3A_473] : memref<32x1000000xf32, #tpu.memory_space<hbm>> -> memref<32x128xf32, #tpu.memory_space<hbm>>
      %dma_wait3A_1425 = arith.constant 0 : i32
      %dma_wait3A_1426 = arith.constant 0 : i32
      %dma_wait3A_1427 = tpu.memref_slice %arg11[%dma_wait3A_1417, %dma_wait3A_1418, %dma_wait3A_1425, %dma_wait3A_1426] : memref<3x4x32x128xf32, #tpu.memory_space<vmem>> -> memref<1x1x32x128xf32, #tpu.memory_space<vmem>>
      %dma_wait3A_1428 = tpu.memref_squeeze %dma_wait3A_1427 : memref<1x1x32x128xf32, #tpu.memory_space<vmem>> -> memref<32x128xf32, #tpu.memory_space<vmem>>
      %dma_wait3A_1429 = arith.constant 0 : i32
      %dma_wait3A_1430 = tpu.memref_slice %arg4[%dma_wait3A_1429, %multiple_of3A_473] : memref<32x1000000xf32, #tpu.memory_space<hbm>> -> memref<32x128xf32, #tpu.memory_space<hbm>>
      tpu.wait_dma2 semaphore(%arg16 : memref<!tpu.dma_semaphore, #tpu.memory_space<semaphore_mem>>) src(%dma_wait3A_1430 : memref<32x128xf32, #tpu.memory_space<hbm>>) dst(%dma_wait3A_1428 : memref<32x128xf32, #tpu.memory_space<vmem>>)
      %dma_wait3A_1431 = arith.constant 2 : i32
      %dma_wait3A_1432 = arith.constant 2 : i32
      %dma_wait3A_1433 = arith.constant 0 : i32
      %dma_wait3A_1434 = arith.constant 0 : i32
      %dma_wait3A_1435 = tpu.memref_slice %arg12[%dma_wait3A_1431, %dma_wait3A_1432, %dma_wait3A_1433, %dma_wait3A_1434] : memref<3x4x32x128xf32, #tpu.memory_space<vmem>> -> memref<1x1x32x128xf32, #tpu.memory_space<vmem>>
      %dma_wait3A_1436 = tpu.memref_squeeze %dma_wait3A_1435 : memref<1x1x32x128xf32, #tpu.memory_space<vmem>> -> memref<32x128xf32, #tpu.memory_space<vmem>>
      %dma_wait3A_1437 = arith.constant 0 : i32
      %dma_wait3A_1438 = tpu.memref_slice %arg5[%dma_wait3A_1437, %multiple_of3A_480] : memref<32x1000000xf32, #tpu.memory_space<hbm>> -> memref<32x128xf32, #tpu.memory_space<hbm>>
      %dma_wait3A_1439 = arith.constant 0 : i32
      %dma_wait3A_1440 = arith.constant 0 : i32
      %dma_wait3A_1441 = tpu.memref_slice %arg12[%dma_wait3A_1431, %dma_wait3A_1432, %dma_wait3A_1439, %dma_wait3A_1440] : memref<3x4x32x128xf32, #tpu.memory_space<vmem>> -> memref<1x1x32x128xf32, #tpu.memory_space<vmem>>
      %dma_wait3A_1442 = tpu.memref_squeeze %dma_wait3A_1441 : memref<1x1x32x128xf32, #tpu.memory_space<vmem>> -> memref<32x128xf32, #tpu.memory_space<vmem>>
      %dma_wait3A_1443 = arith.constant 0 : i32
      %dma_wait3A_1444 = tpu.memref_slice %arg5[%dma_wait3A_1443, %multiple_of3A_480] : memref<32x1000000xf32, #tpu.memory_space<hbm>> -> memref<32x128xf32, #tpu.memory_space<hbm>>
      tpu.wait_dma2 semaphore(%arg17 : memref<!tpu.dma_semaphore, #tpu.memory_space<semaphore_mem>>) src(%dma_wait3A_1444 : memref<32x128xf32, #tpu.memory_space<hbm>>) dst(%dma_wait3A_1442 : memref<32x128xf32, #tpu.memory_space<vmem>>)
      %dma_wait3A_1445 = arith.constant 2 : i32
      %dma_wait3A_1446 = arith.constant 3 : i32
      %dma_wait3A_1447 = arith.constant 0 : i32
      %dma_wait3A_1448 = arith.constant 0 : i32
      %dma_wait3A_1449 = tpu.memref_slice %arg11[%dma_wait3A_1445, %dma_wait3A_1446, %dma_wait3A_1447, %dma_wait3A_1448] : memref<3x4x32x128xf32, #tpu.memory_space<vmem>> -> memref<1x1x32x128xf32, #tpu.memory_space<vmem>>
      %dma_wait3A_1450 = tpu.memref_squeeze %dma_wait3A_1449 : memref<1x1x32x128xf32, #tpu.memory_space<vmem>> -> memref<32x128xf32, #tpu.memory_space<vmem>>
      %dma_wait3A_1451 = arith.constant 0 : i32
      %dma_wait3A_1452 = tpu.memref_slice %arg4[%dma_wait3A_1451, %multiple_of3A_515] : memref<32x1000000xf32, #tpu.memory_space<hbm>> -> memref<32x128xf32, #tpu.memory_space<hbm>>
      %dma_wait3A_1453 = arith.constant 0 : i32
      %dma_wait3A_1454 = arith.constant 0 : i32
      %dma_wait3A_1455 = tpu.memref_slice %arg11[%dma_wait3A_1445, %dma_wait3A_1446, %dma_wait3A_1453, %dma_wait3A_1454] : memref<3x4x32x128xf32, #tpu.memory_space<vmem>> -> memref<1x1x32x128xf32, #tpu.memory_space<vmem>>
      %dma_wait3A_1456 = tpu.memref_squeeze %dma_wait3A_1455 : memref<1x1x32x128xf32, #tpu.memory_space<vmem>> -> memref<32x128xf32, #tpu.memory_space<vmem>>
      %dma_wait3A_1457 = arith.constant 0 : i32
      %dma_wait3A_1458 = tpu.memref_slice %arg4[%dma_wait3A_1457, %multiple_of3A_515] : memref<32x1000000xf32, #tpu.memory_space<hbm>> -> memref<32x128xf32, #tpu.memory_space<hbm>>
      tpu.wait_dma2 semaphore(%arg16 : memref<!tpu.dma_semaphore, #tpu.memory_space<semaphore_mem>>) src(%dma_wait3A_1458 : memref<32x128xf32, #tpu.memory_space<hbm>>) dst(%dma_wait3A_1456 : memref<32x128xf32, #tpu.memory_space<vmem>>)
      %dma_wait3A_1459 = arith.constant 2 : i32
      %dma_wait3A_1460 = arith.constant 3 : i32
      %dma_wait3A_1461 = arith.constant 0 : i32
      %dma_wait3A_1462 = arith.constant 0 : i32
      %dma_wait3A_1463 = tpu.memref_slice %arg12[%dma_wait3A_1459, %dma_wait3A_1460, %dma_wait3A_1461, %dma_wait3A_1462] : memref<3x4x32x128xf32, #tpu.memory_space<vmem>> -> memref<1x1x32x128xf32, #tpu.memory_space<vmem>>
      %dma_wait3A_1464 = tpu.memref_squeeze %dma_wait3A_1463 : memref<1x1x32x128xf32, #tpu.memory_space<vmem>> -> memref<32x128xf32, #tpu.memory_space<vmem>>
      %dma_wait3A_1465 = arith.constant 0 : i32
      %dma_wait3A_1466 = tpu.memref_slice %arg5[%dma_wait3A_1465, %multiple_of3A_522] : memref<32x1000000xf32, #tpu.memory_space<hbm>> -> memref<32x128xf32, #tpu.memory_space<hbm>>
      %dma_wait3A_1467 = arith.constant 0 : i32
      %dma_wait3A_1468 = arith.constant 0 : i32
      %dma_wait3A_1469 = tpu.memref_slice %arg12[%dma_wait3A_1459, %dma_wait3A_1460, %dma_wait3A_1467, %dma_wait3A_1468] : memref<3x4x32x128xf32, #tpu.memory_space<vmem>> -> memref<1x1x32x128xf32, #tpu.memory_space<vmem>>
      %dma_wait3A_1470 = tpu.memref_squeeze %dma_wait3A_1469 : memref<1x1x32x128xf32, #tpu.memory_space<vmem>> -> memref<32x128xf32, #tpu.memory_space<vmem>>
      %dma_wait3A_1471 = arith.constant 0 : i32
      %dma_wait3A_1472 = tpu.memref_slice %arg5[%dma_wait3A_1471, %multiple_of3A_522] : memref<32x1000000xf32, #tpu.memory_space<hbm>> -> memref<32x128xf32, #tpu.memory_space<hbm>>
      tpu.wait_dma2 semaphore(%arg17 : memref<!tpu.dma_semaphore, #tpu.memory_space<semaphore_mem>>) src(%dma_wait3A_1472 : memref<32x128xf32, #tpu.memory_space<hbm>>) dst(%dma_wait3A_1470 : memref<32x128xf32, #tpu.memory_space<vmem>>)
      %slice3A_1473 = vector.extract_strided_slice %get3A_24 {offsets = [8], sizes = [1], strides = [1]} : vector<16xi32> to vector<1xi32>
      %squeeze3A_1474 = vector.extract %slice3A_1473[0] : i32 from vector<1xi32>
      %and3A_1475 = arith.constant 127 : i32
      %and3A_1476 = arith.andi %squeeze3A_1474, %and3A_1475 : i32
      %broadcast_in_dim3A_1477 = vector.broadcast %and3A_1476 : i32 to vector<16xi32>
      %slice3A_1478 = vector.extract_strided_slice %get3A_38 {offsets = [8], sizes = [1], strides = [1]} : vector<16xi32> to vector<1xi32>
      %squeeze3A_1479 = vector.extract %slice3A_1478[0] : i32 from vector<1xi32>
      %and3A_1480 = arith.constant 127 : i32
      %and3A_1481 = arith.andi %squeeze3A_1479, %and3A_1480 : i32
      %broadcast_in_dim3A_1482 = vector.broadcast %and3A_1481 : i32 to vector<16xi32>
      %broadcast_in_dim3A_1483 = arith.constant 2 : i32
      %broadcast_in_dim3A_1484 = vector.broadcast %broadcast_in_dim3A_1483 : i32 to vector<16xi32>
      %broadcast_in_dim3A_1485 = arith.constant 0 : i32
      %broadcast_in_dim3A_1486 = vector.broadcast %broadcast_in_dim3A_1485 : i32 to vector<16xi32>
      %gather3A_1487 = tpu.vector_load_idx %arg11[%broadcast_in_dim3A_1484, %broadcast_in_dim3A_1486, %iota3A, %broadcast_in_dim3A_1477] : memref<3x4x32x128xf32, #tpu.memory_space<vmem>>[vector<16xi32>, vector<16xi32>, vector<16xi32>, vector<16xi32>], vector<16xf32>,
      %gather3A_1488 = tpu.vector_load_idx %arg11[%broadcast_in_dim3A_1484, %broadcast_in_dim3A_1486, %add3A_10, %broadcast_in_dim3A_1477] : memref<3x4x32x128xf32, #tpu.memory_space<vmem>>[vector<16xi32>, vector<16xi32>, vector<16xi32>, vector<16xi32>], vector<16xf32>,
      %gather3A_1489 = tpu.vector_load_idx %arg12[%broadcast_in_dim3A_1484, %broadcast_in_dim3A_1486, %iota3A, %broadcast_in_dim3A_1482] : memref<3x4x32x128xf32, #tpu.memory_space<vmem>>[vector<16xi32>, vector<16xi32>, vector<16xi32>, vector<16xi32>], vector<16xf32>,
      %gather3A_1490 = tpu.vector_load_idx %arg12[%broadcast_in_dim3A_1484, %broadcast_in_dim3A_1486, %add3A_10, %broadcast_in_dim3A_1482] : memref<3x4x32x128xf32, #tpu.memory_space<vmem>>[vector<16xi32>, vector<16xi32>, vector<16xi32>, vector<16xi32>], vector<16xf32>,
      %mul3A_1491 = arith.mulf %gather3A_1487, %gather3A_1489 : vector<16xf32>
      %mul3A_1492 = arith.mulf %mul3A_1491, %get3A_5 : vector<16xf32>
      %mul3A_1493 = arith.mulf %gather3A_1488, %gather3A_1490 : vector<16xf32>
      %mul3A_1494 = arith.mulf %mul3A_1493, %get3A_7 : vector<16xf32>
      %add3A_1495 = arith.addf %mul3A_1492, %mul3A_1494 : vector<16xf32>
      %reduce_sum3A_1496 = arith.constant true
      %reduce_sum3A_1497 = vector.broadcast %reduce_sum3A_1496 : i1 to vector<16xi1>
      %reduce_sum3A_1498 = tpu.scan <sum>, %add3A_1495 masked %reduce_sum3A_1497 : vector<16xf32>, vector<16xi1> -> vector<16xf32>
      %reduce_sum3A_1499 = vector.extract %reduce_sum3A_1498[15] : f32 from vector<16xf32>
      %eq3A_1500 = arith.constant 8 : i32
      %eq3A_1501 = vector.broadcast %eq3A_1500 : i32 to vector<16xi32>
      %eq3A_1502 = arith.cmpi eq, %iota3A, %eq3A_1501 : vector<16xi32>
      %broadcast_in_dim3A_1503 = vector.broadcast %reduce_sum3A_1499 : f32 to vector<16xf32>
      %select_n3A_1504 = arith.select %eq3A_1502, %broadcast_in_dim3A_1503, %select_n3A_1192 : vector<16xi1>, vector<16xf32>
      %slice3A_1505 = vector.extract_strided_slice %get3A_24 {offsets = [9], sizes = [1], strides = [1]} : vector<16xi32> to vector<1xi32>
      %squeeze3A_1506 = vector.extract %slice3A_1505[0] : i32 from vector<1xi32>
      %and3A_1507 = arith.constant 127 : i32
      %and3A_1508 = arith.andi %squeeze3A_1506, %and3A_1507 : i32
      %broadcast_in_dim3A_1509 = vector.broadcast %and3A_1508 : i32 to vector<16xi32>
      %slice3A_1510 = vector.extract_strided_slice %get3A_38 {offsets = [9], sizes = [1], strides = [1]} : vector<16xi32> to vector<1xi32>
      %squeeze3A_1511 = vector.extract %slice3A_1510[0] : i32 from vector<1xi32>
      %and3A_1512 = arith.constant 127 : i32
      %and3A_1513 = arith.andi %squeeze3A_1511, %and3A_1512 : i32
      %broadcast_in_dim3A_1514 = vector.broadcast %and3A_1513 : i32 to vector<16xi32>
      %broadcast_in_dim3A_1515 = arith.constant 2 : i32
      %broadcast_in_dim3A_1516 = vector.broadcast %broadcast_in_dim3A_1515 : i32 to vector<16xi32>
      %broadcast_in_dim3A_1517 = arith.constant 1 : i32
      %broadcast_in_dim3A_1518 = vector.broadcast %broadcast_in_dim3A_1517 : i32 to vector<16xi32>
      %gather3A_1519 = tpu.vector_load_idx %arg11[%broadcast_in_dim3A_1516, %broadcast_in_dim3A_1518, %iota3A, %broadcast_in_dim3A_1509] : memref<3x4x32x128xf32, #tpu.memory_space<vmem>>[vector<16xi32>, vector<16xi32>, vector<16xi32>, vector<16xi32>], vector<16xf32>,
      %gather3A_1520 = tpu.vector_load_idx %arg11[%broadcast_in_dim3A_1516, %broadcast_in_dim3A_1518, %add3A_10, %broadcast_in_dim3A_1509] : memref<3x4x32x128xf32, #tpu.memory_space<vmem>>[vector<16xi32>, vector<16xi32>, vector<16xi32>, vector<16xi32>], vector<16xf32>,
      %gather3A_1521 = tpu.vector_load_idx %arg12[%broadcast_in_dim3A_1516, %broadcast_in_dim3A_1518, %iota3A, %broadcast_in_dim3A_1514] : memref<3x4x32x128xf32, #tpu.memory_space<vmem>>[vector<16xi32>, vector<16xi32>, vector<16xi32>, vector<16xi32>], vector<16xf32>,
      %gather3A_1522 = tpu.vector_load_idx %arg12[%broadcast_in_dim3A_1516, %broadcast_in_dim3A_1518, %add3A_10, %broadcast_in_dim3A_1514] : memref<3x4x32x128xf32, #tpu.memory_space<vmem>>[vector<16xi32>, vector<16xi32>, vector<16xi32>, vector<16xi32>], vector<16xf32>,
      %mul3A_1523 = arith.mulf %gather3A_1519, %gather3A_1521 : vector<16xf32>
      %mul3A_1524 = arith.mulf %mul3A_1523, %get3A_5 : vector<16xf32>
      %mul3A_1525 = arith.mulf %gather3A_1520, %gather3A_1522 : vector<16xf32>
      %mul3A_1526 = arith.mulf %mul3A_1525, %get3A_7 : vector<16xf32>
      %add3A_1527 = arith.addf %mul3A_1524, %mul3A_1526 : vector<16xf32>
      %reduce_sum3A_1528 = arith.constant true
      %reduce_sum3A_1529 = vector.broadcast %reduce_sum3A_1528 : i1 to vector<16xi1>
      %reduce_sum3A_1530 = tpu.scan <sum>, %add3A_1527 masked %reduce_sum3A_1529 : vector<16xf32>, vector<16xi1> -> vector<16xf32>
      %reduce_sum3A_1531 = vector.extract %reduce_sum3A_1530[15] : f32 from vector<16xf32>
      %eq3A_1532 = arith.constant 9 : i32
      %eq3A_1533 = vector.broadcast %eq3A_1532 : i32 to vector<16xi32>
      %eq3A_1534 = arith.cmpi eq, %iota3A, %eq3A_1533 : vector<16xi32>
      %broadcast_in_dim3A_1535 = vector.broadcast %reduce_sum3A_1531 : f32 to vector<16xf32>
      %select_n3A_1536 = arith.select %eq3A_1534, %broadcast_in_dim3A_1535, %select_n3A_1504 : vector<16xi1>, vector<16xf32>
      %slice3A_1537 = vector.extract_strided_slice %get3A_24 {offsets = [10], sizes = [1], strides = [1]} : vector<16xi32> to vector<1xi32>
      %squeeze3A_1538 = vector.extract %slice3A_1537[0] : i32 from vector<1xi32>
      %and3A_1539 = arith.constant 127 : i32
      %and3A_1540 = arith.andi %squeeze3A_1538, %and3A_1539 : i32
      %broadcast_in_dim3A_1541 = vector.broadcast %and3A_1540 : i32 to vector<16xi32>
      %slice3A_1542 = vector.extract_strided_slice %get3A_38 {offsets = [10], sizes = [1], strides = [1]} : vector<16xi32> to vector<1xi32>
      %squeeze3A_1543 = vector.extract %slice3A_1542[0] : i32 from vector<1xi32>
      %and3A_1544 = arith.constant 127 : i32
      %and3A_1545 = arith.andi %squeeze3A_1543, %and3A_1544 : i32
      %broadcast_in_dim3A_1546 = vector.broadcast %and3A_1545 : i32 to vector<16xi32>
      %broadcast_in_dim3A_1547 = arith.constant 2 : i32
      %broadcast_in_dim3A_1548 = vector.broadcast %broadcast_in_dim3A_1547 : i32 to vector<16xi32>
      %broadcast_in_dim3A_1549 = arith.constant 2 : i32
      %broadcast_in_dim3A_1550 = vector.broadcast %broadcast_in_dim3A_1549 : i32 to vector<16xi32>
      %gather3A_1551 = tpu.vector_load_idx %arg11[%broadcast_in_dim3A_1548, %broadcast_in_dim3A_1550, %iota3A, %broadcast_in_dim3A_1541] : memref<3x4x32x128xf32, #tpu.memory_space<vmem>>[vector<16xi32>, vector<16xi32>, vector<16xi32>, vector<16xi32>], vector<16xf32>,
      %gather3A_1552 = tpu.vector_load_idx %arg11[%broadcast_in_dim3A_1548, %broadcast_in_dim3A_1550, %add3A_10, %broadcast_in_dim3A_1541] : memref<3x4x32x128xf32, #tpu.memory_space<vmem>>[vector<16xi32>, vector<16xi32>, vector<16xi32>, vector<16xi32>], vector<16xf32>,
      %gather3A_1553 = tpu.vector_load_idx %arg12[%broadcast_in_dim3A_1548, %broadcast_in_dim3A_1550, %iota3A, %broadcast_in_dim3A_1546] : memref<3x4x32x128xf32, #tpu.memory_space<vmem>>[vector<16xi32>, vector<16xi32>, vector<16xi32>, vector<16xi32>], vector<16xf32>,
      %gather3A_1554 = tpu.vector_load_idx %arg12[%broadcast_in_dim3A_1548, %broadcast_in_dim3A_1550, %add3A_10, %broadcast_in_dim3A_1546] : memref<3x4x32x128xf32, #tpu.memory_space<vmem>>[vector<16xi32>, vector<16xi32>, vector<16xi32>, vector<16xi32>], vector<16xf32>,
      %mul3A_1555 = arith.mulf %gather3A_1551, %gather3A_1553 : vector<16xf32>
      %mul3A_1556 = arith.mulf %mul3A_1555, %get3A_5 : vector<16xf32>
      %mul3A_1557 = arith.mulf %gather3A_1552, %gather3A_1554 : vector<16xf32>
      %mul3A_1558 = arith.mulf %mul3A_1557, %get3A_7 : vector<16xf32>
      %add3A_1559 = arith.addf %mul3A_1556, %mul3A_1558 : vector<16xf32>
      %reduce_sum3A_1560 = arith.constant true
      %reduce_sum3A_1561 = vector.broadcast %reduce_sum3A_1560 : i1 to vector<16xi1>
      %reduce_sum3A_1562 = tpu.scan <sum>, %add3A_1559 masked %reduce_sum3A_1561 : vector<16xf32>, vector<16xi1> -> vector<16xf32>
      %reduce_sum3A_1563 = vector.extract %reduce_sum3A_1562[15] : f32 from vector<16xf32>
      %eq3A_1564 = arith.constant 10 : i32
      %eq3A_1565 = vector.broadcast %eq3A_1564 : i32 to vector<16xi32>
      %eq3A_1566 = arith.cmpi eq, %iota3A, %eq3A_1565 : vector<16xi32>
      %broadcast_in_dim3A_1567 = vector.broadcast %reduce_sum3A_1563 : f32 to vector<16xf32>
      %select_n3A_1568 = arith.select %eq3A_1566, %broadcast_in_dim3A_1567, %select_n3A_1536 : vector<16xi1>, vector<16xf32>
      %slice3A_1569 = vector.extract_strided_slice %get3A_24 {offsets = [11], sizes = [1], strides = [1]} : vector<16xi32> to vector<1xi32>
      %squeeze3A_1570 = vector.extract %slice3A_1569[0] : i32 from vector<1xi32>
      %and3A_1571 = arith.constant 127 : i32
      %and3A_1572 = arith.andi %squeeze3A_1570, %and3A_1571 : i32
      %broadcast_in_dim3A_1573 = vector.broadcast %and3A_1572 : i32 to vector<16xi32>
      %slice3A_1574 = vector.extract_strided_slice %get3A_38 {offsets = [11], sizes = [1], strides = [1]} : vector<16xi32> to vector<1xi32>
      %squeeze3A_1575 = vector.extract %slice3A_1574[0] : i32 from vector<1xi32>
      %and3A_1576 = arith.constant 127 : i32
      %and3A_1577 = arith.andi %squeeze3A_1575, %and3A_1576 : i32
      %broadcast_in_dim3A_1578 = vector.broadcast %and3A_1577 : i32 to vector<16xi32>
      %broadcast_in_dim3A_1579 = arith.constant 2 : i32
      %broadcast_in_dim3A_1580 = vector.broadcast %broadcast_in_dim3A_1579 : i32 to vector<16xi32>
      %broadcast_in_dim3A_1581 = arith.constant 3 : i32
      %broadcast_in_dim3A_1582 = vector.broadcast %broadcast_in_dim3A_1581 : i32 to vector<16xi32>
      %gather3A_1583 = tpu.vector_load_idx %arg11[%broadcast_in_dim3A_1580, %broadcast_in_dim3A_1582, %iota3A, %broadcast_in_dim3A_1573] : memref<3x4x32x128xf32, #tpu.memory_space<vmem>>[vector<16xi32>, vector<16xi32>, vector<16xi32>, vector<16xi32>], vector<16xf32>,
      %gather3A_1584 = tpu.vector_load_idx %arg11[%broadcast_in_dim3A_1580, %broadcast_in_dim3A_1582, %add3A_10, %broadcast_in_dim3A_1573] : memref<3x4x32x128xf32, #tpu.memory_space<vmem>>[vector<16xi32>, vector<16xi32>, vector<16xi32>, vector<16xi32>], vector<16xf32>,
      %gather3A_1585 = tpu.vector_load_idx %arg12[%broadcast_in_dim3A_1580, %broadcast_in_dim3A_1582, %iota3A, %broadcast_in_dim3A_1578] : memref<3x4x32x128xf32, #tpu.memory_space<vmem>>[vector<16xi32>, vector<16xi32>, vector<16xi32>, vector<16xi32>], vector<16xf32>,
      %gather3A_1586 = tpu.vector_load_idx %arg12[%broadcast_in_dim3A_1580, %broadcast_in_dim3A_1582, %add3A_10, %broadcast_in_dim3A_1578] : memref<3x4x32x128xf32, #tpu.memory_space<vmem>>[vector<16xi32>, vector<16xi32>, vector<16xi32>, vector<16xi32>], vector<16xf32>,
      %mul3A_1587 = arith.mulf %gather3A_1583, %gather3A_1585 : vector<16xf32>
      %mul3A_1588 = arith.mulf %mul3A_1587, %get3A_5 : vector<16xf32>
      %mul3A_1589 = arith.mulf %gather3A_1584, %gather3A_1586 : vector<16xf32>
      %mul3A_1590 = arith.mulf %mul3A_1589, %get3A_7 : vector<16xf32>
      %add3A_1591 = arith.addf %mul3A_1588, %mul3A_1590 : vector<16xf32>
      %reduce_sum3A_1592 = arith.constant true
      %reduce_sum3A_1593 = vector.broadcast %reduce_sum3A_1592 : i1 to vector<16xi1>
      %reduce_sum3A_1594 = tpu.scan <sum>, %add3A_1591 masked %reduce_sum3A_1593 : vector<16xf32>, vector<16xi1> -> vector<16xf32>
      %reduce_sum3A_1595 = vector.extract %reduce_sum3A_1594[15] : f32 from vector<16xf32>
      %eq3A_1596 = arith.constant 11 : i32
      %eq3A_1597 = vector.broadcast %eq3A_1596 : i32 to vector<16xi32>
      %eq3A_1598 = arith.cmpi eq, %iota3A, %eq3A_1597 : vector<16xi32>
      %broadcast_in_dim3A_1599 = vector.broadcast %reduce_sum3A_1595 : f32 to vector<16xf32>
      %select_n3A_1600 = arith.select %eq3A_1598, %broadcast_in_dim3A_1599, %select_n3A_1568 : vector<16xi1>, vector<16xf32>
      %slice3A_1601 = vector.extract_strided_slice %get3A_32 {offsets = [4], sizes = [1], strides = [1]} : vector<16xi32> to vector<1xi32>
      %squeeze3A_1602 = vector.extract %slice3A_1601[0] : i32 from vector<1xi32>
      %shift_right_arithmetic3A_1603 = arith.constant 7 : i32
      %shift_right_arithmetic3A_1604 = arith.shrsi %squeeze3A_1602, %shift_right_arithmetic3A_1603 : i32
      %mul3A_1605 = arith.constant 128 : i32
      %mul3A_1606 = arith.muli %shift_right_arithmetic3A_1604, %mul3A_1605 : i32
      %multiple_of3A_1607 = tpu.assume_multiple %mul3A_1606, 128 : i32
      %slice3A_1608 = vector.extract_strided_slice %get3A_46 {offsets = [4], sizes = [1], strides = [1]} : vector<16xi32> to vector<1xi32>
      %squeeze3A_1609 = vector.extract %slice3A_1608[0] : i32 from vector<1xi32>
      %shift_right_arithmetic3A_1610 = arith.constant 7 : i32
      %shift_right_arithmetic3A_1611 = arith.shrsi %squeeze3A_1609, %shift_right_arithmetic3A_1610 : i32
      %mul3A_1612 = arith.constant 128 : i32
      %mul3A_1613 = arith.muli %shift_right_arithmetic3A_1611, %mul3A_1612 : i32
      %multiple_of3A_1614 = tpu.assume_multiple %mul3A_1613, 128 : i32
      %dma_start3A_1615 = arith.constant 2 : i32
      %dma_start3A_1616 = arith.constant 0 : i32
      %dma_start3A_1617 = arith.constant 0 : i32
      %dma_start3A_1618 = arith.constant 0 : i32
      %dma_start3A_1619 = tpu.memref_slice %arg11[%dma_start3A_1615, %dma_start3A_1616, %dma_start3A_1617, %dma_start3A_1618] : memref<3x4x32x128xf32, #tpu.memory_space<vmem>> -> memref<1x1x32x128xf32, #tpu.memory_space<vmem>>
      %dma_start3A_1620 = tpu.memref_squeeze %dma_start3A_1619 : memref<1x1x32x128xf32, #tpu.memory_space<vmem>> -> memref<32x128xf32, #tpu.memory_space<vmem>>
      %dma_start3A_1621 = arith.constant 0 : i32
      %dma_start3A_1622 = tpu.memref_slice %arg4[%dma_start3A_1621, %multiple_of3A_1607] : memref<32x1000000xf32, #tpu.memory_space<hbm>> -> memref<32x128xf32, #tpu.memory_space<hbm>>
      %dma_start3A_1623 = arith.constant 0 : i32
      %dma_start3A_1624 = arith.constant 0 : i32
      %dma_start3A_1625 = tpu.memref_slice %arg11[%dma_start3A_1615, %dma_start3A_1616, %dma_start3A_1623, %dma_start3A_1624] : memref<3x4x32x128xf32, #tpu.memory_space<vmem>> -> memref<1x1x32x128xf32, #tpu.memory_space<vmem>>
      %dma_start3A_1626 = tpu.memref_squeeze %dma_start3A_1625 : memref<1x1x32x128xf32, #tpu.memory_space<vmem>> -> memref<32x128xf32, #tpu.memory_space<vmem>>
      %dma_start3A_1627 = arith.constant 0 : i32
      %dma_start3A_1628 = tpu.memref_slice %arg4[%dma_start3A_1627, %multiple_of3A_1607] : memref<32x1000000xf32, #tpu.memory_space<hbm>> -> memref<32x128xf32, #tpu.memory_space<hbm>>
      tpu.enqueue_dma source(%dma_start3A_1628 : memref<32x128xf32, #tpu.memory_space<hbm>>) target(%dma_start3A_1626 : memref<32x128xf32, #tpu.memory_space<vmem>>) target_semaphore(%arg16 : memref<!tpu.dma_semaphore, #tpu.memory_space<semaphore_mem>>)
      %dma_start3A_1629 = arith.constant 2 : i32
      %dma_start3A_1630 = arith.constant 0 : i32
      %dma_start3A_1631 = arith.constant 0 : i32
      %dma_start3A_1632 = arith.constant 0 : i32
      %dma_start3A_1633 = tpu.memref_slice %arg12[%dma_start3A_1629, %dma_start3A_1630, %dma_start3A_1631, %dma_start3A_1632] : memref<3x4x32x128xf32, #tpu.memory_space<vmem>> -> memref<1x1x32x128xf32, #tpu.memory_space<vmem>>
      %dma_start3A_1634 = tpu.memref_squeeze %dma_start3A_1633 : memref<1x1x32x128xf32, #tpu.memory_space<vmem>> -> memref<32x128xf32, #tpu.memory_space<vmem>>
      %dma_start3A_1635 = arith.constant 0 : i32
      %dma_start3A_1636 = tpu.memref_slice %arg5[%dma_start3A_1635, %multiple_of3A_1614] : memref<32x1000000xf32, #tpu.memory_space<hbm>> -> memref<32x128xf32, #tpu.memory_space<hbm>>
      %dma_start3A_1637 = arith.constant 0 : i32
      %dma_start3A_1638 = arith.constant 0 : i32
      %dma_start3A_1639 = tpu.memref_slice %arg12[%dma_start3A_1629, %dma_start3A_1630, %dma_start3A_1637, %dma_start3A_1638] : memref<3x4x32x128xf32, #tpu.memory_space<vmem>> -> memref<1x1x32x128xf32, #tpu.memory_space<vmem>>
      %dma_start3A_1640 = tpu.memref_squeeze %dma_start3A_1639 : memref<1x1x32x128xf32, #tpu.memory_space<vmem>> -> memref<32x128xf32, #tpu.memory_space<vmem>>
      %dma_start3A_1641 = arith.constant 0 : i32
      %dma_start3A_1642 = tpu.memref_slice %arg5[%dma_start3A_1641, %multiple_of3A_1614] : memref<32x1000000xf32, #tpu.memory_space<hbm>> -> memref<32x128xf32, #tpu.memory_space<hbm>>
      tpu.enqueue_dma source(%dma_start3A_1642 : memref<32x128xf32, #tpu.memory_space<hbm>>) target(%dma_start3A_1640 : memref<32x128xf32, #tpu.memory_space<vmem>>) target_semaphore(%arg17 : memref<!tpu.dma_semaphore, #tpu.memory_space<semaphore_mem>>)
      %slice3A_1643 = vector.extract_strided_slice %get3A_32 {offsets = [5], sizes = [1], strides = [1]} : vector<16xi32> to vector<1xi32>
      %squeeze3A_1644 = vector.extract %slice3A_1643[0] : i32 from vector<1xi32>
      %shift_right_arithmetic3A_1645 = arith.constant 7 : i32
      %shift_right_arithmetic3A_1646 = arith.shrsi %squeeze3A_1644, %shift_right_arithmetic3A_1645 : i32
      %mul3A_1647 = arith.constant 128 : i32
      %mul3A_1648 = arith.muli %shift_right_arithmetic3A_1646, %mul3A_1647 : i32
      %multiple_of3A_1649 = tpu.assume_multiple %mul3A_1648, 128 : i32
      %slice3A_1650 = vector.extract_strided_slice %get3A_46 {offsets = [5], sizes = [1], strides = [1]} : vector<16xi32> to vector<1xi32>
      %squeeze3A_1651 = vector.extract %slice3A_1650[0] : i32 from vector<1xi32>
      %shift_right_arithmetic3A_1652 = arith.constant 7 : i32
      %shift_right_arithmetic3A_1653 = arith.shrsi %squeeze3A_1651, %shift_right_arithmetic3A_1652 : i32
      %mul3A_1654 = arith.constant 128 : i32
      %mul3A_1655 = arith.muli %shift_right_arithmetic3A_1653, %mul3A_1654 : i32
      %multiple_of3A_1656 = tpu.assume_multiple %mul3A_1655, 128 : i32
      %dma_start3A_1657 = arith.constant 2 : i32
      %dma_start3A_1658 = arith.constant 1 : i32
      %dma_start3A_1659 = arith.constant 0 : i32
      %dma_start3A_1660 = arith.constant 0 : i32
      %dma_start3A_1661 = tpu.memref_slice %arg11[%dma_start3A_1657, %dma_start3A_1658, %dma_start3A_1659, %dma_start3A_1660] : memref<3x4x32x128xf32, #tpu.memory_space<vmem>> -> memref<1x1x32x128xf32, #tpu.memory_space<vmem>>
      %dma_start3A_1662 = tpu.memref_squeeze %dma_start3A_1661 : memref<1x1x32x128xf32, #tpu.memory_space<vmem>> -> memref<32x128xf32, #tpu.memory_space<vmem>>
      %dma_start3A_1663 = arith.constant 0 : i32
      %dma_start3A_1664 = tpu.memref_slice %arg4[%dma_start3A_1663, %multiple_of3A_1649] : memref<32x1000000xf32, #tpu.memory_space<hbm>> -> memref<32x128xf32, #tpu.memory_space<hbm>>
      %dma_start3A_1665 = arith.constant 0 : i32
      %dma_start3A_1666 = arith.constant 0 : i32
      %dma_start3A_1667 = tpu.memref_slice %arg11[%dma_start3A_1657, %dma_start3A_1658, %dma_start3A_1665, %dma_start3A_1666] : memref<3x4x32x128xf32, #tpu.memory_space<vmem>> -> memref<1x1x32x128xf32, #tpu.memory_space<vmem>>
      %dma_start3A_1668 = tpu.memref_squeeze %dma_start3A_1667 : memref<1x1x32x128xf32, #tpu.memory_space<vmem>> -> memref<32x128xf32, #tpu.memory_space<vmem>>
      %dma_start3A_1669 = arith.constant 0 : i32
      %dma_start3A_1670 = tpu.memref_slice %arg4[%dma_start3A_1669, %multiple_of3A_1649] : memref<32x1000000xf32, #tpu.memory_space<hbm>> -> memref<32x128xf32, #tpu.memory_space<hbm>>
      tpu.enqueue_dma source(%dma_start3A_1670 : memref<32x128xf32, #tpu.memory_space<hbm>>) target(%dma_start3A_1668 : memref<32x128xf32, #tpu.memory_space<vmem>>) target_semaphore(%arg16 : memref<!tpu.dma_semaphore, #tpu.memory_space<semaphore_mem>>)
      %dma_start3A_1671 = arith.constant 2 : i32
      %dma_start3A_1672 = arith.constant 1 : i32
      %dma_start3A_1673 = arith.constant 0 : i32
      %dma_start3A_1674 = arith.constant 0 : i32
      %dma_start3A_1675 = tpu.memref_slice %arg12[%dma_start3A_1671, %dma_start3A_1672, %dma_start3A_1673, %dma_start3A_1674] : memref<3x4x32x128xf32, #tpu.memory_space<vmem>> -> memref<1x1x32x128xf32, #tpu.memory_space<vmem>>
      %dma_start3A_1676 = tpu.memref_squeeze %dma_start3A_1675 : memref<1x1x32x128xf32, #tpu.memory_space<vmem>> -> memref<32x128xf32, #tpu.memory_space<vmem>>
      %dma_start3A_1677 = arith.constant 0 : i32
      %dma_start3A_1678 = tpu.memref_slice %arg5[%dma_start3A_1677, %multiple_of3A_1656] : memref<32x1000000xf32, #tpu.memory_space<hbm>> -> memref<32x128xf32, #tpu.memory_space<hbm>>
      %dma_start3A_1679 = arith.constant 0 : i32
      %dma_start3A_1680 = arith.constant 0 : i32
      %dma_start3A_1681 = tpu.memref_slice %arg12[%dma_start3A_1671, %dma_start3A_1672, %dma_start3A_1679, %dma_start3A_1680] : memref<3x4x32x128xf32, #tpu.memory_space<vmem>> -> memref<1x1x32x128xf32, #tpu.memory_space<vmem>>
      %dma_start3A_1682 = tpu.memref_squeeze %dma_start3A_1681 : memref<1x1x32x128xf32, #tpu.memory_space<vmem>> -> memref<32x128xf32, #tpu.memory_space<vmem>>
      %dma_start3A_1683 = arith.constant 0 : i32
      %dma_start3A_1684 = tpu.memref_slice %arg5[%dma_start3A_1683, %multiple_of3A_1656] : memref<32x1000000xf32, #tpu.memory_space<hbm>> -> memref<32x128xf32, #tpu.memory_space<hbm>>
      tpu.enqueue_dma source(%dma_start3A_1684 : memref<32x128xf32, #tpu.memory_space<hbm>>) target(%dma_start3A_1682 : memref<32x128xf32, #tpu.memory_space<vmem>>) target_semaphore(%arg17 : memref<!tpu.dma_semaphore, #tpu.memory_space<semaphore_mem>>)
      %slice3A_1685 = vector.extract_strided_slice %get3A_32 {offsets = [6], sizes = [1], strides = [1]} : vector<16xi32> to vector<1xi32>
      %squeeze3A_1686 = vector.extract %slice3A_1685[0] : i32 from vector<1xi32>
      %shift_right_arithmetic3A_1687 = arith.constant 7 : i32
      %shift_right_arithmetic3A_1688 = arith.shrsi %squeeze3A_1686, %shift_right_arithmetic3A_1687 : i32
      %mul3A_1689 = arith.constant 128 : i32
      %mul3A_1690 = arith.muli %shift_right_arithmetic3A_1688, %mul3A_1689 : i32
      %multiple_of3A_1691 = tpu.assume_multiple %mul3A_1690, 128 : i32
      %slice3A_1692 = vector.extract_strided_slice %get3A_46 {offsets = [6], sizes = [1], strides = [1]} : vector<16xi32> to vector<1xi32>
      %squeeze3A_1693 = vector.extract %slice3A_1692[0] : i32 from vector<1xi32>
      %shift_right_arithmetic3A_1694 = arith.constant 7 : i32
      %shift_right_arithmetic3A_1695 = arith.shrsi %squeeze3A_1693, %shift_right_arithmetic3A_1694 : i32
      %mul3A_1696 = arith.constant 128 : i32
      %mul3A_1697 = arith.muli %shift_right_arithmetic3A_1695, %mul3A_1696 : i32
      %multiple_of3A_1698 = tpu.assume_multiple %mul3A_1697, 128 : i32
      %dma_start3A_1699 = arith.constant 2 : i32
      %dma_start3A_1700 = arith.constant 2 : i32
      %dma_start3A_1701 = arith.constant 0 : i32
      %dma_start3A_1702 = arith.constant 0 : i32
      %dma_start3A_1703 = tpu.memref_slice %arg11[%dma_start3A_1699, %dma_start3A_1700, %dma_start3A_1701, %dma_start3A_1702] : memref<3x4x32x128xf32, #tpu.memory_space<vmem>> -> memref<1x1x32x128xf32, #tpu.memory_space<vmem>>
      %dma_start3A_1704 = tpu.memref_squeeze %dma_start3A_1703 : memref<1x1x32x128xf32, #tpu.memory_space<vmem>> -> memref<32x128xf32, #tpu.memory_space<vmem>>
      %dma_start3A_1705 = arith.constant 0 : i32
      %dma_start3A_1706 = tpu.memref_slice %arg4[%dma_start3A_1705, %multiple_of3A_1691] : memref<32x1000000xf32, #tpu.memory_space<hbm>> -> memref<32x128xf32, #tpu.memory_space<hbm>>
      %dma_start3A_1707 = arith.constant 0 : i32
      %dma_start3A_1708 = arith.constant 0 : i32
      %dma_start3A_1709 = tpu.memref_slice %arg11[%dma_start3A_1699, %dma_start3A_1700, %dma_start3A_1707, %dma_start3A_1708] : memref<3x4x32x128xf32, #tpu.memory_space<vmem>> -> memref<1x1x32x128xf32, #tpu.memory_space<vmem>>
      %dma_start3A_1710 = tpu.memref_squeeze %dma_start3A_1709 : memref<1x1x32x128xf32, #tpu.memory_space<vmem>> -> memref<32x128xf32, #tpu.memory_space<vmem>>
      %dma_start3A_1711 = arith.constant 0 : i32
      %dma_start3A_1712 = tpu.memref_slice %arg4[%dma_start3A_1711, %multiple_of3A_1691] : memref<32x1000000xf32, #tpu.memory_space<hbm>> -> memref<32x128xf32, #tpu.memory_space<hbm>>
      tpu.enqueue_dma source(%dma_start3A_1712 : memref<32x128xf32, #tpu.memory_space<hbm>>) target(%dma_start3A_1710 : memref<32x128xf32, #tpu.memory_space<vmem>>) target_semaphore(%arg16 : memref<!tpu.dma_semaphore, #tpu.memory_space<semaphore_mem>>)
      %dma_start3A_1713 = arith.constant 2 : i32
      %dma_start3A_1714 = arith.constant 2 : i32
      %dma_start3A_1715 = arith.constant 0 : i32
      %dma_start3A_1716 = arith.constant 0 : i32
      %dma_start3A_1717 = tpu.memref_slice %arg12[%dma_start3A_1713, %dma_start3A_1714, %dma_start3A_1715, %dma_start3A_1716] : memref<3x4x32x128xf32, #tpu.memory_space<vmem>> -> memref<1x1x32x128xf32, #tpu.memory_space<vmem>>
      %dma_start3A_1718 = tpu.memref_squeeze %dma_start3A_1717 : memref<1x1x32x128xf32, #tpu.memory_space<vmem>> -> memref<32x128xf32, #tpu.memory_space<vmem>>
      %dma_start3A_1719 = arith.constant 0 : i32
      %dma_start3A_1720 = tpu.memref_slice %arg5[%dma_start3A_1719, %multiple_of3A_1698] : memref<32x1000000xf32, #tpu.memory_space<hbm>> -> memref<32x128xf32, #tpu.memory_space<hbm>>
      %dma_start3A_1721 = arith.constant 0 : i32
      %dma_start3A_1722 = arith.constant 0 : i32
      %dma_start3A_1723 = tpu.memref_slice %arg12[%dma_start3A_1713, %dma_start3A_1714, %dma_start3A_1721, %dma_start3A_1722] : memref<3x4x32x128xf32, #tpu.memory_space<vmem>> -> memref<1x1x32x128xf32, #tpu.memory_space<vmem>>
      %dma_start3A_1724 = tpu.memref_squeeze %dma_start3A_1723 : memref<1x1x32x128xf32, #tpu.memory_space<vmem>> -> memref<32x128xf32, #tpu.memory_space<vmem>>
      %dma_start3A_1725 = arith.constant 0 : i32
      %dma_start3A_1726 = tpu.memref_slice %arg5[%dma_start3A_1725, %multiple_of3A_1698] : memref<32x1000000xf32, #tpu.memory_space<hbm>> -> memref<32x128xf32, #tpu.memory_space<hbm>>
      tpu.enqueue_dma source(%dma_start3A_1726 : memref<32x128xf32, #tpu.memory_space<hbm>>) target(%dma_start3A_1724 : memref<32x128xf32, #tpu.memory_space<vmem>>) target_semaphore(%arg17 : memref<!tpu.dma_semaphore, #tpu.memory_space<semaphore_mem>>)
      %slice3A_1727 = vector.extract_strided_slice %get3A_32 {offsets = [7], sizes = [1], strides = [1]} : vector<16xi32> to vector<1xi32>
      %squeeze3A_1728 = vector.extract %slice3A_1727[0] : i32 from vector<1xi32>
      %shift_right_arithmetic3A_1729 = arith.constant 7 : i32
      %shift_right_arithmetic3A_1730 = arith.shrsi %squeeze3A_1728, %shift_right_arithmetic3A_1729 : i32
      %mul3A_1731 = arith.constant 128 : i32
      %mul3A_1732 = arith.muli %shift_right_arithmetic3A_1730, %mul3A_1731 : i32
      %multiple_of3A_1733 = tpu.assume_multiple %mul3A_1732, 128 : i32
      %slice3A_1734 = vector.extract_strided_slice %get3A_46 {offsets = [7], sizes = [1], strides = [1]} : vector<16xi32> to vector<1xi32>
      %squeeze3A_1735 = vector.extract %slice3A_1734[0] : i32 from vector<1xi32>
      %shift_right_arithmetic3A_1736 = arith.constant 7 : i32
      %shift_right_arithmetic3A_1737 = arith.shrsi %squeeze3A_1735, %shift_right_arithmetic3A_1736 : i32
      %mul3A_1738 = arith.constant 128 : i32
      %mul3A_1739 = arith.muli %shift_right_arithmetic3A_1737, %mul3A_1738 : i32
      %multiple_of3A_1740 = tpu.assume_multiple %mul3A_1739, 128 : i32
      %dma_start3A_1741 = arith.constant 2 : i32
      %dma_start3A_1742 = arith.constant 3 : i32
      %dma_start3A_1743 = arith.constant 0 : i32
      %dma_start3A_1744 = arith.constant 0 : i32
      %dma_start3A_1745 = tpu.memref_slice %arg11[%dma_start3A_1741, %dma_start3A_1742, %dma_start3A_1743, %dma_start3A_1744] : memref<3x4x32x128xf32, #tpu.memory_space<vmem>> -> memref<1x1x32x128xf32, #tpu.memory_space<vmem>>
      %dma_start3A_1746 = tpu.memref_squeeze %dma_start3A_1745 : memref<1x1x32x128xf32, #tpu.memory_space<vmem>> -> memref<32x128xf32, #tpu.memory_space<vmem>>
      %dma_start3A_1747 = arith.constant 0 : i32
      %dma_start3A_1748 = tpu.memref_slice %arg4[%dma_start3A_1747, %multiple_of3A_1733] : memref<32x1000000xf32, #tpu.memory_space<hbm>> -> memref<32x128xf32, #tpu.memory_space<hbm>>
      %dma_start3A_1749 = arith.constant 0 : i32
      %dma_start3A_1750 = arith.constant 0 : i32
      %dma_start3A_1751 = tpu.memref_slice %arg11[%dma_start3A_1741, %dma_start3A_1742, %dma_start3A_1749, %dma_start3A_1750] : memref<3x4x32x128xf32, #tpu.memory_space<vmem>> -> memref<1x1x32x128xf32, #tpu.memory_space<vmem>>
      %dma_start3A_1752 = tpu.memref_squeeze %dma_start3A_1751 : memref<1x1x32x128xf32, #tpu.memory_space<vmem>> -> memref<32x128xf32, #tpu.memory_space<vmem>>
      %dma_start3A_1753 = arith.constant 0 : i32
      %dma_start3A_1754 = tpu.memref_slice %arg4[%dma_start3A_1753, %multiple_of3A_1733] : memref<32x1000000xf32, #tpu.memory_space<hbm>> -> memref<32x128xf32, #tpu.memory_space<hbm>>
      tpu.enqueue_dma source(%dma_start3A_1754 : memref<32x128xf32, #tpu.memory_space<hbm>>) target(%dma_start3A_1752 : memref<32x128xf32, #tpu.memory_space<vmem>>) target_semaphore(%arg16 : memref<!tpu.dma_semaphore, #tpu.memory_space<semaphore_mem>>)
      %dma_start3A_1755 = arith.constant 2 : i32
      %dma_start3A_1756 = arith.constant 3 : i32
      %dma_start3A_1757 = arith.constant 0 : i32
      %dma_start3A_1758 = arith.constant 0 : i32
      %dma_start3A_1759 = tpu.memref_slice %arg12[%dma_start3A_1755, %dma_start3A_1756, %dma_start3A_1757, %dma_start3A_1758] : memref<3x4x32x128xf32, #tpu.memory_space<vmem>> -> memref<1x1x32x128xf32, #tpu.memory_space<vmem>>
      %dma_start3A_1760 = tpu.memref_squeeze %dma_start3A_1759 : memref<1x1x32x128xf32, #tpu.memory_space<vmem>> -> memref<32x128xf32, #tpu.memory_space<vmem>>
      %dma_start3A_1761 = arith.constant 0 : i32
      %dma_start3A_1762 = tpu.memref_slice %arg5[%dma_start3A_1761, %multiple_of3A_1740] : memref<32x1000000xf32, #tpu.memory_space<hbm>> -> memref<32x128xf32, #tpu.memory_space<hbm>>
      %dma_start3A_1763 = arith.constant 0 : i32
      %dma_start3A_1764 = arith.constant 0 : i32
      %dma_start3A_1765 = tpu.memref_slice %arg12[%dma_start3A_1755, %dma_start3A_1756, %dma_start3A_1763, %dma_start3A_1764] : memref<3x4x32x128xf32, #tpu.memory_space<vmem>> -> memref<1x1x32x128xf32, #tpu.memory_space<vmem>>
      %dma_start3A_1766 = tpu.memref_squeeze %dma_start3A_1765 : memref<1x1x32x128xf32, #tpu.memory_space<vmem>> -> memref<32x128xf32, #tpu.memory_space<vmem>>
      %dma_start3A_1767 = arith.constant 0 : i32
      %dma_start3A_1768 = tpu.memref_slice %arg5[%dma_start3A_1767, %multiple_of3A_1740] : memref<32x1000000xf32, #tpu.memory_space<hbm>> -> memref<32x128xf32, #tpu.memory_space<hbm>>
      tpu.enqueue_dma source(%dma_start3A_1768 : memref<32x128xf32, #tpu.memory_space<hbm>>) target(%dma_start3A_1766 : memref<32x128xf32, #tpu.memory_space<vmem>>) target_semaphore(%arg17 : memref<!tpu.dma_semaphore, #tpu.memory_space<semaphore_mem>>)
      %dma_wait3A_1769 = arith.constant 0 : i32
      %dma_wait3A_1770 = arith.constant 0 : i32
      %dma_wait3A_1771 = arith.constant 0 : i32
      %dma_wait3A_1772 = arith.constant 0 : i32
      %dma_wait3A_1773 = tpu.memref_slice %arg11[%dma_wait3A_1769, %dma_wait3A_1770, %dma_wait3A_1771, %dma_wait3A_1772] : memref<3x4x32x128xf32, #tpu.memory_space<vmem>> -> memref<1x1x32x128xf32, #tpu.memory_space<vmem>>
      %dma_wait3A_1774 = tpu.memref_squeeze %dma_wait3A_1773 : memref<1x1x32x128xf32, #tpu.memory_space<vmem>> -> memref<32x128xf32, #tpu.memory_space<vmem>>
      %dma_wait3A_1775 = arith.constant 0 : i32
      %dma_wait3A_1776 = tpu.memref_slice %arg4[%dma_wait3A_1775, %multiple_of3A_791] : memref<32x1000000xf32, #tpu.memory_space<hbm>> -> memref<32x128xf32, #tpu.memory_space<hbm>>
      %dma_wait3A_1777 = arith.constant 0 : i32
      %dma_wait3A_1778 = arith.constant 0 : i32
      %dma_wait3A_1779 = tpu.memref_slice %arg11[%dma_wait3A_1769, %dma_wait3A_1770, %dma_wait3A_1777, %dma_wait3A_1778] : memref<3x4x32x128xf32, #tpu.memory_space<vmem>> -> memref<1x1x32x128xf32, #tpu.memory_space<vmem>>
      %dma_wait3A_1780 = tpu.memref_squeeze %dma_wait3A_1779 : memref<1x1x32x128xf32, #tpu.memory_space<vmem>> -> memref<32x128xf32, #tpu.memory_space<vmem>>
      %dma_wait3A_1781 = arith.constant 0 : i32
      %dma_wait3A_1782 = tpu.memref_slice %arg4[%dma_wait3A_1781, %multiple_of3A_791] : memref<32x1000000xf32, #tpu.memory_space<hbm>> -> memref<32x128xf32, #tpu.memory_space<hbm>>
      tpu.wait_dma2 semaphore(%arg16 : memref<!tpu.dma_semaphore, #tpu.memory_space<semaphore_mem>>) src(%dma_wait3A_1782 : memref<32x128xf32, #tpu.memory_space<hbm>>) dst(%dma_wait3A_1780 : memref<32x128xf32, #tpu.memory_space<vmem>>)
      %dma_wait3A_1783 = arith.constant 0 : i32
      %dma_wait3A_1784 = arith.constant 0 : i32
      %dma_wait3A_1785 = arith.constant 0 : i32
      %dma_wait3A_1786 = arith.constant 0 : i32
      %dma_wait3A_1787 = tpu.memref_slice %arg12[%dma_wait3A_1783, %dma_wait3A_1784, %dma_wait3A_1785, %dma_wait3A_1786] : memref<3x4x32x128xf32, #tpu.memory_space<vmem>> -> memref<1x1x32x128xf32, #tpu.memory_space<vmem>>
      %dma_wait3A_1788 = tpu.memref_squeeze %dma_wait3A_1787 : memref<1x1x32x128xf32, #tpu.memory_space<vmem>> -> memref<32x128xf32, #tpu.memory_space<vmem>>
      %dma_wait3A_1789 = arith.constant 0 : i32
      %dma_wait3A_1790 = tpu.memref_slice %arg5[%dma_wait3A_1789, %multiple_of3A_798] : memref<32x1000000xf32, #tpu.memory_space<hbm>> -> memref<32x128xf32, #tpu.memory_space<hbm>>
      %dma_wait3A_1791 = arith.constant 0 : i32
      %dma_wait3A_1792 = arith.constant 0 : i32
      %dma_wait3A_1793 = tpu.memref_slice %arg12[%dma_wait3A_1783, %dma_wait3A_1784, %dma_wait3A_1791, %dma_wait3A_1792] : memref<3x4x32x128xf32, #tpu.memory_space<vmem>> -> memref<1x1x32x128xf32, #tpu.memory_space<vmem>>
      %dma_wait3A_1794 = tpu.memref_squeeze %dma_wait3A_1793 : memref<1x1x32x128xf32, #tpu.memory_space<vmem>> -> memref<32x128xf32, #tpu.memory_space<vmem>>
      %dma_wait3A_1795 = arith.constant 0 : i32
      %dma_wait3A_1796 = tpu.memref_slice %arg5[%dma_wait3A_1795, %multiple_of3A_798] : memref<32x1000000xf32, #tpu.memory_space<hbm>> -> memref<32x128xf32, #tpu.memory_space<hbm>>
      tpu.wait_dma2 semaphore(%arg17 : memref<!tpu.dma_semaphore, #tpu.memory_space<semaphore_mem>>) src(%dma_wait3A_1796 : memref<32x128xf32, #tpu.memory_space<hbm>>) dst(%dma_wait3A_1794 : memref<32x128xf32, #tpu.memory_space<vmem>>)
      %dma_wait3A_1797 = arith.constant 0 : i32
      %dma_wait3A_1798 = arith.constant 1 : i32
      %dma_wait3A_1799 = arith.constant 0 : i32
      %dma_wait3A_1800 = arith.constant 0 : i32
      %dma_wait3A_1801 = tpu.memref_slice %arg11[%dma_wait3A_1797, %dma_wait3A_1798, %dma_wait3A_1799, %dma_wait3A_1800] : memref<3x4x32x128xf32, #tpu.memory_space<vmem>> -> memref<1x1x32x128xf32, #tpu.memory_space<vmem>>
      %dma_wait3A_1802 = tpu.memref_squeeze %dma_wait3A_1801 : memref<1x1x32x128xf32, #tpu.memory_space<vmem>> -> memref<32x128xf32, #tpu.memory_space<vmem>>
      %dma_wait3A_1803 = arith.constant 0 : i32
      %dma_wait3A_1804 = tpu.memref_slice %arg4[%dma_wait3A_1803, %multiple_of3A_833] : memref<32x1000000xf32, #tpu.memory_space<hbm>> -> memref<32x128xf32, #tpu.memory_space<hbm>>
      %dma_wait3A_1805 = arith.constant 0 : i32
      %dma_wait3A_1806 = arith.constant 0 : i32
      %dma_wait3A_1807 = tpu.memref_slice %arg11[%dma_wait3A_1797, %dma_wait3A_1798, %dma_wait3A_1805, %dma_wait3A_1806] : memref<3x4x32x128xf32, #tpu.memory_space<vmem>> -> memref<1x1x32x128xf32, #tpu.memory_space<vmem>>
      %dma_wait3A_1808 = tpu.memref_squeeze %dma_wait3A_1807 : memref<1x1x32x128xf32, #tpu.memory_space<vmem>> -> memref<32x128xf32, #tpu.memory_space<vmem>>
      %dma_wait3A_1809 = arith.constant 0 : i32
      %dma_wait3A_1810 = tpu.memref_slice %arg4[%dma_wait3A_1809, %multiple_of3A_833] : memref<32x1000000xf32, #tpu.memory_space<hbm>> -> memref<32x128xf32, #tpu.memory_space<hbm>>
      tpu.wait_dma2 semaphore(%arg16 : memref<!tpu.dma_semaphore, #tpu.memory_space<semaphore_mem>>) src(%dma_wait3A_1810 : memref<32x128xf32, #tpu.memory_space<hbm>>) dst(%dma_wait3A_1808 : memref<32x128xf32, #tpu.memory_space<vmem>>)
      %dma_wait3A_1811 = arith.constant 0 : i32
      %dma_wait3A_1812 = arith.constant 1 : i32
      %dma_wait3A_1813 = arith.constant 0 : i32
      %dma_wait3A_1814 = arith.constant 0 : i32
      %dma_wait3A_1815 = tpu.memref_slice %arg12[%dma_wait3A_1811, %dma_wait3A_1812, %dma_wait3A_1813, %dma_wait3A_1814] : memref<3x4x32x128xf32, #tpu.memory_space<vmem>> -> memref<1x1x32x128xf32, #tpu.memory_space<vmem>>
      %dma_wait3A_1816 = tpu.memref_squeeze %dma_wait3A_1815 : memref<1x1x32x128xf32, #tpu.memory_space<vmem>> -> memref<32x128xf32, #tpu.memory_space<vmem>>
      %dma_wait3A_1817 = arith.constant 0 : i32
      %dma_wait3A_1818 = tpu.memref_slice %arg5[%dma_wait3A_1817, %multiple_of3A_840] : memref<32x1000000xf32, #tpu.memory_space<hbm>> -> memref<32x128xf32, #tpu.memory_space<hbm>>
      %dma_wait3A_1819 = arith.constant 0 : i32
      %dma_wait3A_1820 = arith.constant 0 : i32
      %dma_wait3A_1821 = tpu.memref_slice %arg12[%dma_wait3A_1811, %dma_wait3A_1812, %dma_wait3A_1819, %dma_wait3A_1820] : memref<3x4x32x128xf32, #tpu.memory_space<vmem>> -> memref<1x1x32x128xf32, #tpu.memory_space<vmem>>
      %dma_wait3A_1822 = tpu.memref_squeeze %dma_wait3A_1821 : memref<1x1x32x128xf32, #tpu.memory_space<vmem>> -> memref<32x128xf32, #tpu.memory_space<vmem>>
      %dma_wait3A_1823 = arith.constant 0 : i32
      %dma_wait3A_1824 = tpu.memref_slice %arg5[%dma_wait3A_1823, %multiple_of3A_840] : memref<32x1000000xf32, #tpu.memory_space<hbm>> -> memref<32x128xf32, #tpu.memory_space<hbm>>
      tpu.wait_dma2 semaphore(%arg17 : memref<!tpu.dma_semaphore, #tpu.memory_space<semaphore_mem>>) src(%dma_wait3A_1824 : memref<32x128xf32, #tpu.memory_space<hbm>>) dst(%dma_wait3A_1822 : memref<32x128xf32, #tpu.memory_space<vmem>>)
      %dma_wait3A_1825 = arith.constant 0 : i32
      %dma_wait3A_1826 = arith.constant 2 : i32
      %dma_wait3A_1827 = arith.constant 0 : i32
      %dma_wait3A_1828 = arith.constant 0 : i32
      %dma_wait3A_1829 = tpu.memref_slice %arg11[%dma_wait3A_1825, %dma_wait3A_1826, %dma_wait3A_1827, %dma_wait3A_1828] : memref<3x4x32x128xf32, #tpu.memory_space<vmem>> -> memref<1x1x32x128xf32, #tpu.memory_space<vmem>>
      %dma_wait3A_1830 = tpu.memref_squeeze %dma_wait3A_1829 : memref<1x1x32x128xf32, #tpu.memory_space<vmem>> -> memref<32x128xf32, #tpu.memory_space<vmem>>
      %dma_wait3A_1831 = arith.constant 0 : i32
      %dma_wait3A_1832 = tpu.memref_slice %arg4[%dma_wait3A_1831, %multiple_of3A_875] : memref<32x1000000xf32, #tpu.memory_space<hbm>> -> memref<32x128xf32, #tpu.memory_space<hbm>>
      %dma_wait3A_1833 = arith.constant 0 : i32
      %dma_wait3A_1834 = arith.constant 0 : i32
      %dma_wait3A_1835 = tpu.memref_slice %arg11[%dma_wait3A_1825, %dma_wait3A_1826, %dma_wait3A_1833, %dma_wait3A_1834] : memref<3x4x32x128xf32, #tpu.memory_space<vmem>> -> memref<1x1x32x128xf32, #tpu.memory_space<vmem>>
      %dma_wait3A_1836 = tpu.memref_squeeze %dma_wait3A_1835 : memref<1x1x32x128xf32, #tpu.memory_space<vmem>> -> memref<32x128xf32, #tpu.memory_space<vmem>>
      %dma_wait3A_1837 = arith.constant 0 : i32
      %dma_wait3A_1838 = tpu.memref_slice %arg4[%dma_wait3A_1837, %multiple_of3A_875] : memref<32x1000000xf32, #tpu.memory_space<hbm>> -> memref<32x128xf32, #tpu.memory_space<hbm>>
      tpu.wait_dma2 semaphore(%arg16 : memref<!tpu.dma_semaphore, #tpu.memory_space<semaphore_mem>>) src(%dma_wait3A_1838 : memref<32x128xf32, #tpu.memory_space<hbm>>) dst(%dma_wait3A_1836 : memref<32x128xf32, #tpu.memory_space<vmem>>)
      %dma_wait3A_1839 = arith.constant 0 : i32
      %dma_wait3A_1840 = arith.constant 2 : i32
      %dma_wait3A_1841 = arith.constant 0 : i32
      %dma_wait3A_1842 = arith.constant 0 : i32
      %dma_wait3A_1843 = tpu.memref_slice %arg12[%dma_wait3A_1839, %dma_wait3A_1840, %dma_wait3A_1841, %dma_wait3A_1842] : memref<3x4x32x128xf32, #tpu.memory_space<vmem>> -> memref<1x1x32x128xf32, #tpu.memory_space<vmem>>
      %dma_wait3A_1844 = tpu.memref_squeeze %dma_wait3A_1843 : memref<1x1x32x128xf32, #tpu.memory_space<vmem>> -> memref<32x128xf32, #tpu.memory_space<vmem>>
      %dma_wait3A_1845 = arith.constant 0 : i32
      %dma_wait3A_1846 = tpu.memref_slice %arg5[%dma_wait3A_1845, %multiple_of3A_882] : memref<32x1000000xf32, #tpu.memory_space<hbm>> -> memref<32x128xf32, #tpu.memory_space<hbm>>
      %dma_wait3A_1847 = arith.constant 0 : i32
      %dma_wait3A_1848 = arith.constant 0 : i32
      %dma_wait3A_1849 = tpu.memref_slice %arg12[%dma_wait3A_1839, %dma_wait3A_1840, %dma_wait3A_1847, %dma_wait3A_1848] : memref<3x4x32x128xf32, #tpu.memory_space<vmem>> -> memref<1x1x32x128xf32, #tpu.memory_space<vmem>>
      %dma_wait3A_1850 = tpu.memref_squeeze %dma_wait3A_1849 : memref<1x1x32x128xf32, #tpu.memory_space<vmem>> -> memref<32x128xf32, #tpu.memory_space<vmem>>
      %dma_wait3A_1851 = arith.constant 0 : i32
      %dma_wait3A_1852 = tpu.memref_slice %arg5[%dma_wait3A_1851, %multiple_of3A_882] : memref<32x1000000xf32, #tpu.memory_space<hbm>> -> memref<32x128xf32, #tpu.memory_space<hbm>>
      tpu.wait_dma2 semaphore(%arg17 : memref<!tpu.dma_semaphore, #tpu.memory_space<semaphore_mem>>) src(%dma_wait3A_1852 : memref<32x128xf32, #tpu.memory_space<hbm>>) dst(%dma_wait3A_1850 : memref<32x128xf32, #tpu.memory_space<vmem>>)
      %dma_wait3A_1853 = arith.constant 0 : i32
      %dma_wait3A_1854 = arith.constant 3 : i32
      %dma_wait3A_1855 = arith.constant 0 : i32
      %dma_wait3A_1856 = arith.constant 0 : i32
      %dma_wait3A_1857 = tpu.memref_slice %arg11[%dma_wait3A_1853, %dma_wait3A_1854, %dma_wait3A_1855, %dma_wait3A_1856] : memref<3x4x32x128xf32, #tpu.memory_space<vmem>> -> memref<1x1x32x128xf32, #tpu.memory_space<vmem>>
      %dma_wait3A_1858 = tpu.memref_squeeze %dma_wait3A_1857 : memref<1x1x32x128xf32, #tpu.memory_space<vmem>> -> memref<32x128xf32, #tpu.memory_space<vmem>>
      %dma_wait3A_1859 = arith.constant 0 : i32
      %dma_wait3A_1860 = tpu.memref_slice %arg4[%dma_wait3A_1859, %multiple_of3A_917] : memref<32x1000000xf32, #tpu.memory_space<hbm>> -> memref<32x128xf32, #tpu.memory_space<hbm>>
      %dma_wait3A_1861 = arith.constant 0 : i32
      %dma_wait3A_1862 = arith.constant 0 : i32
      %dma_wait3A_1863 = tpu.memref_slice %arg11[%dma_wait3A_1853, %dma_wait3A_1854, %dma_wait3A_1861, %dma_wait3A_1862] : memref<3x4x32x128xf32, #tpu.memory_space<vmem>> -> memref<1x1x32x128xf32, #tpu.memory_space<vmem>>
      %dma_wait3A_1864 = tpu.memref_squeeze %dma_wait3A_1863 : memref<1x1x32x128xf32, #tpu.memory_space<vmem>> -> memref<32x128xf32, #tpu.memory_space<vmem>>
      %dma_wait3A_1865 = arith.constant 0 : i32
      %dma_wait3A_1866 = tpu.memref_slice %arg4[%dma_wait3A_1865, %multiple_of3A_917] : memref<32x1000000xf32, #tpu.memory_space<hbm>> -> memref<32x128xf32, #tpu.memory_space<hbm>>
      tpu.wait_dma2 semaphore(%arg16 : memref<!tpu.dma_semaphore, #tpu.memory_space<semaphore_mem>>) src(%dma_wait3A_1866 : memref<32x128xf32, #tpu.memory_space<hbm>>) dst(%dma_wait3A_1864 : memref<32x128xf32, #tpu.memory_space<vmem>>)
      %dma_wait3A_1867 = arith.constant 0 : i32
      %dma_wait3A_1868 = arith.constant 3 : i32
      %dma_wait3A_1869 = arith.constant 0 : i32
      %dma_wait3A_1870 = arith.constant 0 : i32
      %dma_wait3A_1871 = tpu.memref_slice %arg12[%dma_wait3A_1867, %dma_wait3A_1868, %dma_wait3A_1869, %dma_wait3A_1870] : memref<3x4x32x128xf32, #tpu.memory_space<vmem>> -> memref<1x1x32x128xf32, #tpu.memory_space<vmem>>
      %dma_wait3A_1872 = tpu.memref_squeeze %dma_wait3A_1871 : memref<1x1x32x128xf32, #tpu.memory_space<vmem>> -> memref<32x128xf32, #tpu.memory_space<vmem>>
      %dma_wait3A_1873 = arith.constant 0 : i32
      %dma_wait3A_1874 = tpu.memref_slice %arg5[%dma_wait3A_1873, %multiple_of3A_924] : memref<32x1000000xf32, #tpu.memory_space<hbm>> -> memref<32x128xf32, #tpu.memory_space<hbm>>
      %dma_wait3A_1875 = arith.constant 0 : i32
      %dma_wait3A_1876 = arith.constant 0 : i32
      %dma_wait3A_1877 = tpu.memref_slice %arg12[%dma_wait3A_1867, %dma_wait3A_1868, %dma_wait3A_1875, %dma_wait3A_1876] : memref<3x4x32x128xf32, #tpu.memory_space<vmem>> -> memref<1x1x32x128xf32, #tpu.memory_space<vmem>>
      %dma_wait3A_1878 = tpu.memref_squeeze %dma_wait3A_1877 : memref<1x1x32x128xf32, #tpu.memory_space<vmem>> -> memref<32x128xf32, #tpu.memory_space<vmem>>
      %dma_wait3A_1879 = arith.constant 0 : i32
      %dma_wait3A_1880 = tpu.memref_slice %arg5[%dma_wait3A_1879, %multiple_of3A_924] : memref<32x1000000xf32, #tpu.memory_space<hbm>> -> memref<32x128xf32, #tpu.memory_space<hbm>>
      tpu.wait_dma2 semaphore(%arg17 : memref<!tpu.dma_semaphore, #tpu.memory_space<semaphore_mem>>) src(%dma_wait3A_1880 : memref<32x128xf32, #tpu.memory_space<hbm>>) dst(%dma_wait3A_1878 : memref<32x128xf32, #tpu.memory_space<vmem>>)
      %slice3A_1881 = vector.extract_strided_slice %get3A_24 {offsets = [12], sizes = [1], strides = [1]} : vector<16xi32> to vector<1xi32>
      %squeeze3A_1882 = vector.extract %slice3A_1881[0] : i32 from vector<1xi32>
      %and3A_1883 = arith.constant 127 : i32
      %and3A_1884 = arith.andi %squeeze3A_1882, %and3A_1883 : i32
      %broadcast_in_dim3A_1885 = vector.broadcast %and3A_1884 : i32 to vector<16xi32>
      %slice3A_1886 = vector.extract_strided_slice %get3A_38 {offsets = [12], sizes = [1], strides = [1]} : vector<16xi32> to vector<1xi32>
      %squeeze3A_1887 = vector.extract %slice3A_1886[0] : i32 from vector<1xi32>
      %and3A_1888 = arith.constant 127 : i32
      %and3A_1889 = arith.andi %squeeze3A_1887, %and3A_1888 : i32
      %broadcast_in_dim3A_1890 = vector.broadcast %and3A_1889 : i32 to vector<16xi32>
      %broadcast_in_dim3A_1891 = arith.constant 0 : i32
      %broadcast_in_dim3A_1892 = vector.broadcast %broadcast_in_dim3A_1891 : i32 to vector<16xi32>
      %broadcast_in_dim3A_1893 = arith.constant 0 : i32
      %broadcast_in_dim3A_1894 = vector.broadcast %broadcast_in_dim3A_1893 : i32 to vector<16xi32>
      %gather3A_1895 = tpu.vector_load_idx %arg11[%broadcast_in_dim3A_1892, %broadcast_in_dim3A_1894, %iota3A, %broadcast_in_dim3A_1885] : memref<3x4x32x128xf32, #tpu.memory_space<vmem>>[vector<16xi32>, vector<16xi32>, vector<16xi32>, vector<16xi32>], vector<16xf32>,
      %gather3A_1896 = tpu.vector_load_idx %arg11[%broadcast_in_dim3A_1892, %broadcast_in_dim3A_1894, %add3A_10, %broadcast_in_dim3A_1885] : memref<3x4x32x128xf32, #tpu.memory_space<vmem>>[vector<16xi32>, vector<16xi32>, vector<16xi32>, vector<16xi32>], vector<16xf32>,
      %gather3A_1897 = tpu.vector_load_idx %arg12[%broadcast_in_dim3A_1892, %broadcast_in_dim3A_1894, %iota3A, %broadcast_in_dim3A_1890] : memref<3x4x32x128xf32, #tpu.memory_space<vmem>>[vector<16xi32>, vector<16xi32>, vector<16xi32>, vector<16xi32>], vector<16xf32>,
      %gather3A_1898 = tpu.vector_load_idx %arg12[%broadcast_in_dim3A_1892, %broadcast_in_dim3A_1894, %add3A_10, %broadcast_in_dim3A_1890] : memref<3x4x32x128xf32, #tpu.memory_space<vmem>>[vector<16xi32>, vector<16xi32>, vector<16xi32>, vector<16xi32>], vector<16xf32>,
      %mul3A_1899 = arith.mulf %gather3A_1895, %gather3A_1897 : vector<16xf32>
      %mul3A_1900 = arith.mulf %mul3A_1899, %get3A_5 : vector<16xf32>
      %mul3A_1901 = arith.mulf %gather3A_1896, %gather3A_1898 : vector<16xf32>
      %mul3A_1902 = arith.mulf %mul3A_1901, %get3A_7 : vector<16xf32>
      %add3A_1903 = arith.addf %mul3A_1900, %mul3A_1902 : vector<16xf32>
      %reduce_sum3A_1904 = arith.constant true
      %reduce_sum3A_1905 = vector.broadcast %reduce_sum3A_1904 : i1 to vector<16xi1>
      %reduce_sum3A_1906 = tpu.scan <sum>, %add3A_1903 masked %reduce_sum3A_1905 : vector<16xf32>, vector<16xi1> -> vector<16xf32>
      %reduce_sum3A_1907 = vector.extract %reduce_sum3A_1906[15] : f32 from vector<16xf32>
      %eq3A_1908 = arith.constant 12 : i32
      %eq3A_1909 = vector.broadcast %eq3A_1908 : i32 to vector<16xi32>
      %eq3A_1910 = arith.cmpi eq, %iota3A, %eq3A_1909 : vector<16xi32>
      %broadcast_in_dim3A_1911 = vector.broadcast %reduce_sum3A_1907 : f32 to vector<16xf32>
      %select_n3A_1912 = arith.select %eq3A_1910, %broadcast_in_dim3A_1911, %select_n3A_1600 : vector<16xi1>, vector<16xf32>
      %slice3A_1913 = vector.extract_strided_slice %get3A_24 {offsets = [13], sizes = [1], strides = [1]} : vector<16xi32> to vector<1xi32>
      %squeeze3A_1914 = vector.extract %slice3A_1913[0] : i32 from vector<1xi32>
      %and3A_1915 = arith.constant 127 : i32
      %and3A_1916 = arith.andi %squeeze3A_1914, %and3A_1915 : i32
      %broadcast_in_dim3A_1917 = vector.broadcast %and3A_1916 : i32 to vector<16xi32>
      %slice3A_1918 = vector.extract_strided_slice %get3A_38 {offsets = [13], sizes = [1], strides = [1]} : vector<16xi32> to vector<1xi32>
      %squeeze3A_1919 = vector.extract %slice3A_1918[0] : i32 from vector<1xi32>
      %and3A_1920 = arith.constant 127 : i32
      %and3A_1921 = arith.andi %squeeze3A_1919, %and3A_1920 : i32
      %broadcast_in_dim3A_1922 = vector.broadcast %and3A_1921 : i32 to vector<16xi32>
      %broadcast_in_dim3A_1923 = arith.constant 0 : i32
      %broadcast_in_dim3A_1924 = vector.broadcast %broadcast_in_dim3A_1923 : i32 to vector<16xi32>
      %broadcast_in_dim3A_1925 = arith.constant 1 : i32
      %broadcast_in_dim3A_1926 = vector.broadcast %broadcast_in_dim3A_1925 : i32 to vector<16xi32>
      %gather3A_1927 = tpu.vector_load_idx %arg11[%broadcast_in_dim3A_1924, %broadcast_in_dim3A_1926, %iota3A, %broadcast_in_dim3A_1917] : memref<3x4x32x128xf32, #tpu.memory_space<vmem>>[vector<16xi32>, vector<16xi32>, vector<16xi32>, vector<16xi32>], vector<16xf32>,
      %gather3A_1928 = tpu.vector_load_idx %arg11[%broadcast_in_dim3A_1924, %broadcast_in_dim3A_1926, %add3A_10, %broadcast_in_dim3A_1917] : memref<3x4x32x128xf32, #tpu.memory_space<vmem>>[vector<16xi32>, vector<16xi32>, vector<16xi32>, vector<16xi32>], vector<16xf32>,
      %gather3A_1929 = tpu.vector_load_idx %arg12[%broadcast_in_dim3A_1924, %broadcast_in_dim3A_1926, %iota3A, %broadcast_in_dim3A_1922] : memref<3x4x32x128xf32, #tpu.memory_space<vmem>>[vector<16xi32>, vector<16xi32>, vector<16xi32>, vector<16xi32>], vector<16xf32>,
      %gather3A_1930 = tpu.vector_load_idx %arg12[%broadcast_in_dim3A_1924, %broadcast_in_dim3A_1926, %add3A_10, %broadcast_in_dim3A_1922] : memref<3x4x32x128xf32, #tpu.memory_space<vmem>>[vector<16xi32>, vector<16xi32>, vector<16xi32>, vector<16xi32>], vector<16xf32>,
      %mul3A_1931 = arith.mulf %gather3A_1927, %gather3A_1929 : vector<16xf32>
      %mul3A_1932 = arith.mulf %mul3A_1931, %get3A_5 : vector<16xf32>
      %mul3A_1933 = arith.mulf %gather3A_1928, %gather3A_1930 : vector<16xf32>
      %mul3A_1934 = arith.mulf %mul3A_1933, %get3A_7 : vector<16xf32>
      %add3A_1935 = arith.addf %mul3A_1932, %mul3A_1934 : vector<16xf32>
      %reduce_sum3A_1936 = arith.constant true
      %reduce_sum3A_1937 = vector.broadcast %reduce_sum3A_1936 : i1 to vector<16xi1>
      %reduce_sum3A_1938 = tpu.scan <sum>, %add3A_1935 masked %reduce_sum3A_1937 : vector<16xf32>, vector<16xi1> -> vector<16xf32>
      %reduce_sum3A_1939 = vector.extract %reduce_sum3A_1938[15] : f32 from vector<16xf32>
      %eq3A_1940 = arith.constant 13 : i32
      %eq3A_1941 = vector.broadcast %eq3A_1940 : i32 to vector<16xi32>
      %eq3A_1942 = arith.cmpi eq, %iota3A, %eq3A_1941 : vector<16xi32>
      %broadcast_in_dim3A_1943 = vector.broadcast %reduce_sum3A_1939 : f32 to vector<16xf32>
      %select_n3A_1944 = arith.select %eq3A_1942, %broadcast_in_dim3A_1943, %select_n3A_1912 : vector<16xi1>, vector<16xf32>
      %slice3A_1945 = vector.extract_strided_slice %get3A_24 {offsets = [14], sizes = [1], strides = [1]} : vector<16xi32> to vector<1xi32>
      %squeeze3A_1946 = vector.extract %slice3A_1945[0] : i32 from vector<1xi32>
      %and3A_1947 = arith.constant 127 : i32
      %and3A_1948 = arith.andi %squeeze3A_1946, %and3A_1947 : i32
      %broadcast_in_dim3A_1949 = vector.broadcast %and3A_1948 : i32 to vector<16xi32>
      %slice3A_1950 = vector.extract_strided_slice %get3A_38 {offsets = [14], sizes = [1], strides = [1]} : vector<16xi32> to vector<1xi32>
      %squeeze3A_1951 = vector.extract %slice3A_1950[0] : i32 from vector<1xi32>
      %and3A_1952 = arith.constant 127 : i32
      %and3A_1953 = arith.andi %squeeze3A_1951, %and3A_1952 : i32
      %broadcast_in_dim3A_1954 = vector.broadcast %and3A_1953 : i32 to vector<16xi32>
      %broadcast_in_dim3A_1955 = arith.constant 0 : i32
      %broadcast_in_dim3A_1956 = vector.broadcast %broadcast_in_dim3A_1955 : i32 to vector<16xi32>
      %broadcast_in_dim3A_1957 = arith.constant 2 : i32
      %broadcast_in_dim3A_1958 = vector.broadcast %broadcast_in_dim3A_1957 : i32 to vector<16xi32>
      %gather3A_1959 = tpu.vector_load_idx %arg11[%broadcast_in_dim3A_1956, %broadcast_in_dim3A_1958, %iota3A, %broadcast_in_dim3A_1949] : memref<3x4x32x128xf32, #tpu.memory_space<vmem>>[vector<16xi32>, vector<16xi32>, vector<16xi32>, vector<16xi32>], vector<16xf32>,
      %gather3A_1960 = tpu.vector_load_idx %arg11[%broadcast_in_dim3A_1956, %broadcast_in_dim3A_1958, %add3A_10, %broadcast_in_dim3A_1949] : memref<3x4x32x128xf32, #tpu.memory_space<vmem>>[vector<16xi32>, vector<16xi32>, vector<16xi32>, vector<16xi32>], vector<16xf32>,
      %gather3A_1961 = tpu.vector_load_idx %arg12[%broadcast_in_dim3A_1956, %broadcast_in_dim3A_1958, %iota3A, %broadcast_in_dim3A_1954] : memref<3x4x32x128xf32, #tpu.memory_space<vmem>>[vector<16xi32>, vector<16xi32>, vector<16xi32>, vector<16xi32>], vector<16xf32>,
      %gather3A_1962 = tpu.vector_load_idx %arg12[%broadcast_in_dim3A_1956, %broadcast_in_dim3A_1958, %add3A_10, %broadcast_in_dim3A_1954] : memref<3x4x32x128xf32, #tpu.memory_space<vmem>>[vector<16xi32>, vector<16xi32>, vector<16xi32>, vector<16xi32>], vector<16xf32>,
      %mul3A_1963 = arith.mulf %gather3A_1959, %gather3A_1961 : vector<16xf32>
      %mul3A_1964 = arith.mulf %mul3A_1963, %get3A_5 : vector<16xf32>
      %mul3A_1965 = arith.mulf %gather3A_1960, %gather3A_1962 : vector<16xf32>
      %mul3A_1966 = arith.mulf %mul3A_1965, %get3A_7 : vector<16xf32>
      %add3A_1967 = arith.addf %mul3A_1964, %mul3A_1966 : vector<16xf32>
      %reduce_sum3A_1968 = arith.constant true
      %reduce_sum3A_1969 = vector.broadcast %reduce_sum3A_1968 : i1 to vector<16xi1>
      %reduce_sum3A_1970 = tpu.scan <sum>, %add3A_1967 masked %reduce_sum3A_1969 : vector<16xf32>, vector<16xi1> -> vector<16xf32>
      %reduce_sum3A_1971 = vector.extract %reduce_sum3A_1970[15] : f32 from vector<16xf32>
      %eq3A_1972 = arith.constant 14 : i32
      %eq3A_1973 = vector.broadcast %eq3A_1972 : i32 to vector<16xi32>
      %eq3A_1974 = arith.cmpi eq, %iota3A, %eq3A_1973 : vector<16xi32>
      %broadcast_in_dim3A_1975 = vector.broadcast %reduce_sum3A_1971 : f32 to vector<16xf32>
      %select_n3A_1976 = arith.select %eq3A_1974, %broadcast_in_dim3A_1975, %select_n3A_1944 : vector<16xi1>, vector<16xf32>
      %slice3A_1977 = vector.extract_strided_slice %get3A_24 {offsets = [15], sizes = [1], strides = [1]} : vector<16xi32> to vector<1xi32>
      %squeeze3A_1978 = vector.extract %slice3A_1977[0] : i32 from vector<1xi32>
      %and3A_1979 = arith.constant 127 : i32
      %and3A_1980 = arith.andi %squeeze3A_1978, %and3A_1979 : i32
      %broadcast_in_dim3A_1981 = vector.broadcast %and3A_1980 : i32 to vector<16xi32>
      %slice3A_1982 = vector.extract_strided_slice %get3A_38 {offsets = [15], sizes = [1], strides = [1]} : vector<16xi32> to vector<1xi32>
      %squeeze3A_1983 = vector.extract %slice3A_1982[0] : i32 from vector<1xi32>
      %and3A_1984 = arith.constant 127 : i32
      %and3A_1985 = arith.andi %squeeze3A_1983, %and3A_1984 : i32
      %broadcast_in_dim3A_1986 = vector.broadcast %and3A_1985 : i32 to vector<16xi32>
      %broadcast_in_dim3A_1987 = arith.constant 0 : i32
      %broadcast_in_dim3A_1988 = vector.broadcast %broadcast_in_dim3A_1987 : i32 to vector<16xi32>
      %broadcast_in_dim3A_1989 = arith.constant 3 : i32
      %broadcast_in_dim3A_1990 = vector.broadcast %broadcast_in_dim3A_1989 : i32 to vector<16xi32>
      %gather3A_1991 = tpu.vector_load_idx %arg11[%broadcast_in_dim3A_1988, %broadcast_in_dim3A_1990, %iota3A, %broadcast_in_dim3A_1981] : memref<3x4x32x128xf32, #tpu.memory_space<vmem>>[vector<16xi32>, vector<16xi32>, vector<16xi32>, vector<16xi32>], vector<16xf32>,
      %gather3A_1992 = tpu.vector_load_idx %arg11[%broadcast_in_dim3A_1988, %broadcast_in_dim3A_1990, %add3A_10, %broadcast_in_dim3A_1981] : memref<3x4x32x128xf32, #tpu.memory_space<vmem>>[vector<16xi32>, vector<16xi32>, vector<16xi32>, vector<16xi32>], vector<16xf32>,
      %gather3A_1993 = tpu.vector_load_idx %arg12[%broadcast_in_dim3A_1988, %broadcast_in_dim3A_1990, %iota3A, %broadcast_in_dim3A_1986] : memref<3x4x32x128xf32, #tpu.memory_space<vmem>>[vector<16xi32>, vector<16xi32>, vector<16xi32>, vector<16xi32>], vector<16xf32>,
      %gather3A_1994 = tpu.vector_load_idx %arg12[%broadcast_in_dim3A_1988, %broadcast_in_dim3A_1990, %add3A_10, %broadcast_in_dim3A_1986] : memref<3x4x32x128xf32, #tpu.memory_space<vmem>>[vector<16xi32>, vector<16xi32>, vector<16xi32>, vector<16xi32>], vector<16xf32>,
      %mul3A_1995 = arith.mulf %gather3A_1991, %gather3A_1993 : vector<16xf32>
      %mul3A_1996 = arith.mulf %mul3A_1995, %get3A_5 : vector<16xf32>
      %mul3A_1997 = arith.mulf %gather3A_1992, %gather3A_1994 : vector<16xf32>
      %mul3A_1998 = arith.mulf %mul3A_1997, %get3A_7 : vector<16xf32>
      %add3A_1999 = arith.addf %mul3A_1996, %mul3A_1998 : vector<16xf32>
      %reduce_sum3A_2000 = arith.constant true
      %reduce_sum3A_2001 = vector.broadcast %reduce_sum3A_2000 : i1 to vector<16xi1>
      %reduce_sum3A_2002 = tpu.scan <sum>, %add3A_1999 masked %reduce_sum3A_2001 : vector<16xf32>, vector<16xi1> -> vector<16xf32>
      %reduce_sum3A_2003 = vector.extract %reduce_sum3A_2002[15] : f32 from vector<16xf32>
      %eq3A_2004 = arith.constant 15 : i32
      %eq3A_2005 = vector.broadcast %eq3A_2004 : i32 to vector<16xi32>
      %eq3A_2006 = arith.cmpi eq, %iota3A, %eq3A_2005 : vector<16xi32>
      %broadcast_in_dim3A_2007 = vector.broadcast %reduce_sum3A_2003 : f32 to vector<16xf32>
      %select_n3A_2008 = arith.select %eq3A_2006, %broadcast_in_dim3A_2007, %select_n3A_1976 : vector<16xi1>, vector<16xf32>
      %slice3A_2009 = vector.extract_strided_slice %get3A_32 {offsets = [8], sizes = [1], strides = [1]} : vector<16xi32> to vector<1xi32>
      %squeeze3A_2010 = vector.extract %slice3A_2009[0] : i32 from vector<1xi32>
      %shift_right_arithmetic3A_2011 = arith.constant 7 : i32
      %shift_right_arithmetic3A_2012 = arith.shrsi %squeeze3A_2010, %shift_right_arithmetic3A_2011 : i32
      %mul3A_2013 = arith.constant 128 : i32
      %mul3A_2014 = arith.muli %shift_right_arithmetic3A_2012, %mul3A_2013 : i32
      %multiple_of3A_2015 = tpu.assume_multiple %mul3A_2014, 128 : i32
      %slice3A_2016 = vector.extract_strided_slice %get3A_46 {offsets = [8], sizes = [1], strides = [1]} : vector<16xi32> to vector<1xi32>
      %squeeze3A_2017 = vector.extract %slice3A_2016[0] : i32 from vector<1xi32>
      %shift_right_arithmetic3A_2018 = arith.constant 7 : i32
      %shift_right_arithmetic3A_2019 = arith.shrsi %squeeze3A_2017, %shift_right_arithmetic3A_2018 : i32
      %mul3A_2020 = arith.constant 128 : i32
      %mul3A_2021 = arith.muli %shift_right_arithmetic3A_2019, %mul3A_2020 : i32
      %multiple_of3A_2022 = tpu.assume_multiple %mul3A_2021, 128 : i32
      %dma_start3A_2023 = arith.constant 0 : i32
      %dma_start3A_2024 = arith.constant 0 : i32
      %dma_start3A_2025 = arith.constant 0 : i32
      %dma_start3A_2026 = arith.constant 0 : i32
      %dma_start3A_2027 = tpu.memref_slice %arg11[%dma_start3A_2023, %dma_start3A_2024, %dma_start3A_2025, %dma_start3A_2026] : memref<3x4x32x128xf32, #tpu.memory_space<vmem>> -> memref<1x1x32x128xf32, #tpu.memory_space<vmem>>
      %dma_start3A_2028 = tpu.memref_squeeze %dma_start3A_2027 : memref<1x1x32x128xf32, #tpu.memory_space<vmem>> -> memref<32x128xf32, #tpu.memory_space<vmem>>
      %dma_start3A_2029 = arith.constant 0 : i32
      %dma_start3A_2030 = tpu.memref_slice %arg4[%dma_start3A_2029, %multiple_of3A_2015] : memref<32x1000000xf32, #tpu.memory_space<hbm>> -> memref<32x128xf32, #tpu.memory_space<hbm>>
      %dma_start3A_2031 = arith.constant 0 : i32
      %dma_start3A_2032 = arith.constant 0 : i32
      %dma_start3A_2033 = tpu.memref_slice %arg11[%dma_start3A_2023, %dma_start3A_2024, %dma_start3A_2031, %dma_start3A_2032] : memref<3x4x32x128xf32, #tpu.memory_space<vmem>> -> memref<1x1x32x128xf32, #tpu.memory_space<vmem>>
      %dma_start3A_2034 = tpu.memref_squeeze %dma_start3A_2033 : memref<1x1x32x128xf32, #tpu.memory_space<vmem>> -> memref<32x128xf32, #tpu.memory_space<vmem>>
      %dma_start3A_2035 = arith.constant 0 : i32
      %dma_start3A_2036 = tpu.memref_slice %arg4[%dma_start3A_2035, %multiple_of3A_2015] : memref<32x1000000xf32, #tpu.memory_space<hbm>> -> memref<32x128xf32, #tpu.memory_space<hbm>>
      tpu.enqueue_dma source(%dma_start3A_2036 : memref<32x128xf32, #tpu.memory_space<hbm>>) target(%dma_start3A_2034 : memref<32x128xf32, #tpu.memory_space<vmem>>) target_semaphore(%arg16 : memref<!tpu.dma_semaphore, #tpu.memory_space<semaphore_mem>>)
      %dma_start3A_2037 = arith.constant 0 : i32
      %dma_start3A_2038 = arith.constant 0 : i32
      %dma_start3A_2039 = arith.constant 0 : i32
      %dma_start3A_2040 = arith.constant 0 : i32
      %dma_start3A_2041 = tpu.memref_slice %arg12[%dma_start3A_2037, %dma_start3A_2038, %dma_start3A_2039, %dma_start3A_2040] : memref<3x4x32x128xf32, #tpu.memory_space<vmem>> -> memref<1x1x32x128xf32, #tpu.memory_space<vmem>>
      %dma_start3A_2042 = tpu.memref_squeeze %dma_start3A_2041 : memref<1x1x32x128xf32, #tpu.memory_space<vmem>> -> memref<32x128xf32, #tpu.memory_space<vmem>>
      %dma_start3A_2043 = arith.constant 0 : i32
      %dma_start3A_2044 = tpu.memref_slice %arg5[%dma_start3A_2043, %multiple_of3A_2022] : memref<32x1000000xf32, #tpu.memory_space<hbm>> -> memref<32x128xf32, #tpu.memory_space<hbm>>
      %dma_start3A_2045 = arith.constant 0 : i32
      %dma_start3A_2046 = arith.constant 0 : i32
      %dma_start3A_2047 = tpu.memref_slice %arg12[%dma_start3A_2037, %dma_start3A_2038, %dma_start3A_2045, %dma_start3A_2046] : memref<3x4x32x128xf32, #tpu.memory_space<vmem>> -> memref<1x1x32x128xf32, #tpu.memory_space<vmem>>
      %dma_start3A_2048 = tpu.memref_squeeze %dma_start3A_2047 : memref<1x1x32x128xf32, #tpu.memory_space<vmem>> -> memref<32x128xf32, #tpu.memory_space<vmem>>
      %dma_start3A_2049 = arith.constant 0 : i32
      %dma_start3A_2050 = tpu.memref_slice %arg5[%dma_start3A_2049, %multiple_of3A_2022] : memref<32x1000000xf32, #tpu.memory_space<hbm>> -> memref<32x128xf32, #tpu.memory_space<hbm>>
      tpu.enqueue_dma source(%dma_start3A_2050 : memref<32x128xf32, #tpu.memory_space<hbm>>) target(%dma_start3A_2048 : memref<32x128xf32, #tpu.memory_space<vmem>>) target_semaphore(%arg17 : memref<!tpu.dma_semaphore, #tpu.memory_space<semaphore_mem>>)
      %slice3A_2051 = vector.extract_strided_slice %get3A_32 {offsets = [9], sizes = [1], strides = [1]} : vector<16xi32> to vector<1xi32>
      %squeeze3A_2052 = vector.extract %slice3A_2051[0] : i32 from vector<1xi32>
      %shift_right_arithmetic3A_2053 = arith.constant 7 : i32
      %shift_right_arithmetic3A_2054 = arith.shrsi %squeeze3A_2052, %shift_right_arithmetic3A_2053 : i32
      %mul3A_2055 = arith.constant 128 : i32
      %mul3A_2056 = arith.muli %shift_right_arithmetic3A_2054, %mul3A_2055 : i32
      %multiple_of3A_2057 = tpu.assume_multiple %mul3A_2056, 128 : i32
      %slice3A_2058 = vector.extract_strided_slice %get3A_46 {offsets = [9], sizes = [1], strides = [1]} : vector<16xi32> to vector<1xi32>
      %squeeze3A_2059 = vector.extract %slice3A_2058[0] : i32 from vector<1xi32>
      %shift_right_arithmetic3A_2060 = arith.constant 7 : i32
      %shift_right_arithmetic3A_2061 = arith.shrsi %squeeze3A_2059, %shift_right_arithmetic3A_2060 : i32
      %mul3A_2062 = arith.constant 128 : i32
      %mul3A_2063 = arith.muli %shift_right_arithmetic3A_2061, %mul3A_2062 : i32
      %multiple_of3A_2064 = tpu.assume_multiple %mul3A_2063, 128 : i32
      %dma_start3A_2065 = arith.constant 0 : i32
      %dma_start3A_2066 = arith.constant 1 : i32
      %dma_start3A_2067 = arith.constant 0 : i32
      %dma_start3A_2068 = arith.constant 0 : i32
      %dma_start3A_2069 = tpu.memref_slice %arg11[%dma_start3A_2065, %dma_start3A_2066, %dma_start3A_2067, %dma_start3A_2068] : memref<3x4x32x128xf32, #tpu.memory_space<vmem>> -> memref<1x1x32x128xf32, #tpu.memory_space<vmem>>
      %dma_start3A_2070 = tpu.memref_squeeze %dma_start3A_2069 : memref<1x1x32x128xf32, #tpu.memory_space<vmem>> -> memref<32x128xf32, #tpu.memory_space<vmem>>
      %dma_start3A_2071 = arith.constant 0 : i32
      %dma_start3A_2072 = tpu.memref_slice %arg4[%dma_start3A_2071, %multiple_of3A_2057] : memref<32x1000000xf32, #tpu.memory_space<hbm>> -> memref<32x128xf32, #tpu.memory_space<hbm>>
      %dma_start3A_2073 = arith.constant 0 : i32
      %dma_start3A_2074 = arith.constant 0 : i32
      %dma_start3A_2075 = tpu.memref_slice %arg11[%dma_start3A_2065, %dma_start3A_2066, %dma_start3A_2073, %dma_start3A_2074] : memref<3x4x32x128xf32, #tpu.memory_space<vmem>> -> memref<1x1x32x128xf32, #tpu.memory_space<vmem>>
      %dma_start3A_2076 = tpu.memref_squeeze %dma_start3A_2075 : memref<1x1x32x128xf32, #tpu.memory_space<vmem>> -> memref<32x128xf32, #tpu.memory_space<vmem>>
      %dma_start3A_2077 = arith.constant 0 : i32
      %dma_start3A_2078 = tpu.memref_slice %arg4[%dma_start3A_2077, %multiple_of3A_2057] : memref<32x1000000xf32, #tpu.memory_space<hbm>> -> memref<32x128xf32, #tpu.memory_space<hbm>>
      tpu.enqueue_dma source(%dma_start3A_2078 : memref<32x128xf32, #tpu.memory_space<hbm>>) target(%dma_start3A_2076 : memref<32x128xf32, #tpu.memory_space<vmem>>) target_semaphore(%arg16 : memref<!tpu.dma_semaphore, #tpu.memory_space<semaphore_mem>>)
      %dma_start3A_2079 = arith.constant 0 : i32
      %dma_start3A_2080 = arith.constant 1 : i32
      %dma_start3A_2081 = arith.constant 0 : i32
      %dma_start3A_2082 = arith.constant 0 : i32
      %dma_start3A_2083 = tpu.memref_slice %arg12[%dma_start3A_2079, %dma_start3A_2080, %dma_start3A_2081, %dma_start3A_2082] : memref<3x4x32x128xf32, #tpu.memory_space<vmem>> -> memref<1x1x32x128xf32, #tpu.memory_space<vmem>>
      %dma_start3A_2084 = tpu.memref_squeeze %dma_start3A_2083 : memref<1x1x32x128xf32, #tpu.memory_space<vmem>> -> memref<32x128xf32, #tpu.memory_space<vmem>>
      %dma_start3A_2085 = arith.constant 0 : i32
      %dma_start3A_2086 = tpu.memref_slice %arg5[%dma_start3A_2085, %multiple_of3A_2064] : memref<32x1000000xf32, #tpu.memory_space<hbm>> -> memref<32x128xf32, #tpu.memory_space<hbm>>
      %dma_start3A_2087 = arith.constant 0 : i32
      %dma_start3A_2088 = arith.constant 0 : i32
      %dma_start3A_2089 = tpu.memref_slice %arg12[%dma_start3A_2079, %dma_start3A_2080, %dma_start3A_2087, %dma_start3A_2088] : memref<3x4x32x128xf32, #tpu.memory_space<vmem>> -> memref<1x1x32x128xf32, #tpu.memory_space<vmem>>
      %dma_start3A_2090 = tpu.memref_squeeze %dma_start3A_2089 : memref<1x1x32x128xf32, #tpu.memory_space<vmem>> -> memref<32x128xf32, #tpu.memory_space<vmem>>
      %dma_start3A_2091 = arith.constant 0 : i32
      %dma_start3A_2092 = tpu.memref_slice %arg5[%dma_start3A_2091, %multiple_of3A_2064] : memref<32x1000000xf32, #tpu.memory_space<hbm>> -> memref<32x128xf32, #tpu.memory_space<hbm>>
      tpu.enqueue_dma source(%dma_start3A_2092 : memref<32x128xf32, #tpu.memory_space<hbm>>) target(%dma_start3A_2090 : memref<32x128xf32, #tpu.memory_space<vmem>>) target_semaphore(%arg17 : memref<!tpu.dma_semaphore, #tpu.memory_space<semaphore_mem>>)
      %slice3A_2093 = vector.extract_strided_slice %get3A_32 {offsets = [10], sizes = [1], strides = [1]} : vector<16xi32> to vector<1xi32>
      %squeeze3A_2094 = vector.extract %slice3A_2093[0] : i32 from vector<1xi32>
      %shift_right_arithmetic3A_2095 = arith.constant 7 : i32
      %shift_right_arithmetic3A_2096 = arith.shrsi %squeeze3A_2094, %shift_right_arithmetic3A_2095 : i32
      %mul3A_2097 = arith.constant 128 : i32
      %mul3A_2098 = arith.muli %shift_right_arithmetic3A_2096, %mul3A_2097 : i32
      %multiple_of3A_2099 = tpu.assume_multiple %mul3A_2098, 128 : i32
      %slice3A_2100 = vector.extract_strided_slice %get3A_46 {offsets = [10], sizes = [1], strides = [1]} : vector<16xi32> to vector<1xi32>
      %squeeze3A_2101 = vector.extract %slice3A_2100[0] : i32 from vector<1xi32>
      %shift_right_arithmetic3A_2102 = arith.constant 7 : i32
      %shift_right_arithmetic3A_2103 = arith.shrsi %squeeze3A_2101, %shift_right_arithmetic3A_2102 : i32
      %mul3A_2104 = arith.constant 128 : i32
      %mul3A_2105 = arith.muli %shift_right_arithmetic3A_2103, %mul3A_2104 : i32
      %multiple_of3A_2106 = tpu.assume_multiple %mul3A_2105, 128 : i32
      %dma_start3A_2107 = arith.constant 0 : i32
      %dma_start3A_2108 = arith.constant 2 : i32
      %dma_start3A_2109 = arith.constant 0 : i32
      %dma_start3A_2110 = arith.constant 0 : i32
      %dma_start3A_2111 = tpu.memref_slice %arg11[%dma_start3A_2107, %dma_start3A_2108, %dma_start3A_2109, %dma_start3A_2110] : memref<3x4x32x128xf32, #tpu.memory_space<vmem>> -> memref<1x1x32x128xf32, #tpu.memory_space<vmem>>
      %dma_start3A_2112 = tpu.memref_squeeze %dma_start3A_2111 : memref<1x1x32x128xf32, #tpu.memory_space<vmem>> -> memref<32x128xf32, #tpu.memory_space<vmem>>
      %dma_start3A_2113 = arith.constant 0 : i32
      %dma_start3A_2114 = tpu.memref_slice %arg4[%dma_start3A_2113, %multiple_of3A_2099] : memref<32x1000000xf32, #tpu.memory_space<hbm>> -> memref<32x128xf32, #tpu.memory_space<hbm>>
      %dma_start3A_2115 = arith.constant 0 : i32
      %dma_start3A_2116 = arith.constant 0 : i32
      %dma_start3A_2117 = tpu.memref_slice %arg11[%dma_start3A_2107, %dma_start3A_2108, %dma_start3A_2115, %dma_start3A_2116] : memref<3x4x32x128xf32, #tpu.memory_space<vmem>> -> memref<1x1x32x128xf32, #tpu.memory_space<vmem>>
      %dma_start3A_2118 = tpu.memref_squeeze %dma_start3A_2117 : memref<1x1x32x128xf32, #tpu.memory_space<vmem>> -> memref<32x128xf32, #tpu.memory_space<vmem>>
      %dma_start3A_2119 = arith.constant 0 : i32
      %dma_start3A_2120 = tpu.memref_slice %arg4[%dma_start3A_2119, %multiple_of3A_2099] : memref<32x1000000xf32, #tpu.memory_space<hbm>> -> memref<32x128xf32, #tpu.memory_space<hbm>>
      tpu.enqueue_dma source(%dma_start3A_2120 : memref<32x128xf32, #tpu.memory_space<hbm>>) target(%dma_start3A_2118 : memref<32x128xf32, #tpu.memory_space<vmem>>) target_semaphore(%arg16 : memref<!tpu.dma_semaphore, #tpu.memory_space<semaphore_mem>>)
      %dma_start3A_2121 = arith.constant 0 : i32
      %dma_start3A_2122 = arith.constant 2 : i32
      %dma_start3A_2123 = arith.constant 0 : i32
      %dma_start3A_2124 = arith.constant 0 : i32
      %dma_start3A_2125 = tpu.memref_slice %arg12[%dma_start3A_2121, %dma_start3A_2122, %dma_start3A_2123, %dma_start3A_2124] : memref<3x4x32x128xf32, #tpu.memory_space<vmem>> -> memref<1x1x32x128xf32, #tpu.memory_space<vmem>>
      %dma_start3A_2126 = tpu.memref_squeeze %dma_start3A_2125 : memref<1x1x32x128xf32, #tpu.memory_space<vmem>> -> memref<32x128xf32, #tpu.memory_space<vmem>>
      %dma_start3A_2127 = arith.constant 0 : i32
      %dma_start3A_2128 = tpu.memref_slice %arg5[%dma_start3A_2127, %multiple_of3A_2106] : memref<32x1000000xf32, #tpu.memory_space<hbm>> -> memref<32x128xf32, #tpu.memory_space<hbm>>
      %dma_start3A_2129 = arith.constant 0 : i32
      %dma_start3A_2130 = arith.constant 0 : i32
      %dma_start3A_2131 = tpu.memref_slice %arg12[%dma_start3A_2121, %dma_start3A_2122, %dma_start3A_2129, %dma_start3A_2130] : memref<3x4x32x128xf32, #tpu.memory_space<vmem>> -> memref<1x1x32x128xf32, #tpu.memory_space<vmem>>
      %dma_start3A_2132 = tpu.memref_squeeze %dma_start3A_2131 : memref<1x1x32x128xf32, #tpu.memory_space<vmem>> -> memref<32x128xf32, #tpu.memory_space<vmem>>
      %dma_start3A_2133 = arith.constant 0 : i32
      %dma_start3A_2134 = tpu.memref_slice %arg5[%dma_start3A_2133, %multiple_of3A_2106] : memref<32x1000000xf32, #tpu.memory_space<hbm>> -> memref<32x128xf32, #tpu.memory_space<hbm>>
      tpu.enqueue_dma source(%dma_start3A_2134 : memref<32x128xf32, #tpu.memory_space<hbm>>) target(%dma_start3A_2132 : memref<32x128xf32, #tpu.memory_space<vmem>>) target_semaphore(%arg17 : memref<!tpu.dma_semaphore, #tpu.memory_space<semaphore_mem>>)
      %slice3A_2135 = vector.extract_strided_slice %get3A_32 {offsets = [11], sizes = [1], strides = [1]} : vector<16xi32> to vector<1xi32>
      %squeeze3A_2136 = vector.extract %slice3A_2135[0] : i32 from vector<1xi32>
      %shift_right_arithmetic3A_2137 = arith.constant 7 : i32
      %shift_right_arithmetic3A_2138 = arith.shrsi %squeeze3A_2136, %shift_right_arithmetic3A_2137 : i32
      %mul3A_2139 = arith.constant 128 : i32
      %mul3A_2140 = arith.muli %shift_right_arithmetic3A_2138, %mul3A_2139 : i32
      %multiple_of3A_2141 = tpu.assume_multiple %mul3A_2140, 128 : i32
      %slice3A_2142 = vector.extract_strided_slice %get3A_46 {offsets = [11], sizes = [1], strides = [1]} : vector<16xi32> to vector<1xi32>
      %squeeze3A_2143 = vector.extract %slice3A_2142[0] : i32 from vector<1xi32>
      %shift_right_arithmetic3A_2144 = arith.constant 7 : i32
      %shift_right_arithmetic3A_2145 = arith.shrsi %squeeze3A_2143, %shift_right_arithmetic3A_2144 : i32
      %mul3A_2146 = arith.constant 128 : i32
      %mul3A_2147 = arith.muli %shift_right_arithmetic3A_2145, %mul3A_2146 : i32
      %multiple_of3A_2148 = tpu.assume_multiple %mul3A_2147, 128 : i32
      %dma_start3A_2149 = arith.constant 0 : i32
      %dma_start3A_2150 = arith.constant 3 : i32
      %dma_start3A_2151 = arith.constant 0 : i32
      %dma_start3A_2152 = arith.constant 0 : i32
      %dma_start3A_2153 = tpu.memref_slice %arg11[%dma_start3A_2149, %dma_start3A_2150, %dma_start3A_2151, %dma_start3A_2152] : memref<3x4x32x128xf32, #tpu.memory_space<vmem>> -> memref<1x1x32x128xf32, #tpu.memory_space<vmem>>
      %dma_start3A_2154 = tpu.memref_squeeze %dma_start3A_2153 : memref<1x1x32x128xf32, #tpu.memory_space<vmem>> -> memref<32x128xf32, #tpu.memory_space<vmem>>
      %dma_start3A_2155 = arith.constant 0 : i32
      %dma_start3A_2156 = tpu.memref_slice %arg4[%dma_start3A_2155, %multiple_of3A_2141] : memref<32x1000000xf32, #tpu.memory_space<hbm>> -> memref<32x128xf32, #tpu.memory_space<hbm>>
      %dma_start3A_2157 = arith.constant 0 : i32
      %dma_start3A_2158 = arith.constant 0 : i32
      %dma_start3A_2159 = tpu.memref_slice %arg11[%dma_start3A_2149, %dma_start3A_2150, %dma_start3A_2157, %dma_start3A_2158] : memref<3x4x32x128xf32, #tpu.memory_space<vmem>> -> memref<1x1x32x128xf32, #tpu.memory_space<vmem>>
      %dma_start3A_2160 = tpu.memref_squeeze %dma_start3A_2159 : memref<1x1x32x128xf32, #tpu.memory_space<vmem>> -> memref<32x128xf32, #tpu.memory_space<vmem>>
      %dma_start3A_2161 = arith.constant 0 : i32
      %dma_start3A_2162 = tpu.memref_slice %arg4[%dma_start3A_2161, %multiple_of3A_2141] : memref<32x1000000xf32, #tpu.memory_space<hbm>> -> memref<32x128xf32, #tpu.memory_space<hbm>>
      tpu.enqueue_dma source(%dma_start3A_2162 : memref<32x128xf32, #tpu.memory_space<hbm>>) target(%dma_start3A_2160 : memref<32x128xf32, #tpu.memory_space<vmem>>) target_semaphore(%arg16 : memref<!tpu.dma_semaphore, #tpu.memory_space<semaphore_mem>>)
      %dma_start3A_2163 = arith.constant 0 : i32
      %dma_start3A_2164 = arith.constant 3 : i32
      %dma_start3A_2165 = arith.constant 0 : i32
      %dma_start3A_2166 = arith.constant 0 : i32
      %dma_start3A_2167 = tpu.memref_slice %arg12[%dma_start3A_2163, %dma_start3A_2164, %dma_start3A_2165, %dma_start3A_2166] : memref<3x4x32x128xf32, #tpu.memory_space<vmem>> -> memref<1x1x32x128xf32, #tpu.memory_space<vmem>>
      %dma_start3A_2168 = tpu.memref_squeeze %dma_start3A_2167 : memref<1x1x32x128xf32, #tpu.memory_space<vmem>> -> memref<32x128xf32, #tpu.memory_space<vmem>>
      %dma_start3A_2169 = arith.constant 0 : i32
      %dma_start3A_2170 = tpu.memref_slice %arg5[%dma_start3A_2169, %multiple_of3A_2148] : memref<32x1000000xf32, #tpu.memory_space<hbm>> -> memref<32x128xf32, #tpu.memory_space<hbm>>
      %dma_start3A_2171 = arith.constant 0 : i32
      %dma_start3A_2172 = arith.constant 0 : i32
      %dma_start3A_2173 = tpu.memref_slice %arg12[%dma_start3A_2163, %dma_start3A_2164, %dma_start3A_2171, %dma_start3A_2172] : memref<3x4x32x128xf32, #tpu.memory_space<vmem>> -> memref<1x1x32x128xf32, #tpu.memory_space<vmem>>
      %dma_start3A_2174 = tpu.memref_squeeze %dma_start3A_2173 : memref<1x1x32x128xf32, #tpu.memory_space<vmem>> -> memref<32x128xf32, #tpu.memory_space<vmem>>
      %dma_start3A_2175 = arith.constant 0 : i32
      %dma_start3A_2176 = tpu.memref_slice %arg5[%dma_start3A_2175, %multiple_of3A_2148] : memref<32x1000000xf32, #tpu.memory_space<hbm>> -> memref<32x128xf32, #tpu.memory_space<hbm>>
      tpu.enqueue_dma source(%dma_start3A_2176 : memref<32x128xf32, #tpu.memory_space<hbm>>) target(%dma_start3A_2174 : memref<32x128xf32, #tpu.memory_space<vmem>>) target_semaphore(%arg17 : memref<!tpu.dma_semaphore, #tpu.memory_space<semaphore_mem>>)
      %dma_wait3A_2177 = arith.constant 1 : i32
      %dma_wait3A_2178 = arith.constant 0 : i32
      %dma_wait3A_2179 = arith.constant 0 : i32
      %dma_wait3A_2180 = arith.constant 0 : i32
      %dma_wait3A_2181 = tpu.memref_slice %arg11[%dma_wait3A_2177, %dma_wait3A_2178, %dma_wait3A_2179, %dma_wait3A_2180] : memref<3x4x32x128xf32, #tpu.memory_space<vmem>> -> memref<1x1x32x128xf32, #tpu.memory_space<vmem>>
      %dma_wait3A_2182 = tpu.memref_squeeze %dma_wait3A_2181 : memref<1x1x32x128xf32, #tpu.memory_space<vmem>> -> memref<32x128xf32, #tpu.memory_space<vmem>>
      %dma_wait3A_2183 = arith.constant 0 : i32
      %dma_wait3A_2184 = tpu.memref_slice %arg4[%dma_wait3A_2183, %multiple_of3A_1199] : memref<32x1000000xf32, #tpu.memory_space<hbm>> -> memref<32x128xf32, #tpu.memory_space<hbm>>
      %dma_wait3A_2185 = arith.constant 0 : i32
      %dma_wait3A_2186 = arith.constant 0 : i32
      %dma_wait3A_2187 = tpu.memref_slice %arg11[%dma_wait3A_2177, %dma_wait3A_2178, %dma_wait3A_2185, %dma_wait3A_2186] : memref<3x4x32x128xf32, #tpu.memory_space<vmem>> -> memref<1x1x32x128xf32, #tpu.memory_space<vmem>>
      %dma_wait3A_2188 = tpu.memref_squeeze %dma_wait3A_2187 : memref<1x1x32x128xf32, #tpu.memory_space<vmem>> -> memref<32x128xf32, #tpu.memory_space<vmem>>
      %dma_wait3A_2189 = arith.constant 0 : i32
      %dma_wait3A_2190 = tpu.memref_slice %arg4[%dma_wait3A_2189, %multiple_of3A_1199] : memref<32x1000000xf32, #tpu.memory_space<hbm>> -> memref<32x128xf32, #tpu.memory_space<hbm>>
      tpu.wait_dma2 semaphore(%arg16 : memref<!tpu.dma_semaphore, #tpu.memory_space<semaphore_mem>>) src(%dma_wait3A_2190 : memref<32x128xf32, #tpu.memory_space<hbm>>) dst(%dma_wait3A_2188 : memref<32x128xf32, #tpu.memory_space<vmem>>)
      %dma_wait3A_2191 = arith.constant 1 : i32
      %dma_wait3A_2192 = arith.constant 0 : i32
      %dma_wait3A_2193 = arith.constant 0 : i32
      %dma_wait3A_2194 = arith.constant 0 : i32
      %dma_wait3A_2195 = tpu.memref_slice %arg12[%dma_wait3A_2191, %dma_wait3A_2192, %dma_wait3A_2193, %dma_wait3A_2194] : memref<3x4x32x128xf32, #tpu.memory_space<vmem>> -> memref<1x1x32x128xf32, #tpu.memory_space<vmem>>
      %dma_wait3A_2196 = tpu.memref_squeeze %dma_wait3A_2195 : memref<1x1x32x128xf32, #tpu.memory_space<vmem>> -> memref<32x128xf32, #tpu.memory_space<vmem>>
      %dma_wait3A_2197 = arith.constant 0 : i32
      %dma_wait3A_2198 = tpu.memref_slice %arg5[%dma_wait3A_2197, %multiple_of3A_1206] : memref<32x1000000xf32, #tpu.memory_space<hbm>> -> memref<32x128xf32, #tpu.memory_space<hbm>>
      %dma_wait3A_2199 = arith.constant 0 : i32
      %dma_wait3A_2200 = arith.constant 0 : i32
      %dma_wait3A_2201 = tpu.memref_slice %arg12[%dma_wait3A_2191, %dma_wait3A_2192, %dma_wait3A_2199, %dma_wait3A_2200] : memref<3x4x32x128xf32, #tpu.memory_space<vmem>> -> memref<1x1x32x128xf32, #tpu.memory_space<vmem>>
      %dma_wait3A_2202 = tpu.memref_squeeze %dma_wait3A_2201 : memref<1x1x32x128xf32, #tpu.memory_space<vmem>> -> memref<32x128xf32, #tpu.memory_space<vmem>>
      %dma_wait3A_2203 = arith.constant 0 : i32
      %dma_wait3A_2204 = tpu.memref_slice %arg5[%dma_wait3A_2203, %multiple_of3A_1206] : memref<32x1000000xf32, #tpu.memory_space<hbm>> -> memref<32x128xf32, #tpu.memory_space<hbm>>
      tpu.wait_dma2 semaphore(%arg17 : memref<!tpu.dma_semaphore, #tpu.memory_space<semaphore_mem>>) src(%dma_wait3A_2204 : memref<32x128xf32, #tpu.memory_space<hbm>>) dst(%dma_wait3A_2202 : memref<32x128xf32, #tpu.memory_space<vmem>>)
      %dma_wait3A_2205 = arith.constant 1 : i32
      %dma_wait3A_2206 = arith.constant 1 : i32
      %dma_wait3A_2207 = arith.constant 0 : i32
      %dma_wait3A_2208 = arith.constant 0 : i32
      %dma_wait3A_2209 = tpu.memref_slice %arg11[%dma_wait3A_2205, %dma_wait3A_2206, %dma_wait3A_2207, %dma_wait3A_2208] : memref<3x4x32x128xf32, #tpu.memory_space<vmem>> -> memref<1x1x32x128xf32, #tpu.memory_space<vmem>>
      %dma_wait3A_2210 = tpu.memref_squeeze %dma_wait3A_2209 : memref<1x1x32x128xf32, #tpu.memory_space<vmem>> -> memref<32x128xf32, #tpu.memory_space<vmem>>
      %dma_wait3A_2211 = arith.constant 0 : i32
      %dma_wait3A_2212 = tpu.memref_slice %arg4[%dma_wait3A_2211, %multiple_of3A_1241] : memref<32x1000000xf32, #tpu.memory_space<hbm>> -> memref<32x128xf32, #tpu.memory_space<hbm>>
      %dma_wait3A_2213 = arith.constant 0 : i32
      %dma_wait3A_2214 = arith.constant 0 : i32
      %dma_wait3A_2215 = tpu.memref_slice %arg11[%dma_wait3A_2205, %dma_wait3A_2206, %dma_wait3A_2213, %dma_wait3A_2214] : memref<3x4x32x128xf32, #tpu.memory_space<vmem>> -> memref<1x1x32x128xf32, #tpu.memory_space<vmem>>
      %dma_wait3A_2216 = tpu.memref_squeeze %dma_wait3A_2215 : memref<1x1x32x128xf32, #tpu.memory_space<vmem>> -> memref<32x128xf32, #tpu.memory_space<vmem>>
      %dma_wait3A_2217 = arith.constant 0 : i32
      %dma_wait3A_2218 = tpu.memref_slice %arg4[%dma_wait3A_2217, %multiple_of3A_1241] : memref<32x1000000xf32, #tpu.memory_space<hbm>> -> memref<32x128xf32, #tpu.memory_space<hbm>>
      tpu.wait_dma2 semaphore(%arg16 : memref<!tpu.dma_semaphore, #tpu.memory_space<semaphore_mem>>) src(%dma_wait3A_2218 : memref<32x128xf32, #tpu.memory_space<hbm>>) dst(%dma_wait3A_2216 : memref<32x128xf32, #tpu.memory_space<vmem>>)
      %dma_wait3A_2219 = arith.constant 1 : i32
      %dma_wait3A_2220 = arith.constant 1 : i32
      %dma_wait3A_2221 = arith.constant 0 : i32
      %dma_wait3A_2222 = arith.constant 0 : i32
      %dma_wait3A_2223 = tpu.memref_slice %arg12[%dma_wait3A_2219, %dma_wait3A_2220, %dma_wait3A_2221, %dma_wait3A_2222] : memref<3x4x32x128xf32, #tpu.memory_space<vmem>> -> memref<1x1x32x128xf32, #tpu.memory_space<vmem>>
      %dma_wait3A_2224 = tpu.memref_squeeze %dma_wait3A_2223 : memref<1x1x32x128xf32, #tpu.memory_space<vmem>> -> memref<32x128xf32, #tpu.memory_space<vmem>>
      %dma_wait3A_2225 = arith.constant 0 : i32
      %dma_wait3A_2226 = tpu.memref_slice %arg5[%dma_wait3A_2225, %multiple_of3A_1248] : memref<32x1000000xf32, #tpu.memory_space<hbm>> -> memref<32x128xf32, #tpu.memory_space<hbm>>
      %dma_wait3A_2227 = arith.constant 0 : i32
      %dma_wait3A_2228 = arith.constant 0 : i32
      %dma_wait3A_2229 = tpu.memref_slice %arg12[%dma_wait3A_2219, %dma_wait3A_2220, %dma_wait3A_2227, %dma_wait3A_2228] : memref<3x4x32x128xf32, #tpu.memory_space<vmem>> -> memref<1x1x32x128xf32, #tpu.memory_space<vmem>>
      %dma_wait3A_2230 = tpu.memref_squeeze %dma_wait3A_2229 : memref<1x1x32x128xf32, #tpu.memory_space<vmem>> -> memref<32x128xf32, #tpu.memory_space<vmem>>
      %dma_wait3A_2231 = arith.constant 0 : i32
      %dma_wait3A_2232 = tpu.memref_slice %arg5[%dma_wait3A_2231, %multiple_of3A_1248] : memref<32x1000000xf32, #tpu.memory_space<hbm>> -> memref<32x128xf32, #tpu.memory_space<hbm>>
      tpu.wait_dma2 semaphore(%arg17 : memref<!tpu.dma_semaphore, #tpu.memory_space<semaphore_mem>>) src(%dma_wait3A_2232 : memref<32x128xf32, #tpu.memory_space<hbm>>) dst(%dma_wait3A_2230 : memref<32x128xf32, #tpu.memory_space<vmem>>)
      %dma_wait3A_2233 = arith.constant 1 : i32
      %dma_wait3A_2234 = arith.constant 2 : i32
      %dma_wait3A_2235 = arith.constant 0 : i32
      %dma_wait3A_2236 = arith.constant 0 : i32
      %dma_wait3A_2237 = tpu.memref_slice %arg11[%dma_wait3A_2233, %dma_wait3A_2234, %dma_wait3A_2235, %dma_wait3A_2236] : memref<3x4x32x128xf32, #tpu.memory_space<vmem>> -> memref<1x1x32x128xf32, #tpu.memory_space<vmem>>
      %dma_wait3A_2238 = tpu.memref_squeeze %dma_wait3A_2237 : memref<1x1x32x128xf32, #tpu.memory_space<vmem>> -> memref<32x128xf32, #tpu.memory_space<vmem>>
      %dma_wait3A_2239 = arith.constant 0 : i32
      %dma_wait3A_2240 = tpu.memref_slice %arg4[%dma_wait3A_2239, %multiple_of3A_1283] : memref<32x1000000xf32, #tpu.memory_space<hbm>> -> memref<32x128xf32, #tpu.memory_space<hbm>>
      %dma_wait3A_2241 = arith.constant 0 : i32
      %dma_wait3A_2242 = arith.constant 0 : i32
      %dma_wait3A_2243 = tpu.memref_slice %arg11[%dma_wait3A_2233, %dma_wait3A_2234, %dma_wait3A_2241, %dma_wait3A_2242] : memref<3x4x32x128xf32, #tpu.memory_space<vmem>> -> memref<1x1x32x128xf32, #tpu.memory_space<vmem>>
      %dma_wait3A_2244 = tpu.memref_squeeze %dma_wait3A_2243 : memref<1x1x32x128xf32, #tpu.memory_space<vmem>> -> memref<32x128xf32, #tpu.memory_space<vmem>>
      %dma_wait3A_2245 = arith.constant 0 : i32
      %dma_wait3A_2246 = tpu.memref_slice %arg4[%dma_wait3A_2245, %multiple_of3A_1283] : memref<32x1000000xf32, #tpu.memory_space<hbm>> -> memref<32x128xf32, #tpu.memory_space<hbm>>
      tpu.wait_dma2 semaphore(%arg16 : memref<!tpu.dma_semaphore, #tpu.memory_space<semaphore_mem>>) src(%dma_wait3A_2246 : memref<32x128xf32, #tpu.memory_space<hbm>>) dst(%dma_wait3A_2244 : memref<32x128xf32, #tpu.memory_space<vmem>>)
      %dma_wait3A_2247 = arith.constant 1 : i32
      %dma_wait3A_2248 = arith.constant 2 : i32
      %dma_wait3A_2249 = arith.constant 0 : i32
      %dma_wait3A_2250 = arith.constant 0 : i32
      %dma_wait3A_2251 = tpu.memref_slice %arg12[%dma_wait3A_2247, %dma_wait3A_2248, %dma_wait3A_2249, %dma_wait3A_2250] : memref<3x4x32x128xf32, #tpu.memory_space<vmem>> -> memref<1x1x32x128xf32, #tpu.memory_space<vmem>>
      %dma_wait3A_2252 = tpu.memref_squeeze %dma_wait3A_2251 : memref<1x1x32x128xf32, #tpu.memory_space<vmem>> -> memref<32x128xf32, #tpu.memory_space<vmem>>
      %dma_wait3A_2253 = arith.constant 0 : i32
      %dma_wait3A_2254 = tpu.memref_slice %arg5[%dma_wait3A_2253, %multiple_of3A_1290] : memref<32x1000000xf32, #tpu.memory_space<hbm>> -> memref<32x128xf32, #tpu.memory_space<hbm>>
      %dma_wait3A_2255 = arith.constant 0 : i32
      %dma_wait3A_2256 = arith.constant 0 : i32
      %dma_wait3A_2257 = tpu.memref_slice %arg12[%dma_wait3A_2247, %dma_wait3A_2248, %dma_wait3A_2255, %dma_wait3A_2256] : memref<3x4x32x128xf32, #tpu.memory_space<vmem>> -> memref<1x1x32x128xf32, #tpu.memory_space<vmem>>
      %dma_wait3A_2258 = tpu.memref_squeeze %dma_wait3A_2257 : memref<1x1x32x128xf32, #tpu.memory_space<vmem>> -> memref<32x128xf32, #tpu.memory_space<vmem>>
      %dma_wait3A_2259 = arith.constant 0 : i32
      %dma_wait3A_2260 = tpu.memref_slice %arg5[%dma_wait3A_2259, %multiple_of3A_1290] : memref<32x1000000xf32, #tpu.memory_space<hbm>> -> memref<32x128xf32, #tpu.memory_space<hbm>>
      tpu.wait_dma2 semaphore(%arg17 : memref<!tpu.dma_semaphore, #tpu.memory_space<semaphore_mem>>) src(%dma_wait3A_2260 : memref<32x128xf32, #tpu.memory_space<hbm>>) dst(%dma_wait3A_2258 : memref<32x128xf32, #tpu.memory_space<vmem>>)
      %dma_wait3A_2261 = arith.constant 1 : i32
      %dma_wait3A_2262 = arith.constant 3 : i32
      %dma_wait3A_2263 = arith.constant 0 : i32
      %dma_wait3A_2264 = arith.constant 0 : i32
      %dma_wait3A_2265 = tpu.memref_slice %arg11[%dma_wait3A_2261, %dma_wait3A_2262, %dma_wait3A_2263, %dma_wait3A_2264] : memref<3x4x32x128xf32, #tpu.memory_space<vmem>> -> memref<1x1x32x128xf32, #tpu.memory_space<vmem>>
      %dma_wait3A_2266 = tpu.memref_squeeze %dma_wait3A_2265 : memref<1x1x32x128xf32, #tpu.memory_space<vmem>> -> memref<32x128xf32, #tpu.memory_space<vmem>>
      %dma_wait3A_2267 = arith.constant 0 : i32
      %dma_wait3A_2268 = tpu.memref_slice %arg4[%dma_wait3A_2267, %multiple_of3A_1325] : memref<32x1000000xf32, #tpu.memory_space<hbm>> -> memref<32x128xf32, #tpu.memory_space<hbm>>
      %dma_wait3A_2269 = arith.constant 0 : i32
      %dma_wait3A_2270 = arith.constant 0 : i32
      %dma_wait3A_2271 = tpu.memref_slice %arg11[%dma_wait3A_2261, %dma_wait3A_2262, %dma_wait3A_2269, %dma_wait3A_2270] : memref<3x4x32x128xf32, #tpu.memory_space<vmem>> -> memref<1x1x32x128xf32, #tpu.memory_space<vmem>>
      %dma_wait3A_2272 = tpu.memref_squeeze %dma_wait3A_2271 : memref<1x1x32x128xf32, #tpu.memory_space<vmem>> -> memref<32x128xf32, #tpu.memory_space<vmem>>
      %dma_wait3A_2273 = arith.constant 0 : i32
      %dma_wait3A_2274 = tpu.memref_slice %arg4[%dma_wait3A_2273, %multiple_of3A_1325] : memref<32x1000000xf32, #tpu.memory_space<hbm>> -> memref<32x128xf32, #tpu.memory_space<hbm>>
      tpu.wait_dma2 semaphore(%arg16 : memref<!tpu.dma_semaphore, #tpu.memory_space<semaphore_mem>>) src(%dma_wait3A_2274 : memref<32x128xf32, #tpu.memory_space<hbm>>) dst(%dma_wait3A_2272 : memref<32x128xf32, #tpu.memory_space<vmem>>)
      %dma_wait3A_2275 = arith.constant 1 : i32
      %dma_wait3A_2276 = arith.constant 3 : i32
      %dma_wait3A_2277 = arith.constant 0 : i32
      %dma_wait3A_2278 = arith.constant 0 : i32
      %dma_wait3A_2279 = tpu.memref_slice %arg12[%dma_wait3A_2275, %dma_wait3A_2276, %dma_wait3A_2277, %dma_wait3A_2278] : memref<3x4x32x128xf32, #tpu.memory_space<vmem>> -> memref<1x1x32x128xf32, #tpu.memory_space<vmem>>
      %dma_wait3A_2280 = tpu.memref_squeeze %dma_wait3A_2279 : memref<1x1x32x128xf32, #tpu.memory_space<vmem>> -> memref<32x128xf32, #tpu.memory_space<vmem>>
      %dma_wait3A_2281 = arith.constant 0 : i32
      %dma_wait3A_2282 = tpu.memref_slice %arg5[%dma_wait3A_2281, %multiple_of3A_1332] : memref<32x1000000xf32, #tpu.memory_space<hbm>> -> memref<32x128xf32, #tpu.memory_space<hbm>>
      %dma_wait3A_2283 = arith.constant 0 : i32
      %dma_wait3A_2284 = arith.constant 0 : i32
      %dma_wait3A_2285 = tpu.memref_slice %arg12[%dma_wait3A_2275, %dma_wait3A_2276, %dma_wait3A_2283, %dma_wait3A_2284] : memref<3x4x32x128xf32, #tpu.memory_space<vmem>> -> memref<1x1x32x128xf32, #tpu.memory_space<vmem>>
      %dma_wait3A_2286 = tpu.memref_squeeze %dma_wait3A_2285 : memref<1x1x32x128xf32, #tpu.memory_space<vmem>> -> memref<32x128xf32, #tpu.memory_space<vmem>>
      %dma_wait3A_2287 = arith.constant 0 : i32
      %dma_wait3A_2288 = tpu.memref_slice %arg5[%dma_wait3A_2287, %multiple_of3A_1332] : memref<32x1000000xf32, #tpu.memory_space<hbm>> -> memref<32x128xf32, #tpu.memory_space<hbm>>
      tpu.wait_dma2 semaphore(%arg17 : memref<!tpu.dma_semaphore, #tpu.memory_space<semaphore_mem>>) src(%dma_wait3A_2288 : memref<32x128xf32, #tpu.memory_space<hbm>>) dst(%dma_wait3A_2286 : memref<32x128xf32, #tpu.memory_space<vmem>>)
      %slice3A_2289 = vector.extract_strided_slice %get3A_32 {offsets = [0], sizes = [1], strides = [1]} : vector<16xi32> to vector<1xi32>
      %squeeze3A_2290 = vector.extract %slice3A_2289[0] : i32 from vector<1xi32>
      %and3A_2291 = arith.constant 127 : i32
      %and3A_2292 = arith.andi %squeeze3A_2290, %and3A_2291 : i32
      %broadcast_in_dim3A_2293 = vector.broadcast %and3A_2292 : i32 to vector<16xi32>
      %slice3A_2294 = vector.extract_strided_slice %get3A_46 {offsets = [0], sizes = [1], strides = [1]} : vector<16xi32> to vector<1xi32>
      %squeeze3A_2295 = vector.extract %slice3A_2294[0] : i32 from vector<1xi32>
      %and3A_2296 = arith.constant 127 : i32
      %and3A_2297 = arith.andi %squeeze3A_2295, %and3A_2296 : i32
      %broadcast_in_dim3A_2298 = vector.broadcast %and3A_2297 : i32 to vector<16xi32>
      %broadcast_in_dim3A_2299 = arith.constant 1 : i32
      %broadcast_in_dim3A_2300 = vector.broadcast %broadcast_in_dim3A_2299 : i32 to vector<16xi32>
      %broadcast_in_dim3A_2301 = arith.constant 0 : i32
      %broadcast_in_dim3A_2302 = vector.broadcast %broadcast_in_dim3A_2301 : i32 to vector<16xi32>
      %gather3A_2303 = tpu.vector_load_idx %arg11[%broadcast_in_dim3A_2300, %broadcast_in_dim3A_2302, %iota3A, %broadcast_in_dim3A_2293] : memref<3x4x32x128xf32, #tpu.memory_space<vmem>>[vector<16xi32>, vector<16xi32>, vector<16xi32>, vector<16xi32>], vector<16xf32>,
      %gather3A_2304 = tpu.vector_load_idx %arg11[%broadcast_in_dim3A_2300, %broadcast_in_dim3A_2302, %add3A_10, %broadcast_in_dim3A_2293] : memref<3x4x32x128xf32, #tpu.memory_space<vmem>>[vector<16xi32>, vector<16xi32>, vector<16xi32>, vector<16xi32>], vector<16xf32>,
      %gather3A_2305 = tpu.vector_load_idx %arg12[%broadcast_in_dim3A_2300, %broadcast_in_dim3A_2302, %iota3A, %broadcast_in_dim3A_2298] : memref<3x4x32x128xf32, #tpu.memory_space<vmem>>[vector<16xi32>, vector<16xi32>, vector<16xi32>, vector<16xi32>], vector<16xf32>,
      %gather3A_2306 = tpu.vector_load_idx %arg12[%broadcast_in_dim3A_2300, %broadcast_in_dim3A_2302, %add3A_10, %broadcast_in_dim3A_2298] : memref<3x4x32x128xf32, #tpu.memory_space<vmem>>[vector<16xi32>, vector<16xi32>, vector<16xi32>, vector<16xi32>], vector<16xf32>,
      %mul3A_2307 = arith.mulf %gather3A_2303, %gather3A_2305 : vector<16xf32>
      %mul3A_2308 = arith.mulf %mul3A_2307, %get3A_5 : vector<16xf32>
      %mul3A_2309 = arith.mulf %gather3A_2304, %gather3A_2306 : vector<16xf32>
      %mul3A_2310 = arith.mulf %mul3A_2309, %get3A_7 : vector<16xf32>
      %add3A_2311 = arith.addf %mul3A_2308, %mul3A_2310 : vector<16xf32>
      %reduce_sum3A_2312 = arith.constant true
      %reduce_sum3A_2313 = vector.broadcast %reduce_sum3A_2312 : i1 to vector<16xi1>
      %reduce_sum3A_2314 = tpu.scan <sum>, %add3A_2311 masked %reduce_sum3A_2313 : vector<16xf32>, vector<16xi1> -> vector<16xf32>
      %reduce_sum3A_2315 = vector.extract %reduce_sum3A_2314[15] : f32 from vector<16xf32>
      %eq3A_2316 = arith.constant 0 : i32
      %eq3A_2317 = vector.broadcast %eq3A_2316 : i32 to vector<16xi32>
      %eq3A_2318 = arith.cmpi eq, %iota3A, %eq3A_2317 : vector<16xi32>
      %broadcast_in_dim3A_2319 = vector.broadcast %reduce_sum3A_2315 : f32 to vector<16xf32>
      %select_n3A_2320 = arith.select %eq3A_2318, %broadcast_in_dim3A_2319, %broadcast_in_dim3A_382 : vector<16xi1>, vector<16xf32>
      %slice3A_2321 = vector.extract_strided_slice %get3A_32 {offsets = [1], sizes = [1], strides = [1]} : vector<16xi32> to vector<1xi32>
      %squeeze3A_2322 = vector.extract %slice3A_2321[0] : i32 from vector<1xi32>
      %and3A_2323 = arith.constant 127 : i32
      %and3A_2324 = arith.andi %squeeze3A_2322, %and3A_2323 : i32
      %broadcast_in_dim3A_2325 = vector.broadcast %and3A_2324 : i32 to vector<16xi32>
      %slice3A_2326 = vector.extract_strided_slice %get3A_46 {offsets = [1], sizes = [1], strides = [1]} : vector<16xi32> to vector<1xi32>
      %squeeze3A_2327 = vector.extract %slice3A_2326[0] : i32 from vector<1xi32>
      %and3A_2328 = arith.constant 127 : i32
      %and3A_2329 = arith.andi %squeeze3A_2327, %and3A_2328 : i32
      %broadcast_in_dim3A_2330 = vector.broadcast %and3A_2329 : i32 to vector<16xi32>
      %broadcast_in_dim3A_2331 = arith.constant 1 : i32
      %broadcast_in_dim3A_2332 = vector.broadcast %broadcast_in_dim3A_2331 : i32 to vector<16xi32>
      %broadcast_in_dim3A_2333 = arith.constant 1 : i32
      %broadcast_in_dim3A_2334 = vector.broadcast %broadcast_in_dim3A_2333 : i32 to vector<16xi32>
      %gather3A_2335 = tpu.vector_load_idx %arg11[%broadcast_in_dim3A_2332, %broadcast_in_dim3A_2334, %iota3A, %broadcast_in_dim3A_2325] : memref<3x4x32x128xf32, #tpu.memory_space<vmem>>[vector<16xi32>, vector<16xi32>, vector<16xi32>, vector<16xi32>], vector<16xf32>,
      %gather3A_2336 = tpu.vector_load_idx %arg11[%broadcast_in_dim3A_2332, %broadcast_in_dim3A_2334, %add3A_10, %broadcast_in_dim3A_2325] : memref<3x4x32x128xf32, #tpu.memory_space<vmem>>[vector<16xi32>, vector<16xi32>, vector<16xi32>, vector<16xi32>], vector<16xf32>,
      %gather3A_2337 = tpu.vector_load_idx %arg12[%broadcast_in_dim3A_2332, %broadcast_in_dim3A_2334, %iota3A, %broadcast_in_dim3A_2330] : memref<3x4x32x128xf32, #tpu.memory_space<vmem>>[vector<16xi32>, vector<16xi32>, vector<16xi32>, vector<16xi32>], vector<16xf32>,
      %gather3A_2338 = tpu.vector_load_idx %arg12[%broadcast_in_dim3A_2332, %broadcast_in_dim3A_2334, %add3A_10, %broadcast_in_dim3A_2330] : memref<3x4x32x128xf32, #tpu.memory_space<vmem>>[vector<16xi32>, vector<16xi32>, vector<16xi32>, vector<16xi32>], vector<16xf32>,
      %mul3A_2339 = arith.mulf %gather3A_2335, %gather3A_2337 : vector<16xf32>
      %mul3A_2340 = arith.mulf %mul3A_2339, %get3A_5 : vector<16xf32>
      %mul3A_2341 = arith.mulf %gather3A_2336, %gather3A_2338 : vector<16xf32>
      %mul3A_2342 = arith.mulf %mul3A_2341, %get3A_7 : vector<16xf32>
      %add3A_2343 = arith.addf %mul3A_2340, %mul3A_2342 : vector<16xf32>
      %reduce_sum3A_2344 = arith.constant true
      %reduce_sum3A_2345 = vector.broadcast %reduce_sum3A_2344 : i1 to vector<16xi1>
      %reduce_sum3A_2346 = tpu.scan <sum>, %add3A_2343 masked %reduce_sum3A_2345 : vector<16xf32>, vector<16xi1> -> vector<16xf32>
      %reduce_sum3A_2347 = vector.extract %reduce_sum3A_2346[15] : f32 from vector<16xf32>
      %eq3A_2348 = arith.constant 1 : i32
      %eq3A_2349 = vector.broadcast %eq3A_2348 : i32 to vector<16xi32>
      %eq3A_2350 = arith.cmpi eq, %iota3A, %eq3A_2349 : vector<16xi32>
      %broadcast_in_dim3A_2351 = vector.broadcast %reduce_sum3A_2347 : f32 to vector<16xf32>
      %select_n3A_2352 = arith.select %eq3A_2350, %broadcast_in_dim3A_2351, %select_n3A_2320 : vector<16xi1>, vector<16xf32>
      %slice3A_2353 = vector.extract_strided_slice %get3A_32 {offsets = [2], sizes = [1], strides = [1]} : vector<16xi32> to vector<1xi32>
      %squeeze3A_2354 = vector.extract %slice3A_2353[0] : i32 from vector<1xi32>
      %and3A_2355 = arith.constant 127 : i32
      %and3A_2356 = arith.andi %squeeze3A_2354, %and3A_2355 : i32
      %broadcast_in_dim3A_2357 = vector.broadcast %and3A_2356 : i32 to vector<16xi32>
      %slice3A_2358 = vector.extract_strided_slice %get3A_46 {offsets = [2], sizes = [1], strides = [1]} : vector<16xi32> to vector<1xi32>
      %squeeze3A_2359 = vector.extract %slice3A_2358[0] : i32 from vector<1xi32>
      %and3A_2360 = arith.constant 127 : i32
      %and3A_2361 = arith.andi %squeeze3A_2359, %and3A_2360 : i32
      %broadcast_in_dim3A_2362 = vector.broadcast %and3A_2361 : i32 to vector<16xi32>
      %broadcast_in_dim3A_2363 = arith.constant 1 : i32
      %broadcast_in_dim3A_2364 = vector.broadcast %broadcast_in_dim3A_2363 : i32 to vector<16xi32>
      %broadcast_in_dim3A_2365 = arith.constant 2 : i32
      %broadcast_in_dim3A_2366 = vector.broadcast %broadcast_in_dim3A_2365 : i32 to vector<16xi32>
      %gather3A_2367 = tpu.vector_load_idx %arg11[%broadcast_in_dim3A_2364, %broadcast_in_dim3A_2366, %iota3A, %broadcast_in_dim3A_2357] : memref<3x4x32x128xf32, #tpu.memory_space<vmem>>[vector<16xi32>, vector<16xi32>, vector<16xi32>, vector<16xi32>], vector<16xf32>,
      %gather3A_2368 = tpu.vector_load_idx %arg11[%broadcast_in_dim3A_2364, %broadcast_in_dim3A_2366, %add3A_10, %broadcast_in_dim3A_2357] : memref<3x4x32x128xf32, #tpu.memory_space<vmem>>[vector<16xi32>, vector<16xi32>, vector<16xi32>, vector<16xi32>], vector<16xf32>,
      %gather3A_2369 = tpu.vector_load_idx %arg12[%broadcast_in_dim3A_2364, %broadcast_in_dim3A_2366, %iota3A, %broadcast_in_dim3A_2362] : memref<3x4x32x128xf32, #tpu.memory_space<vmem>>[vector<16xi32>, vector<16xi32>, vector<16xi32>, vector<16xi32>], vector<16xf32>,
      %gather3A_2370 = tpu.vector_load_idx %arg12[%broadcast_in_dim3A_2364, %broadcast_in_dim3A_2366, %add3A_10, %broadcast_in_dim3A_2362] : memref<3x4x32x128xf32, #tpu.memory_space<vmem>>[vector<16xi32>, vector<16xi32>, vector<16xi32>, vector<16xi32>], vector<16xf32>,
      %mul3A_2371 = arith.mulf %gather3A_2367, %gather3A_2369 : vector<16xf32>
      %mul3A_2372 = arith.mulf %mul3A_2371, %get3A_5 : vector<16xf32>
      %mul3A_2373 = arith.mulf %gather3A_2368, %gather3A_2370 : vector<16xf32>
      %mul3A_2374 = arith.mulf %mul3A_2373, %get3A_7 : vector<16xf32>
      %add3A_2375 = arith.addf %mul3A_2372, %mul3A_2374 : vector<16xf32>
      %reduce_sum3A_2376 = arith.constant true
      %reduce_sum3A_2377 = vector.broadcast %reduce_sum3A_2376 : i1 to vector<16xi1>
      %reduce_sum3A_2378 = tpu.scan <sum>, %add3A_2375 masked %reduce_sum3A_2377 : vector<16xf32>, vector<16xi1> -> vector<16xf32>
      %reduce_sum3A_2379 = vector.extract %reduce_sum3A_2378[15] : f32 from vector<16xf32>
      %eq3A_2380 = arith.constant 2 : i32
      %eq3A_2381 = vector.broadcast %eq3A_2380 : i32 to vector<16xi32>
      %eq3A_2382 = arith.cmpi eq, %iota3A, %eq3A_2381 : vector<16xi32>
      %broadcast_in_dim3A_2383 = vector.broadcast %reduce_sum3A_2379 : f32 to vector<16xf32>
      %select_n3A_2384 = arith.select %eq3A_2382, %broadcast_in_dim3A_2383, %select_n3A_2352 : vector<16xi1>, vector<16xf32>
      %slice3A_2385 = vector.extract_strided_slice %get3A_32 {offsets = [3], sizes = [1], strides = [1]} : vector<16xi32> to vector<1xi32>
      %squeeze3A_2386 = vector.extract %slice3A_2385[0] : i32 from vector<1xi32>
      %and3A_2387 = arith.constant 127 : i32
      %and3A_2388 = arith.andi %squeeze3A_2386, %and3A_2387 : i32
      %broadcast_in_dim3A_2389 = vector.broadcast %and3A_2388 : i32 to vector<16xi32>
      %slice3A_2390 = vector.extract_strided_slice %get3A_46 {offsets = [3], sizes = [1], strides = [1]} : vector<16xi32> to vector<1xi32>
      %squeeze3A_2391 = vector.extract %slice3A_2390[0] : i32 from vector<1xi32>
      %and3A_2392 = arith.constant 127 : i32
      %and3A_2393 = arith.andi %squeeze3A_2391, %and3A_2392 : i32
      %broadcast_in_dim3A_2394 = vector.broadcast %and3A_2393 : i32 to vector<16xi32>
      %broadcast_in_dim3A_2395 = arith.constant 1 : i32
      %broadcast_in_dim3A_2396 = vector.broadcast %broadcast_in_dim3A_2395 : i32 to vector<16xi32>
      %broadcast_in_dim3A_2397 = arith.constant 3 : i32
      %broadcast_in_dim3A_2398 = vector.broadcast %broadcast_in_dim3A_2397 : i32 to vector<16xi32>
      %gather3A_2399 = tpu.vector_load_idx %arg11[%broadcast_in_dim3A_2396, %broadcast_in_dim3A_2398, %iota3A, %broadcast_in_dim3A_2389] : memref<3x4x32x128xf32, #tpu.memory_space<vmem>>[vector<16xi32>, vector<16xi32>, vector<16xi32>, vector<16xi32>], vector<16xf32>,
      %gather3A_2400 = tpu.vector_load_idx %arg11[%broadcast_in_dim3A_2396, %broadcast_in_dim3A_2398, %add3A_10, %broadcast_in_dim3A_2389] : memref<3x4x32x128xf32, #tpu.memory_space<vmem>>[vector<16xi32>, vector<16xi32>, vector<16xi32>, vector<16xi32>], vector<16xf32>,
      %gather3A_2401 = tpu.vector_load_idx %arg12[%broadcast_in_dim3A_2396, %broadcast_in_dim3A_2398, %iota3A, %broadcast_in_dim3A_2394] : memref<3x4x32x128xf32, #tpu.memory_space<vmem>>[vector<16xi32>, vector<16xi32>, vector<16xi32>, vector<16xi32>], vector<16xf32>,
      %gather3A_2402 = tpu.vector_load_idx %arg12[%broadcast_in_dim3A_2396, %broadcast_in_dim3A_2398, %add3A_10, %broadcast_in_dim3A_2394] : memref<3x4x32x128xf32, #tpu.memory_space<vmem>>[vector<16xi32>, vector<16xi32>, vector<16xi32>, vector<16xi32>], vector<16xf32>,
      %mul3A_2403 = arith.mulf %gather3A_2399, %gather3A_2401 : vector<16xf32>
      %mul3A_2404 = arith.mulf %mul3A_2403, %get3A_5 : vector<16xf32>
      %mul3A_2405 = arith.mulf %gather3A_2400, %gather3A_2402 : vector<16xf32>
      %mul3A_2406 = arith.mulf %mul3A_2405, %get3A_7 : vector<16xf32>
      %add3A_2407 = arith.addf %mul3A_2404, %mul3A_2406 : vector<16xf32>
      %reduce_sum3A_2408 = arith.constant true
      %reduce_sum3A_2409 = vector.broadcast %reduce_sum3A_2408 : i1 to vector<16xi1>
      %reduce_sum3A_2410 = tpu.scan <sum>, %add3A_2407 masked %reduce_sum3A_2409 : vector<16xf32>, vector<16xi1> -> vector<16xf32>
      %reduce_sum3A_2411 = vector.extract %reduce_sum3A_2410[15] : f32 from vector<16xf32>
      %eq3A_2412 = arith.constant 3 : i32
      %eq3A_2413 = vector.broadcast %eq3A_2412 : i32 to vector<16xi32>
      %eq3A_2414 = arith.cmpi eq, %iota3A, %eq3A_2413 : vector<16xi32>
      %broadcast_in_dim3A_2415 = vector.broadcast %reduce_sum3A_2411 : f32 to vector<16xf32>
      %select_n3A_2416 = arith.select %eq3A_2414, %broadcast_in_dim3A_2415, %select_n3A_2384 : vector<16xi1>, vector<16xf32>
      %slice3A_2417 = vector.extract_strided_slice %get3A_32 {offsets = [12], sizes = [1], strides = [1]} : vector<16xi32> to vector<1xi32>
      %squeeze3A_2418 = vector.extract %slice3A_2417[0] : i32 from vector<1xi32>
      %shift_right_arithmetic3A_2419 = arith.constant 7 : i32
      %shift_right_arithmetic3A_2420 = arith.shrsi %squeeze3A_2418, %shift_right_arithmetic3A_2419 : i32
      %mul3A_2421 = arith.constant 128 : i32
      %mul3A_2422 = arith.muli %shift_right_arithmetic3A_2420, %mul3A_2421 : i32
      %multiple_of3A_2423 = tpu.assume_multiple %mul3A_2422, 128 : i32
      %slice3A_2424 = vector.extract_strided_slice %get3A_46 {offsets = [12], sizes = [1], strides = [1]} : vector<16xi32> to vector<1xi32>
      %squeeze3A_2425 = vector.extract %slice3A_2424[0] : i32 from vector<1xi32>
      %shift_right_arithmetic3A_2426 = arith.constant 7 : i32
      %shift_right_arithmetic3A_2427 = arith.shrsi %squeeze3A_2425, %shift_right_arithmetic3A_2426 : i32
      %mul3A_2428 = arith.constant 128 : i32
      %mul3A_2429 = arith.muli %shift_right_arithmetic3A_2427, %mul3A_2428 : i32
      %multiple_of3A_2430 = tpu.assume_multiple %mul3A_2429, 128 : i32
      %dma_start3A_2431 = arith.constant 1 : i32
      %dma_start3A_2432 = arith.constant 0 : i32
      %dma_start3A_2433 = arith.constant 0 : i32
      %dma_start3A_2434 = arith.constant 0 : i32
      %dma_start3A_2435 = tpu.memref_slice %arg11[%dma_start3A_2431, %dma_start3A_2432, %dma_start3A_2433, %dma_start3A_2434] : memref<3x4x32x128xf32, #tpu.memory_space<vmem>> -> memref<1x1x32x128xf32, #tpu.memory_space<vmem>>
      %dma_start3A_2436 = tpu.memref_squeeze %dma_start3A_2435 : memref<1x1x32x128xf32, #tpu.memory_space<vmem>> -> memref<32x128xf32, #tpu.memory_space<vmem>>
      %dma_start3A_2437 = arith.constant 0 : i32
      %dma_start3A_2438 = tpu.memref_slice %arg4[%dma_start3A_2437, %multiple_of3A_2423] : memref<32x1000000xf32, #tpu.memory_space<hbm>> -> memref<32x128xf32, #tpu.memory_space<hbm>>
      %dma_start3A_2439 = arith.constant 0 : i32
      %dma_start3A_2440 = arith.constant 0 : i32
      %dma_start3A_2441 = tpu.memref_slice %arg11[%dma_start3A_2431, %dma_start3A_2432, %dma_start3A_2439, %dma_start3A_2440] : memref<3x4x32x128xf32, #tpu.memory_space<vmem>> -> memref<1x1x32x128xf32, #tpu.memory_space<vmem>>
      %dma_start3A_2442 = tpu.memref_squeeze %dma_start3A_2441 : memref<1x1x32x128xf32, #tpu.memory_space<vmem>> -> memref<32x128xf32, #tpu.memory_space<vmem>>
      %dma_start3A_2443 = arith.constant 0 : i32
      %dma_start3A_2444 = tpu.memref_slice %arg4[%dma_start3A_2443, %multiple_of3A_2423] : memref<32x1000000xf32, #tpu.memory_space<hbm>> -> memref<32x128xf32, #tpu.memory_space<hbm>>
      tpu.enqueue_dma source(%dma_start3A_2444 : memref<32x128xf32, #tpu.memory_space<hbm>>) target(%dma_start3A_2442 : memref<32x128xf32, #tpu.memory_space<vmem>>) target_semaphore(%arg16 : memref<!tpu.dma_semaphore, #tpu.memory_space<semaphore_mem>>)
      %dma_start3A_2445 = arith.constant 1 : i32
      %dma_start3A_2446 = arith.constant 0 : i32
      %dma_start3A_2447 = arith.constant 0 : i32
      %dma_start3A_2448 = arith.constant 0 : i32
      %dma_start3A_2449 = tpu.memref_slice %arg12[%dma_start3A_2445, %dma_start3A_2446, %dma_start3A_2447, %dma_start3A_2448] : memref<3x4x32x128xf32, #tpu.memory_space<vmem>> -> memref<1x1x32x128xf32, #tpu.memory_space<vmem>>
      %dma_start3A_2450 = tpu.memref_squeeze %dma_start3A_2449 : memref<1x1x32x128xf32, #tpu.memory_space<vmem>> -> memref<32x128xf32, #tpu.memory_space<vmem>>
      %dma_start3A_2451 = arith.constant 0 : i32
      %dma_start3A_2452 = tpu.memref_slice %arg5[%dma_start3A_2451, %multiple_of3A_2430] : memref<32x1000000xf32, #tpu.memory_space<hbm>> -> memref<32x128xf32, #tpu.memory_space<hbm>>
      %dma_start3A_2453 = arith.constant 0 : i32
      %dma_start3A_2454 = arith.constant 0 : i32
      %dma_start3A_2455 = tpu.memref_slice %arg12[%dma_start3A_2445, %dma_start3A_2446, %dma_start3A_2453, %dma_start3A_2454] : memref<3x4x32x128xf32, #tpu.memory_space<vmem>> -> memref<1x1x32x128xf32, #tpu.memory_space<vmem>>
      %dma_start3A_2456 = tpu.memref_squeeze %dma_start3A_2455 : memref<1x1x32x128xf32, #tpu.memory_space<vmem>> -> memref<32x128xf32, #tpu.memory_space<vmem>>
      %dma_start3A_2457 = arith.constant 0 : i32
      %dma_start3A_2458 = tpu.memref_slice %arg5[%dma_start3A_2457, %multiple_of3A_2430] : memref<32x1000000xf32, #tpu.memory_space<hbm>> -> memref<32x128xf32, #tpu.memory_space<hbm>>
      tpu.enqueue_dma source(%dma_start3A_2458 : memref<32x128xf32, #tpu.memory_space<hbm>>) target(%dma_start3A_2456 : memref<32x128xf32, #tpu.memory_space<vmem>>) target_semaphore(%arg17 : memref<!tpu.dma_semaphore, #tpu.memory_space<semaphore_mem>>)
      %slice3A_2459 = vector.extract_strided_slice %get3A_32 {offsets = [13], sizes = [1], strides = [1]} : vector<16xi32> to vector<1xi32>
      %squeeze3A_2460 = vector.extract %slice3A_2459[0] : i32 from vector<1xi32>
      %shift_right_arithmetic3A_2461 = arith.constant 7 : i32
      %shift_right_arithmetic3A_2462 = arith.shrsi %squeeze3A_2460, %shift_right_arithmetic3A_2461 : i32
      %mul3A_2463 = arith.constant 128 : i32
      %mul3A_2464 = arith.muli %shift_right_arithmetic3A_2462, %mul3A_2463 : i32
      %multiple_of3A_2465 = tpu.assume_multiple %mul3A_2464, 128 : i32
      %slice3A_2466 = vector.extract_strided_slice %get3A_46 {offsets = [13], sizes = [1], strides = [1]} : vector<16xi32> to vector<1xi32>
      %squeeze3A_2467 = vector.extract %slice3A_2466[0] : i32 from vector<1xi32>
      %shift_right_arithmetic3A_2468 = arith.constant 7 : i32
      %shift_right_arithmetic3A_2469 = arith.shrsi %squeeze3A_2467, %shift_right_arithmetic3A_2468 : i32
      %mul3A_2470 = arith.constant 128 : i32
      %mul3A_2471 = arith.muli %shift_right_arithmetic3A_2469, %mul3A_2470 : i32
      %multiple_of3A_2472 = tpu.assume_multiple %mul3A_2471, 128 : i32
      %dma_start3A_2473 = arith.constant 1 : i32
      %dma_start3A_2474 = arith.constant 1 : i32
      %dma_start3A_2475 = arith.constant 0 : i32
      %dma_start3A_2476 = arith.constant 0 : i32
      %dma_start3A_2477 = tpu.memref_slice %arg11[%dma_start3A_2473, %dma_start3A_2474, %dma_start3A_2475, %dma_start3A_2476] : memref<3x4x32x128xf32, #tpu.memory_space<vmem>> -> memref<1x1x32x128xf32, #tpu.memory_space<vmem>>
      %dma_start3A_2478 = tpu.memref_squeeze %dma_start3A_2477 : memref<1x1x32x128xf32, #tpu.memory_space<vmem>> -> memref<32x128xf32, #tpu.memory_space<vmem>>
      %dma_start3A_2479 = arith.constant 0 : i32
      %dma_start3A_2480 = tpu.memref_slice %arg4[%dma_start3A_2479, %multiple_of3A_2465] : memref<32x1000000xf32, #tpu.memory_space<hbm>> -> memref<32x128xf32, #tpu.memory_space<hbm>>
      %dma_start3A_2481 = arith.constant 0 : i32
      %dma_start3A_2482 = arith.constant 0 : i32
      %dma_start3A_2483 = tpu.memref_slice %arg11[%dma_start3A_2473, %dma_start3A_2474, %dma_start3A_2481, %dma_start3A_2482] : memref<3x4x32x128xf32, #tpu.memory_space<vmem>> -> memref<1x1x32x128xf32, #tpu.memory_space<vmem>>
      %dma_start3A_2484 = tpu.memref_squeeze %dma_start3A_2483 : memref<1x1x32x128xf32, #tpu.memory_space<vmem>> -> memref<32x128xf32, #tpu.memory_space<vmem>>
      %dma_start3A_2485 = arith.constant 0 : i32
      %dma_start3A_2486 = tpu.memref_slice %arg4[%dma_start3A_2485, %multiple_of3A_2465] : memref<32x1000000xf32, #tpu.memory_space<hbm>> -> memref<32x128xf32, #tpu.memory_space<hbm>>
      tpu.enqueue_dma source(%dma_start3A_2486 : memref<32x128xf32, #tpu.memory_space<hbm>>) target(%dma_start3A_2484 : memref<32x128xf32, #tpu.memory_space<vmem>>) target_semaphore(%arg16 : memref<!tpu.dma_semaphore, #tpu.memory_space<semaphore_mem>>)
      %dma_start3A_2487 = arith.constant 1 : i32
      %dma_start3A_2488 = arith.constant 1 : i32
      %dma_start3A_2489 = arith.constant 0 : i32
      %dma_start3A_2490 = arith.constant 0 : i32
      %dma_start3A_2491 = tpu.memref_slice %arg12[%dma_start3A_2487, %dma_start3A_2488, %dma_start3A_2489, %dma_start3A_2490] : memref<3x4x32x128xf32, #tpu.memory_space<vmem>> -> memref<1x1x32x128xf32, #tpu.memory_space<vmem>>
      %dma_start3A_2492 = tpu.memref_squeeze %dma_start3A_2491 : memref<1x1x32x128xf32, #tpu.memory_space<vmem>> -> memref<32x128xf32, #tpu.memory_space<vmem>>
      %dma_start3A_2493 = arith.constant 0 : i32
      %dma_start3A_2494 = tpu.memref_slice %arg5[%dma_start3A_2493, %multiple_of3A_2472] : memref<32x1000000xf32, #tpu.memory_space<hbm>> -> memref<32x128xf32, #tpu.memory_space<hbm>>
      %dma_start3A_2495 = arith.constant 0 : i32
      %dma_start3A_2496 = arith.constant 0 : i32
      %dma_start3A_2497 = tpu.memref_slice %arg12[%dma_start3A_2487, %dma_start3A_2488, %dma_start3A_2495, %dma_start3A_2496] : memref<3x4x32x128xf32, #tpu.memory_space<vmem>> -> memref<1x1x32x128xf32, #tpu.memory_space<vmem>>
      %dma_start3A_2498 = tpu.memref_squeeze %dma_start3A_2497 : memref<1x1x32x128xf32, #tpu.memory_space<vmem>> -> memref<32x128xf32, #tpu.memory_space<vmem>>
      %dma_start3A_2499 = arith.constant 0 : i32
      %dma_start3A_2500 = tpu.memref_slice %arg5[%dma_start3A_2499, %multiple_of3A_2472] : memref<32x1000000xf32, #tpu.memory_space<hbm>> -> memref<32x128xf32, #tpu.memory_space<hbm>>
      tpu.enqueue_dma source(%dma_start3A_2500 : memref<32x128xf32, #tpu.memory_space<hbm>>) target(%dma_start3A_2498 : memref<32x128xf32, #tpu.memory_space<vmem>>) target_semaphore(%arg17 : memref<!tpu.dma_semaphore, #tpu.memory_space<semaphore_mem>>)
      %slice3A_2501 = vector.extract_strided_slice %get3A_32 {offsets = [14], sizes = [1], strides = [1]} : vector<16xi32> to vector<1xi32>
      %squeeze3A_2502 = vector.extract %slice3A_2501[0] : i32 from vector<1xi32>
      %shift_right_arithmetic3A_2503 = arith.constant 7 : i32
      %shift_right_arithmetic3A_2504 = arith.shrsi %squeeze3A_2502, %shift_right_arithmetic3A_2503 : i32
      %mul3A_2505 = arith.constant 128 : i32
      %mul3A_2506 = arith.muli %shift_right_arithmetic3A_2504, %mul3A_2505 : i32
      %multiple_of3A_2507 = tpu.assume_multiple %mul3A_2506, 128 : i32
      %slice3A_2508 = vector.extract_strided_slice %get3A_46 {offsets = [14], sizes = [1], strides = [1]} : vector<16xi32> to vector<1xi32>
      %squeeze3A_2509 = vector.extract %slice3A_2508[0] : i32 from vector<1xi32>
      %shift_right_arithmetic3A_2510 = arith.constant 7 : i32
      %shift_right_arithmetic3A_2511 = arith.shrsi %squeeze3A_2509, %shift_right_arithmetic3A_2510 : i32
      %mul3A_2512 = arith.constant 128 : i32
      %mul3A_2513 = arith.muli %shift_right_arithmetic3A_2511, %mul3A_2512 : i32
      %multiple_of3A_2514 = tpu.assume_multiple %mul3A_2513, 128 : i32
      %dma_start3A_2515 = arith.constant 1 : i32
      %dma_start3A_2516 = arith.constant 2 : i32
      %dma_start3A_2517 = arith.constant 0 : i32
      %dma_start3A_2518 = arith.constant 0 : i32
      %dma_start3A_2519 = tpu.memref_slice %arg11[%dma_start3A_2515, %dma_start3A_2516, %dma_start3A_2517, %dma_start3A_2518] : memref<3x4x32x128xf32, #tpu.memory_space<vmem>> -> memref<1x1x32x128xf32, #tpu.memory_space<vmem>>
      %dma_start3A_2520 = tpu.memref_squeeze %dma_start3A_2519 : memref<1x1x32x128xf32, #tpu.memory_space<vmem>> -> memref<32x128xf32, #tpu.memory_space<vmem>>
      %dma_start3A_2521 = arith.constant 0 : i32
      %dma_start3A_2522 = tpu.memref_slice %arg4[%dma_start3A_2521, %multiple_of3A_2507] : memref<32x1000000xf32, #tpu.memory_space<hbm>> -> memref<32x128xf32, #tpu.memory_space<hbm>>
      %dma_start3A_2523 = arith.constant 0 : i32
      %dma_start3A_2524 = arith.constant 0 : i32
      %dma_start3A_2525 = tpu.memref_slice %arg11[%dma_start3A_2515, %dma_start3A_2516, %dma_start3A_2523, %dma_start3A_2524] : memref<3x4x32x128xf32, #tpu.memory_space<vmem>> -> memref<1x1x32x128xf32, #tpu.memory_space<vmem>>
      %dma_start3A_2526 = tpu.memref_squeeze %dma_start3A_2525 : memref<1x1x32x128xf32, #tpu.memory_space<vmem>> -> memref<32x128xf32, #tpu.memory_space<vmem>>
      %dma_start3A_2527 = arith.constant 0 : i32
      %dma_start3A_2528 = tpu.memref_slice %arg4[%dma_start3A_2527, %multiple_of3A_2507] : memref<32x1000000xf32, #tpu.memory_space<hbm>> -> memref<32x128xf32, #tpu.memory_space<hbm>>
      tpu.enqueue_dma source(%dma_start3A_2528 : memref<32x128xf32, #tpu.memory_space<hbm>>) target(%dma_start3A_2526 : memref<32x128xf32, #tpu.memory_space<vmem>>) target_semaphore(%arg16 : memref<!tpu.dma_semaphore, #tpu.memory_space<semaphore_mem>>)
      %dma_start3A_2529 = arith.constant 1 : i32
      %dma_start3A_2530 = arith.constant 2 : i32
      %dma_start3A_2531 = arith.constant 0 : i32
      %dma_start3A_2532 = arith.constant 0 : i32
      %dma_start3A_2533 = tpu.memref_slice %arg12[%dma_start3A_2529, %dma_start3A_2530, %dma_start3A_2531, %dma_start3A_2532] : memref<3x4x32x128xf32, #tpu.memory_space<vmem>> -> memref<1x1x32x128xf32, #tpu.memory_space<vmem>>
      %dma_start3A_2534 = tpu.memref_squeeze %dma_start3A_2533 : memref<1x1x32x128xf32, #tpu.memory_space<vmem>> -> memref<32x128xf32, #tpu.memory_space<vmem>>
      %dma_start3A_2535 = arith.constant 0 : i32
      %dma_start3A_2536 = tpu.memref_slice %arg5[%dma_start3A_2535, %multiple_of3A_2514] : memref<32x1000000xf32, #tpu.memory_space<hbm>> -> memref<32x128xf32, #tpu.memory_space<hbm>>
      %dma_start3A_2537 = arith.constant 0 : i32
      %dma_start3A_2538 = arith.constant 0 : i32
      %dma_start3A_2539 = tpu.memref_slice %arg12[%dma_start3A_2529, %dma_start3A_2530, %dma_start3A_2537, %dma_start3A_2538] : memref<3x4x32x128xf32, #tpu.memory_space<vmem>> -> memref<1x1x32x128xf32, #tpu.memory_space<vmem>>
      %dma_start3A_2540 = tpu.memref_squeeze %dma_start3A_2539 : memref<1x1x32x128xf32, #tpu.memory_space<vmem>> -> memref<32x128xf32, #tpu.memory_space<vmem>>
      %dma_start3A_2541 = arith.constant 0 : i32
      %dma_start3A_2542 = tpu.memref_slice %arg5[%dma_start3A_2541, %multiple_of3A_2514] : memref<32x1000000xf32, #tpu.memory_space<hbm>> -> memref<32x128xf32, #tpu.memory_space<hbm>>
      tpu.enqueue_dma source(%dma_start3A_2542 : memref<32x128xf32, #tpu.memory_space<hbm>>) target(%dma_start3A_2540 : memref<32x128xf32, #tpu.memory_space<vmem>>) target_semaphore(%arg17 : memref<!tpu.dma_semaphore, #tpu.memory_space<semaphore_mem>>)
      %slice3A_2543 = vector.extract_strided_slice %get3A_32 {offsets = [15], sizes = [1], strides = [1]} : vector<16xi32> to vector<1xi32>
      %squeeze3A_2544 = vector.extract %slice3A_2543[0] : i32 from vector<1xi32>
      %shift_right_arithmetic3A_2545 = arith.constant 7 : i32
      %shift_right_arithmetic3A_2546 = arith.shrsi %squeeze3A_2544, %shift_right_arithmetic3A_2545 : i32
      %mul3A_2547 = arith.constant 128 : i32
      %mul3A_2548 = arith.muli %shift_right_arithmetic3A_2546, %mul3A_2547 : i32
      %multiple_of3A_2549 = tpu.assume_multiple %mul3A_2548, 128 : i32
      %slice3A_2550 = vector.extract_strided_slice %get3A_46 {offsets = [15], sizes = [1], strides = [1]} : vector<16xi32> to vector<1xi32>
      %squeeze3A_2551 = vector.extract %slice3A_2550[0] : i32 from vector<1xi32>
      %shift_right_arithmetic3A_2552 = arith.constant 7 : i32
      %shift_right_arithmetic3A_2553 = arith.shrsi %squeeze3A_2551, %shift_right_arithmetic3A_2552 : i32
      %mul3A_2554 = arith.constant 128 : i32
      %mul3A_2555 = arith.muli %shift_right_arithmetic3A_2553, %mul3A_2554 : i32
      %multiple_of3A_2556 = tpu.assume_multiple %mul3A_2555, 128 : i32
      %dma_start3A_2557 = arith.constant 1 : i32
      %dma_start3A_2558 = arith.constant 3 : i32
      %dma_start3A_2559 = arith.constant 0 : i32
      %dma_start3A_2560 = arith.constant 0 : i32
      %dma_start3A_2561 = tpu.memref_slice %arg11[%dma_start3A_2557, %dma_start3A_2558, %dma_start3A_2559, %dma_start3A_2560] : memref<3x4x32x128xf32, #tpu.memory_space<vmem>> -> memref<1x1x32x128xf32, #tpu.memory_space<vmem>>
      %dma_start3A_2562 = tpu.memref_squeeze %dma_start3A_2561 : memref<1x1x32x128xf32, #tpu.memory_space<vmem>> -> memref<32x128xf32, #tpu.memory_space<vmem>>
      %dma_start3A_2563 = arith.constant 0 : i32
      %dma_start3A_2564 = tpu.memref_slice %arg4[%dma_start3A_2563, %multiple_of3A_2549] : memref<32x1000000xf32, #tpu.memory_space<hbm>> -> memref<32x128xf32, #tpu.memory_space<hbm>>
      %dma_start3A_2565 = arith.constant 0 : i32
      %dma_start3A_2566 = arith.constant 0 : i32
      %dma_start3A_2567 = tpu.memref_slice %arg11[%dma_start3A_2557, %dma_start3A_2558, %dma_start3A_2565, %dma_start3A_2566] : memref<3x4x32x128xf32, #tpu.memory_space<vmem>> -> memref<1x1x32x128xf32, #tpu.memory_space<vmem>>
      %dma_start3A_2568 = tpu.memref_squeeze %dma_start3A_2567 : memref<1x1x32x128xf32, #tpu.memory_space<vmem>> -> memref<32x128xf32, #tpu.memory_space<vmem>>
      %dma_start3A_2569 = arith.constant 0 : i32
      %dma_start3A_2570 = tpu.memref_slice %arg4[%dma_start3A_2569, %multiple_of3A_2549] : memref<32x1000000xf32, #tpu.memory_space<hbm>> -> memref<32x128xf32, #tpu.memory_space<hbm>>
      tpu.enqueue_dma source(%dma_start3A_2570 : memref<32x128xf32, #tpu.memory_space<hbm>>) target(%dma_start3A_2568 : memref<32x128xf32, #tpu.memory_space<vmem>>) target_semaphore(%arg16 : memref<!tpu.dma_semaphore, #tpu.memory_space<semaphore_mem>>)
      %dma_start3A_2571 = arith.constant 1 : i32
      %dma_start3A_2572 = arith.constant 3 : i32
      %dma_start3A_2573 = arith.constant 0 : i32
      %dma_start3A_2574 = arith.constant 0 : i32
      %dma_start3A_2575 = tpu.memref_slice %arg12[%dma_start3A_2571, %dma_start3A_2572, %dma_start3A_2573, %dma_start3A_2574] : memref<3x4x32x128xf32, #tpu.memory_space<vmem>> -> memref<1x1x32x128xf32, #tpu.memory_space<vmem>>
      %dma_start3A_2576 = tpu.memref_squeeze %dma_start3A_2575 : memref<1x1x32x128xf32, #tpu.memory_space<vmem>> -> memref<32x128xf32, #tpu.memory_space<vmem>>
      %dma_start3A_2577 = arith.constant 0 : i32
      %dma_start3A_2578 = tpu.memref_slice %arg5[%dma_start3A_2577, %multiple_of3A_2556] : memref<32x1000000xf32, #tpu.memory_space<hbm>> -> memref<32x128xf32, #tpu.memory_space<hbm>>
      %dma_start3A_2579 = arith.constant 0 : i32
      %dma_start3A_2580 = arith.constant 0 : i32
      %dma_start3A_2581 = tpu.memref_slice %arg12[%dma_start3A_2571, %dma_start3A_2572, %dma_start3A_2579, %dma_start3A_2580] : memref<3x4x32x128xf32, #tpu.memory_space<vmem>> -> memref<1x1x32x128xf32, #tpu.memory_space<vmem>>
      %dma_start3A_2582 = tpu.memref_squeeze %dma_start3A_2581 : memref<1x1x32x128xf32, #tpu.memory_space<vmem>> -> memref<32x128xf32, #tpu.memory_space<vmem>>
      %dma_start3A_2583 = arith.constant 0 : i32
      %dma_start3A_2584 = tpu.memref_slice %arg5[%dma_start3A_2583, %multiple_of3A_2556] : memref<32x1000000xf32, #tpu.memory_space<hbm>> -> memref<32x128xf32, #tpu.memory_space<hbm>>
      tpu.enqueue_dma source(%dma_start3A_2584 : memref<32x128xf32, #tpu.memory_space<hbm>>) target(%dma_start3A_2582 : memref<32x128xf32, #tpu.memory_space<vmem>>) target_semaphore(%arg17 : memref<!tpu.dma_semaphore, #tpu.memory_space<semaphore_mem>>)
      %dma_wait3A_2585 = arith.constant 2 : i32
      %dma_wait3A_2586 = arith.constant 0 : i32
      %dma_wait3A_2587 = arith.constant 0 : i32
      %dma_wait3A_2588 = arith.constant 0 : i32
      %dma_wait3A_2589 = tpu.memref_slice %arg11[%dma_wait3A_2585, %dma_wait3A_2586, %dma_wait3A_2587, %dma_wait3A_2588] : memref<3x4x32x128xf32, #tpu.memory_space<vmem>> -> memref<1x1x32x128xf32, #tpu.memory_space<vmem>>
      %dma_wait3A_2590 = tpu.memref_squeeze %dma_wait3A_2589 : memref<1x1x32x128xf32, #tpu.memory_space<vmem>> -> memref<32x128xf32, #tpu.memory_space<vmem>>
      %dma_wait3A_2591 = arith.constant 0 : i32
      %dma_wait3A_2592 = tpu.memref_slice %arg4[%dma_wait3A_2591, %multiple_of3A_1607] : memref<32x1000000xf32, #tpu.memory_space<hbm>> -> memref<32x128xf32, #tpu.memory_space<hbm>>
      %dma_wait3A_2593 = arith.constant 0 : i32
      %dma_wait3A_2594 = arith.constant 0 : i32
      %dma_wait3A_2595 = tpu.memref_slice %arg11[%dma_wait3A_2585, %dma_wait3A_2586, %dma_wait3A_2593, %dma_wait3A_2594] : memref<3x4x32x128xf32, #tpu.memory_space<vmem>> -> memref<1x1x32x128xf32, #tpu.memory_space<vmem>>
      %dma_wait3A_2596 = tpu.memref_squeeze %dma_wait3A_2595 : memref<1x1x32x128xf32, #tpu.memory_space<vmem>> -> memref<32x128xf32, #tpu.memory_space<vmem>>
      %dma_wait3A_2597 = arith.constant 0 : i32
      %dma_wait3A_2598 = tpu.memref_slice %arg4[%dma_wait3A_2597, %multiple_of3A_1607] : memref<32x1000000xf32, #tpu.memory_space<hbm>> -> memref<32x128xf32, #tpu.memory_space<hbm>>
      tpu.wait_dma2 semaphore(%arg16 : memref<!tpu.dma_semaphore, #tpu.memory_space<semaphore_mem>>) src(%dma_wait3A_2598 : memref<32x128xf32, #tpu.memory_space<hbm>>) dst(%dma_wait3A_2596 : memref<32x128xf32, #tpu.memory_space<vmem>>)
      %dma_wait3A_2599 = arith.constant 2 : i32
      %dma_wait3A_2600 = arith.constant 0 : i32
      %dma_wait3A_2601 = arith.constant 0 : i32
      %dma_wait3A_2602 = arith.constant 0 : i32
      %dma_wait3A_2603 = tpu.memref_slice %arg12[%dma_wait3A_2599, %dma_wait3A_2600, %dma_wait3A_2601, %dma_wait3A_2602] : memref<3x4x32x128xf32, #tpu.memory_space<vmem>> -> memref<1x1x32x128xf32, #tpu.memory_space<vmem>>
      %dma_wait3A_2604 = tpu.memref_squeeze %dma_wait3A_2603 : memref<1x1x32x128xf32, #tpu.memory_space<vmem>> -> memref<32x128xf32, #tpu.memory_space<vmem>>
      %dma_wait3A_2605 = arith.constant 0 : i32
      %dma_wait3A_2606 = tpu.memref_slice %arg5[%dma_wait3A_2605, %multiple_of3A_1614] : memref<32x1000000xf32, #tpu.memory_space<hbm>> -> memref<32x128xf32, #tpu.memory_space<hbm>>
      %dma_wait3A_2607 = arith.constant 0 : i32
      %dma_wait3A_2608 = arith.constant 0 : i32
      %dma_wait3A_2609 = tpu.memref_slice %arg12[%dma_wait3A_2599, %dma_wait3A_2600, %dma_wait3A_2607, %dma_wait3A_2608] : memref<3x4x32x128xf32, #tpu.memory_space<vmem>> -> memref<1x1x32x128xf32, #tpu.memory_space<vmem>>
      %dma_wait3A_2610 = tpu.memref_squeeze %dma_wait3A_2609 : memref<1x1x32x128xf32, #tpu.memory_space<vmem>> -> memref<32x128xf32, #tpu.memory_space<vmem>>
      %dma_wait3A_2611 = arith.constant 0 : i32
      %dma_wait3A_2612 = tpu.memref_slice %arg5[%dma_wait3A_2611, %multiple_of3A_1614] : memref<32x1000000xf32, #tpu.memory_space<hbm>> -> memref<32x128xf32, #tpu.memory_space<hbm>>
      tpu.wait_dma2 semaphore(%arg17 : memref<!tpu.dma_semaphore, #tpu.memory_space<semaphore_mem>>) src(%dma_wait3A_2612 : memref<32x128xf32, #tpu.memory_space<hbm>>) dst(%dma_wait3A_2610 : memref<32x128xf32, #tpu.memory_space<vmem>>)
      %dma_wait3A_2613 = arith.constant 2 : i32
      %dma_wait3A_2614 = arith.constant 1 : i32
      %dma_wait3A_2615 = arith.constant 0 : i32
      %dma_wait3A_2616 = arith.constant 0 : i32
      %dma_wait3A_2617 = tpu.memref_slice %arg11[%dma_wait3A_2613, %dma_wait3A_2614, %dma_wait3A_2615, %dma_wait3A_2616] : memref<3x4x32x128xf32, #tpu.memory_space<vmem>> -> memref<1x1x32x128xf32, #tpu.memory_space<vmem>>
      %dma_wait3A_2618 = tpu.memref_squeeze %dma_wait3A_2617 : memref<1x1x32x128xf32, #tpu.memory_space<vmem>> -> memref<32x128xf32, #tpu.memory_space<vmem>>
      %dma_wait3A_2619 = arith.constant 0 : i32
      %dma_wait3A_2620 = tpu.memref_slice %arg4[%dma_wait3A_2619, %multiple_of3A_1649] : memref<32x1000000xf32, #tpu.memory_space<hbm>> -> memref<32x128xf32, #tpu.memory_space<hbm>>
      %dma_wait3A_2621 = arith.constant 0 : i32
      %dma_wait3A_2622 = arith.constant 0 : i32
      %dma_wait3A_2623 = tpu.memref_slice %arg11[%dma_wait3A_2613, %dma_wait3A_2614, %dma_wait3A_2621, %dma_wait3A_2622] : memref<3x4x32x128xf32, #tpu.memory_space<vmem>> -> memref<1x1x32x128xf32, #tpu.memory_space<vmem>>
      %dma_wait3A_2624 = tpu.memref_squeeze %dma_wait3A_2623 : memref<1x1x32x128xf32, #tpu.memory_space<vmem>> -> memref<32x128xf32, #tpu.memory_space<vmem>>
      %dma_wait3A_2625 = arith.constant 0 : i32
      %dma_wait3A_2626 = tpu.memref_slice %arg4[%dma_wait3A_2625, %multiple_of3A_1649] : memref<32x1000000xf32, #tpu.memory_space<hbm>> -> memref<32x128xf32, #tpu.memory_space<hbm>>
      tpu.wait_dma2 semaphore(%arg16 : memref<!tpu.dma_semaphore, #tpu.memory_space<semaphore_mem>>) src(%dma_wait3A_2626 : memref<32x128xf32, #tpu.memory_space<hbm>>) dst(%dma_wait3A_2624 : memref<32x128xf32, #tpu.memory_space<vmem>>)
      %dma_wait3A_2627 = arith.constant 2 : i32
      %dma_wait3A_2628 = arith.constant 1 : i32
      %dma_wait3A_2629 = arith.constant 0 : i32
      %dma_wait3A_2630 = arith.constant 0 : i32
      %dma_wait3A_2631 = tpu.memref_slice %arg12[%dma_wait3A_2627, %dma_wait3A_2628, %dma_wait3A_2629, %dma_wait3A_2630] : memref<3x4x32x128xf32, #tpu.memory_space<vmem>> -> memref<1x1x32x128xf32, #tpu.memory_space<vmem>>
      %dma_wait3A_2632 = tpu.memref_squeeze %dma_wait3A_2631 : memref<1x1x32x128xf32, #tpu.memory_space<vmem>> -> memref<32x128xf32, #tpu.memory_space<vmem>>
      %dma_wait3A_2633 = arith.constant 0 : i32
      %dma_wait3A_2634 = tpu.memref_slice %arg5[%dma_wait3A_2633, %multiple_of3A_1656] : memref<32x1000000xf32, #tpu.memory_space<hbm>> -> memref<32x128xf32, #tpu.memory_space<hbm>>
      %dma_wait3A_2635 = arith.constant 0 : i32
      %dma_wait3A_2636 = arith.constant 0 : i32
      %dma_wait3A_2637 = tpu.memref_slice %arg12[%dma_wait3A_2627, %dma_wait3A_2628, %dma_wait3A_2635, %dma_wait3A_2636] : memref<3x4x32x128xf32, #tpu.memory_space<vmem>> -> memref<1x1x32x128xf32, #tpu.memory_space<vmem>>
      %dma_wait3A_2638 = tpu.memref_squeeze %dma_wait3A_2637 : memref<1x1x32x128xf32, #tpu.memory_space<vmem>> -> memref<32x128xf32, #tpu.memory_space<vmem>>
      %dma_wait3A_2639 = arith.constant 0 : i32
      %dma_wait3A_2640 = tpu.memref_slice %arg5[%dma_wait3A_2639, %multiple_of3A_1656] : memref<32x1000000xf32, #tpu.memory_space<hbm>> -> memref<32x128xf32, #tpu.memory_space<hbm>>
      tpu.wait_dma2 semaphore(%arg17 : memref<!tpu.dma_semaphore, #tpu.memory_space<semaphore_mem>>) src(%dma_wait3A_2640 : memref<32x128xf32, #tpu.memory_space<hbm>>) dst(%dma_wait3A_2638 : memref<32x128xf32, #tpu.memory_space<vmem>>)
      %dma_wait3A_2641 = arith.constant 2 : i32
      %dma_wait3A_2642 = arith.constant 2 : i32
      %dma_wait3A_2643 = arith.constant 0 : i32
      %dma_wait3A_2644 = arith.constant 0 : i32
      %dma_wait3A_2645 = tpu.memref_slice %arg11[%dma_wait3A_2641, %dma_wait3A_2642, %dma_wait3A_2643, %dma_wait3A_2644] : memref<3x4x32x128xf32, #tpu.memory_space<vmem>> -> memref<1x1x32x128xf32, #tpu.memory_space<vmem>>
      %dma_wait3A_2646 = tpu.memref_squeeze %dma_wait3A_2645 : memref<1x1x32x128xf32, #tpu.memory_space<vmem>> -> memref<32x128xf32, #tpu.memory_space<vmem>>
      %dma_wait3A_2647 = arith.constant 0 : i32
      %dma_wait3A_2648 = tpu.memref_slice %arg4[%dma_wait3A_2647, %multiple_of3A_1691] : memref<32x1000000xf32, #tpu.memory_space<hbm>> -> memref<32x128xf32, #tpu.memory_space<hbm>>
      %dma_wait3A_2649 = arith.constant 0 : i32
      %dma_wait3A_2650 = arith.constant 0 : i32
      %dma_wait3A_2651 = tpu.memref_slice %arg11[%dma_wait3A_2641, %dma_wait3A_2642, %dma_wait3A_2649, %dma_wait3A_2650] : memref<3x4x32x128xf32, #tpu.memory_space<vmem>> -> memref<1x1x32x128xf32, #tpu.memory_space<vmem>>
      %dma_wait3A_2652 = tpu.memref_squeeze %dma_wait3A_2651 : memref<1x1x32x128xf32, #tpu.memory_space<vmem>> -> memref<32x128xf32, #tpu.memory_space<vmem>>
      %dma_wait3A_2653 = arith.constant 0 : i32
      %dma_wait3A_2654 = tpu.memref_slice %arg4[%dma_wait3A_2653, %multiple_of3A_1691] : memref<32x1000000xf32, #tpu.memory_space<hbm>> -> memref<32x128xf32, #tpu.memory_space<hbm>>
      tpu.wait_dma2 semaphore(%arg16 : memref<!tpu.dma_semaphore, #tpu.memory_space<semaphore_mem>>) src(%dma_wait3A_2654 : memref<32x128xf32, #tpu.memory_space<hbm>>) dst(%dma_wait3A_2652 : memref<32x128xf32, #tpu.memory_space<vmem>>)
      %dma_wait3A_2655 = arith.constant 2 : i32
      %dma_wait3A_2656 = arith.constant 2 : i32
      %dma_wait3A_2657 = arith.constant 0 : i32
      %dma_wait3A_2658 = arith.constant 0 : i32
      %dma_wait3A_2659 = tpu.memref_slice %arg12[%dma_wait3A_2655, %dma_wait3A_2656, %dma_wait3A_2657, %dma_wait3A_2658] : memref<3x4x32x128xf32, #tpu.memory_space<vmem>> -> memref<1x1x32x128xf32, #tpu.memory_space<vmem>>
      %dma_wait3A_2660 = tpu.memref_squeeze %dma_wait3A_2659 : memref<1x1x32x128xf32, #tpu.memory_space<vmem>> -> memref<32x128xf32, #tpu.memory_space<vmem>>
      %dma_wait3A_2661 = arith.constant 0 : i32
      %dma_wait3A_2662 = tpu.memref_slice %arg5[%dma_wait3A_2661, %multiple_of3A_1698] : memref<32x1000000xf32, #tpu.memory_space<hbm>> -> memref<32x128xf32, #tpu.memory_space<hbm>>
      %dma_wait3A_2663 = arith.constant 0 : i32
      %dma_wait3A_2664 = arith.constant 0 : i32
      %dma_wait3A_2665 = tpu.memref_slice %arg12[%dma_wait3A_2655, %dma_wait3A_2656, %dma_wait3A_2663, %dma_wait3A_2664] : memref<3x4x32x128xf32, #tpu.memory_space<vmem>> -> memref<1x1x32x128xf32, #tpu.memory_space<vmem>>
      %dma_wait3A_2666 = tpu.memref_squeeze %dma_wait3A_2665 : memref<1x1x32x128xf32, #tpu.memory_space<vmem>> -> memref<32x128xf32, #tpu.memory_space<vmem>>
      %dma_wait3A_2667 = arith.constant 0 : i32
      %dma_wait3A_2668 = tpu.memref_slice %arg5[%dma_wait3A_2667, %multiple_of3A_1698] : memref<32x1000000xf32, #tpu.memory_space<hbm>> -> memref<32x128xf32, #tpu.memory_space<hbm>>
      tpu.wait_dma2 semaphore(%arg17 : memref<!tpu.dma_semaphore, #tpu.memory_space<semaphore_mem>>) src(%dma_wait3A_2668 : memref<32x128xf32, #tpu.memory_space<hbm>>) dst(%dma_wait3A_2666 : memref<32x128xf32, #tpu.memory_space<vmem>>)
      %dma_wait3A_2669 = arith.constant 2 : i32
      %dma_wait3A_2670 = arith.constant 3 : i32
      %dma_wait3A_2671 = arith.constant 0 : i32
      %dma_wait3A_2672 = arith.constant 0 : i32
      %dma_wait3A_2673 = tpu.memref_slice %arg11[%dma_wait3A_2669, %dma_wait3A_2670, %dma_wait3A_2671, %dma_wait3A_2672] : memref<3x4x32x128xf32, #tpu.memory_space<vmem>> -> memref<1x1x32x128xf32, #tpu.memory_space<vmem>>
      %dma_wait3A_2674 = tpu.memref_squeeze %dma_wait3A_2673 : memref<1x1x32x128xf32, #tpu.memory_space<vmem>> -> memref<32x128xf32, #tpu.memory_space<vmem>>
      %dma_wait3A_2675 = arith.constant 0 : i32
      %dma_wait3A_2676 = tpu.memref_slice %arg4[%dma_wait3A_2675, %multiple_of3A_1733] : memref<32x1000000xf32, #tpu.memory_space<hbm>> -> memref<32x128xf32, #tpu.memory_space<hbm>>
      %dma_wait3A_2677 = arith.constant 0 : i32
      %dma_wait3A_2678 = arith.constant 0 : i32
      %dma_wait3A_2679 = tpu.memref_slice %arg11[%dma_wait3A_2669, %dma_wait3A_2670, %dma_wait3A_2677, %dma_wait3A_2678] : memref<3x4x32x128xf32, #tpu.memory_space<vmem>> -> memref<1x1x32x128xf32, #tpu.memory_space<vmem>>
      %dma_wait3A_2680 = tpu.memref_squeeze %dma_wait3A_2679 : memref<1x1x32x128xf32, #tpu.memory_space<vmem>> -> memref<32x128xf32, #tpu.memory_space<vmem>>
      %dma_wait3A_2681 = arith.constant 0 : i32
      %dma_wait3A_2682 = tpu.memref_slice %arg4[%dma_wait3A_2681, %multiple_of3A_1733] : memref<32x1000000xf32, #tpu.memory_space<hbm>> -> memref<32x128xf32, #tpu.memory_space<hbm>>
      tpu.wait_dma2 semaphore(%arg16 : memref<!tpu.dma_semaphore, #tpu.memory_space<semaphore_mem>>) src(%dma_wait3A_2682 : memref<32x128xf32, #tpu.memory_space<hbm>>) dst(%dma_wait3A_2680 : memref<32x128xf32, #tpu.memory_space<vmem>>)
      %dma_wait3A_2683 = arith.constant 2 : i32
      %dma_wait3A_2684 = arith.constant 3 : i32
      %dma_wait3A_2685 = arith.constant 0 : i32
      %dma_wait3A_2686 = arith.constant 0 : i32
      %dma_wait3A_2687 = tpu.memref_slice %arg12[%dma_wait3A_2683, %dma_wait3A_2684, %dma_wait3A_2685, %dma_wait3A_2686] : memref<3x4x32x128xf32, #tpu.memory_space<vmem>> -> memref<1x1x32x128xf32, #tpu.memory_space<vmem>>
      %dma_wait3A_2688 = tpu.memref_squeeze %dma_wait3A_2687 : memref<1x1x32x128xf32, #tpu.memory_space<vmem>> -> memref<32x128xf32, #tpu.memory_space<vmem>>
      %dma_wait3A_2689 = arith.constant 0 : i32
      %dma_wait3A_2690 = tpu.memref_slice %arg5[%dma_wait3A_2689, %multiple_of3A_1740] : memref<32x1000000xf32, #tpu.memory_space<hbm>> -> memref<32x128xf32, #tpu.memory_space<hbm>>
      %dma_wait3A_2691 = arith.constant 0 : i32
      %dma_wait3A_2692 = arith.constant 0 : i32
      %dma_wait3A_2693 = tpu.memref_slice %arg12[%dma_wait3A_2683, %dma_wait3A_2684, %dma_wait3A_2691, %dma_wait3A_2692] : memref<3x4x32x128xf32, #tpu.memory_space<vmem>> -> memref<1x1x32x128xf32, #tpu.memory_space<vmem>>
      %dma_wait3A_2694 = tpu.memref_squeeze %dma_wait3A_2693 : memref<1x1x32x128xf32, #tpu.memory_space<vmem>> -> memref<32x128xf32, #tpu.memory_space<vmem>>
      %dma_wait3A_2695 = arith.constant 0 : i32
      %dma_wait3A_2696 = tpu.memref_slice %arg5[%dma_wait3A_2695, %multiple_of3A_1740] : memref<32x1000000xf32, #tpu.memory_space<hbm>> -> memref<32x128xf32, #tpu.memory_space<hbm>>
      tpu.wait_dma2 semaphore(%arg17 : memref<!tpu.dma_semaphore, #tpu.memory_space<semaphore_mem>>) src(%dma_wait3A_2696 : memref<32x128xf32, #tpu.memory_space<hbm>>) dst(%dma_wait3A_2694 : memref<32x128xf32, #tpu.memory_space<vmem>>)
      %slice3A_2697 = vector.extract_strided_slice %get3A_32 {offsets = [4], sizes = [1], strides = [1]} : vector<16xi32> to vector<1xi32>
      %squeeze3A_2698 = vector.extract %slice3A_2697[0] : i32 from vector<1xi32>
      %and3A_2699 = arith.constant 127 : i32
      %and3A_2700 = arith.andi %squeeze3A_2698, %and3A_2699 : i32
      %broadcast_in_dim3A_2701 = vector.broadcast %and3A_2700 : i32 to vector<16xi32>
      %slice3A_2702 = vector.extract_strided_slice %get3A_46 {offsets = [4], sizes = [1], strides = [1]} : vector<16xi32> to vector<1xi32>
      %squeeze3A_2703 = vector.extract %slice3A_2702[0] : i32 from vector<1xi32>
      %and3A_2704 = arith.constant 127 : i32
      %and3A_2705 = arith.andi %squeeze3A_2703, %and3A_2704 : i32
      %broadcast_in_dim3A_2706 = vector.broadcast %and3A_2705 : i32 to vector<16xi32>
      %broadcast_in_dim3A_2707 = arith.constant 2 : i32
      %broadcast_in_dim3A_2708 = vector.broadcast %broadcast_in_dim3A_2707 : i32 to vector<16xi32>
      %broadcast_in_dim3A_2709 = arith.constant 0 : i32
      %broadcast_in_dim3A_2710 = vector.broadcast %broadcast_in_dim3A_2709 : i32 to vector<16xi32>
      %gather3A_2711 = tpu.vector_load_idx %arg11[%broadcast_in_dim3A_2708, %broadcast_in_dim3A_2710, %iota3A, %broadcast_in_dim3A_2701] : memref<3x4x32x128xf32, #tpu.memory_space<vmem>>[vector<16xi32>, vector<16xi32>, vector<16xi32>, vector<16xi32>], vector<16xf32>,
      %gather3A_2712 = tpu.vector_load_idx %arg11[%broadcast_in_dim3A_2708, %broadcast_in_dim3A_2710, %add3A_10, %broadcast_in_dim3A_2701] : memref<3x4x32x128xf32, #tpu.memory_space<vmem>>[vector<16xi32>, vector<16xi32>, vector<16xi32>, vector<16xi32>], vector<16xf32>,
      %gather3A_2713 = tpu.vector_load_idx %arg12[%broadcast_in_dim3A_2708, %broadcast_in_dim3A_2710, %iota3A, %broadcast_in_dim3A_2706] : memref<3x4x32x128xf32, #tpu.memory_space<vmem>>[vector<16xi32>, vector<16xi32>, vector<16xi32>, vector<16xi32>], vector<16xf32>,
      %gather3A_2714 = tpu.vector_load_idx %arg12[%broadcast_in_dim3A_2708, %broadcast_in_dim3A_2710, %add3A_10, %broadcast_in_dim3A_2706] : memref<3x4x32x128xf32, #tpu.memory_space<vmem>>[vector<16xi32>, vector<16xi32>, vector<16xi32>, vector<16xi32>], vector<16xf32>,
      %mul3A_2715 = arith.mulf %gather3A_2711, %gather3A_2713 : vector<16xf32>
      %mul3A_2716 = arith.mulf %mul3A_2715, %get3A_5 : vector<16xf32>
      %mul3A_2717 = arith.mulf %gather3A_2712, %gather3A_2714 : vector<16xf32>
      %mul3A_2718 = arith.mulf %mul3A_2717, %get3A_7 : vector<16xf32>
      %add3A_2719 = arith.addf %mul3A_2716, %mul3A_2718 : vector<16xf32>
      %reduce_sum3A_2720 = arith.constant true
      %reduce_sum3A_2721 = vector.broadcast %reduce_sum3A_2720 : i1 to vector<16xi1>
      %reduce_sum3A_2722 = tpu.scan <sum>, %add3A_2719 masked %reduce_sum3A_2721 : vector<16xf32>, vector<16xi1> -> vector<16xf32>
      %reduce_sum3A_2723 = vector.extract %reduce_sum3A_2722[15] : f32 from vector<16xf32>
      %eq3A_2724 = arith.constant 4 : i32
      %eq3A_2725 = vector.broadcast %eq3A_2724 : i32 to vector<16xi32>
      %eq3A_2726 = arith.cmpi eq, %iota3A, %eq3A_2725 : vector<16xi32>
      %broadcast_in_dim3A_2727 = vector.broadcast %reduce_sum3A_2723 : f32 to vector<16xf32>
      %select_n3A_2728 = arith.select %eq3A_2726, %broadcast_in_dim3A_2727, %select_n3A_2416 : vector<16xi1>, vector<16xf32>
      %slice3A_2729 = vector.extract_strided_slice %get3A_32 {offsets = [5], sizes = [1], strides = [1]} : vector<16xi32> to vector<1xi32>
      %squeeze3A_2730 = vector.extract %slice3A_2729[0] : i32 from vector<1xi32>
      %and3A_2731 = arith.constant 127 : i32
      %and3A_2732 = arith.andi %squeeze3A_2730, %and3A_2731 : i32
      %broadcast_in_dim3A_2733 = vector.broadcast %and3A_2732 : i32 to vector<16xi32>
      %slice3A_2734 = vector.extract_strided_slice %get3A_46 {offsets = [5], sizes = [1], strides = [1]} : vector<16xi32> to vector<1xi32>
      %squeeze3A_2735 = vector.extract %slice3A_2734[0] : i32 from vector<1xi32>
      %and3A_2736 = arith.constant 127 : i32
      %and3A_2737 = arith.andi %squeeze3A_2735, %and3A_2736 : i32
      %broadcast_in_dim3A_2738 = vector.broadcast %and3A_2737 : i32 to vector<16xi32>
      %broadcast_in_dim3A_2739 = arith.constant 2 : i32
      %broadcast_in_dim3A_2740 = vector.broadcast %broadcast_in_dim3A_2739 : i32 to vector<16xi32>
      %broadcast_in_dim3A_2741 = arith.constant 1 : i32
      %broadcast_in_dim3A_2742 = vector.broadcast %broadcast_in_dim3A_2741 : i32 to vector<16xi32>
      %gather3A_2743 = tpu.vector_load_idx %arg11[%broadcast_in_dim3A_2740, %broadcast_in_dim3A_2742, %iota3A, %broadcast_in_dim3A_2733] : memref<3x4x32x128xf32, #tpu.memory_space<vmem>>[vector<16xi32>, vector<16xi32>, vector<16xi32>, vector<16xi32>], vector<16xf32>,
      %gather3A_2744 = tpu.vector_load_idx %arg11[%broadcast_in_dim3A_2740, %broadcast_in_dim3A_2742, %add3A_10, %broadcast_in_dim3A_2733] : memref<3x4x32x128xf32, #tpu.memory_space<vmem>>[vector<16xi32>, vector<16xi32>, vector<16xi32>, vector<16xi32>], vector<16xf32>,
      %gather3A_2745 = tpu.vector_load_idx %arg12[%broadcast_in_dim3A_2740, %broadcast_in_dim3A_2742, %iota3A, %broadcast_in_dim3A_2738] : memref<3x4x32x128xf32, #tpu.memory_space<vmem>>[vector<16xi32>, vector<16xi32>, vector<16xi32>, vector<16xi32>], vector<16xf32>,
      %gather3A_2746 = tpu.vector_load_idx %arg12[%broadcast_in_dim3A_2740, %broadcast_in_dim3A_2742, %add3A_10, %broadcast_in_dim3A_2738] : memref<3x4x32x128xf32, #tpu.memory_space<vmem>>[vector<16xi32>, vector<16xi32>, vector<16xi32>, vector<16xi32>], vector<16xf32>,
      %mul3A_2747 = arith.mulf %gather3A_2743, %gather3A_2745 : vector<16xf32>
      %mul3A_2748 = arith.mulf %mul3A_2747, %get3A_5 : vector<16xf32>
      %mul3A_2749 = arith.mulf %gather3A_2744, %gather3A_2746 : vector<16xf32>
      %mul3A_2750 = arith.mulf %mul3A_2749, %get3A_7 : vector<16xf32>
      %add3A_2751 = arith.addf %mul3A_2748, %mul3A_2750 : vector<16xf32>
      %reduce_sum3A_2752 = arith.constant true
      %reduce_sum3A_2753 = vector.broadcast %reduce_sum3A_2752 : i1 to vector<16xi1>
      %reduce_sum3A_2754 = tpu.scan <sum>, %add3A_2751 masked %reduce_sum3A_2753 : vector<16xf32>, vector<16xi1> -> vector<16xf32>
      %reduce_sum3A_2755 = vector.extract %reduce_sum3A_2754[15] : f32 from vector<16xf32>
      %eq3A_2756 = arith.constant 5 : i32
      %eq3A_2757 = vector.broadcast %eq3A_2756 : i32 to vector<16xi32>
      %eq3A_2758 = arith.cmpi eq, %iota3A, %eq3A_2757 : vector<16xi32>
      %broadcast_in_dim3A_2759 = vector.broadcast %reduce_sum3A_2755 : f32 to vector<16xf32>
      %select_n3A_2760 = arith.select %eq3A_2758, %broadcast_in_dim3A_2759, %select_n3A_2728 : vector<16xi1>, vector<16xf32>
      %slice3A_2761 = vector.extract_strided_slice %get3A_32 {offsets = [6], sizes = [1], strides = [1]} : vector<16xi32> to vector<1xi32>
      %squeeze3A_2762 = vector.extract %slice3A_2761[0] : i32 from vector<1xi32>
      %and3A_2763 = arith.constant 127 : i32
      %and3A_2764 = arith.andi %squeeze3A_2762, %and3A_2763 : i32
      %broadcast_in_dim3A_2765 = vector.broadcast %and3A_2764 : i32 to vector<16xi32>
      %slice3A_2766 = vector.extract_strided_slice %get3A_46 {offsets = [6], sizes = [1], strides = [1]} : vector<16xi32> to vector<1xi32>
      %squeeze3A_2767 = vector.extract %slice3A_2766[0] : i32 from vector<1xi32>
      %and3A_2768 = arith.constant 127 : i32
      %and3A_2769 = arith.andi %squeeze3A_2767, %and3A_2768 : i32
      %broadcast_in_dim3A_2770 = vector.broadcast %and3A_2769 : i32 to vector<16xi32>
      %broadcast_in_dim3A_2771 = arith.constant 2 : i32
      %broadcast_in_dim3A_2772 = vector.broadcast %broadcast_in_dim3A_2771 : i32 to vector<16xi32>
      %broadcast_in_dim3A_2773 = arith.constant 2 : i32
      %broadcast_in_dim3A_2774 = vector.broadcast %broadcast_in_dim3A_2773 : i32 to vector<16xi32>
      %gather3A_2775 = tpu.vector_load_idx %arg11[%broadcast_in_dim3A_2772, %broadcast_in_dim3A_2774, %iota3A, %broadcast_in_dim3A_2765] : memref<3x4x32x128xf32, #tpu.memory_space<vmem>>[vector<16xi32>, vector<16xi32>, vector<16xi32>, vector<16xi32>], vector<16xf32>,
      %gather3A_2776 = tpu.vector_load_idx %arg11[%broadcast_in_dim3A_2772, %broadcast_in_dim3A_2774, %add3A_10, %broadcast_in_dim3A_2765] : memref<3x4x32x128xf32, #tpu.memory_space<vmem>>[vector<16xi32>, vector<16xi32>, vector<16xi32>, vector<16xi32>], vector<16xf32>,
      %gather3A_2777 = tpu.vector_load_idx %arg12[%broadcast_in_dim3A_2772, %broadcast_in_dim3A_2774, %iota3A, %broadcast_in_dim3A_2770] : memref<3x4x32x128xf32, #tpu.memory_space<vmem>>[vector<16xi32>, vector<16xi32>, vector<16xi32>, vector<16xi32>], vector<16xf32>,
      %gather3A_2778 = tpu.vector_load_idx %arg12[%broadcast_in_dim3A_2772, %broadcast_in_dim3A_2774, %add3A_10, %broadcast_in_dim3A_2770] : memref<3x4x32x128xf32, #tpu.memory_space<vmem>>[vector<16xi32>, vector<16xi32>, vector<16xi32>, vector<16xi32>], vector<16xf32>,
      %mul3A_2779 = arith.mulf %gather3A_2775, %gather3A_2777 : vector<16xf32>
      %mul3A_2780 = arith.mulf %mul3A_2779, %get3A_5 : vector<16xf32>
      %mul3A_2781 = arith.mulf %gather3A_2776, %gather3A_2778 : vector<16xf32>
      %mul3A_2782 = arith.mulf %mul3A_2781, %get3A_7 : vector<16xf32>
      %add3A_2783 = arith.addf %mul3A_2780, %mul3A_2782 : vector<16xf32>
      %reduce_sum3A_2784 = arith.constant true
      %reduce_sum3A_2785 = vector.broadcast %reduce_sum3A_2784 : i1 to vector<16xi1>
      %reduce_sum3A_2786 = tpu.scan <sum>, %add3A_2783 masked %reduce_sum3A_2785 : vector<16xf32>, vector<16xi1> -> vector<16xf32>
      %reduce_sum3A_2787 = vector.extract %reduce_sum3A_2786[15] : f32 from vector<16xf32>
      %eq3A_2788 = arith.constant 6 : i32
      %eq3A_2789 = vector.broadcast %eq3A_2788 : i32 to vector<16xi32>
      %eq3A_2790 = arith.cmpi eq, %iota3A, %eq3A_2789 : vector<16xi32>
      %broadcast_in_dim3A_2791 = vector.broadcast %reduce_sum3A_2787 : f32 to vector<16xf32>
      %select_n3A_2792 = arith.select %eq3A_2790, %broadcast_in_dim3A_2791, %select_n3A_2760 : vector<16xi1>, vector<16xf32>
      %slice3A_2793 = vector.extract_strided_slice %get3A_32 {offsets = [7], sizes = [1], strides = [1]} : vector<16xi32> to vector<1xi32>
      %squeeze3A_2794 = vector.extract %slice3A_2793[0] : i32 from vector<1xi32>
      %and3A_2795 = arith.constant 127 : i32
      %and3A_2796 = arith.andi %squeeze3A_2794, %and3A_2795 : i32
      %broadcast_in_dim3A_2797 = vector.broadcast %and3A_2796 : i32 to vector<16xi32>
      %slice3A_2798 = vector.extract_strided_slice %get3A_46 {offsets = [7], sizes = [1], strides = [1]} : vector<16xi32> to vector<1xi32>
      %squeeze3A_2799 = vector.extract %slice3A_2798[0] : i32 from vector<1xi32>
      %and3A_2800 = arith.constant 127 : i32
      %and3A_2801 = arith.andi %squeeze3A_2799, %and3A_2800 : i32
      %broadcast_in_dim3A_2802 = vector.broadcast %and3A_2801 : i32 to vector<16xi32>
      %broadcast_in_dim3A_2803 = arith.constant 2 : i32
      %broadcast_in_dim3A_2804 = vector.broadcast %broadcast_in_dim3A_2803 : i32 to vector<16xi32>
      %broadcast_in_dim3A_2805 = arith.constant 3 : i32
      %broadcast_in_dim3A_2806 = vector.broadcast %broadcast_in_dim3A_2805 : i32 to vector<16xi32>
      %gather3A_2807 = tpu.vector_load_idx %arg11[%broadcast_in_dim3A_2804, %broadcast_in_dim3A_2806, %iota3A, %broadcast_in_dim3A_2797] : memref<3x4x32x128xf32, #tpu.memory_space<vmem>>[vector<16xi32>, vector<16xi32>, vector<16xi32>, vector<16xi32>], vector<16xf32>,
      %gather3A_2808 = tpu.vector_load_idx %arg11[%broadcast_in_dim3A_2804, %broadcast_in_dim3A_2806, %add3A_10, %broadcast_in_dim3A_2797] : memref<3x4x32x128xf32, #tpu.memory_space<vmem>>[vector<16xi32>, vector<16xi32>, vector<16xi32>, vector<16xi32>], vector<16xf32>,
      %gather3A_2809 = tpu.vector_load_idx %arg12[%broadcast_in_dim3A_2804, %broadcast_in_dim3A_2806, %iota3A, %broadcast_in_dim3A_2802] : memref<3x4x32x128xf32, #tpu.memory_space<vmem>>[vector<16xi32>, vector<16xi32>, vector<16xi32>, vector<16xi32>], vector<16xf32>,
      %gather3A_2810 = tpu.vector_load_idx %arg12[%broadcast_in_dim3A_2804, %broadcast_in_dim3A_2806, %add3A_10, %broadcast_in_dim3A_2802] : memref<3x4x32x128xf32, #tpu.memory_space<vmem>>[vector<16xi32>, vector<16xi32>, vector<16xi32>, vector<16xi32>], vector<16xf32>,
      %mul3A_2811 = arith.mulf %gather3A_2807, %gather3A_2809 : vector<16xf32>
      %mul3A_2812 = arith.mulf %mul3A_2811, %get3A_5 : vector<16xf32>
      %mul3A_2813 = arith.mulf %gather3A_2808, %gather3A_2810 : vector<16xf32>
      %mul3A_2814 = arith.mulf %mul3A_2813, %get3A_7 : vector<16xf32>
      %add3A_2815 = arith.addf %mul3A_2812, %mul3A_2814 : vector<16xf32>
      %reduce_sum3A_2816 = arith.constant true
      %reduce_sum3A_2817 = vector.broadcast %reduce_sum3A_2816 : i1 to vector<16xi1>
      %reduce_sum3A_2818 = tpu.scan <sum>, %add3A_2815 masked %reduce_sum3A_2817 : vector<16xf32>, vector<16xi1> -> vector<16xf32>
      %reduce_sum3A_2819 = vector.extract %reduce_sum3A_2818[15] : f32 from vector<16xf32>
      %eq3A_2820 = arith.constant 7 : i32
      %eq3A_2821 = vector.broadcast %eq3A_2820 : i32 to vector<16xi32>
      %eq3A_2822 = arith.cmpi eq, %iota3A, %eq3A_2821 : vector<16xi32>
      %broadcast_in_dim3A_2823 = vector.broadcast %reduce_sum3A_2819 : f32 to vector<16xf32>
      %select_n3A_2824 = arith.select %eq3A_2822, %broadcast_in_dim3A_2823, %select_n3A_2792 : vector<16xi1>, vector<16xf32>
      %dma_wait3A_2825 = arith.constant 0 : i32
      %dma_wait3A_2826 = arith.constant 0 : i32
      %dma_wait3A_2827 = arith.constant 0 : i32
      %dma_wait3A_2828 = arith.constant 0 : i32
      %dma_wait3A_2829 = tpu.memref_slice %arg11[%dma_wait3A_2825, %dma_wait3A_2826, %dma_wait3A_2827, %dma_wait3A_2828] : memref<3x4x32x128xf32, #tpu.memory_space<vmem>> -> memref<1x1x32x128xf32, #tpu.memory_space<vmem>>
      %dma_wait3A_2830 = tpu.memref_squeeze %dma_wait3A_2829 : memref<1x1x32x128xf32, #tpu.memory_space<vmem>> -> memref<32x128xf32, #tpu.memory_space<vmem>>
      %dma_wait3A_2831 = arith.constant 0 : i32
      %dma_wait3A_2832 = tpu.memref_slice %arg4[%dma_wait3A_2831, %multiple_of3A_2015] : memref<32x1000000xf32, #tpu.memory_space<hbm>> -> memref<32x128xf32, #tpu.memory_space<hbm>>
      %dma_wait3A_2833 = arith.constant 0 : i32
      %dma_wait3A_2834 = arith.constant 0 : i32
      %dma_wait3A_2835 = tpu.memref_slice %arg11[%dma_wait3A_2825, %dma_wait3A_2826, %dma_wait3A_2833, %dma_wait3A_2834] : memref<3x4x32x128xf32, #tpu.memory_space<vmem>> -> memref<1x1x32x128xf32, #tpu.memory_space<vmem>>
      %dma_wait3A_2836 = tpu.memref_squeeze %dma_wait3A_2835 : memref<1x1x32x128xf32, #tpu.memory_space<vmem>> -> memref<32x128xf32, #tpu.memory_space<vmem>>
      %dma_wait3A_2837 = arith.constant 0 : i32
      %dma_wait3A_2838 = tpu.memref_slice %arg4[%dma_wait3A_2837, %multiple_of3A_2015] : memref<32x1000000xf32, #tpu.memory_space<hbm>> -> memref<32x128xf32, #tpu.memory_space<hbm>>
      tpu.wait_dma2 semaphore(%arg16 : memref<!tpu.dma_semaphore, #tpu.memory_space<semaphore_mem>>) src(%dma_wait3A_2838 : memref<32x128xf32, #tpu.memory_space<hbm>>) dst(%dma_wait3A_2836 : memref<32x128xf32, #tpu.memory_space<vmem>>)
      %dma_wait3A_2839 = arith.constant 0 : i32
      %dma_wait3A_2840 = arith.constant 0 : i32
      %dma_wait3A_2841 = arith.constant 0 : i32
      %dma_wait3A_2842 = arith.constant 0 : i32
      %dma_wait3A_2843 = tpu.memref_slice %arg12[%dma_wait3A_2839, %dma_wait3A_2840, %dma_wait3A_2841, %dma_wait3A_2842] : memref<3x4x32x128xf32, #tpu.memory_space<vmem>> -> memref<1x1x32x128xf32, #tpu.memory_space<vmem>>
      %dma_wait3A_2844 = tpu.memref_squeeze %dma_wait3A_2843 : memref<1x1x32x128xf32, #tpu.memory_space<vmem>> -> memref<32x128xf32, #tpu.memory_space<vmem>>
      %dma_wait3A_2845 = arith.constant 0 : i32
      %dma_wait3A_2846 = tpu.memref_slice %arg5[%dma_wait3A_2845, %multiple_of3A_2022] : memref<32x1000000xf32, #tpu.memory_space<hbm>> -> memref<32x128xf32, #tpu.memory_space<hbm>>
      %dma_wait3A_2847 = arith.constant 0 : i32
      %dma_wait3A_2848 = arith.constant 0 : i32
      %dma_wait3A_2849 = tpu.memref_slice %arg12[%dma_wait3A_2839, %dma_wait3A_2840, %dma_wait3A_2847, %dma_wait3A_2848] : memref<3x4x32x128xf32, #tpu.memory_space<vmem>> -> memref<1x1x32x128xf32, #tpu.memory_space<vmem>>
      %dma_wait3A_2850 = tpu.memref_squeeze %dma_wait3A_2849 : memref<1x1x32x128xf32, #tpu.memory_space<vmem>> -> memref<32x128xf32, #tpu.memory_space<vmem>>
      %dma_wait3A_2851 = arith.constant 0 : i32
      %dma_wait3A_2852 = tpu.memref_slice %arg5[%dma_wait3A_2851, %multiple_of3A_2022] : memref<32x1000000xf32, #tpu.memory_space<hbm>> -> memref<32x128xf32, #tpu.memory_space<hbm>>
      tpu.wait_dma2 semaphore(%arg17 : memref<!tpu.dma_semaphore, #tpu.memory_space<semaphore_mem>>) src(%dma_wait3A_2852 : memref<32x128xf32, #tpu.memory_space<hbm>>) dst(%dma_wait3A_2850 : memref<32x128xf32, #tpu.memory_space<vmem>>)
      %dma_wait3A_2853 = arith.constant 0 : i32
      %dma_wait3A_2854 = arith.constant 1 : i32
      %dma_wait3A_2855 = arith.constant 0 : i32
      %dma_wait3A_2856 = arith.constant 0 : i32
      %dma_wait3A_2857 = tpu.memref_slice %arg11[%dma_wait3A_2853, %dma_wait3A_2854, %dma_wait3A_2855, %dma_wait3A_2856] : memref<3x4x32x128xf32, #tpu.memory_space<vmem>> -> memref<1x1x32x128xf32, #tpu.memory_space<vmem>>
      %dma_wait3A_2858 = tpu.memref_squeeze %dma_wait3A_2857 : memref<1x1x32x128xf32, #tpu.memory_space<vmem>> -> memref<32x128xf32, #tpu.memory_space<vmem>>
      %dma_wait3A_2859 = arith.constant 0 : i32
      %dma_wait3A_2860 = tpu.memref_slice %arg4[%dma_wait3A_2859, %multiple_of3A_2057] : memref<32x1000000xf32, #tpu.memory_space<hbm>> -> memref<32x128xf32, #tpu.memory_space<hbm>>
      %dma_wait3A_2861 = arith.constant 0 : i32
      %dma_wait3A_2862 = arith.constant 0 : i32
      %dma_wait3A_2863 = tpu.memref_slice %arg11[%dma_wait3A_2853, %dma_wait3A_2854, %dma_wait3A_2861, %dma_wait3A_2862] : memref<3x4x32x128xf32, #tpu.memory_space<vmem>> -> memref<1x1x32x128xf32, #tpu.memory_space<vmem>>
      %dma_wait3A_2864 = tpu.memref_squeeze %dma_wait3A_2863 : memref<1x1x32x128xf32, #tpu.memory_space<vmem>> -> memref<32x128xf32, #tpu.memory_space<vmem>>
      %dma_wait3A_2865 = arith.constant 0 : i32
      %dma_wait3A_2866 = tpu.memref_slice %arg4[%dma_wait3A_2865, %multiple_of3A_2057] : memref<32x1000000xf32, #tpu.memory_space<hbm>> -> memref<32x128xf32, #tpu.memory_space<hbm>>
      tpu.wait_dma2 semaphore(%arg16 : memref<!tpu.dma_semaphore, #tpu.memory_space<semaphore_mem>>) src(%dma_wait3A_2866 : memref<32x128xf32, #tpu.memory_space<hbm>>) dst(%dma_wait3A_2864 : memref<32x128xf32, #tpu.memory_space<vmem>>)
      %dma_wait3A_2867 = arith.constant 0 : i32
      %dma_wait3A_2868 = arith.constant 1 : i32
      %dma_wait3A_2869 = arith.constant 0 : i32
      %dma_wait3A_2870 = arith.constant 0 : i32
      %dma_wait3A_2871 = tpu.memref_slice %arg12[%dma_wait3A_2867, %dma_wait3A_2868, %dma_wait3A_2869, %dma_wait3A_2870] : memref<3x4x32x128xf32, #tpu.memory_space<vmem>> -> memref<1x1x32x128xf32, #tpu.memory_space<vmem>>
      %dma_wait3A_2872 = tpu.memref_squeeze %dma_wait3A_2871 : memref<1x1x32x128xf32, #tpu.memory_space<vmem>> -> memref<32x128xf32, #tpu.memory_space<vmem>>
      %dma_wait3A_2873 = arith.constant 0 : i32
      %dma_wait3A_2874 = tpu.memref_slice %arg5[%dma_wait3A_2873, %multiple_of3A_2064] : memref<32x1000000xf32, #tpu.memory_space<hbm>> -> memref<32x128xf32, #tpu.memory_space<hbm>>
      %dma_wait3A_2875 = arith.constant 0 : i32
      %dma_wait3A_2876 = arith.constant 0 : i32
      %dma_wait3A_2877 = tpu.memref_slice %arg12[%dma_wait3A_2867, %dma_wait3A_2868, %dma_wait3A_2875, %dma_wait3A_2876] : memref<3x4x32x128xf32, #tpu.memory_space<vmem>> -> memref<1x1x32x128xf32, #tpu.memory_space<vmem>>
      %dma_wait3A_2878 = tpu.memref_squeeze %dma_wait3A_2877 : memref<1x1x32x128xf32, #tpu.memory_space<vmem>> -> memref<32x128xf32, #tpu.memory_space<vmem>>
      %dma_wait3A_2879 = arith.constant 0 : i32
      %dma_wait3A_2880 = tpu.memref_slice %arg5[%dma_wait3A_2879, %multiple_of3A_2064] : memref<32x1000000xf32, #tpu.memory_space<hbm>> -> memref<32x128xf32, #tpu.memory_space<hbm>>
      tpu.wait_dma2 semaphore(%arg17 : memref<!tpu.dma_semaphore, #tpu.memory_space<semaphore_mem>>) src(%dma_wait3A_2880 : memref<32x128xf32, #tpu.memory_space<hbm>>) dst(%dma_wait3A_2878 : memref<32x128xf32, #tpu.memory_space<vmem>>)
      %dma_wait3A_2881 = arith.constant 0 : i32
      %dma_wait3A_2882 = arith.constant 2 : i32
      %dma_wait3A_2883 = arith.constant 0 : i32
      %dma_wait3A_2884 = arith.constant 0 : i32
      %dma_wait3A_2885 = tpu.memref_slice %arg11[%dma_wait3A_2881, %dma_wait3A_2882, %dma_wait3A_2883, %dma_wait3A_2884] : memref<3x4x32x128xf32, #tpu.memory_space<vmem>> -> memref<1x1x32x128xf32, #tpu.memory_space<vmem>>
      %dma_wait3A_2886 = tpu.memref_squeeze %dma_wait3A_2885 : memref<1x1x32x128xf32, #tpu.memory_space<vmem>> -> memref<32x128xf32, #tpu.memory_space<vmem>>
      %dma_wait3A_2887 = arith.constant 0 : i32
      %dma_wait3A_2888 = tpu.memref_slice %arg4[%dma_wait3A_2887, %multiple_of3A_2099] : memref<32x1000000xf32, #tpu.memory_space<hbm>> -> memref<32x128xf32, #tpu.memory_space<hbm>>
      %dma_wait3A_2889 = arith.constant 0 : i32
      %dma_wait3A_2890 = arith.constant 0 : i32
      %dma_wait3A_2891 = tpu.memref_slice %arg11[%dma_wait3A_2881, %dma_wait3A_2882, %dma_wait3A_2889, %dma_wait3A_2890] : memref<3x4x32x128xf32, #tpu.memory_space<vmem>> -> memref<1x1x32x128xf32, #tpu.memory_space<vmem>>
      %dma_wait3A_2892 = tpu.memref_squeeze %dma_wait3A_2891 : memref<1x1x32x128xf32, #tpu.memory_space<vmem>> -> memref<32x128xf32, #tpu.memory_space<vmem>>
      %dma_wait3A_2893 = arith.constant 0 : i32
      %dma_wait3A_2894 = tpu.memref_slice %arg4[%dma_wait3A_2893, %multiple_of3A_2099] : memref<32x1000000xf32, #tpu.memory_space<hbm>> -> memref<32x128xf32, #tpu.memory_space<hbm>>
      tpu.wait_dma2 semaphore(%arg16 : memref<!tpu.dma_semaphore, #tpu.memory_space<semaphore_mem>>) src(%dma_wait3A_2894 : memref<32x128xf32, #tpu.memory_space<hbm>>) dst(%dma_wait3A_2892 : memref<32x128xf32, #tpu.memory_space<vmem>>)
      %dma_wait3A_2895 = arith.constant 0 : i32
      %dma_wait3A_2896 = arith.constant 2 : i32
      %dma_wait3A_2897 = arith.constant 0 : i32
      %dma_wait3A_2898 = arith.constant 0 : i32
      %dma_wait3A_2899 = tpu.memref_slice %arg12[%dma_wait3A_2895, %dma_wait3A_2896, %dma_wait3A_2897, %dma_wait3A_2898] : memref<3x4x32x128xf32, #tpu.memory_space<vmem>> -> memref<1x1x32x128xf32, #tpu.memory_space<vmem>>
      %dma_wait3A_2900 = tpu.memref_squeeze %dma_wait3A_2899 : memref<1x1x32x128xf32, #tpu.memory_space<vmem>> -> memref<32x128xf32, #tpu.memory_space<vmem>>
      %dma_wait3A_2901 = arith.constant 0 : i32
      %dma_wait3A_2902 = tpu.memref_slice %arg5[%dma_wait3A_2901, %multiple_of3A_2106] : memref<32x1000000xf32, #tpu.memory_space<hbm>> -> memref<32x128xf32, #tpu.memory_space<hbm>>
      %dma_wait3A_2903 = arith.constant 0 : i32
      %dma_wait3A_2904 = arith.constant 0 : i32
      %dma_wait3A_2905 = tpu.memref_slice %arg12[%dma_wait3A_2895, %dma_wait3A_2896, %dma_wait3A_2903, %dma_wait3A_2904] : memref<3x4x32x128xf32, #tpu.memory_space<vmem>> -> memref<1x1x32x128xf32, #tpu.memory_space<vmem>>
      %dma_wait3A_2906 = tpu.memref_squeeze %dma_wait3A_2905 : memref<1x1x32x128xf32, #tpu.memory_space<vmem>> -> memref<32x128xf32, #tpu.memory_space<vmem>>
      %dma_wait3A_2907 = arith.constant 0 : i32
      %dma_wait3A_2908 = tpu.memref_slice %arg5[%dma_wait3A_2907, %multiple_of3A_2106] : memref<32x1000000xf32, #tpu.memory_space<hbm>> -> memref<32x128xf32, #tpu.memory_space<hbm>>
      tpu.wait_dma2 semaphore(%arg17 : memref<!tpu.dma_semaphore, #tpu.memory_space<semaphore_mem>>) src(%dma_wait3A_2908 : memref<32x128xf32, #tpu.memory_space<hbm>>) dst(%dma_wait3A_2906 : memref<32x128xf32, #tpu.memory_space<vmem>>)
      %dma_wait3A_2909 = arith.constant 0 : i32
      %dma_wait3A_2910 = arith.constant 3 : i32
      %dma_wait3A_2911 = arith.constant 0 : i32
      %dma_wait3A_2912 = arith.constant 0 : i32
      %dma_wait3A_2913 = tpu.memref_slice %arg11[%dma_wait3A_2909, %dma_wait3A_2910, %dma_wait3A_2911, %dma_wait3A_2912] : memref<3x4x32x128xf32, #tpu.memory_space<vmem>> -> memref<1x1x32x128xf32, #tpu.memory_space<vmem>>
      %dma_wait3A_2914 = tpu.memref_squeeze %dma_wait3A_2913 : memref<1x1x32x128xf32, #tpu.memory_space<vmem>> -> memref<32x128xf32, #tpu.memory_space<vmem>>
      %dma_wait3A_2915 = arith.constant 0 : i32
      %dma_wait3A_2916 = tpu.memref_slice %arg4[%dma_wait3A_2915, %multiple_of3A_2141] : memref<32x1000000xf32, #tpu.memory_space<hbm>> -> memref<32x128xf32, #tpu.memory_space<hbm>>
      %dma_wait3A_2917 = arith.constant 0 : i32
      %dma_wait3A_2918 = arith.constant 0 : i32
      %dma_wait3A_2919 = tpu.memref_slice %arg11[%dma_wait3A_2909, %dma_wait3A_2910, %dma_wait3A_2917, %dma_wait3A_2918] : memref<3x4x32x128xf32, #tpu.memory_space<vmem>> -> memref<1x1x32x128xf32, #tpu.memory_space<vmem>>
      %dma_wait3A_2920 = tpu.memref_squeeze %dma_wait3A_2919 : memref<1x1x32x128xf32, #tpu.memory_space<vmem>> -> memref<32x128xf32, #tpu.memory_space<vmem>>
      %dma_wait3A_2921 = arith.constant 0 : i32
      %dma_wait3A_2922 = tpu.memref_slice %arg4[%dma_wait3A_2921, %multiple_of3A_2141] : memref<32x1000000xf32, #tpu.memory_space<hbm>> -> memref<32x128xf32, #tpu.memory_space<hbm>>
      tpu.wait_dma2 semaphore(%arg16 : memref<!tpu.dma_semaphore, #tpu.memory_space<semaphore_mem>>) src(%dma_wait3A_2922 : memref<32x128xf32, #tpu.memory_space<hbm>>) dst(%dma_wait3A_2920 : memref<32x128xf32, #tpu.memory_space<vmem>>)
      %dma_wait3A_2923 = arith.constant 0 : i32
      %dma_wait3A_2924 = arith.constant 3 : i32
      %dma_wait3A_2925 = arith.constant 0 : i32
      %dma_wait3A_2926 = arith.constant 0 : i32
      %dma_wait3A_2927 = tpu.memref_slice %arg12[%dma_wait3A_2923, %dma_wait3A_2924, %dma_wait3A_2925, %dma_wait3A_2926] : memref<3x4x32x128xf32, #tpu.memory_space<vmem>> -> memref<1x1x32x128xf32, #tpu.memory_space<vmem>>
      %dma_wait3A_2928 = tpu.memref_squeeze %dma_wait3A_2927 : memref<1x1x32x128xf32, #tpu.memory_space<vmem>> -> memref<32x128xf32, #tpu.memory_space<vmem>>
      %dma_wait3A_2929 = arith.constant 0 : i32
      %dma_wait3A_2930 = tpu.memref_slice %arg5[%dma_wait3A_2929, %multiple_of3A_2148] : memref<32x1000000xf32, #tpu.memory_space<hbm>> -> memref<32x128xf32, #tpu.memory_space<hbm>>
      %dma_wait3A_2931 = arith.constant 0 : i32
      %dma_wait3A_2932 = arith.constant 0 : i32
      %dma_wait3A_2933 = tpu.memref_slice %arg12[%dma_wait3A_2923, %dma_wait3A_2924, %dma_wait3A_2931, %dma_wait3A_2932] : memref<3x4x32x128xf32, #tpu.memory_space<vmem>> -> memref<1x1x32x128xf32, #tpu.memory_space<vmem>>
      %dma_wait3A_2934 = tpu.memref_squeeze %dma_wait3A_2933 : memref<1x1x32x128xf32, #tpu.memory_space<vmem>> -> memref<32x128xf32, #tpu.memory_space<vmem>>
      %dma_wait3A_2935 = arith.constant 0 : i32
      %dma_wait3A_2936 = tpu.memref_slice %arg5[%dma_wait3A_2935, %multiple_of3A_2148] : memref<32x1000000xf32, #tpu.memory_space<hbm>> -> memref<32x128xf32, #tpu.memory_space<hbm>>
      tpu.wait_dma2 semaphore(%arg17 : memref<!tpu.dma_semaphore, #tpu.memory_space<semaphore_mem>>) src(%dma_wait3A_2936 : memref<32x128xf32, #tpu.memory_space<hbm>>) dst(%dma_wait3A_2934 : memref<32x128xf32, #tpu.memory_space<vmem>>)
      %slice3A_2937 = vector.extract_strided_slice %get3A_32 {offsets = [8], sizes = [1], strides = [1]} : vector<16xi32> to vector<1xi32>
      %squeeze3A_2938 = vector.extract %slice3A_2937[0] : i32 from vector<1xi32>
      %and3A_2939 = arith.constant 127 : i32
      %and3A_2940 = arith.andi %squeeze3A_2938, %and3A_2939 : i32
      %broadcast_in_dim3A_2941 = vector.broadcast %and3A_2940 : i32 to vector<16xi32>
      %slice3A_2942 = vector.extract_strided_slice %get3A_46 {offsets = [8], sizes = [1], strides = [1]} : vector<16xi32> to vector<1xi32>
      %squeeze3A_2943 = vector.extract %slice3A_2942[0] : i32 from vector<1xi32>
      %and3A_2944 = arith.constant 127 : i32
      %and3A_2945 = arith.andi %squeeze3A_2943, %and3A_2944 : i32
      %broadcast_in_dim3A_2946 = vector.broadcast %and3A_2945 : i32 to vector<16xi32>
      %broadcast_in_dim3A_2947 = arith.constant 0 : i32
      %broadcast_in_dim3A_2948 = vector.broadcast %broadcast_in_dim3A_2947 : i32 to vector<16xi32>
      %broadcast_in_dim3A_2949 = arith.constant 0 : i32
      %broadcast_in_dim3A_2950 = vector.broadcast %broadcast_in_dim3A_2949 : i32 to vector<16xi32>
      %gather3A_2951 = tpu.vector_load_idx %arg11[%broadcast_in_dim3A_2948, %broadcast_in_dim3A_2950, %iota3A, %broadcast_in_dim3A_2941] : memref<3x4x32x128xf32, #tpu.memory_space<vmem>>[vector<16xi32>, vector<16xi32>, vector<16xi32>, vector<16xi32>], vector<16xf32>,
      %gather3A_2952 = tpu.vector_load_idx %arg11[%broadcast_in_dim3A_2948, %broadcast_in_dim3A_2950, %add3A_10, %broadcast_in_dim3A_2941] : memref<3x4x32x128xf32, #tpu.memory_space<vmem>>[vector<16xi32>, vector<16xi32>, vector<16xi32>, vector<16xi32>], vector<16xf32>,
      %gather3A_2953 = tpu.vector_load_idx %arg12[%broadcast_in_dim3A_2948, %broadcast_in_dim3A_2950, %iota3A, %broadcast_in_dim3A_2946] : memref<3x4x32x128xf32, #tpu.memory_space<vmem>>[vector<16xi32>, vector<16xi32>, vector<16xi32>, vector<16xi32>], vector<16xf32>,
      %gather3A_2954 = tpu.vector_load_idx %arg12[%broadcast_in_dim3A_2948, %broadcast_in_dim3A_2950, %add3A_10, %broadcast_in_dim3A_2946] : memref<3x4x32x128xf32, #tpu.memory_space<vmem>>[vector<16xi32>, vector<16xi32>, vector<16xi32>, vector<16xi32>], vector<16xf32>,
      %mul3A_2955 = arith.mulf %gather3A_2951, %gather3A_2953 : vector<16xf32>
      %mul3A_2956 = arith.mulf %mul3A_2955, %get3A_5 : vector<16xf32>
      %mul3A_2957 = arith.mulf %gather3A_2952, %gather3A_2954 : vector<16xf32>
      %mul3A_2958 = arith.mulf %mul3A_2957, %get3A_7 : vector<16xf32>
      %add3A_2959 = arith.addf %mul3A_2956, %mul3A_2958 : vector<16xf32>
      %reduce_sum3A_2960 = arith.constant true
      %reduce_sum3A_2961 = vector.broadcast %reduce_sum3A_2960 : i1 to vector<16xi1>
      %reduce_sum3A_2962 = tpu.scan <sum>, %add3A_2959 masked %reduce_sum3A_2961 : vector<16xf32>, vector<16xi1> -> vector<16xf32>
      %reduce_sum3A_2963 = vector.extract %reduce_sum3A_2962[15] : f32 from vector<16xf32>
      %eq3A_2964 = arith.constant 8 : i32
      %eq3A_2965 = vector.broadcast %eq3A_2964 : i32 to vector<16xi32>
      %eq3A_2966 = arith.cmpi eq, %iota3A, %eq3A_2965 : vector<16xi32>
      %broadcast_in_dim3A_2967 = vector.broadcast %reduce_sum3A_2963 : f32 to vector<16xf32>
      %select_n3A_2968 = arith.select %eq3A_2966, %broadcast_in_dim3A_2967, %select_n3A_2824 : vector<16xi1>, vector<16xf32>
      %slice3A_2969 = vector.extract_strided_slice %get3A_32 {offsets = [9], sizes = [1], strides = [1]} : vector<16xi32> to vector<1xi32>
      %squeeze3A_2970 = vector.extract %slice3A_2969[0] : i32 from vector<1xi32>
      %and3A_2971 = arith.constant 127 : i32
      %and3A_2972 = arith.andi %squeeze3A_2970, %and3A_2971 : i32
      %broadcast_in_dim3A_2973 = vector.broadcast %and3A_2972 : i32 to vector<16xi32>
      %slice3A_2974 = vector.extract_strided_slice %get3A_46 {offsets = [9], sizes = [1], strides = [1]} : vector<16xi32> to vector<1xi32>
      %squeeze3A_2975 = vector.extract %slice3A_2974[0] : i32 from vector<1xi32>
      %and3A_2976 = arith.constant 127 : i32
      %and3A_2977 = arith.andi %squeeze3A_2975, %and3A_2976 : i32
      %broadcast_in_dim3A_2978 = vector.broadcast %and3A_2977 : i32 to vector<16xi32>
      %broadcast_in_dim3A_2979 = arith.constant 0 : i32
      %broadcast_in_dim3A_2980 = vector.broadcast %broadcast_in_dim3A_2979 : i32 to vector<16xi32>
      %broadcast_in_dim3A_2981 = arith.constant 1 : i32
      %broadcast_in_dim3A_2982 = vector.broadcast %broadcast_in_dim3A_2981 : i32 to vector<16xi32>
      %gather3A_2983 = tpu.vector_load_idx %arg11[%broadcast_in_dim3A_2980, %broadcast_in_dim3A_2982, %iota3A, %broadcast_in_dim3A_2973] : memref<3x4x32x128xf32, #tpu.memory_space<vmem>>[vector<16xi32>, vector<16xi32>, vector<16xi32>, vector<16xi32>], vector<16xf32>,
      %gather3A_2984 = tpu.vector_load_idx %arg11[%broadcast_in_dim3A_2980, %broadcast_in_dim3A_2982, %add3A_10, %broadcast_in_dim3A_2973] : memref<3x4x32x128xf32, #tpu.memory_space<vmem>>[vector<16xi32>, vector<16xi32>, vector<16xi32>, vector<16xi32>], vector<16xf32>,
      %gather3A_2985 = tpu.vector_load_idx %arg12[%broadcast_in_dim3A_2980, %broadcast_in_dim3A_2982, %iota3A, %broadcast_in_dim3A_2978] : memref<3x4x32x128xf32, #tpu.memory_space<vmem>>[vector<16xi32>, vector<16xi32>, vector<16xi32>, vector<16xi32>], vector<16xf32>,
      %gather3A_2986 = tpu.vector_load_idx %arg12[%broadcast_in_dim3A_2980, %broadcast_in_dim3A_2982, %add3A_10, %broadcast_in_dim3A_2978] : memref<3x4x32x128xf32, #tpu.memory_space<vmem>>[vector<16xi32>, vector<16xi32>, vector<16xi32>, vector<16xi32>], vector<16xf32>,
      %mul3A_2987 = arith.mulf %gather3A_2983, %gather3A_2985 : vector<16xf32>
      %mul3A_2988 = arith.mulf %mul3A_2987, %get3A_5 : vector<16xf32>
      %mul3A_2989 = arith.mulf %gather3A_2984, %gather3A_2986 : vector<16xf32>
      %mul3A_2990 = arith.mulf %mul3A_2989, %get3A_7 : vector<16xf32>
      %add3A_2991 = arith.addf %mul3A_2988, %mul3A_2990 : vector<16xf32>
      %reduce_sum3A_2992 = arith.constant true
      %reduce_sum3A_2993 = vector.broadcast %reduce_sum3A_2992 : i1 to vector<16xi1>
      %reduce_sum3A_2994 = tpu.scan <sum>, %add3A_2991 masked %reduce_sum3A_2993 : vector<16xf32>, vector<16xi1> -> vector<16xf32>
      %reduce_sum3A_2995 = vector.extract %reduce_sum3A_2994[15] : f32 from vector<16xf32>
      %eq3A_2996 = arith.constant 9 : i32
      %eq3A_2997 = vector.broadcast %eq3A_2996 : i32 to vector<16xi32>
      %eq3A_2998 = arith.cmpi eq, %iota3A, %eq3A_2997 : vector<16xi32>
      %broadcast_in_dim3A_2999 = vector.broadcast %reduce_sum3A_2995 : f32 to vector<16xf32>
      %select_n3A_3000 = arith.select %eq3A_2998, %broadcast_in_dim3A_2999, %select_n3A_2968 : vector<16xi1>, vector<16xf32>
      %slice3A_3001 = vector.extract_strided_slice %get3A_32 {offsets = [10], sizes = [1], strides = [1]} : vector<16xi32> to vector<1xi32>
      %squeeze3A_3002 = vector.extract %slice3A_3001[0] : i32 from vector<1xi32>
      %and3A_3003 = arith.constant 127 : i32
      %and3A_3004 = arith.andi %squeeze3A_3002, %and3A_3003 : i32
      %broadcast_in_dim3A_3005 = vector.broadcast %and3A_3004 : i32 to vector<16xi32>
      %slice3A_3006 = vector.extract_strided_slice %get3A_46 {offsets = [10], sizes = [1], strides = [1]} : vector<16xi32> to vector<1xi32>
      %squeeze3A_3007 = vector.extract %slice3A_3006[0] : i32 from vector<1xi32>
      %and3A_3008 = arith.constant 127 : i32
      %and3A_3009 = arith.andi %squeeze3A_3007, %and3A_3008 : i32
      %broadcast_in_dim3A_3010 = vector.broadcast %and3A_3009 : i32 to vector<16xi32>
      %broadcast_in_dim3A_3011 = arith.constant 0 : i32
      %broadcast_in_dim3A_3012 = vector.broadcast %broadcast_in_dim3A_3011 : i32 to vector<16xi32>
      %broadcast_in_dim3A_3013 = arith.constant 2 : i32
      %broadcast_in_dim3A_3014 = vector.broadcast %broadcast_in_dim3A_3013 : i32 to vector<16xi32>
      %gather3A_3015 = tpu.vector_load_idx %arg11[%broadcast_in_dim3A_3012, %broadcast_in_dim3A_3014, %iota3A, %broadcast_in_dim3A_3005] : memref<3x4x32x128xf32, #tpu.memory_space<vmem>>[vector<16xi32>, vector<16xi32>, vector<16xi32>, vector<16xi32>], vector<16xf32>,
      %gather3A_3016 = tpu.vector_load_idx %arg11[%broadcast_in_dim3A_3012, %broadcast_in_dim3A_3014, %add3A_10, %broadcast_in_dim3A_3005] : memref<3x4x32x128xf32, #tpu.memory_space<vmem>>[vector<16xi32>, vector<16xi32>, vector<16xi32>, vector<16xi32>], vector<16xf32>,
      %gather3A_3017 = tpu.vector_load_idx %arg12[%broadcast_in_dim3A_3012, %broadcast_in_dim3A_3014, %iota3A, %broadcast_in_dim3A_3010] : memref<3x4x32x128xf32, #tpu.memory_space<vmem>>[vector<16xi32>, vector<16xi32>, vector<16xi32>, vector<16xi32>], vector<16xf32>,
      %gather3A_3018 = tpu.vector_load_idx %arg12[%broadcast_in_dim3A_3012, %broadcast_in_dim3A_3014, %add3A_10, %broadcast_in_dim3A_3010] : memref<3x4x32x128xf32, #tpu.memory_space<vmem>>[vector<16xi32>, vector<16xi32>, vector<16xi32>, vector<16xi32>], vector<16xf32>,
      %mul3A_3019 = arith.mulf %gather3A_3015, %gather3A_3017 : vector<16xf32>
      %mul3A_3020 = arith.mulf %mul3A_3019, %get3A_5 : vector<16xf32>
      %mul3A_3021 = arith.mulf %gather3A_3016, %gather3A_3018 : vector<16xf32>
      %mul3A_3022 = arith.mulf %mul3A_3021, %get3A_7 : vector<16xf32>
      %add3A_3023 = arith.addf %mul3A_3020, %mul3A_3022 : vector<16xf32>
      %reduce_sum3A_3024 = arith.constant true
      %reduce_sum3A_3025 = vector.broadcast %reduce_sum3A_3024 : i1 to vector<16xi1>
      %reduce_sum3A_3026 = tpu.scan <sum>, %add3A_3023 masked %reduce_sum3A_3025 : vector<16xf32>, vector<16xi1> -> vector<16xf32>
      %reduce_sum3A_3027 = vector.extract %reduce_sum3A_3026[15] : f32 from vector<16xf32>
      %eq3A_3028 = arith.constant 10 : i32
      %eq3A_3029 = vector.broadcast %eq3A_3028 : i32 to vector<16xi32>
      %eq3A_3030 = arith.cmpi eq, %iota3A, %eq3A_3029 : vector<16xi32>
      %broadcast_in_dim3A_3031 = vector.broadcast %reduce_sum3A_3027 : f32 to vector<16xf32>
      %select_n3A_3032 = arith.select %eq3A_3030, %broadcast_in_dim3A_3031, %select_n3A_3000 : vector<16xi1>, vector<16xf32>
      %slice3A_3033 = vector.extract_strided_slice %get3A_32 {offsets = [11], sizes = [1], strides = [1]} : vector<16xi32> to vector<1xi32>
      %squeeze3A_3034 = vector.extract %slice3A_3033[0] : i32 from vector<1xi32>
      %and3A_3035 = arith.constant 127 : i32
      %and3A_3036 = arith.andi %squeeze3A_3034, %and3A_3035 : i32
      %broadcast_in_dim3A_3037 = vector.broadcast %and3A_3036 : i32 to vector<16xi32>
      %slice3A_3038 = vector.extract_strided_slice %get3A_46 {offsets = [11], sizes = [1], strides = [1]} : vector<16xi32> to vector<1xi32>
      %squeeze3A_3039 = vector.extract %slice3A_3038[0] : i32 from vector<1xi32>
      %and3A_3040 = arith.constant 127 : i32
      %and3A_3041 = arith.andi %squeeze3A_3039, %and3A_3040 : i32
      %broadcast_in_dim3A_3042 = vector.broadcast %and3A_3041 : i32 to vector<16xi32>
      %broadcast_in_dim3A_3043 = arith.constant 0 : i32
      %broadcast_in_dim3A_3044 = vector.broadcast %broadcast_in_dim3A_3043 : i32 to vector<16xi32>
      %broadcast_in_dim3A_3045 = arith.constant 3 : i32
      %broadcast_in_dim3A_3046 = vector.broadcast %broadcast_in_dim3A_3045 : i32 to vector<16xi32>
      %gather3A_3047 = tpu.vector_load_idx %arg11[%broadcast_in_dim3A_3044, %broadcast_in_dim3A_3046, %iota3A, %broadcast_in_dim3A_3037] : memref<3x4x32x128xf32, #tpu.memory_space<vmem>>[vector<16xi32>, vector<16xi32>, vector<16xi32>, vector<16xi32>], vector<16xf32>,
      %gather3A_3048 = tpu.vector_load_idx %arg11[%broadcast_in_dim3A_3044, %broadcast_in_dim3A_3046, %add3A_10, %broadcast_in_dim3A_3037] : memref<3x4x32x128xf32, #tpu.memory_space<vmem>>[vector<16xi32>, vector<16xi32>, vector<16xi32>, vector<16xi32>], vector<16xf32>,
      %gather3A_3049 = tpu.vector_load_idx %arg12[%broadcast_in_dim3A_3044, %broadcast_in_dim3A_3046, %iota3A, %broadcast_in_dim3A_3042] : memref<3x4x32x128xf32, #tpu.memory_space<vmem>>[vector<16xi32>, vector<16xi32>, vector<16xi32>, vector<16xi32>], vector<16xf32>,
      %gather3A_3050 = tpu.vector_load_idx %arg12[%broadcast_in_dim3A_3044, %broadcast_in_dim3A_3046, %add3A_10, %broadcast_in_dim3A_3042] : memref<3x4x32x128xf32, #tpu.memory_space<vmem>>[vector<16xi32>, vector<16xi32>, vector<16xi32>, vector<16xi32>], vector<16xf32>,
      %mul3A_3051 = arith.mulf %gather3A_3047, %gather3A_3049 : vector<16xf32>
      %mul3A_3052 = arith.mulf %mul3A_3051, %get3A_5 : vector<16xf32>
      %mul3A_3053 = arith.mulf %gather3A_3048, %gather3A_3050 : vector<16xf32>
      %mul3A_3054 = arith.mulf %mul3A_3053, %get3A_7 : vector<16xf32>
      %add3A_3055 = arith.addf %mul3A_3052, %mul3A_3054 : vector<16xf32>
      %reduce_sum3A_3056 = arith.constant true
      %reduce_sum3A_3057 = vector.broadcast %reduce_sum3A_3056 : i1 to vector<16xi1>
      %reduce_sum3A_3058 = tpu.scan <sum>, %add3A_3055 masked %reduce_sum3A_3057 : vector<16xf32>, vector<16xi1> -> vector<16xf32>
      %reduce_sum3A_3059 = vector.extract %reduce_sum3A_3058[15] : f32 from vector<16xf32>
      %eq3A_3060 = arith.constant 11 : i32
      %eq3A_3061 = vector.broadcast %eq3A_3060 : i32 to vector<16xi32>
      %eq3A_3062 = arith.cmpi eq, %iota3A, %eq3A_3061 : vector<16xi32>
      %broadcast_in_dim3A_3063 = vector.broadcast %reduce_sum3A_3059 : f32 to vector<16xf32>
      %select_n3A_3064 = arith.select %eq3A_3062, %broadcast_in_dim3A_3063, %select_n3A_3032 : vector<16xi1>, vector<16xf32>
      %dma_wait3A_3065 = arith.constant 1 : i32
      %dma_wait3A_3066 = arith.constant 0 : i32
      %dma_wait3A_3067 = arith.constant 0 : i32
      %dma_wait3A_3068 = arith.constant 0 : i32
      %dma_wait3A_3069 = tpu.memref_slice %arg11[%dma_wait3A_3065, %dma_wait3A_3066, %dma_wait3A_3067, %dma_wait3A_3068] : memref<3x4x32x128xf32, #tpu.memory_space<vmem>> -> memref<1x1x32x128xf32, #tpu.memory_space<vmem>>
      %dma_wait3A_3070 = tpu.memref_squeeze %dma_wait3A_3069 : memref<1x1x32x128xf32, #tpu.memory_space<vmem>> -> memref<32x128xf32, #tpu.memory_space<vmem>>
      %dma_wait3A_3071 = arith.constant 0 : i32
      %dma_wait3A_3072 = tpu.memref_slice %arg4[%dma_wait3A_3071, %multiple_of3A_2423] : memref<32x1000000xf32, #tpu.memory_space<hbm>> -> memref<32x128xf32, #tpu.memory_space<hbm>>
      %dma_wait3A_3073 = arith.constant 0 : i32
      %dma_wait3A_3074 = arith.constant 0 : i32
      %dma_wait3A_3075 = tpu.memref_slice %arg11[%dma_wait3A_3065, %dma_wait3A_3066, %dma_wait3A_3073, %dma_wait3A_3074] : memref<3x4x32x128xf32, #tpu.memory_space<vmem>> -> memref<1x1x32x128xf32, #tpu.memory_space<vmem>>
      %dma_wait3A_3076 = tpu.memref_squeeze %dma_wait3A_3075 : memref<1x1x32x128xf32, #tpu.memory_space<vmem>> -> memref<32x128xf32, #tpu.memory_space<vmem>>
      %dma_wait3A_3077 = arith.constant 0 : i32
      %dma_wait3A_3078 = tpu.memref_slice %arg4[%dma_wait3A_3077, %multiple_of3A_2423] : memref<32x1000000xf32, #tpu.memory_space<hbm>> -> memref<32x128xf32, #tpu.memory_space<hbm>>
      tpu.wait_dma2 semaphore(%arg16 : memref<!tpu.dma_semaphore, #tpu.memory_space<semaphore_mem>>) src(%dma_wait3A_3078 : memref<32x128xf32, #tpu.memory_space<hbm>>) dst(%dma_wait3A_3076 : memref<32x128xf32, #tpu.memory_space<vmem>>)
      %dma_wait3A_3079 = arith.constant 1 : i32
      %dma_wait3A_3080 = arith.constant 0 : i32
      %dma_wait3A_3081 = arith.constant 0 : i32
      %dma_wait3A_3082 = arith.constant 0 : i32
      %dma_wait3A_3083 = tpu.memref_slice %arg12[%dma_wait3A_3079, %dma_wait3A_3080, %dma_wait3A_3081, %dma_wait3A_3082] : memref<3x4x32x128xf32, #tpu.memory_space<vmem>> -> memref<1x1x32x128xf32, #tpu.memory_space<vmem>>
      %dma_wait3A_3084 = tpu.memref_squeeze %dma_wait3A_3083 : memref<1x1x32x128xf32, #tpu.memory_space<vmem>> -> memref<32x128xf32, #tpu.memory_space<vmem>>
      %dma_wait3A_3085 = arith.constant 0 : i32
      %dma_wait3A_3086 = tpu.memref_slice %arg5[%dma_wait3A_3085, %multiple_of3A_2430] : memref<32x1000000xf32, #tpu.memory_space<hbm>> -> memref<32x128xf32, #tpu.memory_space<hbm>>
      %dma_wait3A_3087 = arith.constant 0 : i32
      %dma_wait3A_3088 = arith.constant 0 : i32
      %dma_wait3A_3089 = tpu.memref_slice %arg12[%dma_wait3A_3079, %dma_wait3A_3080, %dma_wait3A_3087, %dma_wait3A_3088] : memref<3x4x32x128xf32, #tpu.memory_space<vmem>> -> memref<1x1x32x128xf32, #tpu.memory_space<vmem>>
      %dma_wait3A_3090 = tpu.memref_squeeze %dma_wait3A_3089 : memref<1x1x32x128xf32, #tpu.memory_space<vmem>> -> memref<32x128xf32, #tpu.memory_space<vmem>>
      %dma_wait3A_3091 = arith.constant 0 : i32
      %dma_wait3A_3092 = tpu.memref_slice %arg5[%dma_wait3A_3091, %multiple_of3A_2430] : memref<32x1000000xf32, #tpu.memory_space<hbm>> -> memref<32x128xf32, #tpu.memory_space<hbm>>
      tpu.wait_dma2 semaphore(%arg17 : memref<!tpu.dma_semaphore, #tpu.memory_space<semaphore_mem>>) src(%dma_wait3A_3092 : memref<32x128xf32, #tpu.memory_space<hbm>>) dst(%dma_wait3A_3090 : memref<32x128xf32, #tpu.memory_space<vmem>>)
      %dma_wait3A_3093 = arith.constant 1 : i32
      %dma_wait3A_3094 = arith.constant 1 : i32
      %dma_wait3A_3095 = arith.constant 0 : i32
      %dma_wait3A_3096 = arith.constant 0 : i32
      %dma_wait3A_3097 = tpu.memref_slice %arg11[%dma_wait3A_3093, %dma_wait3A_3094, %dma_wait3A_3095, %dma_wait3A_3096] : memref<3x4x32x128xf32, #tpu.memory_space<vmem>> -> memref<1x1x32x128xf32, #tpu.memory_space<vmem>>
      %dma_wait3A_3098 = tpu.memref_squeeze %dma_wait3A_3097 : memref<1x1x32x128xf32, #tpu.memory_space<vmem>> -> memref<32x128xf32, #tpu.memory_space<vmem>>
      %dma_wait3A_3099 = arith.constant 0 : i32
      %dma_wait3A_3100 = tpu.memref_slice %arg4[%dma_wait3A_3099, %multiple_of3A_2465] : memref<32x1000000xf32, #tpu.memory_space<hbm>> -> memref<32x128xf32, #tpu.memory_space<hbm>>
      %dma_wait3A_3101 = arith.constant 0 : i32
      %dma_wait3A_3102 = arith.constant 0 : i32
      %dma_wait3A_3103 = tpu.memref_slice %arg11[%dma_wait3A_3093, %dma_wait3A_3094, %dma_wait3A_3101, %dma_wait3A_3102] : memref<3x4x32x128xf32, #tpu.memory_space<vmem>> -> memref<1x1x32x128xf32, #tpu.memory_space<vmem>>
      %dma_wait3A_3104 = tpu.memref_squeeze %dma_wait3A_3103 : memref<1x1x32x128xf32, #tpu.memory_space<vmem>> -> memref<32x128xf32, #tpu.memory_space<vmem>>
      %dma_wait3A_3105 = arith.constant 0 : i32
      %dma_wait3A_3106 = tpu.memref_slice %arg4[%dma_wait3A_3105, %multiple_of3A_2465] : memref<32x1000000xf32, #tpu.memory_space<hbm>> -> memref<32x128xf32, #tpu.memory_space<hbm>>
      tpu.wait_dma2 semaphore(%arg16 : memref<!tpu.dma_semaphore, #tpu.memory_space<semaphore_mem>>) src(%dma_wait3A_3106 : memref<32x128xf32, #tpu.memory_space<hbm>>) dst(%dma_wait3A_3104 : memref<32x128xf32, #tpu.memory_space<vmem>>)
      %dma_wait3A_3107 = arith.constant 1 : i32
      %dma_wait3A_3108 = arith.constant 1 : i32
      %dma_wait3A_3109 = arith.constant 0 : i32
      %dma_wait3A_3110 = arith.constant 0 : i32
      %dma_wait3A_3111 = tpu.memref_slice %arg12[%dma_wait3A_3107, %dma_wait3A_3108, %dma_wait3A_3109, %dma_wait3A_3110] : memref<3x4x32x128xf32, #tpu.memory_space<vmem>> -> memref<1x1x32x128xf32, #tpu.memory_space<vmem>>
      %dma_wait3A_3112 = tpu.memref_squeeze %dma_wait3A_3111 : memref<1x1x32x128xf32, #tpu.memory_space<vmem>> -> memref<32x128xf32, #tpu.memory_space<vmem>>
      %dma_wait3A_3113 = arith.constant 0 : i32
      %dma_wait3A_3114 = tpu.memref_slice %arg5[%dma_wait3A_3113, %multiple_of3A_2472] : memref<32x1000000xf32, #tpu.memory_space<hbm>> -> memref<32x128xf32, #tpu.memory_space<hbm>>
      %dma_wait3A_3115 = arith.constant 0 : i32
      %dma_wait3A_3116 = arith.constant 0 : i32
      %dma_wait3A_3117 = tpu.memref_slice %arg12[%dma_wait3A_3107, %dma_wait3A_3108, %dma_wait3A_3115, %dma_wait3A_3116] : memref<3x4x32x128xf32, #tpu.memory_space<vmem>> -> memref<1x1x32x128xf32, #tpu.memory_space<vmem>>
      %dma_wait3A_3118 = tpu.memref_squeeze %dma_wait3A_3117 : memref<1x1x32x128xf32, #tpu.memory_space<vmem>> -> memref<32x128xf32, #tpu.memory_space<vmem>>
      %dma_wait3A_3119 = arith.constant 0 : i32
      %dma_wait3A_3120 = tpu.memref_slice %arg5[%dma_wait3A_3119, %multiple_of3A_2472] : memref<32x1000000xf32, #tpu.memory_space<hbm>> -> memref<32x128xf32, #tpu.memory_space<hbm>>
      tpu.wait_dma2 semaphore(%arg17 : memref<!tpu.dma_semaphore, #tpu.memory_space<semaphore_mem>>) src(%dma_wait3A_3120 : memref<32x128xf32, #tpu.memory_space<hbm>>) dst(%dma_wait3A_3118 : memref<32x128xf32, #tpu.memory_space<vmem>>)
      %dma_wait3A_3121 = arith.constant 1 : i32
      %dma_wait3A_3122 = arith.constant 2 : i32
      %dma_wait3A_3123 = arith.constant 0 : i32
      %dma_wait3A_3124 = arith.constant 0 : i32
      %dma_wait3A_3125 = tpu.memref_slice %arg11[%dma_wait3A_3121, %dma_wait3A_3122, %dma_wait3A_3123, %dma_wait3A_3124] : memref<3x4x32x128xf32, #tpu.memory_space<vmem>> -> memref<1x1x32x128xf32, #tpu.memory_space<vmem>>
      %dma_wait3A_3126 = tpu.memref_squeeze %dma_wait3A_3125 : memref<1x1x32x128xf32, #tpu.memory_space<vmem>> -> memref<32x128xf32, #tpu.memory_space<vmem>>
      %dma_wait3A_3127 = arith.constant 0 : i32
      %dma_wait3A_3128 = tpu.memref_slice %arg4[%dma_wait3A_3127, %multiple_of3A_2507] : memref<32x1000000xf32, #tpu.memory_space<hbm>> -> memref<32x128xf32, #tpu.memory_space<hbm>>
      %dma_wait3A_3129 = arith.constant 0 : i32
      %dma_wait3A_3130 = arith.constant 0 : i32
      %dma_wait3A_3131 = tpu.memref_slice %arg11[%dma_wait3A_3121, %dma_wait3A_3122, %dma_wait3A_3129, %dma_wait3A_3130] : memref<3x4x32x128xf32, #tpu.memory_space<vmem>> -> memref<1x1x32x128xf32, #tpu.memory_space<vmem>>
      %dma_wait3A_3132 = tpu.memref_squeeze %dma_wait3A_3131 : memref<1x1x32x128xf32, #tpu.memory_space<vmem>> -> memref<32x128xf32, #tpu.memory_space<vmem>>
      %dma_wait3A_3133 = arith.constant 0 : i32
      %dma_wait3A_3134 = tpu.memref_slice %arg4[%dma_wait3A_3133, %multiple_of3A_2507] : memref<32x1000000xf32, #tpu.memory_space<hbm>> -> memref<32x128xf32, #tpu.memory_space<hbm>>
      tpu.wait_dma2 semaphore(%arg16 : memref<!tpu.dma_semaphore, #tpu.memory_space<semaphore_mem>>) src(%dma_wait3A_3134 : memref<32x128xf32, #tpu.memory_space<hbm>>) dst(%dma_wait3A_3132 : memref<32x128xf32, #tpu.memory_space<vmem>>)
      %dma_wait3A_3135 = arith.constant 1 : i32
      %dma_wait3A_3136 = arith.constant 2 : i32
      %dma_wait3A_3137 = arith.constant 0 : i32
      %dma_wait3A_3138 = arith.constant 0 : i32
      %dma_wait3A_3139 = tpu.memref_slice %arg12[%dma_wait3A_3135, %dma_wait3A_3136, %dma_wait3A_3137, %dma_wait3A_3138] : memref<3x4x32x128xf32, #tpu.memory_space<vmem>> -> memref<1x1x32x128xf32, #tpu.memory_space<vmem>>
      %dma_wait3A_3140 = tpu.memref_squeeze %dma_wait3A_3139 : memref<1x1x32x128xf32, #tpu.memory_space<vmem>> -> memref<32x128xf32, #tpu.memory_space<vmem>>
      %dma_wait3A_3141 = arith.constant 0 : i32
      %dma_wait3A_3142 = tpu.memref_slice %arg5[%dma_wait3A_3141, %multiple_of3A_2514] : memref<32x1000000xf32, #tpu.memory_space<hbm>> -> memref<32x128xf32, #tpu.memory_space<hbm>>
      %dma_wait3A_3143 = arith.constant 0 : i32
      %dma_wait3A_3144 = arith.constant 0 : i32
      %dma_wait3A_3145 = tpu.memref_slice %arg12[%dma_wait3A_3135, %dma_wait3A_3136, %dma_wait3A_3143, %dma_wait3A_3144] : memref<3x4x32x128xf32, #tpu.memory_space<vmem>> -> memref<1x1x32x128xf32, #tpu.memory_space<vmem>>
      %dma_wait3A_3146 = tpu.memref_squeeze %dma_wait3A_3145 : memref<1x1x32x128xf32, #tpu.memory_space<vmem>> -> memref<32x128xf32, #tpu.memory_space<vmem>>
      %dma_wait3A_3147 = arith.constant 0 : i32
      %dma_wait3A_3148 = tpu.memref_slice %arg5[%dma_wait3A_3147, %multiple_of3A_2514] : memref<32x1000000xf32, #tpu.memory_space<hbm>> -> memref<32x128xf32, #tpu.memory_space<hbm>>
      tpu.wait_dma2 semaphore(%arg17 : memref<!tpu.dma_semaphore, #tpu.memory_space<semaphore_mem>>) src(%dma_wait3A_3148 : memref<32x128xf32, #tpu.memory_space<hbm>>) dst(%dma_wait3A_3146 : memref<32x128xf32, #tpu.memory_space<vmem>>)
      %dma_wait3A_3149 = arith.constant 1 : i32
      %dma_wait3A_3150 = arith.constant 3 : i32
      %dma_wait3A_3151 = arith.constant 0 : i32
      %dma_wait3A_3152 = arith.constant 0 : i32
      %dma_wait3A_3153 = tpu.memref_slice %arg11[%dma_wait3A_3149, %dma_wait3A_3150, %dma_wait3A_3151, %dma_wait3A_3152] : memref<3x4x32x128xf32, #tpu.memory_space<vmem>> -> memref<1x1x32x128xf32, #tpu.memory_space<vmem>>
      %dma_wait3A_3154 = tpu.memref_squeeze %dma_wait3A_3153 : memref<1x1x32x128xf32, #tpu.memory_space<vmem>> -> memref<32x128xf32, #tpu.memory_space<vmem>>
      %dma_wait3A_3155 = arith.constant 0 : i32
      %dma_wait3A_3156 = tpu.memref_slice %arg4[%dma_wait3A_3155, %multiple_of3A_2549] : memref<32x1000000xf32, #tpu.memory_space<hbm>> -> memref<32x128xf32, #tpu.memory_space<hbm>>
      %dma_wait3A_3157 = arith.constant 0 : i32
      %dma_wait3A_3158 = arith.constant 0 : i32
      %dma_wait3A_3159 = tpu.memref_slice %arg11[%dma_wait3A_3149, %dma_wait3A_3150, %dma_wait3A_3157, %dma_wait3A_3158] : memref<3x4x32x128xf32, #tpu.memory_space<vmem>> -> memref<1x1x32x128xf32, #tpu.memory_space<vmem>>
      %dma_wait3A_3160 = tpu.memref_squeeze %dma_wait3A_3159 : memref<1x1x32x128xf32, #tpu.memory_space<vmem>> -> memref<32x128xf32, #tpu.memory_space<vmem>>
      %dma_wait3A_3161 = arith.constant 0 : i32
      %dma_wait3A_3162 = tpu.memref_slice %arg4[%dma_wait3A_3161, %multiple_of3A_2549] : memref<32x1000000xf32, #tpu.memory_space<hbm>> -> memref<32x128xf32, #tpu.memory_space<hbm>>
      tpu.wait_dma2 semaphore(%arg16 : memref<!tpu.dma_semaphore, #tpu.memory_space<semaphore_mem>>) src(%dma_wait3A_3162 : memref<32x128xf32, #tpu.memory_space<hbm>>) dst(%dma_wait3A_3160 : memref<32x128xf32, #tpu.memory_space<vmem>>)
      %dma_wait3A_3163 = arith.constant 1 : i32
      %dma_wait3A_3164 = arith.constant 3 : i32
      %dma_wait3A_3165 = arith.constant 0 : i32
      %dma_wait3A_3166 = arith.constant 0 : i32
      %dma_wait3A_3167 = tpu.memref_slice %arg12[%dma_wait3A_3163, %dma_wait3A_3164, %dma_wait3A_3165, %dma_wait3A_3166] : memref<3x4x32x128xf32, #tpu.memory_space<vmem>> -> memref<1x1x32x128xf32, #tpu.memory_space<vmem>>
      %dma_wait3A_3168 = tpu.memref_squeeze %dma_wait3A_3167 : memref<1x1x32x128xf32, #tpu.memory_space<vmem>> -> memref<32x128xf32, #tpu.memory_space<vmem>>
      %dma_wait3A_3169 = arith.constant 0 : i32
      %dma_wait3A_3170 = tpu.memref_slice %arg5[%dma_wait3A_3169, %multiple_of3A_2556] : memref<32x1000000xf32, #tpu.memory_space<hbm>> -> memref<32x128xf32, #tpu.memory_space<hbm>>
      %dma_wait3A_3171 = arith.constant 0 : i32
      %dma_wait3A_3172 = arith.constant 0 : i32
      %dma_wait3A_3173 = tpu.memref_slice %arg12[%dma_wait3A_3163, %dma_wait3A_3164, %dma_wait3A_3171, %dma_wait3A_3172] : memref<3x4x32x128xf32, #tpu.memory_space<vmem>> -> memref<1x1x32x128xf32, #tpu.memory_space<vmem>>
      %dma_wait3A_3174 = tpu.memref_squeeze %dma_wait3A_3173 : memref<1x1x32x128xf32, #tpu.memory_space<vmem>> -> memref<32x128xf32, #tpu.memory_space<vmem>>
      %dma_wait3A_3175 = arith.constant 0 : i32
      %dma_wait3A_3176 = tpu.memref_slice %arg5[%dma_wait3A_3175, %multiple_of3A_2556] : memref<32x1000000xf32, #tpu.memory_space<hbm>> -> memref<32x128xf32, #tpu.memory_space<hbm>>
      tpu.wait_dma2 semaphore(%arg17 : memref<!tpu.dma_semaphore, #tpu.memory_space<semaphore_mem>>) src(%dma_wait3A_3176 : memref<32x128xf32, #tpu.memory_space<hbm>>) dst(%dma_wait3A_3174 : memref<32x128xf32, #tpu.memory_space<vmem>>)
      %slice3A_3177 = vector.extract_strided_slice %get3A_32 {offsets = [12], sizes = [1], strides = [1]} : vector<16xi32> to vector<1xi32>
      %squeeze3A_3178 = vector.extract %slice3A_3177[0] : i32 from vector<1xi32>
      %and3A_3179 = arith.constant 127 : i32
      %and3A_3180 = arith.andi %squeeze3A_3178, %and3A_3179 : i32
      %broadcast_in_dim3A_3181 = vector.broadcast %and3A_3180 : i32 to vector<16xi32>
      %slice3A_3182 = vector.extract_strided_slice %get3A_46 {offsets = [12], sizes = [1], strides = [1]} : vector<16xi32> to vector<1xi32>
      %squeeze3A_3183 = vector.extract %slice3A_3182[0] : i32 from vector<1xi32>
      %and3A_3184 = arith.constant 127 : i32
      %and3A_3185 = arith.andi %squeeze3A_3183, %and3A_3184 : i32
      %broadcast_in_dim3A_3186 = vector.broadcast %and3A_3185 : i32 to vector<16xi32>
      %broadcast_in_dim3A_3187 = arith.constant 1 : i32
      %broadcast_in_dim3A_3188 = vector.broadcast %broadcast_in_dim3A_3187 : i32 to vector<16xi32>
      %broadcast_in_dim3A_3189 = arith.constant 0 : i32
      %broadcast_in_dim3A_3190 = vector.broadcast %broadcast_in_dim3A_3189 : i32 to vector<16xi32>
      %gather3A_3191 = tpu.vector_load_idx %arg11[%broadcast_in_dim3A_3188, %broadcast_in_dim3A_3190, %iota3A, %broadcast_in_dim3A_3181] : memref<3x4x32x128xf32, #tpu.memory_space<vmem>>[vector<16xi32>, vector<16xi32>, vector<16xi32>, vector<16xi32>], vector<16xf32>,
      %gather3A_3192 = tpu.vector_load_idx %arg11[%broadcast_in_dim3A_3188, %broadcast_in_dim3A_3190, %add3A_10, %broadcast_in_dim3A_3181] : memref<3x4x32x128xf32, #tpu.memory_space<vmem>>[vector<16xi32>, vector<16xi32>, vector<16xi32>, vector<16xi32>], vector<16xf32>,
      %gather3A_3193 = tpu.vector_load_idx %arg12[%broadcast_in_dim3A_3188, %broadcast_in_dim3A_3190, %iota3A, %broadcast_in_dim3A_3186] : memref<3x4x32x128xf32, #tpu.memory_space<vmem>>[vector<16xi32>, vector<16xi32>, vector<16xi32>, vector<16xi32>], vector<16xf32>,
      %gather3A_3194 = tpu.vector_load_idx %arg12[%broadcast_in_dim3A_3188, %broadcast_in_dim3A_3190, %add3A_10, %broadcast_in_dim3A_3186] : memref<3x4x32x128xf32, #tpu.memory_space<vmem>>[vector<16xi32>, vector<16xi32>, vector<16xi32>, vector<16xi32>], vector<16xf32>,
      %mul3A_3195 = arith.mulf %gather3A_3191, %gather3A_3193 : vector<16xf32>
      %mul3A_3196 = arith.mulf %mul3A_3195, %get3A_5 : vector<16xf32>
      %mul3A_3197 = arith.mulf %gather3A_3192, %gather3A_3194 : vector<16xf32>
      %mul3A_3198 = arith.mulf %mul3A_3197, %get3A_7 : vector<16xf32>
      %add3A_3199 = arith.addf %mul3A_3196, %mul3A_3198 : vector<16xf32>
      %reduce_sum3A_3200 = arith.constant true
      %reduce_sum3A_3201 = vector.broadcast %reduce_sum3A_3200 : i1 to vector<16xi1>
      %reduce_sum3A_3202 = tpu.scan <sum>, %add3A_3199 masked %reduce_sum3A_3201 : vector<16xf32>, vector<16xi1> -> vector<16xf32>
      %reduce_sum3A_3203 = vector.extract %reduce_sum3A_3202[15] : f32 from vector<16xf32>
      %eq3A_3204 = arith.constant 12 : i32
      %eq3A_3205 = vector.broadcast %eq3A_3204 : i32 to vector<16xi32>
      %eq3A_3206 = arith.cmpi eq, %iota3A, %eq3A_3205 : vector<16xi32>
      %broadcast_in_dim3A_3207 = vector.broadcast %reduce_sum3A_3203 : f32 to vector<16xf32>
      %select_n3A_3208 = arith.select %eq3A_3206, %broadcast_in_dim3A_3207, %select_n3A_3064 : vector<16xi1>, vector<16xf32>
      %slice3A_3209 = vector.extract_strided_slice %get3A_32 {offsets = [13], sizes = [1], strides = [1]} : vector<16xi32> to vector<1xi32>
      %squeeze3A_3210 = vector.extract %slice3A_3209[0] : i32 from vector<1xi32>
      %and3A_3211 = arith.constant 127 : i32
      %and3A_3212 = arith.andi %squeeze3A_3210, %and3A_3211 : i32
      %broadcast_in_dim3A_3213 = vector.broadcast %and3A_3212 : i32 to vector<16xi32>
      %slice3A_3214 = vector.extract_strided_slice %get3A_46 {offsets = [13], sizes = [1], strides = [1]} : vector<16xi32> to vector<1xi32>
      %squeeze3A_3215 = vector.extract %slice3A_3214[0] : i32 from vector<1xi32>
      %and3A_3216 = arith.constant 127 : i32
      %and3A_3217 = arith.andi %squeeze3A_3215, %and3A_3216 : i32
      %broadcast_in_dim3A_3218 = vector.broadcast %and3A_3217 : i32 to vector<16xi32>
      %broadcast_in_dim3A_3219 = arith.constant 1 : i32
      %broadcast_in_dim3A_3220 = vector.broadcast %broadcast_in_dim3A_3219 : i32 to vector<16xi32>
      %broadcast_in_dim3A_3221 = arith.constant 1 : i32
      %broadcast_in_dim3A_3222 = vector.broadcast %broadcast_in_dim3A_3221 : i32 to vector<16xi32>
      %gather3A_3223 = tpu.vector_load_idx %arg11[%broadcast_in_dim3A_3220, %broadcast_in_dim3A_3222, %iota3A, %broadcast_in_dim3A_3213] : memref<3x4x32x128xf32, #tpu.memory_space<vmem>>[vector<16xi32>, vector<16xi32>, vector<16xi32>, vector<16xi32>], vector<16xf32>,
      %gather3A_3224 = tpu.vector_load_idx %arg11[%broadcast_in_dim3A_3220, %broadcast_in_dim3A_3222, %add3A_10, %broadcast_in_dim3A_3213] : memref<3x4x32x128xf32, #tpu.memory_space<vmem>>[vector<16xi32>, vector<16xi32>, vector<16xi32>, vector<16xi32>], vector<16xf32>,
      %gather3A_3225 = tpu.vector_load_idx %arg12[%broadcast_in_dim3A_3220, %broadcast_in_dim3A_3222, %iota3A, %broadcast_in_dim3A_3218] : memref<3x4x32x128xf32, #tpu.memory_space<vmem>>[vector<16xi32>, vector<16xi32>, vector<16xi32>, vector<16xi32>], vector<16xf32>,
      %gather3A_3226 = tpu.vector_load_idx %arg12[%broadcast_in_dim3A_3220, %broadcast_in_dim3A_3222, %add3A_10, %broadcast_in_dim3A_3218] : memref<3x4x32x128xf32, #tpu.memory_space<vmem>>[vector<16xi32>, vector<16xi32>, vector<16xi32>, vector<16xi32>], vector<16xf32>,
      %mul3A_3227 = arith.mulf %gather3A_3223, %gather3A_3225 : vector<16xf32>
      %mul3A_3228 = arith.mulf %mul3A_3227, %get3A_5 : vector<16xf32>
      %mul3A_3229 = arith.mulf %gather3A_3224, %gather3A_3226 : vector<16xf32>
      %mul3A_3230 = arith.mulf %mul3A_3229, %get3A_7 : vector<16xf32>
      %add3A_3231 = arith.addf %mul3A_3228, %mul3A_3230 : vector<16xf32>
      %reduce_sum3A_3232 = arith.constant true
      %reduce_sum3A_3233 = vector.broadcast %reduce_sum3A_3232 : i1 to vector<16xi1>
      %reduce_sum3A_3234 = tpu.scan <sum>, %add3A_3231 masked %reduce_sum3A_3233 : vector<16xf32>, vector<16xi1> -> vector<16xf32>
      %reduce_sum3A_3235 = vector.extract %reduce_sum3A_3234[15] : f32 from vector<16xf32>
      %eq3A_3236 = arith.constant 13 : i32
      %eq3A_3237 = vector.broadcast %eq3A_3236 : i32 to vector<16xi32>
      %eq3A_3238 = arith.cmpi eq, %iota3A, %eq3A_3237 : vector<16xi32>
      %broadcast_in_dim3A_3239 = vector.broadcast %reduce_sum3A_3235 : f32 to vector<16xf32>
      %select_n3A_3240 = arith.select %eq3A_3238, %broadcast_in_dim3A_3239, %select_n3A_3208 : vector<16xi1>, vector<16xf32>
      %slice3A_3241 = vector.extract_strided_slice %get3A_32 {offsets = [14], sizes = [1], strides = [1]} : vector<16xi32> to vector<1xi32>
      %squeeze3A_3242 = vector.extract %slice3A_3241[0] : i32 from vector<1xi32>
      %and3A_3243 = arith.constant 127 : i32
      %and3A_3244 = arith.andi %squeeze3A_3242, %and3A_3243 : i32
      %broadcast_in_dim3A_3245 = vector.broadcast %and3A_3244 : i32 to vector<16xi32>
      %slice3A_3246 = vector.extract_strided_slice %get3A_46 {offsets = [14], sizes = [1], strides = [1]} : vector<16xi32> to vector<1xi32>
      %squeeze3A_3247 = vector.extract %slice3A_3246[0] : i32 from vector<1xi32>
      %and3A_3248 = arith.constant 127 : i32
      %and3A_3249 = arith.andi %squeeze3A_3247, %and3A_3248 : i32
      %broadcast_in_dim3A_3250 = vector.broadcast %and3A_3249 : i32 to vector<16xi32>
      %broadcast_in_dim3A_3251 = arith.constant 1 : i32
      %broadcast_in_dim3A_3252 = vector.broadcast %broadcast_in_dim3A_3251 : i32 to vector<16xi32>
      %broadcast_in_dim3A_3253 = arith.constant 2 : i32
      %broadcast_in_dim3A_3254 = vector.broadcast %broadcast_in_dim3A_3253 : i32 to vector<16xi32>
      %gather3A_3255 = tpu.vector_load_idx %arg11[%broadcast_in_dim3A_3252, %broadcast_in_dim3A_3254, %iota3A, %broadcast_in_dim3A_3245] : memref<3x4x32x128xf32, #tpu.memory_space<vmem>>[vector<16xi32>, vector<16xi32>, vector<16xi32>, vector<16xi32>], vector<16xf32>,
      %gather3A_3256 = tpu.vector_load_idx %arg11[%broadcast_in_dim3A_3252, %broadcast_in_dim3A_3254, %add3A_10, %broadcast_in_dim3A_3245] : memref<3x4x32x128xf32, #tpu.memory_space<vmem>>[vector<16xi32>, vector<16xi32>, vector<16xi32>, vector<16xi32>], vector<16xf32>,
      %gather3A_3257 = tpu.vector_load_idx %arg12[%broadcast_in_dim3A_3252, %broadcast_in_dim3A_3254, %iota3A, %broadcast_in_dim3A_3250] : memref<3x4x32x128xf32, #tpu.memory_space<vmem>>[vector<16xi32>, vector<16xi32>, vector<16xi32>, vector<16xi32>], vector<16xf32>,
      %gather3A_3258 = tpu.vector_load_idx %arg12[%broadcast_in_dim3A_3252, %broadcast_in_dim3A_3254, %add3A_10, %broadcast_in_dim3A_3250] : memref<3x4x32x128xf32, #tpu.memory_space<vmem>>[vector<16xi32>, vector<16xi32>, vector<16xi32>, vector<16xi32>], vector<16xf32>,
      %mul3A_3259 = arith.mulf %gather3A_3255, %gather3A_3257 : vector<16xf32>
      %mul3A_3260 = arith.mulf %mul3A_3259, %get3A_5 : vector<16xf32>
      %mul3A_3261 = arith.mulf %gather3A_3256, %gather3A_3258 : vector<16xf32>
      %mul3A_3262 = arith.mulf %mul3A_3261, %get3A_7 : vector<16xf32>
      %add3A_3263 = arith.addf %mul3A_3260, %mul3A_3262 : vector<16xf32>
      %reduce_sum3A_3264 = arith.constant true
      %reduce_sum3A_3265 = vector.broadcast %reduce_sum3A_3264 : i1 to vector<16xi1>
      %reduce_sum3A_3266 = tpu.scan <sum>, %add3A_3263 masked %reduce_sum3A_3265 : vector<16xf32>, vector<16xi1> -> vector<16xf32>
      %reduce_sum3A_3267 = vector.extract %reduce_sum3A_3266[15] : f32 from vector<16xf32>
      %eq3A_3268 = arith.constant 14 : i32
      %eq3A_3269 = vector.broadcast %eq3A_3268 : i32 to vector<16xi32>
      %eq3A_3270 = arith.cmpi eq, %iota3A, %eq3A_3269 : vector<16xi32>
      %broadcast_in_dim3A_3271 = vector.broadcast %reduce_sum3A_3267 : f32 to vector<16xf32>
      %select_n3A_3272 = arith.select %eq3A_3270, %broadcast_in_dim3A_3271, %select_n3A_3240 : vector<16xi1>, vector<16xf32>
      %slice3A_3273 = vector.extract_strided_slice %get3A_32 {offsets = [15], sizes = [1], strides = [1]} : vector<16xi32> to vector<1xi32>
      %squeeze3A_3274 = vector.extract %slice3A_3273[0] : i32 from vector<1xi32>
      %and3A_3275 = arith.constant 127 : i32
      %and3A_3276 = arith.andi %squeeze3A_3274, %and3A_3275 : i32
      %broadcast_in_dim3A_3277 = vector.broadcast %and3A_3276 : i32 to vector<16xi32>
      %slice3A_3278 = vector.extract_strided_slice %get3A_46 {offsets = [15], sizes = [1], strides = [1]} : vector<16xi32> to vector<1xi32>
      %squeeze3A_3279 = vector.extract %slice3A_3278[0] : i32 from vector<1xi32>
      %and3A_3280 = arith.constant 127 : i32
      %and3A_3281 = arith.andi %squeeze3A_3279, %and3A_3280 : i32
      %broadcast_in_dim3A_3282 = vector.broadcast %and3A_3281 : i32 to vector<16xi32>
      %broadcast_in_dim3A_3283 = arith.constant 1 : i32
      %broadcast_in_dim3A_3284 = vector.broadcast %broadcast_in_dim3A_3283 : i32 to vector<16xi32>
      %broadcast_in_dim3A_3285 = arith.constant 3 : i32
      %broadcast_in_dim3A_3286 = vector.broadcast %broadcast_in_dim3A_3285 : i32 to vector<16xi32>
      %gather3A_3287 = tpu.vector_load_idx %arg11[%broadcast_in_dim3A_3284, %broadcast_in_dim3A_3286, %iota3A, %broadcast_in_dim3A_3277] : memref<3x4x32x128xf32, #tpu.memory_space<vmem>>[vector<16xi32>, vector<16xi32>, vector<16xi32>, vector<16xi32>], vector<16xf32>,
      %gather3A_3288 = tpu.vector_load_idx %arg11[%broadcast_in_dim3A_3284, %broadcast_in_dim3A_3286, %add3A_10, %broadcast_in_dim3A_3277] : memref<3x4x32x128xf32, #tpu.memory_space<vmem>>[vector<16xi32>, vector<16xi32>, vector<16xi32>, vector<16xi32>], vector<16xf32>,
      %gather3A_3289 = tpu.vector_load_idx %arg12[%broadcast_in_dim3A_3284, %broadcast_in_dim3A_3286, %iota3A, %broadcast_in_dim3A_3282] : memref<3x4x32x128xf32, #tpu.memory_space<vmem>>[vector<16xi32>, vector<16xi32>, vector<16xi32>, vector<16xi32>], vector<16xf32>,
      %gather3A_3290 = tpu.vector_load_idx %arg12[%broadcast_in_dim3A_3284, %broadcast_in_dim3A_3286, %add3A_10, %broadcast_in_dim3A_3282] : memref<3x4x32x128xf32, #tpu.memory_space<vmem>>[vector<16xi32>, vector<16xi32>, vector<16xi32>, vector<16xi32>], vector<16xf32>,
      %mul3A_3291 = arith.mulf %gather3A_3287, %gather3A_3289 : vector<16xf32>
      %mul3A_3292 = arith.mulf %mul3A_3291, %get3A_5 : vector<16xf32>
      %mul3A_3293 = arith.mulf %gather3A_3288, %gather3A_3290 : vector<16xf32>
      %mul3A_3294 = arith.mulf %mul3A_3293, %get3A_7 : vector<16xf32>
      %add3A_3295 = arith.addf %mul3A_3292, %mul3A_3294 : vector<16xf32>
      %reduce_sum3A_3296 = arith.constant true
      %reduce_sum3A_3297 = vector.broadcast %reduce_sum3A_3296 : i1 to vector<16xi1>
      %reduce_sum3A_3298 = tpu.scan <sum>, %add3A_3295 masked %reduce_sum3A_3297 : vector<16xf32>, vector<16xi1> -> vector<16xf32>
      %reduce_sum3A_3299 = vector.extract %reduce_sum3A_3298[15] : f32 from vector<16xf32>
      %eq3A_3300 = arith.constant 15 : i32
      %eq3A_3301 = vector.broadcast %eq3A_3300 : i32 to vector<16xi32>
      %eq3A_3302 = arith.cmpi eq, %iota3A, %eq3A_3301 : vector<16xi32>
      %broadcast_in_dim3A_3303 = vector.broadcast %reduce_sum3A_3299 : f32 to vector<16xf32>
      %select_n3A_3304 = arith.select %eq3A_3302, %broadcast_in_dim3A_3303, %select_n3A_3272 : vector<16xi1>, vector<16xf32>
      %add3A_3305 = vector.broadcast %squeeze3A : f32 to vector<16xf32>
      %add3A_3306 = arith.addf %select_n3A_2008, %add3A_3305 : vector<16xf32>
      %neg3A = arith.constant 0.000000e+00 : f32
      %neg3A_3307 = vector.broadcast %neg3A : f32 to vector<16xf32>
      %neg3A_3308 = arith.subf %neg3A_3307, %add3A_3306 : vector<16xf32>
      %exp3A = math.exp %neg3A_3308 : vector<16xf32>
      %add3A_3309 = arith.constant 1.000000e+00 : f32
      %add3A_3310 = vector.broadcast %add3A_3309 : f32 to vector<16xf32>
      %add3A_3311 = arith.addf %add3A_3310, %exp3A : vector<16xf32>
      %div3A = arith.constant 1.000000e+00 : f32
      %div3A_3312 = vector.broadcast %div3A : f32 to vector<16xf32>
      %div3A_3313 = arith.divf %div3A_3312, %add3A_3311 : vector<16xf32>
      %mul3A_3314 = arith.constant 2 : i32
      %mul3A_3315 = arith.muli %scan3A_17, %mul3A_3314 : i32
      %mul3A_3316 = arith.constant 16 : i32
      %mul3A_3317 = arith.muli %mul3A_3315, %mul3A_3316 : i32
      %add3A_3318 = arith.constant 0 : i32
      %add3A_3319 = arith.addi %mul3A_3317, %add3A_3318 : i32
      %swap3A = arith.index_cast %add3A_3319 : i32 to index
      %swap3A_3320 = tpu.vector_load %arg15[%swap3A] {strides = array<i32>} : memref<512xf32, #tpu.memory_space<vmem>>, vector<16xf32>,
      tpu.vector_store %arg15[%swap3A], %div3A_3313 {strides = array<i32>} : memref<512xf32, #tpu.memory_space<vmem>>, vector<16xf32>,
      %add3A_3321 = vector.broadcast %squeeze3A : f32 to vector<16xf32>
      %add3A_3322 = arith.addf %select_n3A_3304, %add3A_3321 : vector<16xf32>
      %neg3A_3323 = arith.constant 0.000000e+00 : f32
      %neg3A_3324 = vector.broadcast %neg3A_3323 : f32 to vector<16xf32>
      %neg3A_3325 = arith.subf %neg3A_3324, %add3A_3322 : vector<16xf32>
      %exp3A_3326 = math.exp %neg3A_3325 : vector<16xf32>
      %add3A_3327 = arith.constant 1.000000e+00 : f32
      %add3A_3328 = vector.broadcast %add3A_3327 : f32 to vector<16xf32>
      %add3A_3329 = arith.addf %add3A_3328, %exp3A_3326 : vector<16xf32>
      %div3A_3330 = arith.constant 1.000000e+00 : f32
      %div3A_3331 = vector.broadcast %div3A_3330 : f32 to vector<16xf32>
      %div3A_3332 = arith.divf %div3A_3331, %add3A_3329 : vector<16xf32>
      %mul3A_3333 = arith.constant 2 : i32
      %mul3A_3334 = arith.muli %scan3A_17, %mul3A_3333 : i32
      %mul3A_3335 = arith.constant 16 : i32
      %mul3A_3336 = arith.muli %mul3A_3334, %mul3A_3335 : i32
      %add3A_3337 = arith.constant 16 : i32
      %add3A_3338 = arith.addi %mul3A_3336, %add3A_3337 : i32
      %swap3A_3339 = arith.index_cast %add3A_3338 : i32 to index
      %swap3A_3340 = tpu.vector_load %arg15[%swap3A_3339] {strides = array<i32>} : memref<512xf32, #tpu.memory_space<vmem>>, vector<16xf32>,
      tpu.vector_store %arg15[%swap3A_3339], %div3A_3332 {strides = array<i32>} : memref<512xf32, #tpu.memory_space<vmem>>, vector<16xf32>,
      %scan3A_3341 = arith.constant 0 : i32
      scf.yield %scan3A_3341 : i32
    }
    %scan3A_16 = arith.constant 16 : i32
    "tpu.region"() ({
      %run_scoped3A = tpu.sem_alloc : memref<!tpu.dma_semaphore, #tpu.memory_space<semaphore_mem>>
      %dma_start3A = tpu.memref_slice %arg8[%mul3A_2] : memref<16384xf32, #tpu.memory_space<hbm>> -> memref<512xf32, #tpu.memory_space<hbm>>
      %dma_start3A_17 = tpu.memref_slice %arg8[%mul3A_2] : memref<16384xf32, #tpu.memory_space<hbm>> -> memref<512xf32, #tpu.memory_space<hbm>>
      tpu.enqueue_dma source(%arg15 : memref<512xf32, #tpu.memory_space<vmem>>) target(%dma_start3A_17 : memref<512xf32, #tpu.memory_space<hbm>>) target_semaphore(%run_scoped3A : memref<!tpu.dma_semaphore, #tpu.memory_space<semaphore_mem>>)
      %dma_wait3A = tpu.memref_slice %arg8[%mul3A_2] : memref<16384xf32, #tpu.memory_space<hbm>> -> memref<512xf32, #tpu.memory_space<hbm>>
      %dma_wait3A_18 = tpu.memref_slice %arg8[%mul3A_2] : memref<16384xf32, #tpu.memory_space<hbm>> -> memref<512xf32, #tpu.memory_space<hbm>>
      tpu.wait_dma2 semaphore(%run_scoped3A : memref<!tpu.dma_semaphore, #tpu.memory_space<semaphore_mem>>) src(%arg15 : memref<512xf32, #tpu.memory_space<vmem>>) dst(%dma_wait3A_18 : memref<512xf32, #tpu.memory_space<hbm>>)
      tpu.yield
    }) : () -> ()
    return
  }
}

</mosaic_0001>

<sc_bundles>
// kernel: _gmf.3.cloned.1.call-start
scs
__scs_entry_jumppad:
0x0: {  	(pc) =	sbr.rel $0x88, $3  }
0x1: {  	(tag) =	ssettag $0x0;
	lr =	simm.s32 $0x1  }
0x2: {  	[smem:$0x3F9B] =	sst lr;
	_ =	strace $0xD0000000  }
0x3: {  	_ = 	snop  }
0x4: {  	_ = 	snop  }
0x5: {  	_ = 	snop  }
0x6: {  	_ = 	snop  }
0x7: {  	_ = 	snop  }
__scs_overlays_trampoline_lowered:
0x8: {  	[smem:$0x3FAA] =	sst s0  }
0x9: {  	[smem:$0x3FAB] =	sst s1  }
0xa: {  	[smem:$0x3FAC] =	sst s2  }
0xb: {  	[smem:$0x3FAD] =	sst s3  }
0xc: {  	[smem:$0x3FAE] =	sst s4  }
0xd: {  	[smem:$0x3FAF] =	sst s5  }
0xe: {  	[smem:$0x3FB0] =	sst s6  }
0xf: {  	[smem:$0x3FB1] =	sst s7  }
0x10: {  	[smem:$0x3FB2] =	sst s8  }
0x11: {  	[smem:$0x3FB3] =	sst s9;
	s0 =	simm.s32 @!p0 $0x0  }
0x12: {  	s1 =	sld [smem:$0x3F99];
	s0 =	simm.s32 @p0 $0x1  }
0x13: {  	[smem:$0x3FB4] =	sst s0;
	s0 =	simm.s32 @!p1 $0x0  }
0x14: {  	s2 =	sld [smem:$0x3F98];
	s0 =	simm.s32 @p1 $0x1  }
0x15: {  	[smem:$0x3FB5] =	sst s0;
	s0 =	simm.s32 @!p2 $0x0  }
0x16: {  	s3 =	sld [smem:$0x3FDB];
	s0 =	simm.s32 @p2 $0x1  }
0x17: {  	s4 =	simm.s32 $0x1BF5;
	[smem:$0x3FB7] =	sst s0  }
0x18: {  	s0 =	sld [smem:$0x3F9A];
	_ =	swait.ge [sflag:s4], $0x0  }
0x19: {  	s7 =	sld [smem:$0x3F9B]  }
0x1a: {  	s8 =	sadd.s32 $0xFFFFE003, lr  }
0x1b: {  	s9 =	sadd.s32 $0xFFFFFEF7, lr;
	s5 =	simm.s32 $0xFFFFFFFF;
	p2 =	slt.u32 s8, $0xFFFFF086  }
0x1c: {  	p1 =	slt.u32 s9, $0xF7A;
	s5 =	simm.s32 @!p2 $0x0  }
0x1d: {  	s5 =	simm.s32 @p1 $0x1;
	p0 =	seq.s32 s7, s2  }
0x1e: {  	s7 =	smul.u32 @!p0 $0xF7A, s2;
	p2 =	seq.s32 @!p0 s5, $0x0  }
0x1f: {  	s9 =	smul.u32 $0xF7A, s1;
	s8 =	simm.s32 @!p0 $0x1BF5;
	p2 =	por !p2, p0  }
0x20: {  	[sflag:s8] =	ssyncset.s32 @!p0 $0xFFFFF086;
	s6 =	sadd.s32 @!p0 s3, s7;
	s7 =	simm.s32 @!p0 $0x108  }
0x21: {  	s3 =	sadd.s32 s3, s9;
	s6 =	sadd.s32 @!p0 $0x88, s6;
	s7 =	simm.s32 @p2 $0x1082  }
0x22: {  	[simem:s7], [sflag:s8] =	dma.local @!p0 [hbm:s6], $0xF7A  }
0x23: {  	s9 =	sor.u32 $0xD0000000, s2;
	s6 =	simm.s32 $0x108;
	_ =	swait.ge @!p0 [sflag:s8], $0x0  }
0x24: {  	s3 =	sadd.s32 $0x88, s3;
	s6 =	simm.s32 @!p1 $0x1082;
	[sflag:s4] =	ssyncset.s32 $0xFFFFF086  }
0x25: {  	[simem:s6], [sflag:s4] =	dma.local [hbm:s3], $0xF7A  }
0x26: {  	[smem:$0x3F9B] =	sst s1;
	(tag) =	ssettag s2;
	_ =	strace s9  }
0x27: {  	s1 =	sld [smem:$0x3FAB]  }
0x28: {  	s2 =	sld [smem:$0x3FAC]  }
0x29: {  	s4 =	sld [smem:$0x3FAE]  }
0x2a: {  	p0 =	seq.s32 s5, $0x0;
	s5 =	sld [smem:$0x3FAF]  }
0x2b: {  	s6 =	sld [smem:$0x3FB0]  }
0x2c: {  	s7 =	sld [smem:$0x3FB1]  }
0x2d: {  	s3 =	simm.s32 $0x108;
	s8 =	sld [smem:$0x3FB2]  }
0x2e: {  	s3 =	simm.s32 @!p0 $0x1082;
	s9 =	sld [smem:$0x3FB3]  }
0x2f: {  	lr =	sadd.s32 s0, s3;
	s0 =	sld [smem:$0x3FAA]  }
0x30: {  	s3 =	sld [smem:$0x3FAD]  }
0x31: {  	[smem:$0x3FB6] =	sst s10  }
0x32: {  	s10 =	sld [smem:$0x3FB4];
	_ =	sdelay $0x3  }
0x33: {  	p0 =	seq.s32 s10, $0x1;
	s10 =	sld [smem:$0x3FB6];
	_ =	sdelay $0x3  }
0x34: {  	[smem:$0x3FB6] =	sst s10  }
0x35: {  	s10 =	sld [smem:$0x3FB5];
	_ =	sdelay $0x3  }
0x36: {  	p1 =	seq.s32 s10, $0x1;
	s10 =	sld [smem:$0x3FB6];
	_ =	sdelay $0x3  }
0x37: {  	[smem:$0x3FB6] =	sst s10  }
0x38: {  	s10 =	sld [smem:$0x3FB7]  }
0x39: {  	_ = 	snop;
	(pc) =	sbr.ind lr, $3  }
0x3a: {  	_ = 	snop  }
0x3b: {  	_ = 	snop  }
0x3c: {  	p2 =	seq.s32 s10, $0x1;
	s10 =	sld [smem:$0x3FB6]  }
0x3d: {  	_ =	shalt  }
0x3e: {  	_ =	shalt  }
0x3f: {  	_ =	shalt  }
0x40: {  	_ =	shalt  }
0x41: {  	_ =	shalt  }
0x42: {  	_ =	shalt  }
0x43: {  	_ =	shalt  }
0x44: {  	_ =	shalt  }
0x45: {  	_ =	shalt  }
0x46: {  	_ =	shalt  }
0x47: {  	_ =	shalt  }
0x48: {  	_ =	shalt  }
0x49: {  	_ =	shalt  }
0x4a: {  	_ =	shalt  }
0x4b: {  	_ =	shalt  }
0x4c: {  	_ =	shalt  }
0x4d: {  	_ =	shalt  }
0x4e: {  	_ =	shalt  }
0x4f: {  	_ =	shalt  }
0x50: {  	_ =	shalt  }
0x51: {  	_ =	shalt  }
0x52: {  	_ =	shalt  }
0x53: {  	_ =	shalt  }
0x54: {  	_ =	shalt  }
0x55: {  	_ =	shalt  }
0x56: {  	_ =	shalt  }
0x57: {  	_ =	shalt  }
0x58: {  	_ =	shalt  }
0x59: {  	_ =	shalt  }
0x5a: {  	_ =	shalt  }
0x5b: {  	_ =	shalt  }
0x5c: {  	_ =	shalt  }
0x5d: {  	_ =	shalt  }
0x5e: {  	_ =	shalt  }
0x5f: {  	_ =	shalt  }
0x60: {  	_ =	shalt  }
0x61: {  	_ =	shalt  }
0x62: {  	_ =	shalt  }
0x63: {  	_ =	shalt  }
0x64: {  	_ =	shalt  }
0x65: {  	_ =	shalt  }
0x66: {  	_ =	shalt  }
0x67: {  	_ =	shalt  }
0x68: {  	_ =	shalt  }
0x69: {  	_ =	shalt  }
0x6a: {  	_ =	shalt  }
0x6b: {  	_ =	shalt  }
0x6c: {  	_ =	shalt  }
0x6d: {  	_ =	shalt  }
0x6e: {  	_ =	shalt  }
0x6f: {  	_ =	shalt  }
0x70: {  	_ =	shalt  }
0x71: {  	_ =	shalt  }
0x72: {  	_ =	shalt  }
0x73: {  	_ =	shalt  }
0x74: {  	_ =	shalt  }
0x75: {  	_ =	shalt  }
0x76: {  	_ =	shalt  }
0x77: {  	_ =	shalt  }
0x78: {  	_ =	shalt  }
0x79: {  	_ =	shalt  }
0x7a: {  	_ =	shalt  }
0x7b: {  	_ =	shalt  }
0x7c: {  	_ =	shalt  }
0x7d: {  	_ =	shalt  }
0x7e: {  	_ =	shalt  }
0x7f: {  	_ =	shalt  }
0x80: {  	_ =	shalt  }
0x81: {  	_ =	shalt  }
0x82: {  	_ =	shalt  }
0x83: {  	_ =	shalt  }
0x84: {  	_ =	shalt  }
0x85: {  	_ =	shalt  }
0x86: {  	_ =	shalt  }
0x87: {  	_ =	shalt  }
.Lfunc_end0:
.L_simem_size_0:
called_computation_lowered:
.L_overlay_start_0:
0x88: {  	s2 =	sld [smem:$0x3FD9]  }
0x89: {  	s3 =	sld [smem:$0x3FFE];
	_ =	sdelay $0x1  }
0x8a: {  	s1 =	srdreg.scid  }
0x8b: {  	s0 =	sand.u32 $0x1, s1  }
0x8c: {  	s18 =	sshll.u32 s0, $0xA;
	s2 =	sadd.s32 s3, s2  }
0x8d: {  	s2 =	sadd.s32 s2, s18  }
0x8e: {  	[smem:$0x3FC2] =	sst s2  }
0x8f: {  	_ = 	snop  }
0x90: {  	s2 =	sld [smem:$0x3FC9]  }
0x91: {  	s19 =	sld [smem:$0x3FC8]  }
0x92: {  	s4 =	sld [smem:$0x3FC7]  }
0x93: {  	s5 =	sld [smem:$0x3FC6]  }
0x94: {  	s6 =	sld [smem:$0x3FC5]  }
0x95: {  	s7 =	sld [smem:$0x3FC4]  }
0x96: {  	s8 =	sld [smem:$0x3FD0];
	(tm) =	ssettm $0x1  }
0x97: {  	s9 =	sld [smem:$0x3FFB];
	_ =	sdelay $0x3  }
0x98: {  	_ =	strace s9  }
0x99: {  	s9 =	sld [smem:$0x3FFC];
	_ =	sdelay $0x3  }
0x9a: {  	_ =	strace s9  }
0x9b: {  	s9 =	sld [smem:$0x3FFD];
	_ =	sdelay $0x3  }
0x9c: {  	_ =	strace s9  }
0x9d: {  	_ =	strace $0x8FFFFFFF  }
0x9e: {  	s20 =	sld [smem:$0x3FDB];
	_ =	sdelay $0x1  }
0x9f: {  	s10 =	simm.s32 $_scs_section_size  }
0xa0: {  	s11 =	simm.s32 $_size__tile_overlayer_lowered;
	s12 =	simm.s32 $_tile_overlayer_lowered  }
0xa1: {  	s23 =	simm.s32 $0x1BFF;
	s22 =	sshll.u32 s12, $0x1;
	s9 =	sadd.s32 s10, s20  }
0xa2: {  	s13 =	simm.s32 $0x0;
	s21 =	sshll.u32 s11, $0x1;
	s11 =	sadd.s32 s22, s9  }
0xa3: {  	[timem:s13], [sflag:s23] =	dma.local [hbm:s11], s21  }
0xa4: {  	_ =	swait.ge [sflag:s23], s21  }
0xa5: {  	s10 =	ssub.s32 $0x0, s21;
	[sflag:s23] =	ssyncset.done $0x0  }
0xa6: {  	[sflag:s23] =	ssyncadd.s32 s10;
	_ =	sdelay $0x1  }
0xa7: {  	s24 =	simm.s32 $0x1B8B  }
0xa8: {  	_ =	swait.ge [sflag:s24], $0x1  }
0xa9: {  	[sflag:s24] =	ssyncset.done $0x0  }
0xaa: {  	s25 =	simm.s32 $0x1B8E;
	[sflag:s24] =	ssyncadd.s32 $0xFFFFFFFF  }
0xab: {  	s26 =	simm.s32 $execute0_lowered;
	[smem:$0x3FD2] =	sst s25  }
0xac: {  	s10 =	sshll.u32 s26, $0x1;
	_ =	strace $0x80000046;
	[dreg:$0x1] =	wrdreg $0xFFFFFFFF  }
0xad: {  	s28 =	simm.s32 $_size_execute0_lowered;
	s9 =	sadd.s32 s9, s10;
	[dreg:$0x0] =	wrdreg $0x0  }
0xae: {  	s10 =	sshll.u32 s28, $0x1;
	[dreg:$0x2] =	wrdreg s9  }
0xaf: {  	[dreg:$0x3] =	wrdreg s10  }
0xb0: {  	[dreg:$0x4] =	wrdreg $0xC0  }
0xb1: {  	_ =	task [dreg:s13], $0x5FFFF  }
0xb2: {  	[dreg:$0x1] =	wrdreg $0xFFFFFFFF  }
0xb3: {  	[dreg:$0x0] =	wrdreg $0x60  }
0xb4: {  	[dreg:$0x2] =	wrdreg s2  }
0xb5: {  	[dreg:$0x3] =	wrdreg s19  }
0xb6: {  	[dreg:$0x4] =	wrdreg s4  }
0xb7: {  	[dreg:$0x5] =	wrdreg s5  }
0xb8: {  	[dreg:$0x6] =	wrdreg s6  }
0xb9: {  	[dreg:$0x7] =	wrdreg s7  }
0xba: {  	[dreg:$0x8] =	wrdreg s8  }
0xbb: {  	[dreg:$0x9] =	wrdreg $0x9  }
0xbc: {  	_ =	task.clear_ibuf [dreg:s13], $0xAFFFF;
	_ =	strace $0x90000046  }
0xbd: {  	s29 =	simm.s32 $0x9;
	_ =	strace $0x80000048  }
0xbe: {  	_ =	swait.ge [sflag:s29], $0x1  }
0xbf: {  	[sflag:s29] =	ssyncadd.s32 $0xFFFFFFFF  }
0xc0: {  	_ =	strace $0x90000048  }
0xc1: {  	_ =	sfence  }
0xc2: {  	s30 =	sld [smem:$0x0];
	_ =	sdelay $0x2  }
0xc3: {  	s31 =	sshll.u32 s1, $0xD;
	s1 =	sshrl.u32 s1, $0x2  }
0xc4: {  	s3 =	sand.u32 $0x4000, s31;
	s1 =	sadd.s32 s1, s30  }
0xc5: {  	s0 =	sor.u32 s3, s0;
	s1 =	sshll.u32 s1, $0x11  }
0xc6: {  	s0 =	sor.u32 s1, s0  }
0xc7: {  	s0 =	sadd.s32 $0x8F2B, s0  }
0xc8: {  	[sflag:s0] =	ssyncadd.remote.s32 $0x1  }
0xc9: {  	_ =	sfence.sel $0xFFFF  }
0xca: {  	[dreg:$0x0] =	wrdreg $0xFFFFFFFF;
	(pc) =	sbr.abs _section_cstart, $3  }
0xcb: {  	[dreg:$0x1] =	wrdreg $0xFFFFFFFF  }
0xcc: {  	_ =	task.clear_ibuf [dreg:s13], $0x2FFFF;
	_ =	strace $0x9FFFFFFF  }
0xcd: {  	(tm) =	ssettm $0x7FFFFFFF  }
tec
execute0_lowered:
.L_overlay_start_1:
0x0: {  	(tag) =	ssettag $0x1  }
0x1: {  	s0 =	rddreg [dreg:$0x0]  }
0x2: {  	s3 =	rddreg [dreg:$0x1]  }
0x3: {  	s21 =	rddreg [dreg:$0x2]  }
0x4: {  	s2 =	rddreg [dreg:$0x3];
	v0 =	vlaneseq.u32  }
0x5: {  	s4 =	rddreg [dreg:$0x6];
	s5 =	srdreg.scid;
	s11 =	simm.s32 $0x0;
	vm0 =	vmmov $0x1;
	vm1 =	vmmov $0x3;
	vm2 =	vmmov $0x7  }
0x6: {  	s7 =	stileid.u32;
	s15 =	simm.s32 $0x7A1400;
	s16 =	simm.s32 $0x400;
	vm3 =	vmmov $0xf;
	vm4 =	vmmov $0x1f;
	vm5 =	vmmov $0x3f  }
0x7: {  	s17 =	simm.s32 $0xC400;
	s12 =	simm.s32 $0x3400;
	s14 =	simm.s32 $0xF400;
	vm6 =	vmmov $0x7f;
	vm7 =	vmmov $0xff;
	vm8 =	vmmov $0x1ff  }
0x8: {  	s18 =	simm.s32 $0x4400;
	s20 =	simm.s32 $0x10400;
	s1 =	simm.s32 $0x5400;
	vm9 =	vmmov $0x3ff;
	vm10 =	vmmov $0x7ff;
	v0 =	vmul.u32 $0x80, v0  }
0x9: {  	s23 =	simm.s32 $0x11400;
	s28 =	simm.s32 $0x6400;
	vm11 =	vmmov $0xfff;
	s9 =	simm.s32 $0x1;
	vm12 =	vmmov $0x1fff;
	vm13 =	vmmov $0x3fff  }
0xa: {  	vm14 =	vmmov $0x7fff;
	s10 =	simm.s32 $0x2;
	s5 =	sand.u32 $0x1, s5;
	s7 =	sshll.u32 s7, $0x7;
	v1 =	vor.u32 $0x800, v0;
	v2 =	vor.u32 $0x1000, v0  }
0xb: {  	[smem:$0x7FF] =	sst s11;
	s6 =	ssub.s32 $0x2, s5;
	s5 =	sshll.u32 s5, $0x6;
	v3 =	vor.u32 $0x1800, v0;
	v4 =	vor.u32 $0x2000, v0;
	v5 =	vor.u32 $0x2800, v0  }
0xc: {  	_ =	strace $0x80000047;
	s8 =	sshrl.u32 s6, $0x1;
	s5 =	sor.u32 s5, s7;
	v6 =	vor.u32 $0x3000, v0;
	v7 =	vor.u32 $0x3800, v0;
	v8 =	vor.u32 $0x4000, v0  }
0xd: {  	v9 =	vor.u32 $0x4800, v0;
	v10 =	vor.u32 $0x5000, v0;
	s7 =	simm.s32 $0x2400;
	v11 =	vor.u32 $0x5800, v0;
	s6 =	ssub.s32 s6, s8;
	s0 =	sadd.s32 s0, s5  }
0xe: {  	v12 =	vor.u32 $0x6000, v0;
	v13 =	vor.u32 $0x6800, v0;
	v20 =	vor.u32 $0x7000, v0;
	s29 =	sadd.s32 s3, s5;
	s30 =	sadd.s32 s4, s5;
	[dreg:$0x8] =	wrdreg s0  }
0xf: {  	v21 =	vor.u32 $0x7800, v0;
	v16 =	vor.u32 $0x8000, v0;
	v17 =	vor.u32 $0x8800, v0;
	s3 =	simm.s32 $0x3;
	s5 =	simm.s32 $0x1400;
	[dreg:$0x9] =	wrdreg s29  }
0x10: {  	v18 =	vor.u32 $0x9000, v0;
	v14 =	vor.u32 $0x9800, v0;
	v15 =	vor.u32 $0xA000, v0;
	s8 =	simm.s32 $0xE400;
	[dreg:$0xa] =	wrdreg s30;
	s31 =	smax.u32 s6, $0x1  }
0x11: {  	v19 =	vor.u32 $0xA800, v0;
	v22 =	vor.u32 $0xB000, v0;
	v23 =	vor.u32 $0xB800, v0;
	s4 =	simm.s32 $0x0;
	s6 =	simm.s32 $0xD400;
	[dreg:$0xb] =	wrdreg s31  }
.LBB2_1:
0x12: {  	[dreg:$0xc] =	wrdreg s4  }
0x13: {  	s0 =	rddreg [dreg:$0x8]  }
0x14: {  	[tilespmem:s11], [sflag:$0x3] =	stream.linear.gather [hbm4b:s0+s11], $0x200, $0x38;
	[tilespmem:$0x18700] =	vst v63  }
0x15: {  	_ =	swait.ge [sflag:s3], $0x200  }
0x16: {  	[sflag:s3] =	ssyncset.done $0x0  }
0x17: {  	s25 =	simm.s32 $0x200;
	s24 =	rddreg [dreg:$0x9];
	[sflag:s3] =	ssyncadd.s32 $0xFFFFFE00  }
0x18: {  	[tilespmem:s25], [sflag:$0x3] =	stream.linear.gather [hbm4b:s24+s11], $0x200, $0x38;
	[tilespmem:$0x18700] =	vst v63  }
0x19: {  	_ =	swait.ge [sflag:s3], $0x200  }
0x1a: {  	[sflag:s3] =	ssyncset.done $0x0  }
0x1b: {  	[sflag:s3] =	ssyncadd.s32 $0xFFFFFE00  }
0x1c: {  	s29 =	simm.s32 $0x18400;
	s26 =	rddreg [dreg:$0x4]  }
0x1d: {  	[tilespmem:s29], [sflag:$0x3] =	stream.linear.gather [hbm4b:s26+s11], $0x80, $0x38;
	[tilespmem:$0x18700] =	vst v63  }
0x1e: {  	_ =	swait.ge [sflag:s3], $0x80  }
0x1f: {  	[sflag:s3] =	ssyncset.done $0x0  }
0x20: {  	[sflag:s3] =	ssyncadd.s32 $0xFFFFFF80  }
0x21: {  	s31 =	simm.s32 $0x18480;
	s30 =	rddreg [dreg:$0x5]  }
0x22: {  	[tilespmem:s31], [sflag:$0x3] =	stream.linear.gather [hbm4b:s30+s11], $0x80, $0x38;
	[tilespmem:$0x18700] =	vst v63  }
0x23: {  	_ =	swait.ge [sflag:s3], $0x80  }
0x24: {  	[sflag:s3] =	ssyncset.done $0x0  }
0x25: {  	[sflag:s3] =	ssyncadd.s32 $0xFFFFFF80  }
0x26: {  	v26 =	vld.msk [tilespmem:$0x18480 ss:$0x0], $0xffff;
	_ =	sdelay $0x3  }
0x27: {  	v24 =	vld [tilespmem:$0x18400]  }
0x28: {  	s0 =	simm.s32 $0x0;
	v25 =	vld [tilespmem:$0x18410];
	[tilespmem:$0x1FFF0] =	vst v26  }
.LBB2_2:
0x29: {  	s3 =	sshra.s32 s0, $0x2  }
0x2a: {  	v28 =	vld [tilespmem:s3+$0x0];
	_ =	sdelay $0x1  }
0x2b: {  	v27 =	vld [tilespmem:s3+$0x200];
	_ =	sdelay $0x2  }
0x2c: {  	(v2sf) =	vpush v28, $0x0;
	_ =	sdelay $0x1  }
0x2d: {  	(v2sf) =	vpush v27, $0x0  }
0x2e: {  	(v2sf) =	vpush v28, $0x1;
	_ =	sdelay $0x3  }
0x2f: {  	(v2sf) =	vpush v27, $0x1;
	_ =	sdelay $0x2  }
0x30: {  	(v2sf) =	vpush v28, $0x2;
	_ =	sdelay $0x4  }
0x31: {  	s22 =	spop (v2sf);
	(v2sf) =	vpush v27, $0x2  }
0x32: {  	[dreg:$0xd] =	wrdreg s0  }
0x33: {  	[dreg:$0xe] =	wrdreg s3;
	v32 =	vld [tilespmem:s3+$0x10];
	s31 =	sand.u32 $0xFFFFF80, s22;
	s29 =	spop (v2sf);
	(v2sf) =	vpush v28, $0x3  }
0x34: {  	v31 =	vld [tilespmem:s3+$0x210];
	s0 =	sadd.s32 s21, s31;
	s3 =	sand.u32 $0xFFFFF80, s29;
	s30 =	spop (v2sf);
	(v2sf) =	vpush v27, $0x3  }
0x35: {  	[tilespmem:s16], [sflag:$0x1] =	stream.strided.gather [hbm4b:s0+s16], $0x1000, s15, s16, $0x38;
	[tilespmem:$0x18700] =	vst v63  }
0x36: {  	s0 =	sadd.s32 s2, s3;
	s4 =	sand.u32 $0xFFFFF80, s30  }
0x37: {  	[tilespmem:s17], [sflag:$0x2] =	stream.strided.gather [hbm4b:s0+s16], $0x1000, s15, s16, $0x38;
	[tilespmem:$0x18700] =	vst v63  }
0x38: {  	s24 =	spop (v2sf);
	s0 =	sadd.s32 s21, s4  }
0x39: {  	[tilespmem:s5], [sflag:$0x1] =	stream.strided.gather [hbm4b:s0+s16], $0x1000, s15, s16, $0x38;
	[tilespmem:$0x18700] =	vst v63  }
0x3a: {  	s5 =	sand.u32 $0xFFFFF80, s24  }
0x3b: {  	s19 =	spop (v2sf);
	s0 =	sadd.s32 s2, s5  }
0x3c: {  	[tilespmem:s6], [sflag:$0x2] =	stream.strided.gather [hbm4b:s0+s16], $0x1000, s15, s16, $0x38;
	[tilespmem:$0x18700] =	vst v63  }
0x3d: {  	s6 =	sand.u32 $0xFFFFF80, s19  }
0x3e: {  	s0 =	sadd.s32 s21, s6  }
0x3f: {  	[tilespmem:s7], [sflag:$0x1] =	stream.strided.gather [hbm4b:s0+s16], $0x1000, s15, s16, $0x38;
	[tilespmem:$0x18700] =	vst v63  }
0x40: {  	s13 =	spop (v2sf)  }
0x41: {  	s7 =	sand.u32 $0xFFFFF80, s13  }
0x42: {  	s0 =	sadd.s32 s2, s7;
	s7 =	spop (v2sf)  }
0x43: {  	s5 =	spop (v2sf);
	(v2sf) =	vpush v28, $0x4  }
0x44: {  	(v2sf) =	vpush v27, $0x4;
	_ =	sdelay $0x2  }
0x45: {  	(v2sf) =	vpush v28, $0x5;
	_ =	sdelay $0x1  }
0x46: {  	(v2sf) =	vpush v27, $0x5;
	_ =	sdelay $0x2  }
0x47: {  	[tilespmem:s8], [sflag:$0x2] =	stream.strided.gather [hbm4b:s0+s16], $0x1000, s15, s16, $0x38;
	[tilespmem:$0x18700] =	vst v63  }
0x48: {  	s8 =	sand.u32 $0xFFFFF80, s7  }
0x49: {  	s0 =	sadd.s32 s21, s8;
	s11 =	sand.u32 $0xFFFFF80, s5;
	(v2sf) =	vpush v28, $0x6  }
0x4a: {  	[tilespmem:s12], [sflag:$0x1] =	stream.strided.gather [hbm4b:s0+s16], $0x1000, s15, s16, $0x38;
	[tilespmem:$0x18700] =	vst v63  }
0x4b: {  	s0 =	sadd.s32 s2, s11  }
0x4c: {  	[tilespmem:s14], [sflag:$0x2] =	stream.strided.gather [hbm4b:s0+s16], $0x1000, s15, s16, $0x38;
	[tilespmem:$0x18700] =	vst v63  }
0x4d: {  	s26 =	spop (v2sf)  }
0x4e: {  	(v2sf) =	vpush v27, $0x6;
	s12 =	sand.u32 $0xFFFFF80, s26;
	s25 =	spop (v2sf)  }
0x4f: {  	(v2sf) =	vpush v28, $0x7;
	s0 =	sadd.s32 s21, s12;
	s14 =	sand.u32 $0xFFFFF80, s25  }
0x50: {  	[tilespmem:s18], [sflag:$0x1] =	stream.strided.gather [hbm4b:s0+s16], $0x1000, s15, s16, $0x38;
	[tilespmem:$0x18700] =	vst v63  }
0x51: {  	s31 =	spop (v2sf);
	s0 =	sadd.s32 s2, s14  }
0x52: {  	[tilespmem:s20], [sflag:$0x2] =	stream.strided.gather [hbm4b:s0+s16], $0x1000, s15, s16, $0x38;
	[tilespmem:$0x18700] =	vst v63  }
0x53: {  	(v2sf) =	vpush v27, $0x7;
	s18 =	sand.u32 $0xFFFFF80, s31;
	s20 =	spop (v2sf)  }
0x54: {  	s0 =	sadd.s32 s21, s18;
	s3 =	sand.u32 $0xFFFFF80, s20  }
0x55: {  	(v2sf) =	vpush v28, $0x8;
	[tilespmem:s1], [sflag:$0x1] =	stream.strided.gather [hbm4b:s0+s16], $0x1000, s15, s16, $0x38;
	[tilespmem:$0x18700] =	vst v63  }
0x56: {  	s0 =	sadd.s32 s2, s3  }
0x57: {  	[tilespmem:s23], [sflag:$0x2] =	stream.strided.gather [hbm4b:s0+s16], $0x1000, s15, s16, $0x38;
	[tilespmem:$0x18700] =	vst v63  }
0x58: {  	s23 =	spop (v2sf);
	(v2sf) =	vpush v27, $0x8;
	_ =	sdelay $0x1  }
0x59: {  	s4 =	sand.u32 $0xFFFFF80, s23  }
0x5a: {  	s0 =	sadd.s32 s21, s4  }
0x5b: {  	[tilespmem:s28], [sflag:$0x1] =	stream.strided.gather [hbm4b:s0+s16], $0x1000, s15, s16, $0x38;
	[tilespmem:$0x18700] =	vst v63  }
0x5c: {  	s8 =	spop (v2sf);
	(v2sf) =	vpush v28, $0x9  }
0x5d: {  	s14 =	spop (v2sf);
	(v2sf) =	vpush v27, $0x9  }
0x5e: {  	s6 =	sand.u32 $0xFFFFF80, s8  }
0x5f: {  	s11 =	simm.s32 $0x12400;
	s0 =	sadd.s32 s2, s6;
	s12 =	sand.u32 $0xFFFFF80, s14  }
0x60: {  	[tilespmem:s11], [sflag:$0x2] =	stream.strided.gather [hbm4b:s0+s16], $0x1000, s15, s16, $0x38;
	[tilespmem:$0x18700] =	vst v63  }
0x61: {  	s4 =	simm.s32 $0x7400;
	s0 =	sadd.s32 s21, s12;
	s3 =	spop (v2sf)  }
0x62: {  	[tilespmem:s4], [sflag:$0x1] =	stream.strided.gather [hbm4b:s0+s16], $0x1000, s15, s16, $0x38;
	(v2sf) =	vpush v28, $0xA;
	[tilespmem:$0x18700] =	vst v63  }
0x63: {  	s18 =	sand.u32 $0xFFFFF80, s3;
	s6 =	spop (v2sf)  }
0x64: {  	s1 =	simm.s32 $0x13400;
	s0 =	sadd.s32 s2, s18;
	s4 =	sand.u32 $0xFFFFF80, s6;
	(v2sf) =	vpush v27, $0xA  }
0x65: {  	[tilespmem:s1], [sflag:$0x2] =	stream.strided.gather [hbm4b:s0+s16], $0x1000, s15, s16, $0x38;
	[tilespmem:$0x18700] =	vst v63  }
0x66: {  	s11 =	simm.s32 $0x8400;
	s0 =	sadd.s32 s21, s4;
	s18 =	spop (v2sf)  }
0x67: {  	[tilespmem:s11], [sflag:$0x1] =	stream.strided.gather [hbm4b:s0+s16], $0x1000, s15, s16, $0x38;
	[tilespmem:$0x18700] =	vst v63  }
0x68: {  	s12 =	sand.u32 $0xFFFFF80, s18  }
0x69: {  	s1 =	simm.s32 $0x14400;
	(v2sf) =	vpush v28, $0xB;
	s0 =	sadd.s32 s2, s12  }
0x6a: {  	[tilespmem:s1], [sflag:$0x2] =	stream.strided.gather [hbm4b:s0+s16], $0x1000, s15, s16, $0x38;
	[tilespmem:$0x18700] =	vst v63  }
0x6b: {  	s28 =	spop (v2sf)  }
0x6c: {  	s11 =	sand.u32 $0xFFFFF80, s28;
	s12 =	spop (v2sf)  }
0x6d: {  	s1 =	simm.s32 $0x9400;
	(v2sf) =	vpush v27, $0xB;
	s0 =	sadd.s32 s21, s11;
	s11 =	sand.u32 $0xFFFFF80, s12  }
0x6e: {  	[tilespmem:s1], [sflag:$0x1] =	stream.strided.gather [hbm4b:s0+s16], $0x1000, s15, s16, $0x38;
	[tilespmem:$0x18700] =	vst v63  }
0x6f: {  	s0 =	sadd.s32 s2, s11;
	s1 =	simm.s32 $0x15400  }
0x70: {  	[tilespmem:s1], [sflag:$0x2] =	stream.strided.gather [hbm4b:s0+s16], $0x1000, s15, s16, $0x38;
	[tilespmem:$0x18700] =	vst v63  }
0x71: {  	s11 =	spop (v2sf)  }
0x72: {  	s4 =	sand.u32 $0xFFFFF80, s11  }
0x73: {  	s1 =	spop (v2sf);
	s0 =	sadd.s32 s21, s4;
	s4 =	simm.s32 $0xA400  }
0x74: {  	[tilespmem:s4], [sflag:$0x1] =	stream.strided.gather [hbm4b:s0+s16], $0x1000, s15, s16, $0x38;
	[tilespmem:$0x18700] =	vst v63  }
0x75: {  	s4 =	sand.u32 $0xFFFFF80, s1  }
0x76: {  	[dreg:$0x14] =	wrdreg s1;
	s1 =	simm.s32 $0x16400;
	s0 =	sadd.s32 s2, s4  }
0x77: {  	[tilespmem:s1], [sflag:$0x2] =	stream.strided.gather [hbm4b:s0+s16], $0x1000, s15, s16, $0x38;
	[tilespmem:$0x18700] =	vst v63  }
0x78: {  	s1 =	spop (v2sf)  }
0x79: {  	s0 =	sand.u32 $0xFFFFF80, s1  }
0x7a: {  	s4 =	simm.s32 $0xB400;
	s0 =	sadd.s32 s21, s0  }
0x7b: {  	[tilespmem:s4], [sflag:$0x1] =	stream.strided.gather [hbm4b:s0+s16], $0x1000, s15, s16, $0x38;
	[tilespmem:$0x18700] =	vst v63  }
0x7c: {  	[dreg:$0x13] =	wrdreg s1;
	s1 =	spop (v2sf)  }
0x7d: {  	s4 =	sand.u32 $0xFFFFF80, s1  }
0x7e: {  	s0 =	sadd.s32 s2, s4;
	s4 =	simm.s32 $0x17400  }
0x7f: {  	[tilespmem:s4], [sflag:$0x2] =	stream.strided.gather [hbm4b:s0+s16], $0x1000, s15, s16, $0x38;
	[tilespmem:$0x18700] =	vst v63  }
0x80: {  	_ =	swait.ge [sflag:s9], $0x1000  }
0x81: {  	[sflag:s9] =	ssyncset.done $0x0  }
0x82: {  	[sflag:s9] =	ssyncadd.s32 $0xFFFFF000  }
0x83: {  	_ =	swait.ge [sflag:s10], $0x1000  }
0x84: {  	[sflag:s10] =	ssyncset.done $0x0  }
0x85: {  	[sflag:s10] =	ssyncadd.s32 $0xFFFFF000  }
0x86: {  	_ =	swait.ge [sflag:s9], $0x1000  }
0x87: {  	[sflag:s9] =	ssyncset.done $0x0  }
0x88: {  	[sflag:s9] =	ssyncadd.s32 $0xFFFFF000  }
0x89: {  	_ =	swait.ge [sflag:s10], $0x1000  }
0x8a: {  	[sflag:s10] =	ssyncset.done $0x0  }
0x8b: {  	[sflag:s10] =	ssyncadd.s32 $0xFFFFF000  }
0x8c: {  	_ =	swait.ge [sflag:s9], $0x1000  }
0x8d: {  	[sflag:s9] =	ssyncset.done $0x0  }
0x8e: {  	[sflag:s9] =	ssyncadd.s32 $0xFFFFF000  }
0x8f: {  	_ =	swait.ge [sflag:s10], $0x1000  }
0x90: {  	[sflag:s10] =	ssyncset.done $0x0  }
0x91: {  	[sflag:s10] =	ssyncadd.s32 $0xFFFFF000  }
0x92: {  	s22 =	sand.u32 $0x7F, s22;
	_ =	swait.ge [sflag:s9], $0x1000  }
0x93: {  	v29 =	vor.u32 s22, v0;
	[sflag:s9] =	ssyncset.done $0x0  }
0x94: {  	v30 =	vor.u32 s22, v1;
	s4 =	sand.u32 $0x7F, s29;
	[sflag:s9] =	ssyncadd.s32 $0xFFFFF000  }
0x95: {  	v33 =	vor.u32 s4, v0;
	_ =	swait.ge [sflag:s10], $0x1000  }
0x96: {  	s29 =	sand.u32 $0x7F, s30;
	v34 =	vor.u32 s4, v1;
	[sflag:s10] =	ssyncset.done $0x0  }
0x97: {  	v35 =	vor.u32 s29, v2;
	[sflag:s10] =	ssyncadd.s32 $0xFFFFF000  }
0x98: {  	s30 =	sand.u32 $0x7F, s24;
	v36 =	vor.u32 s29, v3;
	(v2sf) =	vpush v28, $0xC;
	v29 =	vld.idx.msk [tilespmem:v29+s16+$0x0], $0xffff  }
0x99: {  	v37 =	vor.u32 s30, v2;
	(v2sf) =	vpush v27, $0xC;
	v30 =	vld.idx.msk [tilespmem:v30+s16+$0x0], $0xffff  }
0x9a: {  	v38 =	vor.u32 s30, v3;
	s4 =	sand.u32 $0x7F, s19;
	v33 =	vld.idx.msk [tilespmem:v33+s17+$0x0], $0xffff;
	(v2sf) =	vpush v28, $0xD  }
0x9b: {  	v39 =	vor.u32 s4, v4;
	v34 =	vld.idx.msk [tilespmem:v34+s17+$0x0], $0xffff  }
0x9c: {  	s13 =	sand.u32 $0x7F, s13;
	v40 =	vor.u32 s4, v5;
	v35 =	vld.idx.msk [tilespmem:v35+s16+$0x0], $0xffff;
	(v2sf) =	vpush v27, $0xD  }
0x9d: {  	v41 =	vor.u32 s13, v4;
	v36 =	vld.idx.msk [tilespmem:v36+s16+$0x0], $0xffff  }
0x9e: {  	v42 =	vor.u32 s13, v5;
	s7 =	sand.u32 $0x7F, s7;
	v37 =	vld.idx.msk [tilespmem:v37+s17+$0x0], $0xffff  }
0x9f: {  	v43 =	vor.u32 s7, v6;
	v38 =	vld.idx.msk [tilespmem:v38+s17+$0x0], $0xffff  }
0xa0: {  	s5 =	sand.u32 $0x7F, s5;
	v44 =	vor.u32 s7, v7;
	v39 =	vld.idx.msk [tilespmem:v39+s16+$0x0], $0xffff;
	(v2sf) =	vpush v28, $0xE  }
0xa1: {  	v45 =	vor.u32 s5, v6;
	v40 =	vld.idx.msk [tilespmem:v40+s16+$0x0], $0xffff  }
0xa2: {  	v46 =	vor.u32 s5, v7;
	v41 =	vld.idx.msk [tilespmem:v41+s17+$0x0], $0xffff;
	(v2sf) =	vpush v27, $0xE  }
0xa3: {  	v42 =	vld.idx.msk [tilespmem:v42+s17+$0x0], $0xffff  }
0xa4: {  	v43 =	vld.idx.msk [tilespmem:v43+s16+$0x0], $0xffff  }
0xa5: {  	v44 =	vld.idx.msk [tilespmem:v44+s16+$0x0], $0xffff  }
0xa6: {  	v45 =	vld.idx.msk [tilespmem:v45+s17+$0x0], $0xffff  }
0xa7: {  	v46 =	vld.idx.msk [tilespmem:v46+s17+$0x0], $0xffff;
	v29 =	vmul.f32 v33, v29;
	v30 =	vmul.f32 v34, v30;
	s13 =	spop (v2sf);
	(v2sf) =	vpush v28, $0xF  }
0xa8: {  	v61 =	vmul.f32 v37, v35;
	v62 =	vmul.f32 v38, v36;
	[dreg:$0xf] =	wrdreg s13;
	s0 =	sand.u32 $0xFFFFF80, s13;
	s13 =	spop (v2sf)  }
0xa9: {  	v63 =	vmul.f32 v29, v24;
	v36 =	vmul.f32 v30, v25;
	s0 =	sadd.s32 s21, s0;
	s19 =	sand.u32 $0xFFFFF80, s13;
	s7 =	spop (v2sf);
	(v2sf) =	vpush v27, $0xF  }
0xaa: {  	v42 =	vmul.f32 v42, v40;
	v37 =	vmul.f32 v61, v24;
	[tilespmem:s16], [sflag:$0x1] =	stream.strided.gather [hbm4b:s0+s16], $0x1000, s15, s16, $0x38;
	[tilespmem:$0x18700] =	vst v63  }
0xab: {  	v38 =	vmul.f32 v62, v25;
	v28 =	vadd.f32 v36, v63;
	v27 =	vmul.f32 v41, v39;
	s0 =	sadd.s32 s2, s19;
	s22 =	sand.u32 $0xFFFFF80, s7;
	s19 =	spop (v2sf)  }
0xac: {  	v43 =	vmul.f32 v45, v43;
	v45 =	vmul.f32 v46, v44;
	[tilespmem:s17], [sflag:$0x2] =	stream.strided.gather [hbm4b:s0+s16], $0x1000, s15, s16, $0x38;
	[tilespmem:$0x18700] =	vst v63  }
0xad: {  	s24 =	simm.s32 $0x1400;
	v34 =	vmul.f32 v42, v25;
	v46 =	vadd.f32 v38, v37;
	(xrf2) =	vadd.scan.msk.f32 $0xffff, v28;
	v27 =	vmul.f32 v27, v24;
	s29 =	sand.u32 $0xFFFFF80, s19;
	s0 =	sadd.s32 s21, s22  }
0xae: {  	v29 =	vmul.f32 v43, v24;
	v47 =	vmul.f32 v45, v25;
	[tilespmem:s24], [sflag:$0x1] =	stream.strided.gather [hbm4b:s0+s16], $0x1000, s15, s16, $0x38;
	[tilespmem:$0x18700] =	vst v63  }
0xaf: {  	s30 =	simm.s32 $0xD400;
	(xrf2) =	vadd.scan.msk.f32 $0xffff, v46;
	v27 =	vadd.f32 v34, v27;
	s0 =	sadd.s32 s2, s29;
	s29 =	spop (v2sf)  }
0xb0: {  	v48 =	vadd.f32 v47, v29;
	[tilespmem:s30], [sflag:$0x2] =	stream.strided.gather [hbm4b:s0+s16], $0x1000, s15, s16, $0x38;
	[tilespmem:$0x18700] =	vst v63  }
0xb1: {  	(xrf2) =	vadd.scan.msk.f32 $0xffff, v27;
	s4 =	sand.u32 $0xFFFFF80, s29;
	s30 =	spop (v2sf)  }
0xb2: {  	s5 =	simm.s32 $0x2400;
	(xrf2) =	vadd.scan.msk.f32 $0xffff, v48;
	s0 =	sadd.s32 s21, s4;
	s24 =	sand.u32 $0xFFFFF80, s30  }
0xb3: {  	[tilespmem:s5], [sflag:$0x1] =	stream.strided.gather [hbm4b:s0+s16], $0x1000, s15, s16, $0x38;
	[tilespmem:$0x18700] =	vst v63  }
0xb4: {  	s4 =	simm.s32 $0xE400;
	s0 =	sadd.s32 s2, s24  }
0xb5: {  	[tilespmem:s4], [sflag:$0x2] =	stream.strided.gather [hbm4b:s0+s16], $0x1000, s15, s16, $0x38;
	[tilespmem:$0x18700] =	vst v63  }
0xb6: {  	s24 =	spop (v2sf)  }
0xb7: {  	s5 =	sand.u32 $0xFFFFF80, s24  }
0xb8: {  	s4 =	simm.s32 $0x3400;
	s22 =	spop (v2sf);
	s0 =	sadd.s32 s21, s5  }
0xb9: {  	v28, _, _ =	vpop (xrf2);
	[tilespmem:s4], [sflag:$0x1] =	stream.strided.gather [hbm4b:s0+s16], $0x1000, s15, s16, $0x38;
	[tilespmem:$0x18700] =	vst v63  }
0xba: {  	v30, _, _ =	vpop (xrf2);
	s5 =	sand.u32 $0xFFFFF80, s22  }
0xbb: {  	v29, _, _ =	vpop (xrf2);
	s4 =	simm.s32 $0xF400;
	s0 =	sadd.s32 s2, s5  }
0xbc: {  	v27, _, _ =	vpop (xrf2);
	[tilespmem:s4], [sflag:$0x2] =	stream.strided.gather [hbm4b:s0+s16], $0x1000, s15, s16, $0x38;
	[tilespmem:$0x18700] =	vst v63  }
0xbd: {  	_ =	swait.ge [sflag:s9], $0x1000  }
0xbe: {  	[sflag:s9] =	ssyncset.done $0x0  }
0xbf: {  	[sflag:s9] =	ssyncadd.s32 $0xFFFFF000  }
0xc0: {  	_ =	swait.ge [sflag:s10], $0x1000  }
0xc1: {  	[sflag:s10] =	ssyncset.done $0x0  }
0xc2: {  	[sflag:s10] =	ssyncadd.s32 $0xFFFFF000  }
0xc3: {  	_ =	swait.ge [sflag:s9], $0x1000  }
0xc4: {  	[sflag:s9] =	ssyncset.done $0x0  }
0xc5: {  	[sflag:s9] =	ssyncadd.s32 $0xFFFFF000  }
0xc6: {  	_ =	swait.ge [sflag:s10], $0x1000  }
0xc7: {  	[sflag:s10] =	ssyncset.done $0x0  }
0xc8: {  	[sflag:s10] =	ssyncadd.s32 $0xFFFFF000  }
0xc9: {  	_ =	swait.ge [sflag:s9], $0x1000  }
0xca: {  	[sflag:s9] =	ssyncset.done $0x0  }
0xcb: {  	[sflag:s9] =	ssyncadd.s32 $0xFFFFF000  }
0xcc: {  	_ =	swait.ge [sflag:s10], $0x1000  }
0xcd: {  	[sflag:s10] =	ssyncset.done $0x0  }
0xce: {  	[sflag:s10] =	ssyncadd.s32 $0xFFFFF000  }
0xcf: {  	s5 =	sand.u32 $0x7F, s26;
	_ =	swait.ge [sflag:s9], $0x1000  }
0xd0: {  	v49 =	vor.u32 s5, v8;
	[sflag:s9] =	ssyncset.done $0x0  }
0xd1: {  	s25 =	sand.u32 $0x7F, s25;
	v50 =	vor.u32 s5, v9;
	[sflag:s9] =	ssyncadd.s32 $0xFFFFF000  }
0xd2: {  	v51 =	vor.u32 s25, v8;
	_ =	swait.ge [sflag:s10], $0x1000  }
0xd3: {  	v52 =	vor.u32 s25, v9;
	s25 =	sand.u32 $0x7F, s31;
	[sflag:s10] =	ssyncset.done $0x0  }
0xd4: {  	v53 =	vor.u32 s25, v10;
	[sflag:s10] =	ssyncadd.s32 $0xFFFFF000  }
0xd5: {  	v54 =	vor.u32 s25, v11;
	s20 =	sand.u32 $0x7F, s20;
	v33 =	vld.idx.msk [tilespmem:v49+s16+$0x0], $0xffff  }
0xd6: {  	v55 =	vor.u32 s20, v10;
	v34 =	vld.idx.msk [tilespmem:v50+s16+$0x0], $0xffff  }
0xd7: {  	v56 =	vor.u32 s20, v11;
	s26 =	sand.u32 $0x7F, s23;
	(v2sf) =	vpush v32, $0x0;
	v35 =	vld.idx.msk [tilespmem:v51+s17+$0x0], $0xffff  }
0xd8: {  	v57 =	vor.u32 s26, v12;
	(v2sf) =	vpush v31, $0x0;
	v36 =	vld.idx.msk [tilespmem:v52+s17+$0x0], $0xffff  }
0xd9: {  	s8 =	sand.u32 $0x7F, s8;
	v58 =	vor.u32 s26, v13;
	v37 =	vld.idx.msk [tilespmem:v53+s16+$0x0], $0xffff  }
0xda: {  	v59 =	vor.u32 s8, v12;
	v38 =	vld.idx.msk [tilespmem:v54+s16+$0x0], $0xffff  }
0xdb: {  	v60 =	vor.u32 s8, v13;
	s31 =	sand.u32 $0x7F, s14;
	(v2sf) =	vpush v32, $0x1;
	v39 =	vld.idx.msk [tilespmem:v55+s17+$0x0], $0xffff  }
0xdc: {  	s3 =	sand.u32 $0x7F, s3;
	v61 =	vor.u32 s31, v20;
	v40 =	vld.idx.msk [tilespmem:v56+s17+$0x0], $0xffff  }
0xdd: {  	v47 =	vor.u32 s3, v20;
	v41 =	vld.idx.msk [tilespmem:v57+s16+$0x0], $0xffff;
	(v2sf) =	vpush v31, $0x1  }
0xde: {  	v42 =	vld.idx.msk [tilespmem:v58+s16+$0x0], $0xffff  }
0xdf: {  	v62 =	vor.u32 s31, v21;
	v43 =	vld.idx.msk [tilespmem:v59+s17+$0x0], $0xffff  }
0xe0: {  	v48 =	vor.u32 s3, v21;
	v44 =	vld.idx.msk [tilespmem:v60+s17+$0x0], $0xffff  }
0xe1: {  	v45 =	vld.idx.msk [tilespmem:v61+s16+$0x0], $0xffff  }
0xe2: {  	v47 =	vld.idx.msk [tilespmem:v47+s17+$0x0], $0xffff;
	(v2sf) =	vpush v32, $0x2  }
0xe3: {  	(v2sf) =	vpush v31, $0x2  }
0xe4: {  	v46 =	vld.idx.msk [tilespmem:v62+s16+$0x0], $0xffff;
	v33 =	vmul.f32 v35, v33  }
0xe5: {  	v48 =	vld.idx.msk [tilespmem:v48+s17+$0x0], $0xffff;
	v34 =	vmul.f32 v36, v34;
	v63 =	vmul.f32 v39, v37  }
0xe6: {  	v40 =	vmul.f32 v40, v38;
	v43 =	vmul.f32 v43, v41;
	s4 =	spop (v2sf)  }
0xe7: {  	v44 =	vmul.f32 v44, v42;
	v47 =	vmul.f32 v47, v45;
	s0 =	sand.u32 $0xFFFFF80, s4;
	s14 =	spop (v2sf)  }
0xe8: {  	s5 =	simm.s32 $0x4400;
	v33 =	vmul.f32 v33, v24;
	v34 =	vmul.f32 v34, v25;
	(v2sf) =	vpush v32, $0x3;
	s0 =	sadd.s32 s21, s0;
	s8 =	sand.u32 $0xFFFFF80, s14  }
0xe9: {  	v35 =	vmul.f32 v63, v24;
	v36 =	vmul.f32 v40, v25;
	[tilespmem:s5], [sflag:$0x1] =	stream.strided.gather [hbm4b:s0+s16], $0x1000, s15, s16, $0x38;
	[tilespmem:$0x18700] =	vst v63  }
0xea: {  	s20 =	simm.s32 $0x10400;
	v49 =	vmul.f32 v48, v46;
	v33 =	vadd.f32 v34, v33;
	s0 =	sadd.s32 s2, s8;
	s8 =	spop (v2sf);
	(v2sf) =	vpush v31, $0x3  }
0xeb: {  	v37 =	vmul.f32 v43, v24;
	v38 =	vmul.f32 v44, v25;
	v50 =	vadd.f32 v36, v35;
	[tilespmem:s20], [sflag:$0x2] =	stream.strided.gather [hbm4b:s0+s16], $0x1000, s15, s16, $0x38;
	[tilespmem:$0x18700] =	vst v63  }
0xec: {  	(xrf2) =	vadd.scan.msk.f32 $0xffff, v33;
	s23 =	sand.u32 $0xFFFFF80, s8;
	s20 =	spop (v2sf)  }
0xed: {  	s25 =	simm.s32 $0x5400;
	v51 =	vmul.f32 v49, v25;
	v34 =	vmul.f32 v47, v24;
	v52 =	vadd.f32 v38, v37;
	(xrf2) =	vadd.scan.msk.f32 $0xffff, v50;
	s0 =	sadd.s32 s21, s23;
	s26 =	sand.u32 $0xFFFFF80, s20  }
0xee: {  	[tilespmem:s25], [sflag:$0x1] =	stream.strided.gather [hbm4b:s0+s16], $0x1000, s15, s16, $0x38;
	[tilespmem:$0x18700] =	vst v63  }
0xef: {  	s31 =	simm.s32 $0x11400;
	v53 =	vadd.f32 v51, v34;
	(xrf2) =	vadd.scan.msk.f32 $0xffff, v52;
	s0 =	sadd.s32 s2, s26  }
0xf0: {  	[tilespmem:s31], [sflag:$0x2] =	stream.strided.gather [hbm4b:s0+s16], $0x1000, s15, s16, $0x38;
	[tilespmem:$0x18700] =	vst v63  }
0xf1: {  	(xrf2) =	vadd.scan.msk.f32 $0xffff, v53;
	s31 =	spop (v2sf)  }
0xf2: {  	[dreg:$0x10] =	wrdreg s4;
	s4 =	sand.u32 $0xFFFFF80, s31;
	s25 =	spop (v2sf)  }
0xf3: {  	s5 =	simm.s32 $0x6400;
	s0 =	sadd.s32 s21, s4;
	s23 =	sand.u32 $0xFFFFF80, s25  }
0xf4: {  	[tilespmem:s5], [sflag:$0x1] =	stream.strided.gather [hbm4b:s0+s16], $0x1000, s15, s16, $0x38;
	[tilespmem:$0x18700] =	vst v63  }
0xf5: {  	s26 =	simm.s32 $0x12400;
	s0 =	sadd.s32 s2, s23  }
0xf6: {  	[tilespmem:s26], [sflag:$0x2] =	stream.strided.gather [hbm4b:s0+s16], $0x1000, s15, s16, $0x38;
	[tilespmem:$0x18700] =	vst v63  }
0xf7: {  	v36, _, _ =	vpop (xrf2);
	s26 =	spop (v2sf)  }
0xf8: {  	v26, _, _ =	vpop (xrf2);
	s4 =	sand.u32 $0xFFFFF80, s26  }
0xf9: {  	[tilespmem:$0x1FF90] =	vst v26;
	s5 =	simm.s32 $0x7400;
	s0 =	sadd.s32 s21, s4;
	s23 =	spop (v2sf)  }
0xfa: {  	v26, _, _ =	vpop (xrf2);
	[tilespmem:s5], [sflag:$0x1] =	stream.strided.gather [hbm4b:s0+s16], $0x1000, s15, s16, $0x38;
	[tilespmem:$0x18700] =	vst v63  }
0xfb: {  	[tilespmem:$0x1FFA0] =	vst v26;
	v26, _, _ =	vpop (xrf2);
	s3 =	sand.u32 $0xFFFFF80, s23  }
0xfc: {  	[tilespmem:$0x1FFB0] =	vst v26;
	s4 =	simm.s32 $0x13400;
	s0 =	sadd.s32 s2, s3  }
0xfd: {  	[tilespmem:s4], [sflag:$0x2] =	stream.strided.gather [hbm4b:s0+s16], $0x1000, s15, s16, $0x38;
	[tilespmem:$0x18700] =	vst v63  }
0xfe: {  	_ =	swait.ge [sflag:s9], $0x1000  }
0xff: {  	[sflag:s9] =	ssyncset.done $0x0  }
0x100: {  	[sflag:s9] =	ssyncadd.s32 $0xFFFFF000  }
0x101: {  	_ =	swait.ge [sflag:s10], $0x1000  }
0x102: {  	[sflag:s10] =	ssyncset.done $0x0  }
0x103: {  	[sflag:s10] =	ssyncadd.s32 $0xFFFFF000  }
0x104: {  	_ =	swait.ge [sflag:s9], $0x1000  }
0x105: {  	[sflag:s9] =	ssyncset.done $0x0  }
0x106: {  	[sflag:s9] =	ssyncadd.s32 $0xFFFFF000  }
0x107: {  	_ =	swait.ge [sflag:s10], $0x1000  }
0x108: {  	[sflag:s10] =	ssyncset.done $0x0  }
0x109: {  	[sflag:s10] =	ssyncadd.s32 $0xFFFFF000  }
0x10a: {  	_ =	swait.ge [sflag:s9], $0x1000  }
0x10b: {  	[sflag:s9] =	ssyncset.done $0x0  }
0x10c: {  	[sflag:s9] =	ssyncadd.s32 $0xFFFFF000  }
0x10d: {  	_ =	swait.ge [sflag:s10], $0x1000  }
0x10e: {  	[sflag:s10] =	ssyncset.done $0x0  }
0x10f: {  	[sflag:s10] =	ssyncadd.s32 $0xFFFFF000  }
0x110: {  	s5 =	sand.u32 $0x7F, s6;
	_ =	swait.ge [sflag:s9], $0x1000  }
0x111: {  	v54 =	vor.u32 s5, v16;
	[sflag:s9] =	ssyncset.done $0x0  }
0x112: {  	s18 =	sand.u32 $0x7F, s18;
	v55 =	vor.u32 s5, v17;
	[sflag:s9] =	ssyncadd.s32 $0xFFFFF000  }
0x113: {  	v56 =	vor.u32 s18, v16;
	_ =	swait.ge [sflag:s10], $0x1000  }
0x114: {  	v57 =	vor.u32 s18, v17;
	s6 =	sand.u32 $0x7F, s28;
	[sflag:s10] =	ssyncset.done $0x0  }
0x115: {  	v58 =	vor.u32 s6, v18;
	[sflag:s10] =	ssyncadd.s32 $0xFFFFF000  }
0x116: {  	s12 =	sand.u32 $0x7F, s12;
	v59 =	vor.u32 s6, v14;
	v37 =	vld.idx.msk [tilespmem:v54+s16+$0x0], $0xffff  }
0x117: {  	v60 =	vor.u32 s12, v18;
	v38 =	vld.idx.msk [tilespmem:v55+s16+$0x0], $0xffff  }
0x118: {  	v61 =	vor.u32 s12, v14;
	s18 =	sand.u32 $0x7F, s11;
	v39 =	vld.idx.msk [tilespmem:v56+s17+$0x0], $0xffff  }
0x119: {  	v62 =	vor.u32 s18, v15;
	(v2sf) =	vpush v32, $0x4;
	v40 =	vld.idx.msk [tilespmem:v57+s17+$0x0], $0xffff  }
0x11a: {  	s11 =	sand.u32 $0x7F, s1;
	v63 =	vor.u32 s18, v19;
	(v2sf) =	vpush v31, $0x4;
	v41 =	vld.idx.msk [tilespmem:v58+s16+$0x0], $0xffff  }
0x11b: {  	v51 =	vor.u32 s11, v22;
	s4 =	rddreg [dreg:$0x14];
	v42 =	vld.idx.msk [tilespmem:v59+s16+$0x0], $0xffff  }
0x11c: {  	v52 =	vor.u32 s11, v23;
	s5 =	sand.u32 $0x7F, s4;
	(v2sf) =	vpush v32, $0x5;
	v43 =	vld.idx.msk [tilespmem:v60+s17+$0x0], $0xffff  }
0x11d: {  	s6 =	rddreg [dreg:$0x13];
	v33 =	vor.u32 s5, v15;
	v44 =	vld.idx.msk [tilespmem:v61+s17+$0x0], $0xffff  }
0x11e: {  	s0 =	sand.u32 $0x7F, s6;
	v34 =	vor.u32 s5, v19;
	v45 =	vld.idx.msk [tilespmem:v62+s16+$0x0], $0xffff;
	(v2sf) =	vpush v31, $0x5  }
0x11f: {  	v49 =	vor.u32 s0, v22;
	v46 =	vld.idx.msk [tilespmem:v63+s16+$0x0], $0xffff  }
0x120: {  	v50 =	vor.u32 s0, v23;
	v51 =	vld.idx.msk [tilespmem:v51+s17+$0x0], $0xffff  }
0x121: {  	v52 =	vld.idx.msk [tilespmem:v52+s17+$0x0], $0xffff  }
0x122: {  	(v2sf) =	vpush v32, $0x6;
	v47 =	vld.idx.msk [tilespmem:v33+s17+$0x0], $0xffff  }
0x123: {  	v48 =	vld.idx.msk [tilespmem:v34+s17+$0x0], $0xffff  }
0x124: {  	(v2sf) =	vpush v31, $0x6;
	v49 =	vld.idx.msk [tilespmem:v49+s16+$0x0], $0xffff;
	v37 =	vmul.f32 v39, v37;
	v38 =	vmul.f32 v40, v38  }
0x125: {  	v50 =	vld.idx.msk [tilespmem:v50+s16+$0x0], $0xffff;
	v35 =	vmul.f32 v43, v41;
	v44 =	vmul.f32 v44, v42  }
0x126: {  	v37 =	vmul.f32 v37, v24;
	v38 =	vmul.f32 v38, v25;
	_ =	sdelay $0x1  }
0x127: {  	v39 =	vmul.f32 v35, v24;
	v40 =	vmul.f32 v44, v25;
	v37 =	vadd.f32 v38, v37;
	s12 =	spop (v2sf)  }
0x128: {  	s1 =	simm.s32 $0x8400;
	v45 =	vmul.f32 v47, v45;
	v47 =	vmul.f32 v48, v46;
	(v2sf) =	vpush v32, $0x7;
	[dreg:$0x11] =	wrdreg s12;
	s18 =	spop (v2sf)  }
0x129: {  	s6 =	simm.s32 $0x14400;
	v48 =	vmul.f32 v51, v49;
	v49 =	vmul.f32 v52, v50;
	v50 =	vadd.f32 v40, v39;
	s0 =	sand.u32 $0xFFFFF80, s12;
	[dreg:$0x12] =	wrdreg s18  }
0x12a: {  	(xrf2) =	vadd.scan.msk.f32 $0xffff, v37;
	v41 =	vmul.f32 v45, v24;
	v42 =	vmul.f32 v47, v25;
	s0 =	sadd.s32 s21, s0;
	s5 =	sand.u32 $0xFFFFF80, s18;
	s18 =	spop (v2sf);
	(v2sf) =	vpush v31, $0x7  }
0x12b: {  	[tilespmem:s1], [sflag:$0x1] =	stream.strided.gather [hbm4b:s0+s16], $0x1000, s15, s16, $0x38;
	[tilespmem:$0x18700] =	vst v63  }
0x12c: {  	v38 =	vmul.f32 v48, v24;
	v51 =	vmul.f32 v49, v25;
	(xrf2) =	vadd.scan.msk.f32 $0xffff, v50;
	v52 =	vadd.f32 v42, v41;
	s0 =	sadd.s32 s2, s5;
	s11 =	sand.u32 $0xFFFFF80, s18;
	s1 =	spop (v2sf)  }
0x12d: {  	[tilespmem:s6], [sflag:$0x2] =	stream.strided.gather [hbm4b:s0+s16], $0x1000, s15, s16, $0x38;
	[tilespmem:$0x18700] =	vst v63  }
0x12e: {  	s12 =	simm.s32 $0x9400;
	v53 =	vadd.f32 v51, v38;
	(xrf2) =	vadd.scan.msk.f32 $0xffff, v52;
	s3 =	sand.u32 $0xFFFFF80, s1;
	s0 =	sadd.s32 s21, s11  }
0x12f: {  	[tilespmem:s12], [sflag:$0x1] =	stream.strided.gather [hbm4b:s0+s16], $0x1000, s15, s16, $0x38;
	[tilespmem:$0x18700] =	vst v63  }
0x130: {  	s4 =	simm.s32 $0x15400;
	(xrf2) =	vadd.scan.msk.f32 $0xffff, v53;
	s6 =	spop (v2sf);
	s0 =	sadd.s32 s2, s3  }
0x131: {  	[tilespmem:s4], [sflag:$0x2] =	stream.strided.gather [hbm4b:s0+s16], $0x1000, s15, s16, $0x38;
	[tilespmem:$0x18700] =	vst v63  }
0x132: {  	s5 =	sand.u32 $0xFFFFF80, s6;
	s4 =	spop (v2sf)  }
0x133: {  	s11 =	sadd.s32 s21, s5;
	s12 =	simm.s32 $0xA400;
	s0 =	sand.u32 $0xFFFFF80, s4  }
0x134: {  	[tilespmem:s12], [sflag:$0x1] =	stream.strided.gather [hbm4b:s11+s16], $0x1000, s15, s16, $0x38;
	[tilespmem:$0x18700] =	vst v63  }
0x135: {  	s3 =	simm.s32 $0x16400;
	s11 =	sadd.s32 s2, s0  }
0x136: {  	[tilespmem:s3], [sflag:$0x2] =	stream.strided.gather [hbm4b:s11+s16], $0x1000, s15, s16, $0x38;
	[tilespmem:$0x18700] =	vst v63  }
0x137: {  	s11 =	spop (v2sf)  }
0x138: {  	v33, _, _ =	vpop (xrf2);
	s5 =	sand.u32 $0xFFFFF80, s11  }
0x139: {  	v34, _, _ =	vpop (xrf2);
	s12 =	simm.s32 $0xB400;
	s28 =	spop (v2sf);
	s0 =	sadd.s32 s21, s5  }
0x13a: {  	v26, _, _ =	vpop (xrf2);
	[tilespmem:s12], [sflag:$0x1] =	stream.strided.gather [hbm4b:s0+s16], $0x1000, s15, s16, $0x38;
	[tilespmem:$0x18700] =	vst v63  }
0x13b: {  	[tilespmem:$0x1FFC0] =	vst v26;
	v26, _, _ =	vpop (xrf2);
	s5 =	sand.u32 $0xFFFFF80, s28  }
0x13c: {  	[tilespmem:$0x1FFD0] =	vst v26;
	s12 =	simm.s32 $0x17400;
	s0 =	sadd.s32 s2, s5  }
0x13d: {  	[tilespmem:s12], [sflag:$0x2] =	stream.strided.gather [hbm4b:s0+s16], $0x1000, s15, s16, $0x38;
	[tilespmem:$0x18700] =	vst v63  }
0x13e: {  	_ =	swait.ge [sflag:s9], $0x1000  }
0x13f: {  	[sflag:s9] =	ssyncset.done $0x0  }
0x140: {  	[sflag:s9] =	ssyncadd.s32 $0xFFFFF000  }
0x141: {  	_ =	swait.ge [sflag:s10], $0x1000  }
0x142: {  	[sflag:s10] =	ssyncset.done $0x0  }
0x143: {  	[sflag:s10] =	ssyncadd.s32 $0xFFFFF000  }
0x144: {  	_ =	swait.ge [sflag:s9], $0x1000  }
0x145: {  	[sflag:s9] =	ssyncset.done $0x0  }
0x146: {  	[sflag:s9] =	ssyncadd.s32 $0xFFFFF000  }
0x147: {  	_ =	swait.ge [sflag:s10], $0x1000  }
0x148: {  	[sflag:s10] =	ssyncset.done $0x0  }
0x149: {  	[sflag:s10] =	ssyncadd.s32 $0xFFFFF000  }
0x14a: {  	_ =	swait.ge [sflag:s9], $0x1000  }
0x14b: {  	[sflag:s9] =	ssyncset.done $0x0  }
0x14c: {  	[sflag:s9] =	ssyncadd.s32 $0xFFFFF000  }
0x14d: {  	_ =	swait.ge [sflag:s10], $0x1000  }
0x14e: {  	[sflag:s10] =	ssyncset.done $0x0  }
0x14f: {  	[sflag:s10] =	ssyncadd.s32 $0xFFFFF000  }
0x150: {  	s12 =	sand.u32 $0x7F, s13;
	_ =	swait.ge [sflag:s9], $0x1000  }
0x151: {  	v56 =	vor.u32 s12, v0;
	[sflag:s9] =	ssyncset.done $0x0  }
0x152: {  	s13 =	sand.u32 $0x7F, s7;
	v57 =	vor.u32 s12, v1;
	[sflag:s9] =	ssyncadd.s32 $0xFFFFF000  }
0x153: {  	v58 =	vor.u32 s13, v2;
	s5 =	rddreg [dreg:$0xf];
	_ =	swait.ge [sflag:s10], $0x1000  }
0x154: {  	s19 =	sand.u32 $0x7F, s19;
	v59 =	vor.u32 s13, v3;
	[sflag:s10] =	ssyncset.done $0x0  }
0x155: {  	v60 =	vor.u32 s19, v2;
	[sflag:s10] =	ssyncadd.s32 $0xFFFFF000  }
0x156: {  	s29 =	sand.u32 $0x7F, s29;
	v61 =	vor.u32 s19, v3;
	v43 =	vld.idx.msk [tilespmem:v56+s17+$0x0], $0xffff  }
0x157: {  	v62 =	vor.u32 s29, v4;
	v44 =	vld.idx.msk [tilespmem:v57+s17+$0x0], $0xffff  }
0x158: {  	v63 =	vor.u32 s29, v5;
	s3 =	sand.u32 $0x7F, s30;
	(v2sf) =	vpush v32, $0x8;
	v45 =	vld.idx.msk [tilespmem:v58+s16+$0x0], $0xffff  }
0x159: {  	v35 =	vor.u32 s3, v4;
	s0 =	sand.u32 $0x7F, s5;
	(v2sf) =	vpush v31, $0x8;
	v46 =	vld.idx.msk [tilespmem:v59+s16+$0x0], $0xffff  }
0x15a: {  	v54 =	vor.u32 s0, v0;
	(v2sf) =	vpush v32, $0x9;
	v47 =	vld.idx.msk [tilespmem:v60+s17+$0x0], $0xffff  }
0x15b: {  	v55 =	vor.u32 s0, v1;
	v48 =	vld.idx.msk [tilespmem:v61+s17+$0x0], $0xffff  }
0x15c: {  	v37 =	vor.u32 s3, v5;
	s7 =	sand.u32 $0x7F, s24;
	v49 =	vld.idx.msk [tilespmem:v62+s16+$0x0], $0xffff;
	(v2sf) =	vpush v31, $0x9  }
0x15d: {  	v53 =	vor.u32 s7, v6;
	s12 =	sand.u32 $0x7F, s22;
	v50 =	vld.idx.msk [tilespmem:v63+s16+$0x0], $0xffff  }
0x15e: {  	v51 =	vld.idx.msk [tilespmem:v35+s17+$0x0], $0xffff;
	v56 =	vor.u32 s12, v7  }
0x15f: {  	v41 =	vld.idx.msk [tilespmem:v54+s16+$0x0], $0xffff;
	v54 =	vor.u32 s7, v7  }
0x160: {  	v42 =	vld.idx.msk [tilespmem:v55+s16+$0x0], $0xffff;
	v55 =	vor.u32 s12, v6;
	(v2sf) =	vpush v32, $0xA  }
0x161: {  	v52 =	vld.idx.msk [tilespmem:v37+s17+$0x0], $0xffff;
	(v2sf) =	vpush v31, $0xA  }
0x162: {  	v53 =	vld.idx.msk [tilespmem:v53+s16+$0x0], $0xffff  }
0x163: {  	v56 =	vld.idx.msk [tilespmem:v56+s17+$0x0], $0xffff  }
0x164: {  	v38 =	vmul.f32 v47, v45;
	v54 =	vld.idx.msk [tilespmem:v54+s16+$0x0], $0xffff  }
0x165: {  	v55 =	vld.idx.msk [tilespmem:v55+s17+$0x0], $0xffff;
	v41 =	vmul.f32 v43, v41;
	v42 =	vmul.f32 v44, v42  }
0x166: {  	v48 =	vmul.f32 v48, v46;
	v49 =	vmul.f32 v51, v49  }
0x167: {  	v41 =	vmul.f32 v41, v24;
	v42 =	vmul.f32 v42, v25;
	s5 =	spop (v2sf);
	(v2sf) =	vpush v32, $0xB  }
0x168: {  	v50 =	vmul.f32 v52, v50;
	v43 =	vmul.f32 v38, v24;
	s13 =	sand.u32 $0xFFFFF80, s5;
	s7 =	spop (v2sf)  }
0x169: {  	v44 =	vmul.f32 v48, v25;
	v41 =	vadd.f32 v42, v41;
	s0 =	sadd.s32 s21, s13;
	s19 =	sand.u32 $0xFFFFF80, s7;
	s13 =	spop (v2sf);
	(v2sf) =	vpush v31, $0xB  }
0x16a: {  	v51 =	vmul.f32 v55, v53;
	v52 =	vmul.f32 v56, v54;
	[tilespmem:s16], [sflag:$0x1] =	stream.strided.gather [hbm4b:s0+s16], $0x1000, s15, s16, $0x38;
	[tilespmem:$0x18700] =	vst v63  }
0x16b: {  	v45 =	vmul.f32 v49, v24;
	v46 =	vmul.f32 v50, v25;
	v53 =	vadd.f32 v44, v43;
	(xrf2) =	vadd.scan.msk.f32 $0xffff, v41;
	s0 =	sadd.s32 s2, s19;
	s22 =	sand.u32 $0xFFFFF80, s13;
	s19 =	spop (v2sf)  }
0x16c: {  	v42 =	vmul.f32 v51, v24;
	v54 =	vmul.f32 v52, v25;
	[tilespmem:s17], [sflag:$0x2] =	stream.strided.gather [hbm4b:s0+s16], $0x1000, s15, s16, $0x38;
	[tilespmem:$0x18700] =	vst v63  }
0x16d: {  	s24 =	simm.s32 $0x1400;
	v55 =	vadd.f32 v46, v45;
	(xrf2) =	vadd.scan.msk.f32 $0xffff, v53;
	s29 =	sand.u32 $0xFFFFF80, s19;
	s0 =	sadd.s32 s21, s22  }
0x16e: {  	v56 =	vadd.f32 v54, v42;
	[tilespmem:s24], [sflag:$0x1] =	stream.strided.gather [hbm4b:s0+s16], $0x1000, s15, s16, $0x38;
	[tilespmem:$0x18700] =	vst v63  }
0x16f: {  	(xrf2) =	vadd.scan.msk.f32 $0xffff, v55;
	s0 =	sadd.s32 s2, s29;
	s29 =	spop (v2sf)  }
0x170: {  	s30 =	simm.s32 $0xD400;
	(xrf2) =	vadd.scan.msk.f32 $0xffff, v56;
	s3 =	sand.u32 $0xFFFFF80, s29;
	s24 =	spop (v2sf)  }
0x171: {  	[tilespmem:s30], [sflag:$0x2] =	stream.strided.gather [hbm4b:s0+s16], $0x1000, s15, s16, $0x38;
	[tilespmem:$0x18700] =	vst v63  }
0x172: {  	s12 =	simm.s32 $0x2400;
	s0 =	sadd.s32 s21, s3;
	s22 =	sand.u32 $0xFFFFF80, s24  }
0x173: {  	[tilespmem:s12], [sflag:$0x1] =	stream.strided.gather [hbm4b:s0+s16], $0x1000, s15, s16, $0x38;
	[tilespmem:$0x18700] =	vst v63  }
0x174: {  	s30 =	simm.s32 $0xE400;
	s0 =	sadd.s32 s2, s22  }
0x175: {  	[tilespmem:s30], [sflag:$0x2] =	stream.strided.gather [hbm4b:s0+s16], $0x1000, s15, s16, $0x38;
	[tilespmem:$0x18700] =	vst v63  }
0x176: {  	s30 =	spop (v2sf)  }
0x177: {  	v44, _, _ =	vpop (xrf2);
	s3 =	sand.u32 $0xFFFFF80, s30  }
0x178: {  	s12 =	simm.s32 $0x3400;
	v43, _, _ =	vpop (xrf2);
	s22 =	spop (v2sf);
	s0 =	sadd.s32 s21, s3  }
0x179: {  	v42, _, _ =	vpop (xrf2);
	[tilespmem:s12], [sflag:$0x1] =	stream.strided.gather [hbm4b:s0+s16], $0x1000, s15, s16, $0x38;
	[tilespmem:$0x18700] =	vst v63  }
0x17a: {  	v26, _, _ =	vpop (xrf2);
	s3 =	sand.u32 $0xFFFFF80, s22  }
0x17b: {  	[tilespmem:$0x1FFE0] =	vst v26;
	s12 =	simm.s32 $0xF400;
	s0 =	sadd.s32 s2, s3  }
0x17c: {  	[tilespmem:s12], [sflag:$0x2] =	stream.strided.gather [hbm4b:s0+s16], $0x1000, s15, s16, $0x38;
	[tilespmem:$0x18700] =	vst v63  }
0x17d: {  	_ =	swait.ge [sflag:s9], $0x1000  }
0x17e: {  	[sflag:s9] =	ssyncset.done $0x0  }
0x17f: {  	[sflag:s9] =	ssyncadd.s32 $0xFFFFF000  }
0x180: {  	_ =	swait.ge [sflag:s10], $0x1000  }
0x181: {  	[sflag:s10] =	ssyncset.done $0x0  }
0x182: {  	[sflag:s10] =	ssyncadd.s32 $0xFFFFF000  }
0x183: {  	_ =	swait.ge [sflag:s9], $0x1000  }
0x184: {  	[sflag:s9] =	ssyncset.done $0x0  }
0x185: {  	[sflag:s9] =	ssyncadd.s32 $0xFFFFF000  }
0x186: {  	_ =	swait.ge [sflag:s10], $0x1000  }
0x187: {  	[sflag:s10] =	ssyncset.done $0x0  }
0x188: {  	[sflag:s10] =	ssyncadd.s32 $0xFFFFF000  }
0x189: {  	_ =	swait.ge [sflag:s9], $0x1000  }
0x18a: {  	[sflag:s9] =	ssyncset.done $0x0  }
0x18b: {  	[sflag:s9] =	ssyncadd.s32 $0xFFFFF000  }
0x18c: {  	_ =	swait.ge [sflag:s10], $0x1000  }
0x18d: {  	[sflag:s10] =	ssyncset.done $0x0  }
0x18e: {  	[sflag:s10] =	ssyncadd.s32 $0xFFFFF000  }
0x18f: {  	s12 =	sand.u32 $0x7F, s14;
	_ =	swait.ge [sflag:s9], $0x1000  }
0x190: {  	v59 =	vor.u32 s12, v8;
	[sflag:s9] =	ssyncset.done $0x0  }
0x191: {  	s14 =	sand.u32 $0x7F, s8;
	v60 =	vor.u32 s12, v9;
	[sflag:s9] =	ssyncadd.s32 $0xFFFFF000  }
0x192: {  	v61 =	vor.u32 s14, v10;
	s3 =	rddreg [dreg:$0x10];
	_ =	swait.ge [sflag:s10], $0x1000  }
0x193: {  	s20 =	sand.u32 $0x7F, s20;
	v62 =	vor.u32 s14, v11;
	[sflag:s10] =	ssyncset.done $0x0  }
0x194: {  	v63 =	vor.u32 s20, v10;
	[sflag:s10] =	ssyncadd.s32 $0xFFFFF000  }
0x195: {  	v35 =	vor.u32 s20, v11;
	s8 =	sand.u32 $0x7F, s25;
	(v2sf) =	vpush v32, $0xC;
	v47 =	vld.idx.msk [tilespmem:v59+s17+$0x0], $0xffff  }
0x196: {  	v39 =	vor.u32 s8, v12;
	(v2sf) =	vpush v31, $0xC;
	v48 =	vld.idx.msk [tilespmem:v60+s17+$0x0], $0xffff  }
0x197: {  	v40 =	vor.u32 s8, v13;
	s0 =	sand.u32 $0x7F, s3;
	(v2sf) =	vpush v32, $0xD;
	v49 =	vld.idx.msk [tilespmem:v61+s16+$0x0], $0xffff  }
0x198: {  	v57 =	vor.u32 s0, v8;
	v50 =	vld.idx.msk [tilespmem:v62+s16+$0x0], $0xffff  }
0x199: {  	s3 =	sand.u32 $0x7F, s31;
	v58 =	vor.u32 s0, v9;
	v51 =	vld.idx.msk [tilespmem:v63+s17+$0x0], $0xffff;
	(v2sf) =	vpush v31, $0xD  }
0x19a: {  	v37 =	vor.u32 s3, v12;
	v52 =	vld.idx.msk [tilespmem:v35+s17+$0x0], $0xffff  }
0x19b: {  	s14 =	sand.u32 $0x7F, s23;
	v38 =	vor.u32 s3, v13;
	v55 =	vld.idx.msk [tilespmem:v39+s17+$0x0], $0xffff  }
0x19c: {  	v59 =	vor.u32 s14, v20;
	v56 =	vld.idx.msk [tilespmem:v40+s17+$0x0], $0xffff  }
0x19d: {  	s12 =	sand.u32 $0x7F, s26;
	v60 =	vor.u32 s14, v21;
	v45 =	vld.idx.msk [tilespmem:v57+s16+$0x0], $0xffff;
	(v2sf) =	vpush v32, $0xE  }
0x19e: {  	v46 =	vld.idx.msk [tilespmem:v58+s16+$0x0], $0xffff;
	v57 =	vor.u32 s12, v20  }
0x19f: {  	v53 =	vld.idx.msk [tilespmem:v37+s16+$0x0], $0xffff;
	v58 =	vor.u32 s12, v21;
	(v2sf) =	vpush v31, $0xE  }
0x1a0: {  	v54 =	vld.idx.msk [tilespmem:v38+s16+$0x0], $0xffff  }
0x1a1: {  	v59 =	vld.idx.msk [tilespmem:v59+s17+$0x0], $0xffff  }
0x1a2: {  	v60 =	vld.idx.msk [tilespmem:v60+s17+$0x0], $0xffff  }
0x1a3: {  	v57 =	vld.idx.msk [tilespmem:v57+s16+$0x0], $0xffff  }
0x1a4: {  	s23 =	simm.s32 $0x4400;
	v58 =	vld.idx.msk [tilespmem:v58+s16+$0x0], $0xffff;
	v41 =	vmul.f32 v47, v45;
	v48 =	vmul.f32 v48, v46;
	s3 =	spop (v2sf);
	(v2sf) =	vpush v32, $0xF  }
0x1a5: {  	s26 =	simm.s32 $0x10400;
	v61 =	vmul.f32 v51, v49;
	v62 =	vmul.f32 v52, v50;
	s20 =	sand.u32 $0xFFFFF80, s3;
	s8 =	spop (v2sf)  }
0x1a6: {  	v45 =	vmul.f32 v48, v25;
	v32 =	vmul.f32 v41, v24;
	(v2sf) =	vpush v31, $0xF;
	s0 =	sadd.s32 s21, s20;
	s25 =	sand.u32 $0xFFFFF80, s8;
	s14 =	spop (v2sf)  }
0x1a7: {  	v63 =	vmul.f32 v61, v24;
	v37 =	vmul.f32 v62, v25;
	[tilespmem:s23], [sflag:$0x1] =	stream.strided.gather [hbm4b:s0+s16], $0x1000, s15, s16, $0x38;
	[tilespmem:$0x18700] =	vst v63  }
0x1a8: {  	v38 =	vmul.f32 v55, v53;
	v39 =	vmul.f32 v56, v54;
	v32 =	vadd.f32 v45, v32;
	s0 =	sadd.s32 s2, s25;
	s31 =	sand.u32 $0xFFFFF80, s14;
	s20 =	spop (v2sf)  }
0x1a9: {  	v40 =	vmul.f32 v59, v57;
	v41 =	vmul.f32 v60, v58;
	[tilespmem:s26], [sflag:$0x2] =	stream.strided.gather [hbm4b:s0+s16], $0x1000, s15, s16, $0x38;
	[tilespmem:$0x18700] =	vst v63  }
0x1aa: {  	s12 =	simm.s32 $0x5400;
	v51 =	vmul.f32 v38, v24;
	v52 =	vmul.f32 v39, v25;
	v31 =	vadd.f32 v37, v63;
	(xrf2) =	vadd.scan.msk.f32 $0xffff, v32;
	s25 =	sand.u32 $0xFFFFF80, s20;
	s0 =	sadd.s32 s21, s31  }
0x1ab: {  	v53 =	vmul.f32 v40, v24;
	v54 =	vmul.f32 v41, v25;
	[tilespmem:s12], [sflag:$0x1] =	stream.strided.gather [hbm4b:s0+s16], $0x1000, s15, s16, $0x38;
	[tilespmem:$0x18700] =	vst v63  }
0x1ac: {  	v55 =	vadd.f32 v52, v51;
	s23 =	spop (v2sf);
	(xrf2) =	vadd.scan.msk.f32 $0xffff, v31;
	s26 =	simm.s32 $0x11400;
	s0 =	sadd.s32 s2, s25  }
0x1ad: {  	v32 =	vadd.f32 v54, v53;
	[tilespmem:s26], [sflag:$0x2] =	stream.strided.gather [hbm4b:s0+s16], $0x1000, s15, s16, $0x38;
	[tilespmem:$0x18700] =	vst v63  }
0x1ae: {  	s31 =	sand.u32 $0xFFFFF80, s23;
	(xrf2) =	vadd.scan.msk.f32 $0xffff, v55;
	s26 =	spop (v2sf)  }
0x1af: {  	(xrf2) =	vadd.scan.msk.f32 $0xffff, v32;
	s12 =	simm.s32 $0x6400;
	s0 =	sadd.s32 s21, s31;
	s25 =	sand.u32 $0xFFFFF80, s26  }
0x1b0: {  	[tilespmem:s12], [sflag:$0x1] =	stream.strided.gather [hbm4b:s0+s16], $0x1000, s15, s16, $0x38;
	[tilespmem:$0x18700] =	vst v63  }
0x1b1: {  	s0 =	sadd.s32 s2, s25;
	s12 =	simm.s32 $0x12400  }
0x1b2: {  	[tilespmem:s12], [sflag:$0x2] =	stream.strided.gather [hbm4b:s0+s16], $0x1000, s15, s16, $0x38;
	[tilespmem:$0x18700] =	vst v63  }
0x1b3: {  	s31 =	spop (v2sf)  }
0x1b4: {  	s12 =	sand.u32 $0xFFFFF80, s31  }
0x1b5: {  	s25 =	spop (v2sf);
	s0 =	sadd.s32 s21, s12;
	s12 =	simm.s32 $0x7400  }
0x1b6: {  	v45, _, _ =	vpop (xrf2);
	[tilespmem:s12], [sflag:$0x1] =	stream.strided.gather [hbm4b:s0+s16], $0x1000, s15, s16, $0x38;
	[tilespmem:$0x18700] =	vst v63  }
0x1b7: {  	v40, _, _ =	vpop (xrf2);
	s12 =	sand.u32 $0xFFFFF80, s25  }
0x1b8: {  	v46, _, _ =	vpop (xrf2);
	s0 =	sadd.s32 s2, s12;
	s12 =	simm.s32 $0x13400  }
0x1b9: {  	v41, _, _ =	vpop (xrf2);
	[tilespmem:s12], [sflag:$0x2] =	stream.strided.gather [hbm4b:s0+s16], $0x1000, s15, s16, $0x38;
	[tilespmem:$0x18700] =	vst v63  }
0x1ba: {  	_ =	swait.ge [sflag:s9], $0x1000  }
0x1bb: {  	[sflag:s9] =	ssyncset.done $0x0  }
0x1bc: {  	[sflag:s9] =	ssyncadd.s32 $0xFFFFF000  }
0x1bd: {  	_ =	swait.ge [sflag:s10], $0x1000  }
0x1be: {  	[sflag:s10] =	ssyncset.done $0x0  }
0x1bf: {  	[sflag:s10] =	ssyncadd.s32 $0xFFFFF000  }
0x1c0: {  	_ =	swait.ge [sflag:s9], $0x1000  }
0x1c1: {  	[sflag:s9] =	ssyncset.done $0x0  }
0x1c2: {  	[sflag:s9] =	ssyncadd.s32 $0xFFFFF000  }
0x1c3: {  	_ =	swait.ge [sflag:s10], $0x1000  }
0x1c4: {  	[sflag:s10] =	ssyncset.done $0x0  }
0x1c5: {  	[sflag:s10] =	ssyncadd.s32 $0xFFFFF000  }
0x1c6: {  	_ =	swait.ge [sflag:s9], $0x1000  }
0x1c7: {  	[sflag:s9] =	ssyncset.done $0x0  }
0x1c8: {  	[sflag:s9] =	ssyncadd.s32 $0xFFFFF000  }
0x1c9: {  	_ =	swait.ge [sflag:s10], $0x1000  }
0x1ca: {  	[sflag:s10] =	ssyncset.done $0x0  }
0x1cb: {  	[sflag:s10] =	ssyncadd.s32 $0xFFFFF000  }
0x1cc: {  	_ =	swait.ge [sflag:s9], $0x1000  }
0x1cd: {  	s12 =	rddreg [dreg:$0x11]  }
0x1ce: {  	s0 =	sand.u32 $0x7F, s12  }
0x1cf: {  	[sflag:s9] =	ssyncset.done $0x0;
	v56 =	vor.u32 s0, v16  }
0x1d0: {  	s4 =	sand.u32 $0x7F, s4;
	[sflag:s9] =	ssyncadd.s32 $0xFFFFF000;
	s12 =	rddreg [dreg:$0x12];
	v57 =	vor.u32 s0, v17  }
0x1d1: {  	v35 =	vor.u32 s4, v15;
	s0 =	sand.u32 $0x7F, s12;
	_ =	swait.ge [sflag:s10], $0x1000  }
0x1d2: {  	v58 =	vor.u32 s0, v16;
	[sflag:s10] =	ssyncset.done $0x0  }
0x1d3: {  	v59 =	vor.u32 s0, v17;
	[sflag:s10] =	ssyncadd.s32 $0xFFFFF000  }
0x1d4: {  	s11 =	sand.u32 $0x7F, s11;
	v37 =	vor.u32 s4, v19;
	v47 =	vld.idx.msk [tilespmem:v56+s16+$0x0], $0xffff  }
0x1d5: {  	v38 =	vor.u32 s11, v22;
	s0 =	sand.u32 $0x7F, s18;
	v48 =	vld.idx.msk [tilespmem:v57+s16+$0x0], $0xffff  }
0x1d6: {  	v60 =	vor.u32 s0, v18;
	v57 =	vld.idx.msk [tilespmem:v35+s17+$0x0], $0xffff  }
0x1d7: {  	v61 =	vor.u32 s0, v14;
	v49 =	vld.idx.msk [tilespmem:v58+s17+$0x0], $0xffff  }
0x1d8: {  	v39 =	vor.u32 s11, v23;
	s0 =	sand.u32 $0x7F, s1;
	v50 =	vld.idx.msk [tilespmem:v59+s17+$0x0], $0xffff  }
0x1d9: {  	v62 =	vor.u32 s0, v18;
	v58 =	vld.idx.msk [tilespmem:v37+s17+$0x0], $0xffff  }
0x1da: {  	v63 =	vor.u32 s0, v14;
	s0 =	sand.u32 $0x7F, s6;
	v59 =	vld.idx.msk [tilespmem:v38+s16+$0x0], $0xffff  }
0x1db: {  	v31 =	vor.u32 s0, v15;
	v51 =	vld.idx.msk [tilespmem:v60+s16+$0x0], $0xffff  }
0x1dc: {  	s4 =	sand.u32 $0x7F, s28;
	v32 =	vor.u32 s0, v19;
	v52 =	vld.idx.msk [tilespmem:v61+s16+$0x0], $0xffff  }
0x1dd: {  	v61 =	vor.u32 s4, v22;
	v60 =	vld.idx.msk [tilespmem:v39+s16+$0x0], $0xffff  }
0x1de: {  	v53 =	vld.idx.msk [tilespmem:v62+s17+$0x0], $0xffff;
	v62 =	vor.u32 s4, v23  }
0x1df: {  	v54 =	vld.idx.msk [tilespmem:v63+s17+$0x0], $0xffff  }
0x1e0: {  	v55 =	vld.idx.msk [tilespmem:v31+s16+$0x0], $0xffff  }
0x1e1: {  	v56 =	vld.idx.msk [tilespmem:v32+s16+$0x0], $0xffff  }
0x1e2: {  	v61 =	vld.idx.msk [tilespmem:v61+s17+$0x0], $0xffff  }
0x1e3: {  	v47 =	vmul.f32 v49, v47;
	v48 =	vmul.f32 v50, v48;
	v63 =	vld.idx.msk [tilespmem:v62+s17+$0x0], $0xffff  }
0x1e4: {  	v31 =	vmul.f32 v53, v51;
	v32 =	vmul.f32 v54, v52  }
0x1e5: {  	v47 =	vmul.f32 v47, v24;
	v48 =	vmul.f32 v48, v25  }
0x1e6: {  	v35 =	vmul.f32 v57, v55;
	v37 =	vmul.f32 v58, v56  }
0x1e7: {  	v50 =	vmul.f32 v31, v24;
	v51 =	vmul.f32 v32, v25  }
0x1e8: {  	v38 =	vmul.f32 v61, v59;
	v49 =	vmul.f32 v63, v60  }
0x1e9: {  	v47 =	vadd.f32 v48, v47;
	v39 =	vmul.f32 v35, v24;
	v56 =	vmul.f32 v37, v25  }
0x1ea: {  	v50 =	vadd.f32 v51, v50;
	v57 =	vmul.f32 v38, v24;
	v49 =	vmul.f32 v49, v25  }
0x1eb: {  	(xrf2) =	vadd.scan.msk.f32 $0xffff, v47;
	v58 =	vadd.f32 v56, v39  }
0x1ec: {  	(xrf2) =	vadd.scan.msk.f32 $0xffff, v50;
	v59 =	vadd.f32 v49, v57  }
0x1ed: {  	(xrf2) =	vadd.scan.msk.f32 $0xffff, v58  }
0x1ee: {  	(xrf2) =	vadd.scan.msk.f32 $0xffff, v59;
	_ =	sdelay $0x6  }
0x1ef: {  	v50, _, _ =	vpop (xrf2)  }
0x1f0: {  	v49, _, _ =	vpop (xrf2)  }
0x1f1: {  	v48, _, _ =	vpop (xrf2)  }
0x1f2: {  	v47, _, _ =	vpop (xrf2)  }
0x1f3: {  	_ =	swait.ge [sflag:s9], $0x1000  }
0x1f4: {  	[sflag:s9] =	ssyncset.done $0x0  }
0x1f5: {  	[sflag:s9] =	ssyncadd.s32 $0xFFFFF000  }
0x1f6: {  	_ =	swait.ge [sflag:s10], $0x1000  }
0x1f7: {  	[sflag:s10] =	ssyncset.done $0x0  }
0x1f8: {  	[sflag:s10] =	ssyncadd.s32 $0xFFFFF000  }
0x1f9: {  	_ =	swait.ge [sflag:s9], $0x1000  }
0x1fa: {  	[sflag:s9] =	ssyncset.done $0x0  }
0x1fb: {  	[sflag:s9] =	ssyncadd.s32 $0xFFFFF000  }
0x1fc: {  	_ =	swait.ge [sflag:s10], $0x1000  }
0x1fd: {  	[sflag:s10] =	ssyncset.done $0x0  }
0x1fe: {  	[sflag:s10] =	ssyncadd.s32 $0xFFFFF000  }
0x1ff: {  	_ =	swait.ge [sflag:s9], $0x1000  }
0x200: {  	[sflag:s9] =	ssyncset.done $0x0  }
0x201: {  	[sflag:s9] =	ssyncadd.s32 $0xFFFFF000  }
0x202: {  	_ =	swait.ge [sflag:s10], $0x1000  }
0x203: {  	[sflag:s10] =	ssyncset.done $0x0  }
0x204: {  	[sflag:s10] =	ssyncadd.s32 $0xFFFFF000  }
0x205: {  	s11 =	sand.u32 $0x7F, s5;
	_ =	swait.ge [sflag:s9], $0x1000  }
0x206: {  	v60 =	vor.u32 s11, v0;
	[sflag:s9] =	ssyncset.done $0x0  }
0x207: {  	s4 =	sand.u32 $0x7F, s7;
	v61 =	vor.u32 s11, v1;
	[sflag:s9] =	ssyncadd.s32 $0xFFFFF000  }
0x208: {  	v62 =	vor.u32 s4, v0;
	_ =	swait.ge [sflag:s10], $0x1000  }
0x209: {  	v63 =	vor.u32 s4, v1;
	s11 =	sand.u32 $0x7F, s13;
	[sflag:s10] =	ssyncset.done $0x0  }
0x20a: {  	v31 =	vor.u32 s11, v2;
	[sflag:s10] =	ssyncadd.s32 $0xFFFFF000  }
0x20b: {  	s13 =	sand.u32 $0x7F, s19;
	v35 =	vor.u32 s11, v3;
	v51 =	vld.idx.msk [tilespmem:v60+s16+$0x0], $0xffff  }
0x20c: {  	v37 =	vor.u32 s13, v2;
	v52 =	vld.idx.msk [tilespmem:v61+s16+$0x0], $0xffff  }
0x20d: {  	s19 =	sand.u32 $0x7F, s29;
	v38 =	vor.u32 s13, v3;
	v53 =	vld.idx.msk [tilespmem:v62+s17+$0x0], $0xffff  }
0x20e: {  	v39 =	vor.u32 s19, v4;
	v54 =	vld.idx.msk [tilespmem:v63+s17+$0x0], $0xffff  }
0x20f: {  	s29 =	sand.u32 $0x7F, s30;
	v32 =	vor.u32 s19, v5;
	v55 =	vld.idx.msk [tilespmem:v31+s16+$0x0], $0xffff  }
0x210: {  	s24 =	sand.u32 $0x7F, s24;
	v26 =	vor.u32 s29, v7;
	v56 =	vld.idx.msk [tilespmem:v35+s16+$0x0], $0xffff  }
0x211: {  	v35 =	vor.u32 s24, v4;
	v57 =	vld.idx.msk [tilespmem:v37+s17+$0x0], $0xffff  }
0x212: {  	v31 =	vor.u32 s24, v5;
	v58 =	vld.idx.msk [tilespmem:v38+s17+$0x0], $0xffff  }
0x213: {  	s30 =	sand.u32 $0x7F, s22;
	v63 =	vor.u32 s29, v6;
	v59 =	vld.idx.msk [tilespmem:v39+s16+$0x0], $0xffff  }
0x214: {  	v60 =	vld.idx.msk [tilespmem:v32+s16+$0x0], $0xffff;
	v39 =	vmov v16;
	v16 =	vor.u32 s30, v6  }
0x215: {  	v38 =	vmov v17;
	v17 =	vor.u32 s30, v7;
	v26 =	vld.idx.msk [tilespmem:v26+s16+$0x0], $0xffff  }
0x216: {  	v61 =	vld.idx.msk [tilespmem:v35+s17+$0x0], $0xffff  }
0x217: {  	v62 =	vld.idx.msk [tilespmem:v31+s17+$0x0], $0xffff  }
0x218: {  	v63 =	vld.idx.msk [tilespmem:v63+s16+$0x0], $0xffff  }
0x219: {  	v16 =	vld.idx.msk [tilespmem:v16+s17+$0x0], $0xffff  }
0x21a: {  	v51 =	vmul.f32 v53, v51;
	v52 =	vmul.f32 v54, v52;
	v17 =	vld.idx.msk [tilespmem:v17+s17+$0x0], $0xffff  }
0x21b: {  	v32 =	vmul.f32 v57, v55;
	v35 =	vmul.f32 v58, v56  }
0x21c: {  	v51 =	vmul.f32 v51, v24;
	v52 =	vmul.f32 v52, v25  }
0x21d: {  	v53 =	vmul.f32 v32, v24;
	v54 =	vmul.f32 v35, v25  }
0x21e: {  	v37 =	vmul.f32 v61, v59;
	v60 =	vmul.f32 v62, v60  }
0x21f: {  	v16 =	vmul.f32 v16, v63;
	v17 =	vmul.f32 v17, v26  }
0x220: {  	v26 =	vadd.f32 v52, v51;
	v61 =	vmul.f32 v37, v24;
	v62 =	vmul.f32 v60, v25  }
0x221: {  	v53 =	vadd.f32 v54, v53;
	v16 =	vmul.f32 v16, v24;
	v17 =	vmul.f32 v17, v25  }
0x222: {  	(xrf2) =	vadd.scan.msk.f32 $0xffff, v26;
	v26 =	vadd.f32 v62, v61  }
0x223: {  	(xrf2) =	vadd.scan.msk.f32 $0xffff, v53;
	v16 =	vadd.f32 v17, v16  }
0x224: {  	(xrf2) =	vadd.scan.msk.f32 $0xffff, v26  }
0x225: {  	(xrf2) =	vadd.scan.msk.f32 $0xffff, v16;
	_ =	sdelay $0x6  }
0x226: {  	v54, _, _ =	vpop (xrf2)  }
0x227: {  	v53, _, _ =	vpop (xrf2)  }
0x228: {  	v52, _, _ =	vpop (xrf2)  }
0x229: {  	v51, _, _ =	vpop (xrf2)  }
0x22a: {  	_ =	swait.ge [sflag:s9], $0x1000  }
0x22b: {  	[sflag:s9] =	ssyncset.done $0x0  }
0x22c: {  	[sflag:s9] =	ssyncadd.s32 $0xFFFFF000  }
0x22d: {  	_ =	swait.ge [sflag:s10], $0x1000  }
0x22e: {  	[sflag:s10] =	ssyncset.done $0x0  }
0x22f: {  	[sflag:s10] =	ssyncadd.s32 $0xFFFFF000  }
0x230: {  	_ =	swait.ge [sflag:s9], $0x1000  }
0x231: {  	[sflag:s9] =	ssyncset.done $0x0  }
0x232: {  	[sflag:s9] =	ssyncadd.s32 $0xFFFFF000  }
0x233: {  	_ =	swait.ge [sflag:s10], $0x1000  }
0x234: {  	[sflag:s10] =	ssyncset.done $0x0  }
0x235: {  	[sflag:s10] =	ssyncadd.s32 $0xFFFFF000  }
0x236: {  	_ =	swait.ge [sflag:s9], $0x1000  }
0x237: {  	[sflag:s9] =	ssyncset.done $0x0  }
0x238: {  	[sflag:s9] =	ssyncadd.s32 $0xFFFFF000  }
0x239: {  	_ =	swait.ge [sflag:s10], $0x1000  }
0x23a: {  	[sflag:s10] =	ssyncset.done $0x0  }
0x23b: {  	[sflag:s10] =	ssyncadd.s32 $0xFFFFF000  }
0x23c: {  	s4 =	sand.u32 $0x7F, s3;
	_ =	swait.ge [sflag:s9], $0x1000  }
0x23d: {  	v16 =	vor.u32 s4, v8;
	[sflag:s9] =	ssyncset.done $0x0  }
0x23e: {  	s11 =	sand.u32 $0x7F, s8;
	v17 =	vor.u32 s4, v9;
	[sflag:s9] =	ssyncadd.s32 $0xFFFFF000  }
0x23f: {  	v26 =	vor.u32 s11, v8;
	_ =	swait.ge [sflag:s10], $0x1000  }
0x240: {  	s13 =	sand.u32 $0x7F, s14;
	v63 =	vor.u32 s11, v9;
	[sflag:s10] =	ssyncset.done $0x0  }
0x241: {  	v31 =	vor.u32 s13, v10;
	[sflag:s10] =	ssyncadd.s32 $0xFFFFF000  }
0x242: {  	s19 =	sand.u32 $0x7F, s20;
	v32 =	vor.u32 s13, v11;
	v16 =	vld.idx.msk [tilespmem:v16+s16+$0x0], $0xffff  }
0x243: {  	v35 =	vor.u32 s19, v10;
	v17 =	vld.idx.msk [tilespmem:v17+s16+$0x0], $0xffff  }
0x244: {  	s22 =	sand.u32 $0x7F, s23;
	v37 =	vor.u32 s19, v11;
	v26 =	vld.idx.msk [tilespmem:v26+s17+$0x0], $0xffff  }
0x245: {  	v60 =	vor.u32 s22, v12;
	v55 =	vld.idx.msk [tilespmem:v63+s17+$0x0], $0xffff  }
0x246: {  	s24 =	sand.u32 $0x7F, s26;
	v61 =	vor.u32 s22, v13;
	v56 =	vld.idx.msk [tilespmem:v31+s16+$0x0], $0xffff  }
0x247: {  	v62 =	vor.u32 s24, v12;
	v57 =	vld.idx.msk [tilespmem:v32+s16+$0x0], $0xffff  }
0x248: {  	v63 =	vor.u32 s24, v13;
	v58 =	vld.idx.msk [tilespmem:v35+s17+$0x0], $0xffff  }
0x249: {  	v28 =	vbroadcast v28, $0xF;
	v30 =	vbroadcast v30, $0xF;
	v59 =	vld.idx.msk [tilespmem:v37+s17+$0x0], $0xffff  }
0x24a: {  	v60 =	vld.idx.msk [tilespmem:v60+s16+$0x0], $0xffff  }
0x24b: {  	v28 =	vsel vm0, v28, v30;
	s26 =	sand.u32 $0x7F, s31;
	v32 =	vmov v14;
	v61 =	vld.idx.msk [tilespmem:v61+s16+$0x0], $0xffff  }
0x24c: {  	v31 =	vmovc v11;
	v11 =	vmovc v7;
	v7 =	vmov v3;
	v3 =	vmov v18;
	v18 =	vor.u32 s26, v20;
	v30 =	vld.idx.msk [tilespmem:v62+s17+$0x0], $0xffff  }
0x24d: {  	v14 =	vmovc v10;
	v10 =	vmovc v6;
	v6 =	vmov v2;
	v2 =	vmov v19;
	v19 =	vor.u32 s26, v21;
	v62 =	vld.idx.msk [tilespmem:v63+s17+$0x0], $0xffff  }
0x24e: {  	v29 =	vbroadcast v29, $0xF;
	v27 =	vbroadcast v27, $0xF;
	v63 =	vld [tilespmem:$0x1FF90]  }
0x24f: {  	s29 =	sand.u32 $0x7F, s25;
	v37 =	vmovc v13;
	v35 =	vmovc v12;
	v13 =	vmov v9;
	v9 =	vmov v5;
	v16 =	vmul.f32 v26, v16;
	v26 =	vld [tilespmem:$0x1FFA0]  }
0x250: {  	v5 =	vmovc v1;
	v1 =	vmovc v15;
	v15 =	vmov v20;
	v20 =	vor.u32 s29, v20;
	v17 =	vmul.f32 v55, v17;
	v55 =	vld [tilespmem:$0x1FFB0]  }
0x251: {  	v12 =	vmovc v8;
	v8 =	vmovc v4;
	v4 =	vmov v0;
	v0 =	vmov v21;
	v21 =	vor.u32 s29, v21;
	v18 =	vld.idx.msk [tilespmem:v18+s16+$0x0], $0xffff  }
0x252: {  	v28 =	vsel vm1, v28, v29;
	v29 =	vbroadcast v36, $0xF;
	v19 =	vld.idx.msk [tilespmem:v19+s16+$0x0], $0xffff;
	v57 =	vmul.f32 v59, v57  }
0x253: {  	v27 =	vsel vm2, v28, v27;
	v59 =	vmul.f32 v30, v60;
	v60 =	vld [tilespmem:$0x1FFC0];
	v28 =	vbroadcast v63, $0xF  }
0x254: {  	v27 =	vsel vm3, v27, v29;
	v26 =	vbroadcast v26, $0xF;
	v61 =	vmul.f32 v62, v61;
	v62 =	vld [tilespmem:$0x1FFD0]  }
0x255: {  	v20 =	vld.idx.msk [tilespmem:v20+s17+$0x0], $0xffff;
	v27 =	vsel vm4, v27, v28;
	v28 =	vbroadcast v55, $0xF  }
0x256: {  	v21 =	vld.idx.msk [tilespmem:v21+s17+$0x0], $0xffff;
	v26 =	vsel vm5, v27, v26;
	v27 =	vmul.f32 v58, v56;
	v56 =	vbroadcast v33, $0xF  }
0x257: {  	v58 =	vbroadcast v34, $0xF;
	v26 =	vsel vm6, v26, v28  }
0x258: {  	v30 =	vbroadcast v60, $0xF;
	v26 =	vsel vm7, v26, v56  }
0x259: {  	v34 =	vbroadcast v62, $0xF;
	v26 =	vsel vm8, v26, v58  }
0x25a: {  	v18 =	vmul.f32 v20, v18;
	v20 =	vbroadcast v44, $0xF;
	v26 =	vsel vm9, v26, v30  }
0x25b: {  	v19 =	vmul.f32 v21, v19;
	v21 =	vbroadcast v43, $0xF;
	v26 =	vsel vm10, v26, v34  }
0x25c: {  	v20 =	vsel vm11, v26, v20  }
0x25d: {  	v26 =	vmul.f32 v57, v25;
	v20 =	vsel vm12, v20, v21;
	v21 =	vmul.f32 v27, v24  }
0x25e: {  	v16 =	vmul.f32 v16, v24;
	v17 =	vmul.f32 v17, v25  }
0x25f: {  	v21 =	vadd.f32 v26, v21  }
0x260: {  	v16 =	vadd.f32 v17, v16;
	_ =	sdelay $0x1  }
0x261: {  	(xrf2) =	vadd.scan.msk.f32 $0xffff, v16;
	v26 =	vbroadcast v42, $0xF  }
0x262: {  	(xrf2) =	vadd.scan.msk.f32 $0xffff, v21;
	v21 =	vmov v0;
	v0 =	vld [tilespmem:$0x1FFE0]  }
0x263: {  	v17 =	vmul.f32 v59, v24;
	v27 =	vmul.f32 v61, v25;
	v20 =	vsel vm13, v20, v26;
	v26 =	vld [tilespmem:$0x1FFF0]  }
0x264: {  	v18 =	vmul.f32 v18, v24;
	v19 =	vmul.f32 v19, v25  }
0x265: {  	v63 =	vbroadcast v45, $0xF;
	v16 =	vadd.f32 v27, v17;
	v17 =	vbroadcast v40, $0xF  }
0x266: {  	v18 =	vadd.f32 v19, v18;
	v27 =	vbroadcast v46, $0xF  }
0x267: {  	v17 =	vsel vm0, v63, v17;
	(xrf2) =	vadd.scan.msk.f32 $0xffff, v16;
	v16 =	vbroadcast v41, $0xF;
	v20 =	vsel vm14, v20, v0  }
0x268: {  	v19 =	vbroadcast v50, $0xF;
	v17 =	vsel vm1, v17, v27;
	v20 =	vadd.f32 v20, v26  }
0x269: {  	v16 =	vsel vm2, v17, v16;
	v17 =	vbroadcast v49, $0xF  }
0x26a: {  	(xrf2) =	vadd.scan.msk.f32 $0xffff, v18;
	v18 =	vbroadcast v48, $0xF;
	v16 =	vsel vm3, v16, v19;
	v19 =	vsub.f32 $0.0e+00, v20  }
0x26b: {  	v16 =	vsel vm4, v16, v17;
	v17 =	vbroadcast v47, $0xF  }
0x26c: {  	v16 =	vsel vm5, v16, v18;
	v18 =	vbroadcast v54, $0xF;
	v19 =	vmul.f32 $1.442695020e+00, v19  }
0x26d: {  	v16 =	vsel vm6, v16, v17;
	v17 =	vbroadcast v53, $0xF  }
0x26e: {  	v16 =	vsel vm7, v16, v18;
	v18 =	vbroadcast v52, $0xF  }
0x26f: {  	v16 =	vsel vm8, v16, v17;
	v17 =	vbroadcast v51, $0xF;
	v20, _, _ =	vpop (xrf2)  }
0x270: {  	v16 =	vsel vm9, v16, v18;
	(erf) = vpow2.f32 v19;
	v19, _, _ =	vpop (xrf2)  }
0x271: {  	v16 =	vsel vm10, v16, v17;
	v18 =	vbroadcast v20, $0xF;
	v17 =	vbroadcast v19, $0xF  }
0x272: {  	v20, _, _ =	vpop (xrf2)  }
0x273: {  	v16 =	vsel vm11, v16, v18;
	v18 =	vbroadcast v20, $0xF  }
0x274: {  	v16 =	vsel vm12, v16, v17  }
0x275: {  	v16 =	vsel vm13, v16, v18;
	v17, _, _ =	vpop (xrf2)  }
0x276: {  	v16 =	vsel vm14, v16, v17  }
0x277: {  	v16 =	vadd.f32 v16, v26;
	_ =	sdelay $0x1  }
0x278: {  	v17 =	vpop (erf);
	v16 =	vsub.f32 $0.0e+00, v16  }
0x279: {  	v17 =	vadd.f32 $1.000000000e+00, v17  }
0x27a: {  	v16 =	vmul.f32 $1.442695020e+00, v16  }
0x27b: {  	(erf) = vrcp.f32 v17  }
0x27c: {  	(erf) = vpow2.f32 v16;
	_ =	sdelay $0x7  }
0x27d: {  	v16 =	vpop (erf)  }
0x27e: {  	v17 =	vpop (erf)  }
0x27f: {  	v17 =	vadd.f32 $1.000000000e+00, v17;
	_ =	sdelay $0x1  }
0x280: {  	(erf) = vrcp.f32 v17;
	_ =	sdelay $0x3  }
0x281: {  	s30 =	rddreg [dreg:$0xd]  }
0x282: {  	p0 =	sne.s32 s30, $0x780  }
.Ltmp0:
0x283: {  	s5 =	simm.s32 $0x1400;
	v0 =	vmov v4;
	v4 =	vmov v8;
	v8 =	vmov v12;
	(pc) =	sbr.rel @p0 .LBB2_2-.Ltmp0, $4  }
0x284: {  	s28 =	simm.s32 $0x6400;
	s12 =	simm.s32 $0x3400;
	s18 =	simm.s32 $0x4400;
	v12 =	vmovc v35;
	v19 =	vmovc v2;
	v2 =	vmov v6;
	v6 =	vmov v10;
	v10 =	vmov v14  }
0x285: {  	s1 =	simm.s32 $0x5400;
	s6 =	simm.s32 $0xD400;
	s31 =	rddreg [dreg:$0xe];
	v14 =	vmovc v32;
	v20 =	vmovc v15;
	v15 =	vmov v1;
	v1 =	vmov v5;
	v5 =	vmov v9  }
0x286: {  	s7 =	simm.s32 $0x2400;
	s23 =	simm.s32 $0x11400;
	s8 =	simm.s32 $0xE400;
	v9 =	vmov v13;
	v13 =	vmov v37;
	v18 =	vmov v3;
	[tilespmem:s31+$0x18500] =	vst v16;
	v16 =	vpop (erf)  }
0x287: {  	s14 =	simm.s32 $0xF400;
	s20 =	simm.s32 $0x10400;
	s0 =	sadd.s32 $0x80, s30;
	v3 =	vmovc v7;
	v7 =	vmovc v11;
	v11 =	vmov v31;
	v17 =	vmov v38;
	[tilespmem:s31+$0x18510] =	vst v16;
	v16 =	vmov v39  }
0x288: {  	s11 =	simm.s32 $0x0;
	s0 =	rddreg [dreg:$0xa];
	s3 =	simm.s32 $0x18500  }
0x289: {  	[hbm4b:s0+s11] =	stream.linear.scatter [tilespmem:s3], [sflag:$0x3], $0x200, $0x38;
	[tilespmem:$0x18700] =	vst v63  }
0x28a: {  	s3 =	simm.s32 $0x3  }
0x28b: {  	_ =	swait.ge [sflag:s3], $0x200  }
0x28c: {  	s4 =	rddreg [dreg:$0xc]  }
0x28d: {  	s31 =	rddreg [dreg:$0xb];
	s4 =	sadd.s32 $0x1, s4  }
0x28e: {  	p0 =	sne.s32 s4, s31  }
.Ltmp1:
0x28f: {  	_ = 	snop;
	(pc) =	sbr.rel @p0 .LBB2_1-.Ltmp1, $3  }
0x290: {  	_ =	sdelay $0x1  }
0x291: {  	[sflag:s3] =	ssyncset.done $0x0  }
0x292: {  	[sflag:s3] =	ssyncadd.s32 $0xFFFFFE00  }
0x293: {  	_ =	sfence.sel $0x180000  }
0x294: {  	[bflag:$0x0] =	sbarrier.arrive $0xFFFF  }
0x295: {  	_ =	strace $0x90000047  }
0x296: {  	s0 =	stileid.u32;
	[bflag:$0x2] =	sbarrier.arrive $0xFFFF  }
0x297: {  	p0 =	sne.s32 s0, $0x0;
	s0 =	rddreg [dreg:$0x7]  }
0x298: {  	s0 =	sadd.s32 @!p0 $0x100000, s0  }
0x299: {  	[sflag:s0] =	ssyncadd.tile.s32 @!p0 $0x1;
	_ =	shalt  }
.Lfunc_end2:
_tile_overlayer_lowered:
.L_overlay_start_2:
0x29a: {  	(tag) =	ssettag $0x2  }
0x29b: {  	s0 =	rddreg [dreg:$0x0];
	s2 =	stileid.u32  }
0x29c: {  	s1 =	rddreg [dreg:$0x1];
	p0 =	sne.s32 s2, $0x0  }
0x29d: {  	s3 =	rddreg [dreg:$0x2];
	[bflag:$0x3] =	sbarrier.arrive $0xFFFF;
	s2 =	simm.s32 @!p0 $0x1C03  }
0x29e: {  	[timem:s3], [sflag:s2] =	dma.local @!p0 [hbm:s0], s1  }
0x29f: {  	s0 =	simm.s32 @!p0 $0x3  }
0x2a0: {  	_ =	swait.ge @!p0 [sflag:s0], s1  }
0x2a1: {  	s1 =	ssub.s32 @!p0 $0x0, s1;
	[sflag:s0] =	ssyncset.done @!p0 $0x0  }
0x2a2: {  	[sflag:s0] =	ssyncadd.s32 @!p0 s1  }
0x2a3: {  	[bflag:$0x3] =	sbarrier.arrive $0xFFFF  }
0x2a4: {  	_ =	shalt  }

</sc_bundles>
